<compile_context>
chip_gen: v7x
topology: tpu7x:2x2x1
jax: 0.10.2.dev20260603
libtpu: 0.0.44.dev20260713+nightly
codegen_flags: <defaults>
</compile_context>

<pallas_src>
import functools

import jax
import jax.numpy as jnp
from jax import lax
from jax.experimental import pallas as pl
from jax.experimental.pallas import tpu as pltpu
from jax.experimental.pallas import tpu_sc as plsc

N = 10000
D = 128
NC = 2
NS = 16
NW = NC * NS
K = 64
NBUF = 5
NIDX = 10
SROWS = 10240
RPT = SROWS // NS
RB = 2000
NB = N // RB

_f32 = jnp.float32
_sc_mesh = plsc.VectorSubcoreMesh(core_axis_name="c", subcore_axis_name="s")


def _make_deg_kernel(ept, e):
    @functools.partial(
        pl.kernel,
        out_type=jax.ShapeDtypeStruct((NC, SROWS), _f32),
        mesh=_sc_mesh,
        compiler_params=pltpu.CompilerParams(needs_layout_passes=False),
        scratch_types=[
            pltpu.VMEM((ept,), jnp.int32),
            pltpu.VMEM((SROWS,), _f32),
            pltpu.VMEM((NS, RPT), _f32),
            pltpu.VMEM((RPT,), _f32),
            pltpu.VMEM_SHARED((NS, SROWS), _f32),
        ],
    )
    def _deg_kernel(ei_hbm, out_hbm, dst_v, hist_v, red_v, out_v, sdeg):
        cid = lax.axis_index("c")
        sid = lax.axis_index("s")
        w = cid * NS + sid
        pltpu.sync_copy(ei_hbm.at[pl.ds(e + w * ept, ept)], dst_v)
        z16 = jnp.zeros((16,), _f32)
        o16 = jnp.ones((16,), _f32)

        def zb(t, c):
            hist_v[pl.ds(t * 64, 16)] = z16
            hist_v[pl.ds(t * 64 + 16, 16)] = z16
            hist_v[pl.ds(t * 64 + 32, 16)] = z16
            hist_v[pl.ds(t * 64 + 48, 16)] = z16
            return c

        lax.fori_loop(0, SROWS // 64, zb, 0)

        def ab(t, c):
            idx0 = dst_v[pl.ds(t * 64, 16)]
            idx1 = dst_v[pl.ds(t * 64 + 16, 16)]
            idx2 = dst_v[pl.ds(t * 64 + 32, 16)]
            idx3 = dst_v[pl.ds(t * 64 + 48, 16)]
            plsc.addupdate_scatter(hist_v, [idx0], o16)
            plsc.addupdate_scatter(hist_v, [idx1], o16)
            plsc.addupdate_scatter(hist_v, [idx2], o16)
            plsc.addupdate_scatter(hist_v, [idx3], o16)
            return c

        lax.fori_loop(0, ept // 64, ab, 0)
        for t in range(ept // 16 - (ept // 64) * 4):
            idx = dst_v[pl.ds((ept // 64) * 64 + t * 16, 16)]
            plsc.addupdate_scatter(hist_v, [idx], o16)
        pltpu.sync_copy(hist_v, sdeg.at[sid])
        plsc.subcore_barrier()
        pltpu.sync_copy(sdeg.at[:, pl.ds(sid * RPT, RPT)], red_v)

        def rb_(t, c):
            v = red_v[0, pl.ds(t * 16, 16)]
            for r in range(1, NS):
                v = v + red_v[r, pl.ds(t * 16, 16)]
            out_v[pl.ds(t * 16, 16)] = v
            return c

        lax.fori_loop(0, RPT // 16, rb_, 0)
        pltpu.sync_copy(out_v, out_hbm.at[cid, pl.ds(sid * RPT, RPT)])

    return _deg_kernel


def _make_seg_kernel(nch, tk, ept, e):
    @functools.partial(
        pl.kernel,
        out_type=[jax.ShapeDtypeStruct((SROWS, D), _f32),
                  jax.ShapeDtypeStruct((SROWS, D), _f32)],
        mesh=_sc_mesh,
        scratch_types=[
            pltpu.VMEM((NIDX, K), jnp.int32),
            pltpu.VMEM((NIDX, K), jnp.int32),
            pltpu.VMEM((NBUF, K, D), _f32),
            pltpu.VMEM((max(tk, 8),), jnp.int32),
            pltpu.VMEM((max(tk, 8),), jnp.int32),
            pltpu.VMEM((max(tk, 8), D), _f32),
            pltpu.VMEM_SHARED((SROWS, D), _f32),
            pltpu.SemaphoreType.DMA((NIDX,)),
            pltpu.SemaphoreType.DMA((NIDX,)),
            pltpu.SemaphoreType.DMA((NBUF,)),
            pltpu.SemaphoreType.DMA((NBUF,)),
        ],
    )
    def _seg_kernel(y_hbm, ei_hbm, out0_hbm, out1_hbm,
                    sbuf, dbuf, rbuf, tsb, tdb, trb, sacc, si, sj, sg, sc):
        cid = lax.axis_index("c")
        sid = lax.axis_index("s")
        w = cid * NS + sid
        base = w * ept
        z16 = jnp.zeros((16,), _f32)

        def zb(t, c):
            r = t // 8
            cc = t - r * 8
            rbuf[0, r, pl.ds(cc * 16, 16)] = z16
            return c

        lax.fori_loop(0, K * (D // 16), zb, 0)
        for k in range(RPT // K):
            pltpu.sync_copy(rbuf.at[0], sacc.at[pl.ds(sid * RPT + k * K, K)])
        plsc.subcore_barrier()

        def idx_issue(j, q):
            pltpu.async_copy(ei_hbm.at[pl.ds(base + j * K, K)],
                             sbuf.at[q], si.at[q])
            pltpu.async_copy(ei_hbm.at[pl.ds(e + base + j * K, K)],
                             dbuf.at[q], sj.at[q])

        def gather_issue(j, q, b):
            pltpu.async_copy(y_hbm.at[sbuf.at[q]], rbuf.at[b], sg.at[b])

        def gather_wait(q, b):
            pltpu.make_async_copy(y_hbm.at[sbuf.at[q]], rbuf.at[b],
                                  sg.at[b]).wait()

        def scatter_issue(q, b):
            pltpu.async_copy(rbuf.at[b], sacc.at[dbuf.at[q]], sc.at[b],
                             add=True)

        def scatter_wait(q, b):
            pltpu.make_async_copy(rbuf.at[b], sacc.at[dbuf.at[q]],
                                  sc.at[b]).wait()

        def idx_wait(q):
            pltpu.make_async_copy(ei_hbm.at[pl.ds(base, K)], sbuf.at[q],
                                  si.at[q]).wait()

        def didx_wait(q):
            pltpu.make_async_copy(ei_hbm.at[pl.ds(base, K)], dbuf.at[q],
                                  sj.at[q]).wait()

        for q in range(6):
            idx_issue(q, q)
        for b in range(2):
            idx_wait(b)
            gather_issue(b, b, b)

        def body(t, c):
            for k in range(NIDX):
                j = NIDX * t + k
                b = k % NBUF
                q2 = (k + 2) % NIDX
                b2 = (k + 2) % NBUF
                q6 = (k + 6) % NIDX

                @pl.when(j < nch)
                def _():
                    gather_wait(k, b)
                    didx_wait(k)
                    scatter_issue(k, b)

                    @pl.when(jnp.logical_and(j + 2 < nch, j >= 3))
                    def _():
                        scatter_wait(q2, b2)

                    @pl.when(j + 2 < nch)
                    def _():
                        idx_wait(q2)
                        gather_issue(j + 2, q2, b2)

                    @pl.when(j + 6 < nch)
                    def _():
                        idx_issue(j + 6, q6)
            return c

        lax.fori_loop(0, -(-nch // NIDX), body, 0)
        for b in range(NBUF):
            scatter_wait(0, b)
        if tk:
            pltpu.async_copy(ei_hbm.at[pl.ds(base + nch * K, tk)], tsb,
                             si.at[0])
            pltpu.async_copy(ei_hbm.at[pl.ds(e + base + nch * K, tk)], tdb,
                             sj.at[0])
            pltpu.make_async_copy(ei_hbm.at[pl.ds(base, tk)], tsb,
                                  si.at[0]).wait()
            pltpu.async_copy(y_hbm.at[tsb], trb, sg.at[0]).wait()
            pltpu.make_async_copy(ei_hbm.at[pl.ds(base, tk)], tdb,
                                  sj.at[0]).wait()
            pltpu.sync_copy(trb, sacc.at[tdb], add=True)
        plsc.subcore_barrier()

        @pl.when(cid == 0)
        def _():
            pltpu.sync_copy(sacc.at[pl.ds(sid * RPT, RPT)],
                            out0_hbm.at[pl.ds(sid * RPT, RPT)])

        @pl.when(cid == 1)
        def _():
            pltpu.sync_copy(sacc.at[pl.ds(sid * RPT, RPT)],
                            out1_hbm.at[pl.ds(sid * RPT, RPT)])

    return _seg_kernel


def _scale_body(x_ref, p0_ref, p1_ref, y_ref, invd_ref, selfw_ref):
    d = p0_ref[0] + p1_ref[0] + 1.0
    invd = lax.rsqrt(d)
    invd_ref[...] = invd
    selfw_ref[...] = 1.0 / d
    y_ref[...] = x_ref[...] * invd


def _mmn_body(s0_ref, s1_ref, x_ref, ci_ref, cs_ref, w_ref, b_ref,
              g_ref, be_ref, al_ref, out_ref, h_ref, m1_ref, m2_ref):
    i = pl.program_id(0)

    @pl.when(i < NB)
    def _():
        agg = (ci_ref[...] * (s0_ref[...] + s1_ref[...])
               + cs_ref[...] * x_ref[...])
        h = jnp.dot(agg, w_ref[...], preferred_element_type=_f32) + b_ref[...]
        h_ref[...] = h

        @pl.when(i == 0)
        def _():
            m1_ref[...] = jnp.zeros_like(m1_ref)
            m2_ref[...] = jnp.zeros_like(m2_ref)

        m1_ref[0:1, :] += jnp.sum(h, axis=0, keepdims=True)
        m2_ref[0:1, :] += jnp.sum(h * h, axis=0, keepdims=True)

    @pl.when(i >= NB)
    def _():
        inv_n = 1.0 / float(N)
        mean = m1_ref[0:1, :] * inv_n
        ex2 = m2_ref[0:1, :] * inv_n
        a = al_ref[...]
        var = ex2 - (2.0 * a - a * a) * mean * mean
        h = s0_ref[...]
        h_ref[...] = h
        out_ref[...] = (g_ref[...] * (h - a * mean)
                        * lax.rsqrt(var + 1e-5) + be_ref[...])


def kernel(x, edge_index, W, b, gamma, beta, alpha):
    e = edge_index.shape[1]
    if e % (NW * 16) == 0:
        ept = e // NW
        ei = edge_index.reshape(-1)
    else:
        ept = -(-e // (NW * 16)) * 16
        pad_ar = jnp.arange(NW * ept - e, dtype=jnp.int32)
        ei = jnp.concatenate(
            [edge_index,
             jnp.stack([pad_ar % N, N + pad_ar % (SROWS - N)])],
            axis=1).reshape(-1)
    nch = ept // K
    tk = ept - nch * K

    degp = _make_deg_kernel(ept, NW * ept)(ei)

    dp = degp.reshape(NC, SROWS, 1)
    y, invd_col, selfw_col = pl.pallas_call(
        _scale_body,
        grid=(NB,),
        in_specs=[pl.BlockSpec((RB, D), lambda i: (i, 0)),
                  pl.BlockSpec((1, RB, 1), lambda i: (0, i, 0)),
                  pl.BlockSpec((1, RB, 1), lambda i: (1, i, 0))],
        out_specs=[pl.BlockSpec((RB, D), lambda i: (i, 0)),
                   pl.BlockSpec((RB, 1), lambda i: (i, 0)),
                   pl.BlockSpec((RB, 1), lambda i: (i, 0))],
        out_shape=[jax.ShapeDtypeStruct((N, D), _f32),
                   jax.ShapeDtypeStruct((N, 1), _f32),
                   jax.ShapeDtypeStruct((N, 1), _f32)],
    )(x, dp, dp)

    s0a, s1a = _make_seg_kernel(nch, tk, ept, NW * ept)(y, ei)

    mod_map = lambda i: (i % NB, 0)
    min_map = lambda i: (jnp.minimum(i, NB - 1), 0)
    zero_map = lambda i: (0, 0)
    out, _h, _m1, _m2 = pl.pallas_call(
        _mmn_body,
        grid=(2 * NB,),
        in_specs=[pl.BlockSpec((RB, D), mod_map),
                  pl.BlockSpec((RB, D), min_map),
                  pl.BlockSpec((RB, D), min_map),
                  pl.BlockSpec((RB, 1), min_map),
                  pl.BlockSpec((RB, 1), min_map),
                  pl.BlockSpec((D, D), zero_map),
                  pl.BlockSpec((1, D), zero_map),
                  pl.BlockSpec((1, D), zero_map),
                  pl.BlockSpec((1, D), zero_map),
                  pl.BlockSpec((1, D), zero_map)],
        out_specs=[pl.BlockSpec((RB, D), lambda i: (jnp.maximum(i - NB, 0), 0)),
                   pl.BlockSpec((RB, D), mod_map),
                   pl.BlockSpec((8, D), zero_map),
                   pl.BlockSpec((8, D), zero_map)],
        out_shape=[jax.ShapeDtypeStruct((N, D), _f32),
                   jax.ShapeDtypeStruct((SROWS, D), _f32),
                   jax.ShapeDtypeStruct((8, D), _f32),
                   jax.ShapeDtypeStruct((8, D), _f32)],
        input_output_aliases={0: 1},
    )(s0a, s1a, x, invd_col, selfw_col, W, b.reshape(1, D),
      gamma.reshape(1, D), beta.reshape(1, D), alpha.reshape(1, D))
    return out

# --- scband reference (transcript-rebuilt; emitter-appended) ---
"""Pipeline reference for scband-mappo-dgcn-actor-model-36790689857954 (READ-ONLY COPY).

The authoritative reference and input builder live on the scoring server;
editing this copy changes nothing except your own understanding.
"""

import jax, jax.numpy as jnp
import numpy as np

N = 10000
E = 320000
D_IN = 128
D_OUT = 128


def setup_inputs(seed: int = 0) -> dict:
    key = jax.random.key(seed)
    k1, k2, k3, k4 = jax.random.split(key, 4)
    x = jax.random.normal(k1, (N, D_IN), dtype=jnp.float32)
    edge_index = jax.random.randint(k2, (2, E), 0, N, dtype=jnp.int32)
    # learned parameters for one dgcn_block: conv weight/bias + GraphNorm params
    W = jax.random.normal(k3, (D_IN, D_OUT), dtype=jnp.float32) * (1.0 / np.sqrt(D_IN))
    b = jnp.zeros((D_OUT,), dtype=jnp.float32)
    gamma = jnp.ones((D_OUT,), dtype=jnp.float32)
    beta = jnp.zeros((D_OUT,), dtype=jnp.float32)
    alpha = jnp.ones((D_OUT,), dtype=jnp.float32)
    return {"x": x, "edge_index": edge_index, "W": W, "b": b,
            "gamma": gamma, "beta": beta, "alpha": alpha}


def reference(x, edge_index, W, b, gamma, beta, alpha):
    # dgcn_block: DGCNConv (degree-normalized message passing with self loops)
    # followed by GraphNorm, matching gnn.Sequential('x, edge_index', [...]) in torch.
    src = edge_index[0]
    dst = edge_index[1]
    # add_self_loops=True
    loop = jnp.arange(N, dtype=src.dtype)
    src = jnp.concatenate([src, loop])
    dst = jnp.concatenate([dst, loop])
    # symmetric degree normalization (GCN-style)
    deg = jnp.zeros((N,), dtype=jnp.float32).at[dst].add(1.0)
    inv_sqrt_deg = jax.lax.rsqrt(jnp.maximum(deg, 1.0))
    coef = inv_sqrt_deg[src] * inv_sqrt_deg[dst]
    # gather source node features (SparseCore gather)
    msgs = jnp.take(x, src, axis=0) * coef[:, None]
    # scatter-add aggregation to destination nodes (SparseCore scatter-add)
    agg = jax.ops.segment_sum(msgs, dst, num_segments=N)
    # linear transform
    h = agg @ W + b
    # GraphNorm: x' = gamma * (h - alpha * mean) / sqrt(var + eps) + beta
    mean = jnp.mean(h, axis=0)
    h_centered = h - alpha * mean
    var = jnp.mean(h_centered * h_centered, axis=0)
    out = gamma * h_centered * jax.lax.rsqrt(var + 1e-5) + beta
    return out

if __name__ == "__main__":
    import jax
    _d = setup_inputs()
    print(jax.jit(kernel)(*tuple(_d.values())))

</pallas_src>

<mosaic_0001>
#map = affine_map<(d0, d1) -> (0, 0)>
#map1 = affine_map<(d0, d1) -> (0)>
module attributes {stable_mosaic.version = 14 : i64} {
  func.func @_seg_kernel(%arg0: i32, %arg1: i32, %arg2: memref<10000x128xf32, #tpu.memory_space<hbm>>, %arg3: memref<640000xi32, #tpu.memory_space<hbm>>, %arg4: memref<10240x128xf32, #tpu.memory_space<hbm>>, %arg5: memref<10240x128xf32, #tpu.memory_space<hbm>>, %arg6: memref<10x64xi32, #tpu.memory_space<vmem>>, %arg7: memref<10x64xi32, #tpu.memory_space<vmem>>, %arg8: memref<5x64x128xf32, #tpu.memory_space<vmem>>, %arg9: memref<16xi32, #tpu.memory_space<vmem>>, %arg10: memref<16xi32, #tpu.memory_space<vmem>>, %arg11: memref<16x128xf32, #tpu.memory_space<vmem>>, %arg12: memref<10240x128xf32, #tpu.memory_space<vmem_shared>>, %arg13: memref<10x!tpu.dma_semaphore, #tpu.memory_space<semaphore_mem>>, %arg14: memref<10x!tpu.dma_semaphore, #tpu.memory_space<semaphore_mem>>, %arg15: memref<5x!tpu.dma_semaphore, #tpu.memory_space<semaphore_mem>>, %arg16: memref<5x!tpu.dma_semaphore, #tpu.memory_space<semaphore_mem>>) attributes {dimension_semantics = [#tpu.dimension_semantics<core_parallel>, #tpu.dimension_semantics<subcore_parallel>], iteration_bounds = array<i64: 2, 16>, scalar_prefetch = 0 : i64, scratch_operands = 11 : i64, tpu.core_type = #tpu.core_type<sc_vector_subcore>, window_params = [{transform_indices = #map}, {transform_indices = #map1}, {transform_indices = #map}, {transform_indices = #map}]} {
    %mul3A = arith.constant 16 : i32
    %mul3A_0 = arith.muli %arg0, %mul3A : i32
    %add3A = arith.addi %mul3A_0, %arg1 : i32
    %mul3A_1 = arith.constant 10000 : i32
    %mul3A_2 = arith.muli %add3A, %mul3A_1 : i32
    %broadcast_in_dim3A = arith.constant 0.000000e+00 : f32
    %broadcast_in_dim3A_3 = vector.broadcast %broadcast_in_dim3A : f32 to vector<16xf32>
    %scan3A = arith.constant 0 : i32
    %scan3A_4 = arith.constant 0 : i32
    %scan3A_5 = arith.constant 512 : i32
    %scan3A_6 = arith.addi %scan3A_4, %scan3A_5 : i32
    %scan3A_7 = arith.constant 1 : i32
    scf.for %scan3A_417 = %scan3A_4 to %scan3A_6 step %scan3A_7  : i32 {
      %jit3A = arith.constant 8 : i32
      %div3A = arith.divsi %scan3A_417, %jit3A : i32
      %sign3A = arith.constant 0 : i32
      %sign3A_418 = arith.cmpi sgt, %scan3A_417, %sign3A : i32
      %sign3A_419 = arith.extui %sign3A_418 : i1 to i32
      %sign3A_420 = arith.constant 0 : i32
      %sign3A_421 = arith.cmpi slt, %scan3A_417, %sign3A_420 : i32
      %sign3A_422 = arith.extui %sign3A_421 : i1 to i32
      %sign3A_423 = arith.subi %sign3A_419, %sign3A_422 : i32
      %sign3A_424 = arith.constant 0 : i32
      %sign3A_425 = arith.cmpi sgt, %jit3A, %sign3A_424 : i32
      %sign3A_426 = arith.extui %sign3A_425 : i1 to i32
      %sign3A_427 = arith.constant 0 : i32
      %sign3A_428 = arith.cmpi slt, %jit3A, %sign3A_427 : i32
      %sign3A_429 = arith.extui %sign3A_428 : i1 to i32
      %sign3A_430 = arith.subi %sign3A_426, %sign3A_429 : i32
      %ne3A = arith.cmpi ne, %sign3A_423, %sign3A_430 : i32
      %rem3A = arith.remsi %scan3A_417, %jit3A : i32
      %ne3A_431 = arith.constant 0 : i32
      %ne3A_432 = arith.cmpi ne, %rem3A, %ne3A_431 : i32
      %and3A = arith.andi %ne3A, %ne3A_432 : i1
      %sub3A = arith.constant 1 : i32
      %sub3A_433 = arith.subi %div3A, %sub3A : i32
      %select_n3A = arith.select %and3A, %sub3A_433, %div3A : i32
      %mul3A_434 = arith.constant 8 : i32
      %mul3A_435 = arith.muli %select_n3A, %mul3A_434 : i32
      %sub3A_436 = arith.subi %scan3A_417, %mul3A_435 : i32
      %mul3A_437 = arith.constant 16 : i32
      %mul3A_438 = arith.muli %sub3A_436, %mul3A_437 : i32
      %swap3A = arith.constant 0 : i32
      %swap3A_439 = arith.index_cast %swap3A : i32 to index
      %swap3A_440 = arith.index_cast %select_n3A : i32 to index
      %swap3A_441 = arith.index_cast %mul3A_438 : i32 to index
      %swap3A_442 = tpu.vector_load %arg8[%swap3A_439, %swap3A_440, %swap3A_441] {strides = array<i32>} : memref<5x64x128xf32, #tpu.memory_space<vmem>>, vector<1x1x16xf32>,
      %swap3A_443 = vector.shape_cast %swap3A_442 : vector<1x1x16xf32> to vector<16xf32>
      %swap3A_444 = vector.shape_cast %broadcast_in_dim3A_3 : vector<16xf32> to vector<1x1x16xf32>
      tpu.vector_store %arg8[%swap3A_439, %swap3A_440, %swap3A_441], %swap3A_444 {strides = array<i32>} : memref<5x64x128xf32, #tpu.memory_space<vmem>>, vector<1x1x16xf32>,
    }
    %scan3A_8 = arith.constant 512 : i32
    %mul3A_9 = arith.constant 640 : i32
    %mul3A_10 = arith.muli %arg1, %mul3A_9 : i32
    %add3A_11 = arith.constant 0 : i32
    %add3A_12 = arith.addi %mul3A_10, %add3A_11 : i32
    %run_scoped3A = arith.constant 0 : i32
    "tpu.region"() ({
      %run_scoped3A_417 = tpu.sem_alloc : memref<!tpu.dma_semaphore, #tpu.memory_space<semaphore_mem>>
      %dma_start3A_418 = arith.constant 0 : i32
      %dma_start3A_419 = arith.constant 0 : i32
      %dma_start3A_420 = tpu.memref_slice %arg8[%run_scoped3A, %dma_start3A_418, %dma_start3A_419] : memref<5x64x128xf32, #tpu.memory_space<vmem>> -> memref<1x64x128xf32, #tpu.memory_space<vmem>>
      %dma_start3A_421 = tpu.memref_squeeze %dma_start3A_420 : memref<1x64x128xf32, #tpu.memory_space<vmem>> -> memref<64x128xf32, #tpu.memory_space<vmem>>
      %dma_start3A_422 = arith.constant 0 : i32
      %dma_start3A_423 = tpu.memref_slice %arg12[%add3A_12, %dma_start3A_422] : memref<10240x128xf32, #tpu.memory_space<vmem_shared>> -> memref<64x128xf32, #tpu.memory_space<vmem_shared>>
      %dma_start3A_424 = arith.constant 0 : i32
      %dma_start3A_425 = tpu.memref_slice %arg12[%add3A_12, %dma_start3A_424] : memref<10240x128xf32, #tpu.memory_space<vmem_shared>> -> memref<64x128xf32, #tpu.memory_space<vmem_shared>>
      %dma_start3A_426 = arith.constant 0 : i32
      %dma_start3A_427 = arith.constant 0 : i32
      %dma_start3A_428 = tpu.memref_slice %arg8[%run_scoped3A, %dma_start3A_426, %dma_start3A_427] : memref<5x64x128xf32, #tpu.memory_space<vmem>> -> memref<1x64x128xf32, #tpu.memory_space<vmem>>
      %dma_start3A_429 = tpu.memref_squeeze %dma_start3A_428 : memref<1x64x128xf32, #tpu.memory_space<vmem>> -> memref<64x128xf32, #tpu.memory_space<vmem>>
      tpu.enqueue_dma source(%dma_start3A_429 : memref<64x128xf32, #tpu.memory_space<vmem>>) target(%dma_start3A_425 : memref<64x128xf32, #tpu.memory_space<vmem_shared>>) target_semaphore(%run_scoped3A_417 : memref<!tpu.dma_semaphore, #tpu.memory_space<semaphore_mem>>)
      %dma_wait3A_430 = arith.constant 0 : i32
      %dma_wait3A_431 = arith.constant 0 : i32
      %dma_wait3A_432 = tpu.memref_slice %arg8[%run_scoped3A, %dma_wait3A_430, %dma_wait3A_431] : memref<5x64x128xf32, #tpu.memory_space<vmem>> -> memref<1x64x128xf32, #tpu.memory_space<vmem>>
      %dma_wait3A_433 = tpu.memref_squeeze %dma_wait3A_432 : memref<1x64x128xf32, #tpu.memory_space<vmem>> -> memref<64x128xf32, #tpu.memory_space<vmem>>
      %dma_wait3A_434 = arith.constant 0 : i32
      %dma_wait3A_435 = tpu.memref_slice %arg12[%add3A_12, %dma_wait3A_434] : memref<10240x128xf32, #tpu.memory_space<vmem_shared>> -> memref<64x128xf32, #tpu.memory_space<vmem_shared>>
      %dma_wait3A_436 = arith.constant 0 : i32
      %dma_wait3A_437 = tpu.memref_slice %arg12[%add3A_12, %dma_wait3A_436] : memref<10240x128xf32, #tpu.memory_space<vmem_shared>> -> memref<64x128xf32, #tpu.memory_space<vmem_shared>>
      %dma_wait3A_438 = arith.constant 0 : i32
      %dma_wait3A_439 = arith.constant 0 : i32
      %dma_wait3A_440 = tpu.memref_slice %arg8[%run_scoped3A, %dma_wait3A_438, %dma_wait3A_439] : memref<5x64x128xf32, #tpu.memory_space<vmem>> -> memref<1x64x128xf32, #tpu.memory_space<vmem>>
      %dma_wait3A_441 = tpu.memref_squeeze %dma_wait3A_440 : memref<1x64x128xf32, #tpu.memory_space<vmem>> -> memref<64x128xf32, #tpu.memory_space<vmem>>
      tpu.wait_dma2 semaphore(%run_scoped3A_417 : memref<!tpu.dma_semaphore, #tpu.memory_space<semaphore_mem>>) src(%dma_wait3A_441 : memref<64x128xf32, #tpu.memory_space<vmem>>) dst(%dma_wait3A_437 : memref<64x128xf32, #tpu.memory_space<vmem_shared>>)
      tpu.yield
    }) : () -> ()
    %mul3A_13 = arith.constant 640 : i32
    %mul3A_14 = arith.muli %arg1, %mul3A_13 : i32
    %add3A_15 = arith.constant 64 : i32
    %add3A_16 = arith.addi %mul3A_14, %add3A_15 : i32
    %run_scoped3A_17 = arith.constant 0 : i32
    "tpu.region"() ({
      %run_scoped3A_417 = tpu.sem_alloc : memref<!tpu.dma_semaphore, #tpu.memory_space<semaphore_mem>>
      %dma_start3A_418 = arith.constant 0 : i32
      %dma_start3A_419 = arith.constant 0 : i32
      %dma_start3A_420 = tpu.memref_slice %arg8[%run_scoped3A_17, %dma_start3A_418, %dma_start3A_419] : memref<5x64x128xf32, #tpu.memory_space<vmem>> -> memref<1x64x128xf32, #tpu.memory_space<vmem>>
      %dma_start3A_421 = tpu.memref_squeeze %dma_start3A_420 : memref<1x64x128xf32, #tpu.memory_space<vmem>> -> memref<64x128xf32, #tpu.memory_space<vmem>>
      %dma_start3A_422 = arith.constant 0 : i32
      %dma_start3A_423 = tpu.memref_slice %arg12[%add3A_16, %dma_start3A_422] : memref<10240x128xf32, #tpu.memory_space<vmem_shared>> -> memref<64x128xf32, #tpu.memory_space<vmem_shared>>
      %dma_start3A_424 = arith.constant 0 : i32
      %dma_start3A_425 = tpu.memref_slice %arg12[%add3A_16, %dma_start3A_424] : memref<10240x128xf32, #tpu.memory_space<vmem_shared>> -> memref<64x128xf32, #tpu.memory_space<vmem_shared>>
      %dma_start3A_426 = arith.constant 0 : i32
      %dma_start3A_427 = arith.constant 0 : i32
      %dma_start3A_428 = tpu.memref_slice %arg8[%run_scoped3A_17, %dma_start3A_426, %dma_start3A_427] : memref<5x64x128xf32, #tpu.memory_space<vmem>> -> memref<1x64x128xf32, #tpu.memory_space<vmem>>
      %dma_start3A_429 = tpu.memref_squeeze %dma_start3A_428 : memref<1x64x128xf32, #tpu.memory_space<vmem>> -> memref<64x128xf32, #tpu.memory_space<vmem>>
      tpu.enqueue_dma source(%dma_start3A_429 : memref<64x128xf32, #tpu.memory_space<vmem>>) target(%dma_start3A_425 : memref<64x128xf32, #tpu.memory_space<vmem_shared>>) target_semaphore(%run_scoped3A_417 : memref<!tpu.dma_semaphore, #tpu.memory_space<semaphore_mem>>)
      %dma_wait3A_430 = arith.constant 0 : i32
      %dma_wait3A_431 = arith.constant 0 : i32
      %dma_wait3A_432 = tpu.memref_slice %arg8[%run_scoped3A_17, %dma_wait3A_430, %dma_wait3A_431] : memref<5x64x128xf32, #tpu.memory_space<vmem>> -> memref<1x64x128xf32, #tpu.memory_space<vmem>>
      %dma_wait3A_433 = tpu.memref_squeeze %dma_wait3A_432 : memref<1x64x128xf32, #tpu.memory_space<vmem>> -> memref<64x128xf32, #tpu.memory_space<vmem>>
      %dma_wait3A_434 = arith.constant 0 : i32
      %dma_wait3A_435 = tpu.memref_slice %arg12[%add3A_16, %dma_wait3A_434] : memref<10240x128xf32, #tpu.memory_space<vmem_shared>> -> memref<64x128xf32, #tpu.memory_space<vmem_shared>>
      %dma_wait3A_436 = arith.constant 0 : i32
      %dma_wait3A_437 = tpu.memref_slice %arg12[%add3A_16, %dma_wait3A_436] : memref<10240x128xf32, #tpu.memory_space<vmem_shared>> -> memref<64x128xf32, #tpu.memory_space<vmem_shared>>
      %dma_wait3A_438 = arith.constant 0 : i32
      %dma_wait3A_439 = arith.constant 0 : i32
      %dma_wait3A_440 = tpu.memref_slice %arg8[%run_scoped3A_17, %dma_wait3A_438, %dma_wait3A_439] : memref<5x64x128xf32, #tpu.memory_space<vmem>> -> memref<1x64x128xf32, #tpu.memory_space<vmem>>
      %dma_wait3A_441 = tpu.memref_squeeze %dma_wait3A_440 : memref<1x64x128xf32, #tpu.memory_space<vmem>> -> memref<64x128xf32, #tpu.memory_space<vmem>>
      tpu.wait_dma2 semaphore(%run_scoped3A_417 : memref<!tpu.dma_semaphore, #tpu.memory_space<semaphore_mem>>) src(%dma_wait3A_441 : memref<64x128xf32, #tpu.memory_space<vmem>>) dst(%dma_wait3A_437 : memref<64x128xf32, #tpu.memory_space<vmem_shared>>)
      tpu.yield
    }) : () -> ()
    %mul3A_18 = arith.constant 640 : i32
    %mul3A_19 = arith.muli %arg1, %mul3A_18 : i32
    %add3A_20 = arith.constant 128 : i32
    %add3A_21 = arith.addi %mul3A_19, %add3A_20 : i32
    %run_scoped3A_22 = arith.constant 0 : i32
    "tpu.region"() ({
      %run_scoped3A_417 = tpu.sem_alloc : memref<!tpu.dma_semaphore, #tpu.memory_space<semaphore_mem>>
      %dma_start3A_418 = arith.constant 0 : i32
      %dma_start3A_419 = arith.constant 0 : i32
      %dma_start3A_420 = tpu.memref_slice %arg8[%run_scoped3A_22, %dma_start3A_418, %dma_start3A_419] : memref<5x64x128xf32, #tpu.memory_space<vmem>> -> memref<1x64x128xf32, #tpu.memory_space<vmem>>
      %dma_start3A_421 = tpu.memref_squeeze %dma_start3A_420 : memref<1x64x128xf32, #tpu.memory_space<vmem>> -> memref<64x128xf32, #tpu.memory_space<vmem>>
      %dma_start3A_422 = arith.constant 0 : i32
      %dma_start3A_423 = tpu.memref_slice %arg12[%add3A_21, %dma_start3A_422] : memref<10240x128xf32, #tpu.memory_space<vmem_shared>> -> memref<64x128xf32, #tpu.memory_space<vmem_shared>>
      %dma_start3A_424 = arith.constant 0 : i32
      %dma_start3A_425 = tpu.memref_slice %arg12[%add3A_21, %dma_start3A_424] : memref<10240x128xf32, #tpu.memory_space<vmem_shared>> -> memref<64x128xf32, #tpu.memory_space<vmem_shared>>
      %dma_start3A_426 = arith.constant 0 : i32
      %dma_start3A_427 = arith.constant 0 : i32
      %dma_start3A_428 = tpu.memref_slice %arg8[%run_scoped3A_22, %dma_start3A_426, %dma_start3A_427] : memref<5x64x128xf32, #tpu.memory_space<vmem>> -> memref<1x64x128xf32, #tpu.memory_space<vmem>>
      %dma_start3A_429 = tpu.memref_squeeze %dma_start3A_428 : memref<1x64x128xf32, #tpu.memory_space<vmem>> -> memref<64x128xf32, #tpu.memory_space<vmem>>
      tpu.enqueue_dma source(%dma_start3A_429 : memref<64x128xf32, #tpu.memory_space<vmem>>) target(%dma_start3A_425 : memref<64x128xf32, #tpu.memory_space<vmem_shared>>) target_semaphore(%run_scoped3A_417 : memref<!tpu.dma_semaphore, #tpu.memory_space<semaphore_mem>>)
      %dma_wait3A_430 = arith.constant 0 : i32
      %dma_wait3A_431 = arith.constant 0 : i32
      %dma_wait3A_432 = tpu.memref_slice %arg8[%run_scoped3A_22, %dma_wait3A_430, %dma_wait3A_431] : memref<5x64x128xf32, #tpu.memory_space<vmem>> -> memref<1x64x128xf32, #tpu.memory_space<vmem>>
      %dma_wait3A_433 = tpu.memref_squeeze %dma_wait3A_432 : memref<1x64x128xf32, #tpu.memory_space<vmem>> -> memref<64x128xf32, #tpu.memory_space<vmem>>
      %dma_wait3A_434 = arith.constant 0 : i32
      %dma_wait3A_435 = tpu.memref_slice %arg12[%add3A_21, %dma_wait3A_434] : memref<10240x128xf32, #tpu.memory_space<vmem_shared>> -> memref<64x128xf32, #tpu.memory_space<vmem_shared>>
      %dma_wait3A_436 = arith.constant 0 : i32
      %dma_wait3A_437 = tpu.memref_slice %arg12[%add3A_21, %dma_wait3A_436] : memref<10240x128xf32, #tpu.memory_space<vmem_shared>> -> memref<64x128xf32, #tpu.memory_space<vmem_shared>>
      %dma_wait3A_438 = arith.constant 0 : i32
      %dma_wait3A_439 = arith.constant 0 : i32
      %dma_wait3A_440 = tpu.memref_slice %arg8[%run_scoped3A_22, %dma_wait3A_438, %dma_wait3A_439] : memref<5x64x128xf32, #tpu.memory_space<vmem>> -> memref<1x64x128xf32, #tpu.memory_space<vmem>>
      %dma_wait3A_441 = tpu.memref_squeeze %dma_wait3A_440 : memref<1x64x128xf32, #tpu.memory_space<vmem>> -> memref<64x128xf32, #tpu.memory_space<vmem>>
      tpu.wait_dma2 semaphore(%run_scoped3A_417 : memref<!tpu.dma_semaphore, #tpu.memory_space<semaphore_mem>>) src(%dma_wait3A_441 : memref<64x128xf32, #tpu.memory_space<vmem>>) dst(%dma_wait3A_437 : memref<64x128xf32, #tpu.memory_space<vmem_shared>>)
      tpu.yield
    }) : () -> ()
    %mul3A_23 = arith.constant 640 : i32
    %mul3A_24 = arith.muli %arg1, %mul3A_23 : i32
    %add3A_25 = arith.constant 192 : i32
    %add3A_26 = arith.addi %mul3A_24, %add3A_25 : i32
    %run_scoped3A_27 = arith.constant 0 : i32
    "tpu.region"() ({
      %run_scoped3A_417 = tpu.sem_alloc : memref<!tpu.dma_semaphore, #tpu.memory_space<semaphore_mem>>
      %dma_start3A_418 = arith.constant 0 : i32
      %dma_start3A_419 = arith.constant 0 : i32
      %dma_start3A_420 = tpu.memref_slice %arg8[%run_scoped3A_27, %dma_start3A_418, %dma_start3A_419] : memref<5x64x128xf32, #tpu.memory_space<vmem>> -> memref<1x64x128xf32, #tpu.memory_space<vmem>>
      %dma_start3A_421 = tpu.memref_squeeze %dma_start3A_420 : memref<1x64x128xf32, #tpu.memory_space<vmem>> -> memref<64x128xf32, #tpu.memory_space<vmem>>
      %dma_start3A_422 = arith.constant 0 : i32
      %dma_start3A_423 = tpu.memref_slice %arg12[%add3A_26, %dma_start3A_422] : memref<10240x128xf32, #tpu.memory_space<vmem_shared>> -> memref<64x128xf32, #tpu.memory_space<vmem_shared>>
      %dma_start3A_424 = arith.constant 0 : i32
      %dma_start3A_425 = tpu.memref_slice %arg12[%add3A_26, %dma_start3A_424] : memref<10240x128xf32, #tpu.memory_space<vmem_shared>> -> memref<64x128xf32, #tpu.memory_space<vmem_shared>>
      %dma_start3A_426 = arith.constant 0 : i32
      %dma_start3A_427 = arith.constant 0 : i32
      %dma_start3A_428 = tpu.memref_slice %arg8[%run_scoped3A_27, %dma_start3A_426, %dma_start3A_427] : memref<5x64x128xf32, #tpu.memory_space<vmem>> -> memref<1x64x128xf32, #tpu.memory_space<vmem>>
      %dma_start3A_429 = tpu.memref_squeeze %dma_start3A_428 : memref<1x64x128xf32, #tpu.memory_space<vmem>> -> memref<64x128xf32, #tpu.memory_space<vmem>>
      tpu.enqueue_dma source(%dma_start3A_429 : memref<64x128xf32, #tpu.memory_space<vmem>>) target(%dma_start3A_425 : memref<64x128xf32, #tpu.memory_space<vmem_shared>>) target_semaphore(%run_scoped3A_417 : memref<!tpu.dma_semaphore, #tpu.memory_space<semaphore_mem>>)
      %dma_wait3A_430 = arith.constant 0 : i32
      %dma_wait3A_431 = arith.constant 0 : i32
      %dma_wait3A_432 = tpu.memref_slice %arg8[%run_scoped3A_27, %dma_wait3A_430, %dma_wait3A_431] : memref<5x64x128xf32, #tpu.memory_space<vmem>> -> memref<1x64x128xf32, #tpu.memory_space<vmem>>
      %dma_wait3A_433 = tpu.memref_squeeze %dma_wait3A_432 : memref<1x64x128xf32, #tpu.memory_space<vmem>> -> memref<64x128xf32, #tpu.memory_space<vmem>>
      %dma_wait3A_434 = arith.constant 0 : i32
      %dma_wait3A_435 = tpu.memref_slice %arg12[%add3A_26, %dma_wait3A_434] : memref<10240x128xf32, #tpu.memory_space<vmem_shared>> -> memref<64x128xf32, #tpu.memory_space<vmem_shared>>
      %dma_wait3A_436 = arith.constant 0 : i32
      %dma_wait3A_437 = tpu.memref_slice %arg12[%add3A_26, %dma_wait3A_436] : memref<10240x128xf32, #tpu.memory_space<vmem_shared>> -> memref<64x128xf32, #tpu.memory_space<vmem_shared>>
      %dma_wait3A_438 = arith.constant 0 : i32
      %dma_wait3A_439 = arith.constant 0 : i32
      %dma_wait3A_440 = tpu.memref_slice %arg8[%run_scoped3A_27, %dma_wait3A_438, %dma_wait3A_439] : memref<5x64x128xf32, #tpu.memory_space<vmem>> -> memref<1x64x128xf32, #tpu.memory_space<vmem>>
      %dma_wait3A_441 = tpu.memref_squeeze %dma_wait3A_440 : memref<1x64x128xf32, #tpu.memory_space<vmem>> -> memref<64x128xf32, #tpu.memory_space<vmem>>
      tpu.wait_dma2 semaphore(%run_scoped3A_417 : memref<!tpu.dma_semaphore, #tpu.memory_space<semaphore_mem>>) src(%dma_wait3A_441 : memref<64x128xf32, #tpu.memory_space<vmem>>) dst(%dma_wait3A_437 : memref<64x128xf32, #tpu.memory_space<vmem_shared>>)
      tpu.yield
    }) : () -> ()
    %mul3A_28 = arith.constant 640 : i32
    %mul3A_29 = arith.muli %arg1, %mul3A_28 : i32
    %add3A_30 = arith.constant 256 : i32
    %add3A_31 = arith.addi %mul3A_29, %add3A_30 : i32
    %run_scoped3A_32 = arith.constant 0 : i32
    "tpu.region"() ({
      %run_scoped3A_417 = tpu.sem_alloc : memref<!tpu.dma_semaphore, #tpu.memory_space<semaphore_mem>>
      %dma_start3A_418 = arith.constant 0 : i32
      %dma_start3A_419 = arith.constant 0 : i32
      %dma_start3A_420 = tpu.memref_slice %arg8[%run_scoped3A_32, %dma_start3A_418, %dma_start3A_419] : memref<5x64x128xf32, #tpu.memory_space<vmem>> -> memref<1x64x128xf32, #tpu.memory_space<vmem>>
      %dma_start3A_421 = tpu.memref_squeeze %dma_start3A_420 : memref<1x64x128xf32, #tpu.memory_space<vmem>> -> memref<64x128xf32, #tpu.memory_space<vmem>>
      %dma_start3A_422 = arith.constant 0 : i32
      %dma_start3A_423 = tpu.memref_slice %arg12[%add3A_31, %dma_start3A_422] : memref<10240x128xf32, #tpu.memory_space<vmem_shared>> -> memref<64x128xf32, #tpu.memory_space<vmem_shared>>
      %dma_start3A_424 = arith.constant 0 : i32
      %dma_start3A_425 = tpu.memref_slice %arg12[%add3A_31, %dma_start3A_424] : memref<10240x128xf32, #tpu.memory_space<vmem_shared>> -> memref<64x128xf32, #tpu.memory_space<vmem_shared>>
      %dma_start3A_426 = arith.constant 0 : i32
      %dma_start3A_427 = arith.constant 0 : i32
      %dma_start3A_428 = tpu.memref_slice %arg8[%run_scoped3A_32, %dma_start3A_426, %dma_start3A_427] : memref<5x64x128xf32, #tpu.memory_space<vmem>> -> memref<1x64x128xf32, #tpu.memory_space<vmem>>
      %dma_start3A_429 = tpu.memref_squeeze %dma_start3A_428 : memref<1x64x128xf32, #tpu.memory_space<vmem>> -> memref<64x128xf32, #tpu.memory_space<vmem>>
      tpu.enqueue_dma source(%dma_start3A_429 : memref<64x128xf32, #tpu.memory_space<vmem>>) target(%dma_start3A_425 : memref<64x128xf32, #tpu.memory_space<vmem_shared>>) target_semaphore(%run_scoped3A_417 : memref<!tpu.dma_semaphore, #tpu.memory_space<semaphore_mem>>)
      %dma_wait3A_430 = arith.constant 0 : i32
      %dma_wait3A_431 = arith.constant 0 : i32
      %dma_wait3A_432 = tpu.memref_slice %arg8[%run_scoped3A_32, %dma_wait3A_430, %dma_wait3A_431] : memref<5x64x128xf32, #tpu.memory_space<vmem>> -> memref<1x64x128xf32, #tpu.memory_space<vmem>>
      %dma_wait3A_433 = tpu.memref_squeeze %dma_wait3A_432 : memref<1x64x128xf32, #tpu.memory_space<vmem>> -> memref<64x128xf32, #tpu.memory_space<vmem>>
      %dma_wait3A_434 = arith.constant 0 : i32
      %dma_wait3A_435 = tpu.memref_slice %arg12[%add3A_31, %dma_wait3A_434] : memref<10240x128xf32, #tpu.memory_space<vmem_shared>> -> memref<64x128xf32, #tpu.memory_space<vmem_shared>>
      %dma_wait3A_436 = arith.constant 0 : i32
      %dma_wait3A_437 = tpu.memref_slice %arg12[%add3A_31, %dma_wait3A_436] : memref<10240x128xf32, #tpu.memory_space<vmem_shared>> -> memref<64x128xf32, #tpu.memory_space<vmem_shared>>
      %dma_wait3A_438 = arith.constant 0 : i32
      %dma_wait3A_439 = arith.constant 0 : i32
      %dma_wait3A_440 = tpu.memref_slice %arg8[%run_scoped3A_32, %dma_wait3A_438, %dma_wait3A_439] : memref<5x64x128xf32, #tpu.memory_space<vmem>> -> memref<1x64x128xf32, #tpu.memory_space<vmem>>
      %dma_wait3A_441 = tpu.memref_squeeze %dma_wait3A_440 : memref<1x64x128xf32, #tpu.memory_space<vmem>> -> memref<64x128xf32, #tpu.memory_space<vmem>>
      tpu.wait_dma2 semaphore(%run_scoped3A_417 : memref<!tpu.dma_semaphore, #tpu.memory_space<semaphore_mem>>) src(%dma_wait3A_441 : memref<64x128xf32, #tpu.memory_space<vmem>>) dst(%dma_wait3A_437 : memref<64x128xf32, #tpu.memory_space<vmem_shared>>)
      tpu.yield
    }) : () -> ()
    %mul3A_33 = arith.constant 640 : i32
    %mul3A_34 = arith.muli %arg1, %mul3A_33 : i32
    %add3A_35 = arith.constant 320 : i32
    %add3A_36 = arith.addi %mul3A_34, %add3A_35 : i32
    %run_scoped3A_37 = arith.constant 0 : i32
    "tpu.region"() ({
      %run_scoped3A_417 = tpu.sem_alloc : memref<!tpu.dma_semaphore, #tpu.memory_space<semaphore_mem>>
      %dma_start3A_418 = arith.constant 0 : i32
      %dma_start3A_419 = arith.constant 0 : i32
      %dma_start3A_420 = tpu.memref_slice %arg8[%run_scoped3A_37, %dma_start3A_418, %dma_start3A_419] : memref<5x64x128xf32, #tpu.memory_space<vmem>> -> memref<1x64x128xf32, #tpu.memory_space<vmem>>
      %dma_start3A_421 = tpu.memref_squeeze %dma_start3A_420 : memref<1x64x128xf32, #tpu.memory_space<vmem>> -> memref<64x128xf32, #tpu.memory_space<vmem>>
      %dma_start3A_422 = arith.constant 0 : i32
      %dma_start3A_423 = tpu.memref_slice %arg12[%add3A_36, %dma_start3A_422] : memref<10240x128xf32, #tpu.memory_space<vmem_shared>> -> memref<64x128xf32, #tpu.memory_space<vmem_shared>>
      %dma_start3A_424 = arith.constant 0 : i32
      %dma_start3A_425 = tpu.memref_slice %arg12[%add3A_36, %dma_start3A_424] : memref<10240x128xf32, #tpu.memory_space<vmem_shared>> -> memref<64x128xf32, #tpu.memory_space<vmem_shared>>
      %dma_start3A_426 = arith.constant 0 : i32
      %dma_start3A_427 = arith.constant 0 : i32
      %dma_start3A_428 = tpu.memref_slice %arg8[%run_scoped3A_37, %dma_start3A_426, %dma_start3A_427] : memref<5x64x128xf32, #tpu.memory_space<vmem>> -> memref<1x64x128xf32, #tpu.memory_space<vmem>>
      %dma_start3A_429 = tpu.memref_squeeze %dma_start3A_428 : memref<1x64x128xf32, #tpu.memory_space<vmem>> -> memref<64x128xf32, #tpu.memory_space<vmem>>
      tpu.enqueue_dma source(%dma_start3A_429 : memref<64x128xf32, #tpu.memory_space<vmem>>) target(%dma_start3A_425 : memref<64x128xf32, #tpu.memory_space<vmem_shared>>) target_semaphore(%run_scoped3A_417 : memref<!tpu.dma_semaphore, #tpu.memory_space<semaphore_mem>>)
      %dma_wait3A_430 = arith.constant 0 : i32
      %dma_wait3A_431 = arith.constant 0 : i32
      %dma_wait3A_432 = tpu.memref_slice %arg8[%run_scoped3A_37, %dma_wait3A_430, %dma_wait3A_431] : memref<5x64x128xf32, #tpu.memory_space<vmem>> -> memref<1x64x128xf32, #tpu.memory_space<vmem>>
      %dma_wait3A_433 = tpu.memref_squeeze %dma_wait3A_432 : memref<1x64x128xf32, #tpu.memory_space<vmem>> -> memref<64x128xf32, #tpu.memory_space<vmem>>
      %dma_wait3A_434 = arith.constant 0 : i32
      %dma_wait3A_435 = tpu.memref_slice %arg12[%add3A_36, %dma_wait3A_434] : memref<10240x128xf32, #tpu.memory_space<vmem_shared>> -> memref<64x128xf32, #tpu.memory_space<vmem_shared>>
      %dma_wait3A_436 = arith.constant 0 : i32
      %dma_wait3A_437 = tpu.memref_slice %arg12[%add3A_36, %dma_wait3A_436] : memref<10240x128xf32, #tpu.memory_space<vmem_shared>> -> memref<64x128xf32, #tpu.memory_space<vmem_shared>>
      %dma_wait3A_438 = arith.constant 0 : i32
      %dma_wait3A_439 = arith.constant 0 : i32
      %dma_wait3A_440 = tpu.memref_slice %arg8[%run_scoped3A_37, %dma_wait3A_438, %dma_wait3A_439] : memref<5x64x128xf32, #tpu.memory_space<vmem>> -> memref<1x64x128xf32, #tpu.memory_space<vmem>>
      %dma_wait3A_441 = tpu.memref_squeeze %dma_wait3A_440 : memref<1x64x128xf32, #tpu.memory_space<vmem>> -> memref<64x128xf32, #tpu.memory_space<vmem>>
      tpu.wait_dma2 semaphore(%run_scoped3A_417 : memref<!tpu.dma_semaphore, #tpu.memory_space<semaphore_mem>>) src(%dma_wait3A_441 : memref<64x128xf32, #tpu.memory_space<vmem>>) dst(%dma_wait3A_437 : memref<64x128xf32, #tpu.memory_space<vmem_shared>>)
      tpu.yield
    }) : () -> ()
    %mul3A_38 = arith.constant 640 : i32
    %mul3A_39 = arith.muli %arg1, %mul3A_38 : i32
    %add3A_40 = arith.constant 384 : i32
    %add3A_41 = arith.addi %mul3A_39, %add3A_40 : i32
    %run_scoped3A_42 = arith.constant 0 : i32
    "tpu.region"() ({
      %run_scoped3A_417 = tpu.sem_alloc : memref<!tpu.dma_semaphore, #tpu.memory_space<semaphore_mem>>
      %dma_start3A_418 = arith.constant 0 : i32
      %dma_start3A_419 = arith.constant 0 : i32
      %dma_start3A_420 = tpu.memref_slice %arg8[%run_scoped3A_42, %dma_start3A_418, %dma_start3A_419] : memref<5x64x128xf32, #tpu.memory_space<vmem>> -> memref<1x64x128xf32, #tpu.memory_space<vmem>>
      %dma_start3A_421 = tpu.memref_squeeze %dma_start3A_420 : memref<1x64x128xf32, #tpu.memory_space<vmem>> -> memref<64x128xf32, #tpu.memory_space<vmem>>
      %dma_start3A_422 = arith.constant 0 : i32
      %dma_start3A_423 = tpu.memref_slice %arg12[%add3A_41, %dma_start3A_422] : memref<10240x128xf32, #tpu.memory_space<vmem_shared>> -> memref<64x128xf32, #tpu.memory_space<vmem_shared>>
      %dma_start3A_424 = arith.constant 0 : i32
      %dma_start3A_425 = tpu.memref_slice %arg12[%add3A_41, %dma_start3A_424] : memref<10240x128xf32, #tpu.memory_space<vmem_shared>> -> memref<64x128xf32, #tpu.memory_space<vmem_shared>>
      %dma_start3A_426 = arith.constant 0 : i32
      %dma_start3A_427 = arith.constant 0 : i32
      %dma_start3A_428 = tpu.memref_slice %arg8[%run_scoped3A_42, %dma_start3A_426, %dma_start3A_427] : memref<5x64x128xf32, #tpu.memory_space<vmem>> -> memref<1x64x128xf32, #tpu.memory_space<vmem>>
      %dma_start3A_429 = tpu.memref_squeeze %dma_start3A_428 : memref<1x64x128xf32, #tpu.memory_space<vmem>> -> memref<64x128xf32, #tpu.memory_space<vmem>>
      tpu.enqueue_dma source(%dma_start3A_429 : memref<64x128xf32, #tpu.memory_space<vmem>>) target(%dma_start3A_425 : memref<64x128xf32, #tpu.memory_space<vmem_shared>>) target_semaphore(%run_scoped3A_417 : memref<!tpu.dma_semaphore, #tpu.memory_space<semaphore_mem>>)
      %dma_wait3A_430 = arith.constant 0 : i32
      %dma_wait3A_431 = arith.constant 0 : i32
      %dma_wait3A_432 = tpu.memref_slice %arg8[%run_scoped3A_42, %dma_wait3A_430, %dma_wait3A_431] : memref<5x64x128xf32, #tpu.memory_space<vmem>> -> memref<1x64x128xf32, #tpu.memory_space<vmem>>
      %dma_wait3A_433 = tpu.memref_squeeze %dma_wait3A_432 : memref<1x64x128xf32, #tpu.memory_space<vmem>> -> memref<64x128xf32, #tpu.memory_space<vmem>>
      %dma_wait3A_434 = arith.constant 0 : i32
      %dma_wait3A_435 = tpu.memref_slice %arg12[%add3A_41, %dma_wait3A_434] : memref<10240x128xf32, #tpu.memory_space<vmem_shared>> -> memref<64x128xf32, #tpu.memory_space<vmem_shared>>
      %dma_wait3A_436 = arith.constant 0 : i32
      %dma_wait3A_437 = tpu.memref_slice %arg12[%add3A_41, %dma_wait3A_436] : memref<10240x128xf32, #tpu.memory_space<vmem_shared>> -> memref<64x128xf32, #tpu.memory_space<vmem_shared>>
      %dma_wait3A_438 = arith.constant 0 : i32
      %dma_wait3A_439 = arith.constant 0 : i32
      %dma_wait3A_440 = tpu.memref_slice %arg8[%run_scoped3A_42, %dma_wait3A_438, %dma_wait3A_439] : memref<5x64x128xf32, #tpu.memory_space<vmem>> -> memref<1x64x128xf32, #tpu.memory_space<vmem>>
      %dma_wait3A_441 = tpu.memref_squeeze %dma_wait3A_440 : memref<1x64x128xf32, #tpu.memory_space<vmem>> -> memref<64x128xf32, #tpu.memory_space<vmem>>
      tpu.wait_dma2 semaphore(%run_scoped3A_417 : memref<!tpu.dma_semaphore, #tpu.memory_space<semaphore_mem>>) src(%dma_wait3A_441 : memref<64x128xf32, #tpu.memory_space<vmem>>) dst(%dma_wait3A_437 : memref<64x128xf32, #tpu.memory_space<vmem_shared>>)
      tpu.yield
    }) : () -> ()
    %mul3A_43 = arith.constant 640 : i32
    %mul3A_44 = arith.muli %arg1, %mul3A_43 : i32
    %add3A_45 = arith.constant 448 : i32
    %add3A_46 = arith.addi %mul3A_44, %add3A_45 : i32
    %run_scoped3A_47 = arith.constant 0 : i32
    "tpu.region"() ({
      %run_scoped3A_417 = tpu.sem_alloc : memref<!tpu.dma_semaphore, #tpu.memory_space<semaphore_mem>>
      %dma_start3A_418 = arith.constant 0 : i32
      %dma_start3A_419 = arith.constant 0 : i32
      %dma_start3A_420 = tpu.memref_slice %arg8[%run_scoped3A_47, %dma_start3A_418, %dma_start3A_419] : memref<5x64x128xf32, #tpu.memory_space<vmem>> -> memref<1x64x128xf32, #tpu.memory_space<vmem>>
      %dma_start3A_421 = tpu.memref_squeeze %dma_start3A_420 : memref<1x64x128xf32, #tpu.memory_space<vmem>> -> memref<64x128xf32, #tpu.memory_space<vmem>>
      %dma_start3A_422 = arith.constant 0 : i32
      %dma_start3A_423 = tpu.memref_slice %arg12[%add3A_46, %dma_start3A_422] : memref<10240x128xf32, #tpu.memory_space<vmem_shared>> -> memref<64x128xf32, #tpu.memory_space<vmem_shared>>
      %dma_start3A_424 = arith.constant 0 : i32
      %dma_start3A_425 = tpu.memref_slice %arg12[%add3A_46, %dma_start3A_424] : memref<10240x128xf32, #tpu.memory_space<vmem_shared>> -> memref<64x128xf32, #tpu.memory_space<vmem_shared>>
      %dma_start3A_426 = arith.constant 0 : i32
      %dma_start3A_427 = arith.constant 0 : i32
      %dma_start3A_428 = tpu.memref_slice %arg8[%run_scoped3A_47, %dma_start3A_426, %dma_start3A_427] : memref<5x64x128xf32, #tpu.memory_space<vmem>> -> memref<1x64x128xf32, #tpu.memory_space<vmem>>
      %dma_start3A_429 = tpu.memref_squeeze %dma_start3A_428 : memref<1x64x128xf32, #tpu.memory_space<vmem>> -> memref<64x128xf32, #tpu.memory_space<vmem>>
      tpu.enqueue_dma source(%dma_start3A_429 : memref<64x128xf32, #tpu.memory_space<vmem>>) target(%dma_start3A_425 : memref<64x128xf32, #tpu.memory_space<vmem_shared>>) target_semaphore(%run_scoped3A_417 : memref<!tpu.dma_semaphore, #tpu.memory_space<semaphore_mem>>)
      %dma_wait3A_430 = arith.constant 0 : i32
      %dma_wait3A_431 = arith.constant 0 : i32
      %dma_wait3A_432 = tpu.memref_slice %arg8[%run_scoped3A_47, %dma_wait3A_430, %dma_wait3A_431] : memref<5x64x128xf32, #tpu.memory_space<vmem>> -> memref<1x64x128xf32, #tpu.memory_space<vmem>>
      %dma_wait3A_433 = tpu.memref_squeeze %dma_wait3A_432 : memref<1x64x128xf32, #tpu.memory_space<vmem>> -> memref<64x128xf32, #tpu.memory_space<vmem>>
      %dma_wait3A_434 = arith.constant 0 : i32
      %dma_wait3A_435 = tpu.memref_slice %arg12[%add3A_46, %dma_wait3A_434] : memref<10240x128xf32, #tpu.memory_space<vmem_shared>> -> memref<64x128xf32, #tpu.memory_space<vmem_shared>>
      %dma_wait3A_436 = arith.constant 0 : i32
      %dma_wait3A_437 = tpu.memref_slice %arg12[%add3A_46, %dma_wait3A_436] : memref<10240x128xf32, #tpu.memory_space<vmem_shared>> -> memref<64x128xf32, #tpu.memory_space<vmem_shared>>
      %dma_wait3A_438 = arith.constant 0 : i32
      %dma_wait3A_439 = arith.constant 0 : i32
      %dma_wait3A_440 = tpu.memref_slice %arg8[%run_scoped3A_47, %dma_wait3A_438, %dma_wait3A_439] : memref<5x64x128xf32, #tpu.memory_space<vmem>> -> memref<1x64x128xf32, #tpu.memory_space<vmem>>
      %dma_wait3A_441 = tpu.memref_squeeze %dma_wait3A_440 : memref<1x64x128xf32, #tpu.memory_space<vmem>> -> memref<64x128xf32, #tpu.memory_space<vmem>>
      tpu.wait_dma2 semaphore(%run_scoped3A_417 : memref<!tpu.dma_semaphore, #tpu.memory_space<semaphore_mem>>) src(%dma_wait3A_441 : memref<64x128xf32, #tpu.memory_space<vmem>>) dst(%dma_wait3A_437 : memref<64x128xf32, #tpu.memory_space<vmem_shared>>)
      tpu.yield
    }) : () -> ()
    %mul3A_48 = arith.constant 640 : i32
    %mul3A_49 = arith.muli %arg1, %mul3A_48 : i32
    %add3A_50 = arith.constant 512 : i32
    %add3A_51 = arith.addi %mul3A_49, %add3A_50 : i32
    %run_scoped3A_52 = arith.constant 0 : i32
    "tpu.region"() ({
      %run_scoped3A_417 = tpu.sem_alloc : memref<!tpu.dma_semaphore, #tpu.memory_space<semaphore_mem>>
      %dma_start3A_418 = arith.constant 0 : i32
      %dma_start3A_419 = arith.constant 0 : i32
      %dma_start3A_420 = tpu.memref_slice %arg8[%run_scoped3A_52, %dma_start3A_418, %dma_start3A_419] : memref<5x64x128xf32, #tpu.memory_space<vmem>> -> memref<1x64x128xf32, #tpu.memory_space<vmem>>
      %dma_start3A_421 = tpu.memref_squeeze %dma_start3A_420 : memref<1x64x128xf32, #tpu.memory_space<vmem>> -> memref<64x128xf32, #tpu.memory_space<vmem>>
      %dma_start3A_422 = arith.constant 0 : i32
      %dma_start3A_423 = tpu.memref_slice %arg12[%add3A_51, %dma_start3A_422] : memref<10240x128xf32, #tpu.memory_space<vmem_shared>> -> memref<64x128xf32, #tpu.memory_space<vmem_shared>>
      %dma_start3A_424 = arith.constant 0 : i32
      %dma_start3A_425 = tpu.memref_slice %arg12[%add3A_51, %dma_start3A_424] : memref<10240x128xf32, #tpu.memory_space<vmem_shared>> -> memref<64x128xf32, #tpu.memory_space<vmem_shared>>
      %dma_start3A_426 = arith.constant 0 : i32
      %dma_start3A_427 = arith.constant 0 : i32
      %dma_start3A_428 = tpu.memref_slice %arg8[%run_scoped3A_52, %dma_start3A_426, %dma_start3A_427] : memref<5x64x128xf32, #tpu.memory_space<vmem>> -> memref<1x64x128xf32, #tpu.memory_space<vmem>>
      %dma_start3A_429 = tpu.memref_squeeze %dma_start3A_428 : memref<1x64x128xf32, #tpu.memory_space<vmem>> -> memref<64x128xf32, #tpu.memory_space<vmem>>
      tpu.enqueue_dma source(%dma_start3A_429 : memref<64x128xf32, #tpu.memory_space<vmem>>) target(%dma_start3A_425 : memref<64x128xf32, #tpu.memory_space<vmem_shared>>) target_semaphore(%run_scoped3A_417 : memref<!tpu.dma_semaphore, #tpu.memory_space<semaphore_mem>>)
      %dma_wait3A_430 = arith.constant 0 : i32
      %dma_wait3A_431 = arith.constant 0 : i32
      %dma_wait3A_432 = tpu.memref_slice %arg8[%run_scoped3A_52, %dma_wait3A_430, %dma_wait3A_431] : memref<5x64x128xf32, #tpu.memory_space<vmem>> -> memref<1x64x128xf32, #tpu.memory_space<vmem>>
      %dma_wait3A_433 = tpu.memref_squeeze %dma_wait3A_432 : memref<1x64x128xf32, #tpu.memory_space<vmem>> -> memref<64x128xf32, #tpu.memory_space<vmem>>
      %dma_wait3A_434 = arith.constant 0 : i32
      %dma_wait3A_435 = tpu.memref_slice %arg12[%add3A_51, %dma_wait3A_434] : memref<10240x128xf32, #tpu.memory_space<vmem_shared>> -> memref<64x128xf32, #tpu.memory_space<vmem_shared>>
      %dma_wait3A_436 = arith.constant 0 : i32
      %dma_wait3A_437 = tpu.memref_slice %arg12[%add3A_51, %dma_wait3A_436] : memref<10240x128xf32, #tpu.memory_space<vmem_shared>> -> memref<64x128xf32, #tpu.memory_space<vmem_shared>>
      %dma_wait3A_438 = arith.constant 0 : i32
      %dma_wait3A_439 = arith.constant 0 : i32
      %dma_wait3A_440 = tpu.memref_slice %arg8[%run_scoped3A_52, %dma_wait3A_438, %dma_wait3A_439] : memref<5x64x128xf32, #tpu.memory_space<vmem>> -> memref<1x64x128xf32, #tpu.memory_space<vmem>>
      %dma_wait3A_441 = tpu.memref_squeeze %dma_wait3A_440 : memref<1x64x128xf32, #tpu.memory_space<vmem>> -> memref<64x128xf32, #tpu.memory_space<vmem>>
      tpu.wait_dma2 semaphore(%run_scoped3A_417 : memref<!tpu.dma_semaphore, #tpu.memory_space<semaphore_mem>>) src(%dma_wait3A_441 : memref<64x128xf32, #tpu.memory_space<vmem>>) dst(%dma_wait3A_437 : memref<64x128xf32, #tpu.memory_space<vmem_shared>>)
      tpu.yield
    }) : () -> ()
    %mul3A_53 = arith.constant 640 : i32
    %mul3A_54 = arith.muli %arg1, %mul3A_53 : i32
    %add3A_55 = arith.constant 576 : i32
    %add3A_56 = arith.addi %mul3A_54, %add3A_55 : i32
    %run_scoped3A_57 = arith.constant 0 : i32
    "tpu.region"() ({
      %run_scoped3A_417 = tpu.sem_alloc : memref<!tpu.dma_semaphore, #tpu.memory_space<semaphore_mem>>
      %dma_start3A_418 = arith.constant 0 : i32
      %dma_start3A_419 = arith.constant 0 : i32
      %dma_start3A_420 = tpu.memref_slice %arg8[%run_scoped3A_57, %dma_start3A_418, %dma_start3A_419] : memref<5x64x128xf32, #tpu.memory_space<vmem>> -> memref<1x64x128xf32, #tpu.memory_space<vmem>>
      %dma_start3A_421 = tpu.memref_squeeze %dma_start3A_420 : memref<1x64x128xf32, #tpu.memory_space<vmem>> -> memref<64x128xf32, #tpu.memory_space<vmem>>
      %dma_start3A_422 = arith.constant 0 : i32
      %dma_start3A_423 = tpu.memref_slice %arg12[%add3A_56, %dma_start3A_422] : memref<10240x128xf32, #tpu.memory_space<vmem_shared>> -> memref<64x128xf32, #tpu.memory_space<vmem_shared>>
      %dma_start3A_424 = arith.constant 0 : i32
      %dma_start3A_425 = tpu.memref_slice %arg12[%add3A_56, %dma_start3A_424] : memref<10240x128xf32, #tpu.memory_space<vmem_shared>> -> memref<64x128xf32, #tpu.memory_space<vmem_shared>>
      %dma_start3A_426 = arith.constant 0 : i32
      %dma_start3A_427 = arith.constant 0 : i32
      %dma_start3A_428 = tpu.memref_slice %arg8[%run_scoped3A_57, %dma_start3A_426, %dma_start3A_427] : memref<5x64x128xf32, #tpu.memory_space<vmem>> -> memref<1x64x128xf32, #tpu.memory_space<vmem>>
      %dma_start3A_429 = tpu.memref_squeeze %dma_start3A_428 : memref<1x64x128xf32, #tpu.memory_space<vmem>> -> memref<64x128xf32, #tpu.memory_space<vmem>>
      tpu.enqueue_dma source(%dma_start3A_429 : memref<64x128xf32, #tpu.memory_space<vmem>>) target(%dma_start3A_425 : memref<64x128xf32, #tpu.memory_space<vmem_shared>>) target_semaphore(%run_scoped3A_417 : memref<!tpu.dma_semaphore, #tpu.memory_space<semaphore_mem>>)
      %dma_wait3A_430 = arith.constant 0 : i32
      %dma_wait3A_431 = arith.constant 0 : i32
      %dma_wait3A_432 = tpu.memref_slice %arg8[%run_scoped3A_57, %dma_wait3A_430, %dma_wait3A_431] : memref<5x64x128xf32, #tpu.memory_space<vmem>> -> memref<1x64x128xf32, #tpu.memory_space<vmem>>
      %dma_wait3A_433 = tpu.memref_squeeze %dma_wait3A_432 : memref<1x64x128xf32, #tpu.memory_space<vmem>> -> memref<64x128xf32, #tpu.memory_space<vmem>>
      %dma_wait3A_434 = arith.constant 0 : i32
      %dma_wait3A_435 = tpu.memref_slice %arg12[%add3A_56, %dma_wait3A_434] : memref<10240x128xf32, #tpu.memory_space<vmem_shared>> -> memref<64x128xf32, #tpu.memory_space<vmem_shared>>
      %dma_wait3A_436 = arith.constant 0 : i32
      %dma_wait3A_437 = tpu.memref_slice %arg12[%add3A_56, %dma_wait3A_436] : memref<10240x128xf32, #tpu.memory_space<vmem_shared>> -> memref<64x128xf32, #tpu.memory_space<vmem_shared>>
      %dma_wait3A_438 = arith.constant 0 : i32
      %dma_wait3A_439 = arith.constant 0 : i32
      %dma_wait3A_440 = tpu.memref_slice %arg8[%run_scoped3A_57, %dma_wait3A_438, %dma_wait3A_439] : memref<5x64x128xf32, #tpu.memory_space<vmem>> -> memref<1x64x128xf32, #tpu.memory_space<vmem>>
      %dma_wait3A_441 = tpu.memref_squeeze %dma_wait3A_440 : memref<1x64x128xf32, #tpu.memory_space<vmem>> -> memref<64x128xf32, #tpu.memory_space<vmem>>
      tpu.wait_dma2 semaphore(%run_scoped3A_417 : memref<!tpu.dma_semaphore, #tpu.memory_space<semaphore_mem>>) src(%dma_wait3A_441 : memref<64x128xf32, #tpu.memory_space<vmem>>) dst(%dma_wait3A_437 : memref<64x128xf32, #tpu.memory_space<vmem_shared>>)
      tpu.yield
    }) : () -> ()
    %barrier3A = arith.constant 0 : index
    tpu.barrier barrier_id(%barrier3A)
    %add3A_58 = arith.constant 0 : i32
    %add3A_59 = arith.addi %mul3A_2, %add3A_58 : i32
    %dma_start3A = arith.constant 0 : i32
    %dma_start3A_60 = arith.constant 0 : i32
    %dma_start3A_61 = arith.constant 0 : i32
    %dma_start3A_62 = tpu.memref_slice %arg6[%dma_start3A, %dma_start3A_61] : memref<10x64xi32, #tpu.memory_space<vmem>> -> memref<1x64xi32, #tpu.memory_space<vmem>>
    %dma_start3A_63 = tpu.memref_squeeze %dma_start3A_62 : memref<1x64xi32, #tpu.memory_space<vmem>> -> memref<64xi32, #tpu.memory_space<vmem>>
    %dma_start3A_64 = tpu.memref_slice %arg3[%add3A_59] : memref<640000xi32, #tpu.memory_space<hbm>> -> memref<64xi32, #tpu.memory_space<hbm>>
    %dma_start3A_65 = tpu.memref_slice %arg13[%dma_start3A_60] : memref<10x!tpu.dma_semaphore, #tpu.memory_space<semaphore_mem>> -> memref<1x!tpu.dma_semaphore, #tpu.memory_space<semaphore_mem>>
    %dma_start3A_66 = tpu.memref_squeeze %dma_start3A_65 : memref<1x!tpu.dma_semaphore, #tpu.memory_space<semaphore_mem>> -> memref<!tpu.dma_semaphore, #tpu.memory_space<semaphore_mem>>
    %dma_start3A_67 = arith.constant 0 : i32
    %dma_start3A_68 = tpu.memref_slice %arg6[%dma_start3A, %dma_start3A_67] : memref<10x64xi32, #tpu.memory_space<vmem>> -> memref<1x64xi32, #tpu.memory_space<vmem>>
    %dma_start3A_69 = tpu.memref_squeeze %dma_start3A_68 : memref<1x64xi32, #tpu.memory_space<vmem>> -> memref<64xi32, #tpu.memory_space<vmem>>
    %dma_start3A_70 = tpu.memref_slice %arg3[%add3A_59] : memref<640000xi32, #tpu.memory_space<hbm>> -> memref<64xi32, #tpu.memory_space<hbm>>
    tpu.enqueue_dma source(%dma_start3A_70 : memref<64xi32, #tpu.memory_space<hbm>>) target(%dma_start3A_69 : memref<64xi32, #tpu.memory_space<vmem>>) target_semaphore(%dma_start3A_66 : memref<!tpu.dma_semaphore, #tpu.memory_space<semaphore_mem>>)
    %add3A_71 = arith.constant 320000 : i32
    %add3A_72 = arith.addi %add3A_71, %mul3A_2 : i32
    %add3A_73 = arith.constant 0 : i32
    %add3A_74 = arith.addi %add3A_72, %add3A_73 : i32
    %dma_start3A_75 = arith.constant 0 : i32
    %dma_start3A_76 = arith.constant 0 : i32
    %dma_start3A_77 = arith.constant 0 : i32
    %dma_start3A_78 = tpu.memref_slice %arg7[%dma_start3A_75, %dma_start3A_77] : memref<10x64xi32, #tpu.memory_space<vmem>> -> memref<1x64xi32, #tpu.memory_space<vmem>>
    %dma_start3A_79 = tpu.memref_squeeze %dma_start3A_78 : memref<1x64xi32, #tpu.memory_space<vmem>> -> memref<64xi32, #tpu.memory_space<vmem>>
    %dma_start3A_80 = tpu.memref_slice %arg3[%add3A_74] : memref<640000xi32, #tpu.memory_space<hbm>> -> memref<64xi32, #tpu.memory_space<hbm>>
    %dma_start3A_81 = tpu.memref_slice %arg14[%dma_start3A_76] : memref<10x!tpu.dma_semaphore, #tpu.memory_space<semaphore_mem>> -> memref<1x!tpu.dma_semaphore, #tpu.memory_space<semaphore_mem>>
    %dma_start3A_82 = tpu.memref_squeeze %dma_start3A_81 : memref<1x!tpu.dma_semaphore, #tpu.memory_space<semaphore_mem>> -> memref<!tpu.dma_semaphore, #tpu.memory_space<semaphore_mem>>
    %dma_start3A_83 = arith.constant 0 : i32
    %dma_start3A_84 = tpu.memref_slice %arg7[%dma_start3A_75, %dma_start3A_83] : memref<10x64xi32, #tpu.memory_space<vmem>> -> memref<1x64xi32, #tpu.memory_space<vmem>>
    %dma_start3A_85 = tpu.memref_squeeze %dma_start3A_84 : memref<1x64xi32, #tpu.memory_space<vmem>> -> memref<64xi32, #tpu.memory_space<vmem>>
    %dma_start3A_86 = tpu.memref_slice %arg3[%add3A_74] : memref<640000xi32, #tpu.memory_space<hbm>> -> memref<64xi32, #tpu.memory_space<hbm>>
    tpu.enqueue_dma source(%dma_start3A_86 : memref<64xi32, #tpu.memory_space<hbm>>) target(%dma_start3A_85 : memref<64xi32, #tpu.memory_space<vmem>>) target_semaphore(%dma_start3A_82 : memref<!tpu.dma_semaphore, #tpu.memory_space<semaphore_mem>>)
    %add3A_87 = arith.constant 64 : i32
    %add3A_88 = arith.addi %mul3A_2, %add3A_87 : i32
    %dma_start3A_89 = arith.constant 1 : i32
    %dma_start3A_90 = arith.constant 1 : i32
    %dma_start3A_91 = arith.constant 0 : i32
    %dma_start3A_92 = tpu.memref_slice %arg6[%dma_start3A_89, %dma_start3A_91] : memref<10x64xi32, #tpu.memory_space<vmem>> -> memref<1x64xi32, #tpu.memory_space<vmem>>
    %dma_start3A_93 = tpu.memref_squeeze %dma_start3A_92 : memref<1x64xi32, #tpu.memory_space<vmem>> -> memref<64xi32, #tpu.memory_space<vmem>>
    %dma_start3A_94 = tpu.memref_slice %arg3[%add3A_88] : memref<640000xi32, #tpu.memory_space<hbm>> -> memref<64xi32, #tpu.memory_space<hbm>>
    %dma_start3A_95 = tpu.memref_slice %arg13[%dma_start3A_90] : memref<10x!tpu.dma_semaphore, #tpu.memory_space<semaphore_mem>> -> memref<1x!tpu.dma_semaphore, #tpu.memory_space<semaphore_mem>>
    %dma_start3A_96 = tpu.memref_squeeze %dma_start3A_95 : memref<1x!tpu.dma_semaphore, #tpu.memory_space<semaphore_mem>> -> memref<!tpu.dma_semaphore, #tpu.memory_space<semaphore_mem>>
    %dma_start3A_97 = arith.constant 0 : i32
    %dma_start3A_98 = tpu.memref_slice %arg6[%dma_start3A_89, %dma_start3A_97] : memref<10x64xi32, #tpu.memory_space<vmem>> -> memref<1x64xi32, #tpu.memory_space<vmem>>
    %dma_start3A_99 = tpu.memref_squeeze %dma_start3A_98 : memref<1x64xi32, #tpu.memory_space<vmem>> -> memref<64xi32, #tpu.memory_space<vmem>>
    %dma_start3A_100 = tpu.memref_slice %arg3[%add3A_88] : memref<640000xi32, #tpu.memory_space<hbm>> -> memref<64xi32, #tpu.memory_space<hbm>>
    tpu.enqueue_dma source(%dma_start3A_100 : memref<64xi32, #tpu.memory_space<hbm>>) target(%dma_start3A_99 : memref<64xi32, #tpu.memory_space<vmem>>) target_semaphore(%dma_start3A_96 : memref<!tpu.dma_semaphore, #tpu.memory_space<semaphore_mem>>)
    %add3A_101 = arith.constant 320000 : i32
    %add3A_102 = arith.addi %add3A_101, %mul3A_2 : i32
    %add3A_103 = arith.constant 64 : i32
    %add3A_104 = arith.addi %add3A_102, %add3A_103 : i32
    %dma_start3A_105 = arith.constant 1 : i32
    %dma_start3A_106 = arith.constant 1 : i32
    %dma_start3A_107 = arith.constant 0 : i32
    %dma_start3A_108 = tpu.memref_slice %arg7[%dma_start3A_105, %dma_start3A_107] : memref<10x64xi32, #tpu.memory_space<vmem>> -> memref<1x64xi32, #tpu.memory_space<vmem>>
    %dma_start3A_109 = tpu.memref_squeeze %dma_start3A_108 : memref<1x64xi32, #tpu.memory_space<vmem>> -> memref<64xi32, #tpu.memory_space<vmem>>
    %dma_start3A_110 = tpu.memref_slice %arg3[%add3A_104] : memref<640000xi32, #tpu.memory_space<hbm>> -> memref<64xi32, #tpu.memory_space<hbm>>
    %dma_start3A_111 = tpu.memref_slice %arg14[%dma_start3A_106] : memref<10x!tpu.dma_semaphore, #tpu.memory_space<semaphore_mem>> -> memref<1x!tpu.dma_semaphore, #tpu.memory_space<semaphore_mem>>
    %dma_start3A_112 = tpu.memref_squeeze %dma_start3A_111 : memref<1x!tpu.dma_semaphore, #tpu.memory_space<semaphore_mem>> -> memref<!tpu.dma_semaphore, #tpu.memory_space<semaphore_mem>>
    %dma_start3A_113 = arith.constant 0 : i32
    %dma_start3A_114 = tpu.memref_slice %arg7[%dma_start3A_105, %dma_start3A_113] : memref<10x64xi32, #tpu.memory_space<vmem>> -> memref<1x64xi32, #tpu.memory_space<vmem>>
    %dma_start3A_115 = tpu.memref_squeeze %dma_start3A_114 : memref<1x64xi32, #tpu.memory_space<vmem>> -> memref<64xi32, #tpu.memory_space<vmem>>
    %dma_start3A_116 = tpu.memref_slice %arg3[%add3A_104] : memref<640000xi32, #tpu.memory_space<hbm>> -> memref<64xi32, #tpu.memory_space<hbm>>
    tpu.enqueue_dma source(%dma_start3A_116 : memref<64xi32, #tpu.memory_space<hbm>>) target(%dma_start3A_115 : memref<64xi32, #tpu.memory_space<vmem>>) target_semaphore(%dma_start3A_112 : memref<!tpu.dma_semaphore, #tpu.memory_space<semaphore_mem>>)
    %add3A_117 = arith.constant 128 : i32
    %add3A_118 = arith.addi %mul3A_2, %add3A_117 : i32
    %dma_start3A_119 = arith.constant 2 : i32
    %dma_start3A_120 = arith.constant 2 : i32
    %dma_start3A_121 = arith.constant 0 : i32
    %dma_start3A_122 = tpu.memref_slice %arg6[%dma_start3A_119, %dma_start3A_121] : memref<10x64xi32, #tpu.memory_space<vmem>> -> memref<1x64xi32, #tpu.memory_space<vmem>>
    %dma_start3A_123 = tpu.memref_squeeze %dma_start3A_122 : memref<1x64xi32, #tpu.memory_space<vmem>> -> memref<64xi32, #tpu.memory_space<vmem>>
    %dma_start3A_124 = tpu.memref_slice %arg3[%add3A_118] : memref<640000xi32, #tpu.memory_space<hbm>> -> memref<64xi32, #tpu.memory_space<hbm>>
    %dma_start3A_125 = tpu.memref_slice %arg13[%dma_start3A_120] : memref<10x!tpu.dma_semaphore, #tpu.memory_space<semaphore_mem>> -> memref<1x!tpu.dma_semaphore, #tpu.memory_space<semaphore_mem>>
    %dma_start3A_126 = tpu.memref_squeeze %dma_start3A_125 : memref<1x!tpu.dma_semaphore, #tpu.memory_space<semaphore_mem>> -> memref<!tpu.dma_semaphore, #tpu.memory_space<semaphore_mem>>
    %dma_start3A_127 = arith.constant 0 : i32
    %dma_start3A_128 = tpu.memref_slice %arg6[%dma_start3A_119, %dma_start3A_127] : memref<10x64xi32, #tpu.memory_space<vmem>> -> memref<1x64xi32, #tpu.memory_space<vmem>>
    %dma_start3A_129 = tpu.memref_squeeze %dma_start3A_128 : memref<1x64xi32, #tpu.memory_space<vmem>> -> memref<64xi32, #tpu.memory_space<vmem>>
    %dma_start3A_130 = tpu.memref_slice %arg3[%add3A_118] : memref<640000xi32, #tpu.memory_space<hbm>> -> memref<64xi32, #tpu.memory_space<hbm>>
    tpu.enqueue_dma source(%dma_start3A_130 : memref<64xi32, #tpu.memory_space<hbm>>) target(%dma_start3A_129 : memref<64xi32, #tpu.memory_space<vmem>>) target_semaphore(%dma_start3A_126 : memref<!tpu.dma_semaphore, #tpu.memory_space<semaphore_mem>>)
    %add3A_131 = arith.constant 320000 : i32
    %add3A_132 = arith.addi %add3A_131, %mul3A_2 : i32
    %add3A_133 = arith.constant 128 : i32
    %add3A_134 = arith.addi %add3A_132, %add3A_133 : i32
    %dma_start3A_135 = arith.constant 2 : i32
    %dma_start3A_136 = arith.constant 2 : i32
    %dma_start3A_137 = arith.constant 0 : i32
    %dma_start3A_138 = tpu.memref_slice %arg7[%dma_start3A_135, %dma_start3A_137] : memref<10x64xi32, #tpu.memory_space<vmem>> -> memref<1x64xi32, #tpu.memory_space<vmem>>
    %dma_start3A_139 = tpu.memref_squeeze %dma_start3A_138 : memref<1x64xi32, #tpu.memory_space<vmem>> -> memref<64xi32, #tpu.memory_space<vmem>>
    %dma_start3A_140 = tpu.memref_slice %arg3[%add3A_134] : memref<640000xi32, #tpu.memory_space<hbm>> -> memref<64xi32, #tpu.memory_space<hbm>>
    %dma_start3A_141 = tpu.memref_slice %arg14[%dma_start3A_136] : memref<10x!tpu.dma_semaphore, #tpu.memory_space<semaphore_mem>> -> memref<1x!tpu.dma_semaphore, #tpu.memory_space<semaphore_mem>>
    %dma_start3A_142 = tpu.memref_squeeze %dma_start3A_141 : memref<1x!tpu.dma_semaphore, #tpu.memory_space<semaphore_mem>> -> memref<!tpu.dma_semaphore, #tpu.memory_space<semaphore_mem>>
    %dma_start3A_143 = arith.constant 0 : i32
    %dma_start3A_144 = tpu.memref_slice %arg7[%dma_start3A_135, %dma_start3A_143] : memref<10x64xi32, #tpu.memory_space<vmem>> -> memref<1x64xi32, #tpu.memory_space<vmem>>
    %dma_start3A_145 = tpu.memref_squeeze %dma_start3A_144 : memref<1x64xi32, #tpu.memory_space<vmem>> -> memref<64xi32, #tpu.memory_space<vmem>>
    %dma_start3A_146 = tpu.memref_slice %arg3[%add3A_134] : memref<640000xi32, #tpu.memory_space<hbm>> -> memref<64xi32, #tpu.memory_space<hbm>>
    tpu.enqueue_dma source(%dma_start3A_146 : memref<64xi32, #tpu.memory_space<hbm>>) target(%dma_start3A_145 : memref<64xi32, #tpu.memory_space<vmem>>) target_semaphore(%dma_start3A_142 : memref<!tpu.dma_semaphore, #tpu.memory_space<semaphore_mem>>)
    %add3A_147 = arith.constant 192 : i32
    %add3A_148 = arith.addi %mul3A_2, %add3A_147 : i32
    %dma_start3A_149 = arith.constant 3 : i32
    %dma_start3A_150 = arith.constant 3 : i32
    %dma_start3A_151 = arith.constant 0 : i32
    %dma_start3A_152 = tpu.memref_slice %arg6[%dma_start3A_149, %dma_start3A_151] : memref<10x64xi32, #tpu.memory_space<vmem>> -> memref<1x64xi32, #tpu.memory_space<vmem>>
    %dma_start3A_153 = tpu.memref_squeeze %dma_start3A_152 : memref<1x64xi32, #tpu.memory_space<vmem>> -> memref<64xi32, #tpu.memory_space<vmem>>
    %dma_start3A_154 = tpu.memref_slice %arg3[%add3A_148] : memref<640000xi32, #tpu.memory_space<hbm>> -> memref<64xi32, #tpu.memory_space<hbm>>
    %dma_start3A_155 = tpu.memref_slice %arg13[%dma_start3A_150] : memref<10x!tpu.dma_semaphore, #tpu.memory_space<semaphore_mem>> -> memref<1x!tpu.dma_semaphore, #tpu.memory_space<semaphore_mem>>
    %dma_start3A_156 = tpu.memref_squeeze %dma_start3A_155 : memref<1x!tpu.dma_semaphore, #tpu.memory_space<semaphore_mem>> -> memref<!tpu.dma_semaphore, #tpu.memory_space<semaphore_mem>>
    %dma_start3A_157 = arith.constant 0 : i32
    %dma_start3A_158 = tpu.memref_slice %arg6[%dma_start3A_149, %dma_start3A_157] : memref<10x64xi32, #tpu.memory_space<vmem>> -> memref<1x64xi32, #tpu.memory_space<vmem>>
    %dma_start3A_159 = tpu.memref_squeeze %dma_start3A_158 : memref<1x64xi32, #tpu.memory_space<vmem>> -> memref<64xi32, #tpu.memory_space<vmem>>
    %dma_start3A_160 = tpu.memref_slice %arg3[%add3A_148] : memref<640000xi32, #tpu.memory_space<hbm>> -> memref<64xi32, #tpu.memory_space<hbm>>
    tpu.enqueue_dma source(%dma_start3A_160 : memref<64xi32, #tpu.memory_space<hbm>>) target(%dma_start3A_159 : memref<64xi32, #tpu.memory_space<vmem>>) target_semaphore(%dma_start3A_156 : memref<!tpu.dma_semaphore, #tpu.memory_space<semaphore_mem>>)
    %add3A_161 = arith.constant 320000 : i32
    %add3A_162 = arith.addi %add3A_161, %mul3A_2 : i32
    %add3A_163 = arith.constant 192 : i32
    %add3A_164 = arith.addi %add3A_162, %add3A_163 : i32
    %dma_start3A_165 = arith.constant 3 : i32
    %dma_start3A_166 = arith.constant 3 : i32
    %dma_start3A_167 = arith.constant 0 : i32
    %dma_start3A_168 = tpu.memref_slice %arg7[%dma_start3A_165, %dma_start3A_167] : memref<10x64xi32, #tpu.memory_space<vmem>> -> memref<1x64xi32, #tpu.memory_space<vmem>>
    %dma_start3A_169 = tpu.memref_squeeze %dma_start3A_168 : memref<1x64xi32, #tpu.memory_space<vmem>> -> memref<64xi32, #tpu.memory_space<vmem>>
    %dma_start3A_170 = tpu.memref_slice %arg3[%add3A_164] : memref<640000xi32, #tpu.memory_space<hbm>> -> memref<64xi32, #tpu.memory_space<hbm>>
    %dma_start3A_171 = tpu.memref_slice %arg14[%dma_start3A_166] : memref<10x!tpu.dma_semaphore, #tpu.memory_space<semaphore_mem>> -> memref<1x!tpu.dma_semaphore, #tpu.memory_space<semaphore_mem>>
    %dma_start3A_172 = tpu.memref_squeeze %dma_start3A_171 : memref<1x!tpu.dma_semaphore, #tpu.memory_space<semaphore_mem>> -> memref<!tpu.dma_semaphore, #tpu.memory_space<semaphore_mem>>
    %dma_start3A_173 = arith.constant 0 : i32
    %dma_start3A_174 = tpu.memref_slice %arg7[%dma_start3A_165, %dma_start3A_173] : memref<10x64xi32, #tpu.memory_space<vmem>> -> memref<1x64xi32, #tpu.memory_space<vmem>>
    %dma_start3A_175 = tpu.memref_squeeze %dma_start3A_174 : memref<1x64xi32, #tpu.memory_space<vmem>> -> memref<64xi32, #tpu.memory_space<vmem>>
    %dma_start3A_176 = tpu.memref_slice %arg3[%add3A_164] : memref<640000xi32, #tpu.memory_space<hbm>> -> memref<64xi32, #tpu.memory_space<hbm>>
    tpu.enqueue_dma source(%dma_start3A_176 : memref<64xi32, #tpu.memory_space<hbm>>) target(%dma_start3A_175 : memref<64xi32, #tpu.memory_space<vmem>>) target_semaphore(%dma_start3A_172 : memref<!tpu.dma_semaphore, #tpu.memory_space<semaphore_mem>>)
    %add3A_177 = arith.constant 256 : i32
    %add3A_178 = arith.addi %mul3A_2, %add3A_177 : i32
    %dma_start3A_179 = arith.constant 4 : i32
    %dma_start3A_180 = arith.constant 4 : i32
    %dma_start3A_181 = arith.constant 0 : i32
    %dma_start3A_182 = tpu.memref_slice %arg6[%dma_start3A_179, %dma_start3A_181] : memref<10x64xi32, #tpu.memory_space<vmem>> -> memref<1x64xi32, #tpu.memory_space<vmem>>
    %dma_start3A_183 = tpu.memref_squeeze %dma_start3A_182 : memref<1x64xi32, #tpu.memory_space<vmem>> -> memref<64xi32, #tpu.memory_space<vmem>>
    %dma_start3A_184 = tpu.memref_slice %arg3[%add3A_178] : memref<640000xi32, #tpu.memory_space<hbm>> -> memref<64xi32, #tpu.memory_space<hbm>>
    %dma_start3A_185 = tpu.memref_slice %arg13[%dma_start3A_180] : memref<10x!tpu.dma_semaphore, #tpu.memory_space<semaphore_mem>> -> memref<1x!tpu.dma_semaphore, #tpu.memory_space<semaphore_mem>>
    %dma_start3A_186 = tpu.memref_squeeze %dma_start3A_185 : memref<1x!tpu.dma_semaphore, #tpu.memory_space<semaphore_mem>> -> memref<!tpu.dma_semaphore, #tpu.memory_space<semaphore_mem>>
    %dma_start3A_187 = arith.constant 0 : i32
    %dma_start3A_188 = tpu.memref_slice %arg6[%dma_start3A_179, %dma_start3A_187] : memref<10x64xi32, #tpu.memory_space<vmem>> -> memref<1x64xi32, #tpu.memory_space<vmem>>
    %dma_start3A_189 = tpu.memref_squeeze %dma_start3A_188 : memref<1x64xi32, #tpu.memory_space<vmem>> -> memref<64xi32, #tpu.memory_space<vmem>>
    %dma_start3A_190 = tpu.memref_slice %arg3[%add3A_178] : memref<640000xi32, #tpu.memory_space<hbm>> -> memref<64xi32, #tpu.memory_space<hbm>>
    tpu.enqueue_dma source(%dma_start3A_190 : memref<64xi32, #tpu.memory_space<hbm>>) target(%dma_start3A_189 : memref<64xi32, #tpu.memory_space<vmem>>) target_semaphore(%dma_start3A_186 : memref<!tpu.dma_semaphore, #tpu.memory_space<semaphore_mem>>)
    %add3A_191 = arith.constant 320000 : i32
    %add3A_192 = arith.addi %add3A_191, %mul3A_2 : i32
    %add3A_193 = arith.constant 256 : i32
    %add3A_194 = arith.addi %add3A_192, %add3A_193 : i32
    %dma_start3A_195 = arith.constant 4 : i32
    %dma_start3A_196 = arith.constant 4 : i32
    %dma_start3A_197 = arith.constant 0 : i32
    %dma_start3A_198 = tpu.memref_slice %arg7[%dma_start3A_195, %dma_start3A_197] : memref<10x64xi32, #tpu.memory_space<vmem>> -> memref<1x64xi32, #tpu.memory_space<vmem>>
    %dma_start3A_199 = tpu.memref_squeeze %dma_start3A_198 : memref<1x64xi32, #tpu.memory_space<vmem>> -> memref<64xi32, #tpu.memory_space<vmem>>
    %dma_start3A_200 = tpu.memref_slice %arg3[%add3A_194] : memref<640000xi32, #tpu.memory_space<hbm>> -> memref<64xi32, #tpu.memory_space<hbm>>
    %dma_start3A_201 = tpu.memref_slice %arg14[%dma_start3A_196] : memref<10x!tpu.dma_semaphore, #tpu.memory_space<semaphore_mem>> -> memref<1x!tpu.dma_semaphore, #tpu.memory_space<semaphore_mem>>
    %dma_start3A_202 = tpu.memref_squeeze %dma_start3A_201 : memref<1x!tpu.dma_semaphore, #tpu.memory_space<semaphore_mem>> -> memref<!tpu.dma_semaphore, #tpu.memory_space<semaphore_mem>>
    %dma_start3A_203 = arith.constant 0 : i32
    %dma_start3A_204 = tpu.memref_slice %arg7[%dma_start3A_195, %dma_start3A_203] : memref<10x64xi32, #tpu.memory_space<vmem>> -> memref<1x64xi32, #tpu.memory_space<vmem>>
    %dma_start3A_205 = tpu.memref_squeeze %dma_start3A_204 : memref<1x64xi32, #tpu.memory_space<vmem>> -> memref<64xi32, #tpu.memory_space<vmem>>
    %dma_start3A_206 = tpu.memref_slice %arg3[%add3A_194] : memref<640000xi32, #tpu.memory_space<hbm>> -> memref<64xi32, #tpu.memory_space<hbm>>
    tpu.enqueue_dma source(%dma_start3A_206 : memref<64xi32, #tpu.memory_space<hbm>>) target(%dma_start3A_205 : memref<64xi32, #tpu.memory_space<vmem>>) target_semaphore(%dma_start3A_202 : memref<!tpu.dma_semaphore, #tpu.memory_space<semaphore_mem>>)
    %add3A_207 = arith.constant 320 : i32
    %add3A_208 = arith.addi %mul3A_2, %add3A_207 : i32
    %dma_start3A_209 = arith.constant 5 : i32
    %dma_start3A_210 = arith.constant 5 : i32
    %dma_start3A_211 = arith.constant 0 : i32
    %dma_start3A_212 = tpu.memref_slice %arg6[%dma_start3A_209, %dma_start3A_211] : memref<10x64xi32, #tpu.memory_space<vmem>> -> memref<1x64xi32, #tpu.memory_space<vmem>>
    %dma_start3A_213 = tpu.memref_squeeze %dma_start3A_212 : memref<1x64xi32, #tpu.memory_space<vmem>> -> memref<64xi32, #tpu.memory_space<vmem>>
    %dma_start3A_214 = tpu.memref_slice %arg3[%add3A_208] : memref<640000xi32, #tpu.memory_space<hbm>> -> memref<64xi32, #tpu.memory_space<hbm>>
    %dma_start3A_215 = tpu.memref_slice %arg13[%dma_start3A_210] : memref<10x!tpu.dma_semaphore, #tpu.memory_space<semaphore_mem>> -> memref<1x!tpu.dma_semaphore, #tpu.memory_space<semaphore_mem>>
    %dma_start3A_216 = tpu.memref_squeeze %dma_start3A_215 : memref<1x!tpu.dma_semaphore, #tpu.memory_space<semaphore_mem>> -> memref<!tpu.dma_semaphore, #tpu.memory_space<semaphore_mem>>
    %dma_start3A_217 = arith.constant 0 : i32
    %dma_start3A_218 = tpu.memref_slice %arg6[%dma_start3A_209, %dma_start3A_217] : memref<10x64xi32, #tpu.memory_space<vmem>> -> memref<1x64xi32, #tpu.memory_space<vmem>>
    %dma_start3A_219 = tpu.memref_squeeze %dma_start3A_218 : memref<1x64xi32, #tpu.memory_space<vmem>> -> memref<64xi32, #tpu.memory_space<vmem>>
    %dma_start3A_220 = tpu.memref_slice %arg3[%add3A_208] : memref<640000xi32, #tpu.memory_space<hbm>> -> memref<64xi32, #tpu.memory_space<hbm>>
    tpu.enqueue_dma source(%dma_start3A_220 : memref<64xi32, #tpu.memory_space<hbm>>) target(%dma_start3A_219 : memref<64xi32, #tpu.memory_space<vmem>>) target_semaphore(%dma_start3A_216 : memref<!tpu.dma_semaphore, #tpu.memory_space<semaphore_mem>>)
    %add3A_221 = arith.constant 320000 : i32
    %add3A_222 = arith.addi %add3A_221, %mul3A_2 : i32
    %add3A_223 = arith.constant 320 : i32
    %add3A_224 = arith.addi %add3A_222, %add3A_223 : i32
    %dma_start3A_225 = arith.constant 5 : i32
    %dma_start3A_226 = arith.constant 5 : i32
    %dma_start3A_227 = arith.constant 0 : i32
    %dma_start3A_228 = tpu.memref_slice %arg7[%dma_start3A_225, %dma_start3A_227] : memref<10x64xi32, #tpu.memory_space<vmem>> -> memref<1x64xi32, #tpu.memory_space<vmem>>
    %dma_start3A_229 = tpu.memref_squeeze %dma_start3A_228 : memref<1x64xi32, #tpu.memory_space<vmem>> -> memref<64xi32, #tpu.memory_space<vmem>>
    %dma_start3A_230 = tpu.memref_slice %arg3[%add3A_224] : memref<640000xi32, #tpu.memory_space<hbm>> -> memref<64xi32, #tpu.memory_space<hbm>>
    %dma_start3A_231 = tpu.memref_slice %arg14[%dma_start3A_226] : memref<10x!tpu.dma_semaphore, #tpu.memory_space<semaphore_mem>> -> memref<1x!tpu.dma_semaphore, #tpu.memory_space<semaphore_mem>>
    %dma_start3A_232 = tpu.memref_squeeze %dma_start3A_231 : memref<1x!tpu.dma_semaphore, #tpu.memory_space<semaphore_mem>> -> memref<!tpu.dma_semaphore, #tpu.memory_space<semaphore_mem>>
    %dma_start3A_233 = arith.constant 0 : i32
    %dma_start3A_234 = tpu.memref_slice %arg7[%dma_start3A_225, %dma_start3A_233] : memref<10x64xi32, #tpu.memory_space<vmem>> -> memref<1x64xi32, #tpu.memory_space<vmem>>
    %dma_start3A_235 = tpu.memref_squeeze %dma_start3A_234 : memref<1x64xi32, #tpu.memory_space<vmem>> -> memref<64xi32, #tpu.memory_space<vmem>>
    %dma_start3A_236 = tpu.memref_slice %arg3[%add3A_224] : memref<640000xi32, #tpu.memory_space<hbm>> -> memref<64xi32, #tpu.memory_space<hbm>>
    tpu.enqueue_dma source(%dma_start3A_236 : memref<64xi32, #tpu.memory_space<hbm>>) target(%dma_start3A_235 : memref<64xi32, #tpu.memory_space<vmem>>) target_semaphore(%dma_start3A_232 : memref<!tpu.dma_semaphore, #tpu.memory_space<semaphore_mem>>)
    %dma_wait3A = arith.constant 0 : i32
    %dma_wait3A_237 = arith.constant 0 : i32
    %dma_wait3A_238 = arith.constant 0 : i32
    %dma_wait3A_239 = tpu.memref_slice %arg6[%dma_wait3A, %dma_wait3A_238] : memref<10x64xi32, #tpu.memory_space<vmem>> -> memref<1x64xi32, #tpu.memory_space<vmem>>
    %dma_wait3A_240 = tpu.memref_squeeze %dma_wait3A_239 : memref<1x64xi32, #tpu.memory_space<vmem>> -> memref<64xi32, #tpu.memory_space<vmem>>
    %dma_wait3A_241 = tpu.memref_slice %arg3[%mul3A_2] : memref<640000xi32, #tpu.memory_space<hbm>> -> memref<64xi32, #tpu.memory_space<hbm>>
    %dma_wait3A_242 = tpu.memref_slice %arg13[%dma_wait3A_237] : memref<10x!tpu.dma_semaphore, #tpu.memory_space<semaphore_mem>> -> memref<1x!tpu.dma_semaphore, #tpu.memory_space<semaphore_mem>>
    %dma_wait3A_243 = tpu.memref_squeeze %dma_wait3A_242 : memref<1x!tpu.dma_semaphore, #tpu.memory_space<semaphore_mem>> -> memref<!tpu.dma_semaphore, #tpu.memory_space<semaphore_mem>>
    %dma_wait3A_244 = arith.constant 0 : i32
    %dma_wait3A_245 = tpu.memref_slice %arg6[%dma_wait3A, %dma_wait3A_244] : memref<10x64xi32, #tpu.memory_space<vmem>> -> memref<1x64xi32, #tpu.memory_space<vmem>>
    %dma_wait3A_246 = tpu.memref_squeeze %dma_wait3A_245 : memref<1x64xi32, #tpu.memory_space<vmem>> -> memref<64xi32, #tpu.memory_space<vmem>>
    %dma_wait3A_247 = tpu.memref_slice %arg3[%mul3A_2] : memref<640000xi32, #tpu.memory_space<hbm>> -> memref<64xi32, #tpu.memory_space<hbm>>
    tpu.wait_dma2 semaphore(%dma_wait3A_243 : memref<!tpu.dma_semaphore, #tpu.memory_space<semaphore_mem>>) src(%dma_wait3A_247 : memref<64xi32, #tpu.memory_space<hbm>>) dst(%dma_wait3A_246 : memref<64xi32, #tpu.memory_space<vmem>>)
    %dma_start3A_248 = arith.constant 0 : i32
    %dma_start3A_249 = arith.constant 0 : i32
    %dma_start3A_250 = arith.constant 0 : i32
    %dma_start3A_251 = arith.constant 0 : i32
    %dma_start3A_252 = arith.constant 0 : i32
    %dma_start3A_253 = tpu.memref_slice %arg8[%dma_start3A_249, %dma_start3A_251, %dma_start3A_252] : memref<5x64x128xf32, #tpu.memory_space<vmem>> -> memref<1x64x128xf32, #tpu.memory_space<vmem>>
    %dma_start3A_254 = tpu.memref_squeeze %dma_start3A_253 : memref<1x64x128xf32, #tpu.memory_space<vmem>> -> memref<64x128xf32, #tpu.memory_space<vmem>>
    %dma_start3A_255 = arith.constant 0 : i32
    %dma_start3A_256 = tpu.memref_slice %arg6[%dma_start3A_248, %dma_start3A_255] : memref<10x64xi32, #tpu.memory_space<vmem>> -> memref<1x64xi32, #tpu.memory_space<vmem>>
    %dma_start3A_257 = tpu.memref_squeeze %dma_start3A_256 : memref<1x64xi32, #tpu.memory_space<vmem>> -> memref<64xi32, #tpu.memory_space<vmem>>
    %dma_start3A_258 = arith.constant 0 : i32
    %dma_start3A_259 = arith.constant 0 : i32
    %dma_start3A_260 = tpu.memref_slice %arg2[%dma_start3A_258, %dma_start3A_259] : memref<10000x128xf32, #tpu.memory_space<hbm>> -> memref<10000x128xf32, #tpu.memory_space<hbm>>
    %dma_start3A_261 = tpu.memref_slice %arg15[%dma_start3A_250] : memref<5x!tpu.dma_semaphore, #tpu.memory_space<semaphore_mem>> -> memref<1x!tpu.dma_semaphore, #tpu.memory_space<semaphore_mem>>
    %dma_start3A_262 = tpu.memref_squeeze %dma_start3A_261 : memref<1x!tpu.dma_semaphore, #tpu.memory_space<semaphore_mem>> -> memref<!tpu.dma_semaphore, #tpu.memory_space<semaphore_mem>>
    tpu.enqueue_indirect_dma source(%dma_start3A_260 : memref<10000x128xf32, #tpu.memory_space<hbm>>) target(%dma_start3A_254 : memref<64x128xf32, #tpu.memory_space<vmem>>) offsets(%dma_start3A_257 : memref<64xi32, #tpu.memory_space<vmem>>) semaphore(%dma_start3A_262 : memref<!tpu.dma_semaphore, #tpu.memory_space<semaphore_mem>>)
    %dma_wait3A_263 = arith.constant 1 : i32
    %dma_wait3A_264 = arith.constant 1 : i32
    %dma_wait3A_265 = arith.constant 0 : i32
    %dma_wait3A_266 = tpu.memref_slice %arg6[%dma_wait3A_263, %dma_wait3A_265] : memref<10x64xi32, #tpu.memory_space<vmem>> -> memref<1x64xi32, #tpu.memory_space<vmem>>
    %dma_wait3A_267 = tpu.memref_squeeze %dma_wait3A_266 : memref<1x64xi32, #tpu.memory_space<vmem>> -> memref<64xi32, #tpu.memory_space<vmem>>
    %dma_wait3A_268 = tpu.memref_slice %arg3[%mul3A_2] : memref<640000xi32, #tpu.memory_space<hbm>> -> memref<64xi32, #tpu.memory_space<hbm>>
    %dma_wait3A_269 = tpu.memref_slice %arg13[%dma_wait3A_264] : memref<10x!tpu.dma_semaphore, #tpu.memory_space<semaphore_mem>> -> memref<1x!tpu.dma_semaphore, #tpu.memory_space<semaphore_mem>>
    %dma_wait3A_270 = tpu.memref_squeeze %dma_wait3A_269 : memref<1x!tpu.dma_semaphore, #tpu.memory_space<semaphore_mem>> -> memref<!tpu.dma_semaphore, #tpu.memory_space<semaphore_mem>>
    %dma_wait3A_271 = arith.constant 0 : i32
    %dma_wait3A_272 = tpu.memref_slice %arg6[%dma_wait3A_263, %dma_wait3A_271] : memref<10x64xi32, #tpu.memory_space<vmem>> -> memref<1x64xi32, #tpu.memory_space<vmem>>
    %dma_wait3A_273 = tpu.memref_squeeze %dma_wait3A_272 : memref<1x64xi32, #tpu.memory_space<vmem>> -> memref<64xi32, #tpu.memory_space<vmem>>
    %dma_wait3A_274 = tpu.memref_slice %arg3[%mul3A_2] : memref<640000xi32, #tpu.memory_space<hbm>> -> memref<64xi32, #tpu.memory_space<hbm>>
    tpu.wait_dma2 semaphore(%dma_wait3A_270 : memref<!tpu.dma_semaphore, #tpu.memory_space<semaphore_mem>>) src(%dma_wait3A_274 : memref<64xi32, #tpu.memory_space<hbm>>) dst(%dma_wait3A_273 : memref<64xi32, #tpu.memory_space<vmem>>)
    %dma_start3A_275 = arith.constant 1 : i32
    %dma_start3A_276 = arith.constant 1 : i32
    %dma_start3A_277 = arith.constant 1 : i32
    %dma_start3A_278 = arith.constant 0 : i32
    %dma_start3A_279 = arith.constant 0 : i32
    %dma_start3A_280 = tpu.memref_slice %arg8[%dma_start3A_276, %dma_start3A_278, %dma_start3A_279] : memref<5x64x128xf32, #tpu.memory_space<vmem>> -> memref<1x64x128xf32, #tpu.memory_space<vmem>>
    %dma_start3A_281 = tpu.memref_squeeze %dma_start3A_280 : memref<1x64x128xf32, #tpu.memory_space<vmem>> -> memref<64x128xf32, #tpu.memory_space<vmem>>
    %dma_start3A_282 = arith.constant 0 : i32
    %dma_start3A_283 = tpu.memref_slice %arg6[%dma_start3A_275, %dma_start3A_282] : memref<10x64xi32, #tpu.memory_space<vmem>> -> memref<1x64xi32, #tpu.memory_space<vmem>>
    %dma_start3A_284 = tpu.memref_squeeze %dma_start3A_283 : memref<1x64xi32, #tpu.memory_space<vmem>> -> memref<64xi32, #tpu.memory_space<vmem>>
    %dma_start3A_285 = arith.constant 0 : i32
    %dma_start3A_286 = arith.constant 0 : i32
    %dma_start3A_287 = tpu.memref_slice %arg2[%dma_start3A_285, %dma_start3A_286] : memref<10000x128xf32, #tpu.memory_space<hbm>> -> memref<10000x128xf32, #tpu.memory_space<hbm>>
    %dma_start3A_288 = tpu.memref_slice %arg15[%dma_start3A_277] : memref<5x!tpu.dma_semaphore, #tpu.memory_space<semaphore_mem>> -> memref<1x!tpu.dma_semaphore, #tpu.memory_space<semaphore_mem>>
    %dma_start3A_289 = tpu.memref_squeeze %dma_start3A_288 : memref<1x!tpu.dma_semaphore, #tpu.memory_space<semaphore_mem>> -> memref<!tpu.dma_semaphore, #tpu.memory_space<semaphore_mem>>
    tpu.enqueue_indirect_dma source(%dma_start3A_287 : memref<10000x128xf32, #tpu.memory_space<hbm>>) target(%dma_start3A_281 : memref<64x128xf32, #tpu.memory_space<vmem>>) offsets(%dma_start3A_284 : memref<64xi32, #tpu.memory_space<vmem>>) semaphore(%dma_start3A_289 : memref<!tpu.dma_semaphore, #tpu.memory_space<semaphore_mem>>)
    %scan3A_290 = arith.constant 0 : i32
    %scan3A_291 = arith.constant 0 : i32
    %scan3A_292 = arith.constant 16 : i32
    %scan3A_293 = arith.addi %scan3A_291, %scan3A_292 : i32
    %scan3A_294 = arith.constant 1 : i32
    scf.for %scan3A_417 = %scan3A_291 to %scan3A_293 step %scan3A_294  : i32 {
      %mul3A_418 = arith.constant 10 : i32
      %mul3A_419 = arith.muli %mul3A_418, %scan3A_417 : i32
      %add3A_420 = arith.constant 0 : i32
      %add3A_421 = arith.addi %mul3A_419, %add3A_420 : i32
      %lt3A = arith.constant 156 : i32
      %lt3A_422 = arith.cmpi slt, %add3A_421, %lt3A : i32
      %convert_element_type3A_423 = arith.extui %lt3A_422 : i1 to i32
      %cond3A_424 = arith.constant 0 : i32
      %cond3A_425 = arith.cmpi ne, %convert_element_type3A_423, %cond3A_424 : i32
      scf.if %cond3A_425 {
        %dma_wait3A_507 = arith.constant 0 : i32
        %dma_wait3A_508 = arith.constant 0 : i32
        %dma_wait3A_509 = arith.constant 0 : i32
        %dma_wait3A_510 = arith.constant 0 : i32
        %dma_wait3A_511 = arith.constant 0 : i32
        %dma_wait3A_512 = tpu.memref_slice %arg8[%dma_wait3A_508, %dma_wait3A_510, %dma_wait3A_511] : memref<5x64x128xf32, #tpu.memory_space<vmem>> -> memref<1x64x128xf32, #tpu.memory_space<vmem>>
        %dma_wait3A_513 = tpu.memref_squeeze %dma_wait3A_512 : memref<1x64x128xf32, #tpu.memory_space<vmem>> -> memref<64x128xf32, #tpu.memory_space<vmem>>
        %dma_wait3A_514 = arith.constant 0 : i32
        %dma_wait3A_515 = tpu.memref_slice %arg6[%dma_wait3A_507, %dma_wait3A_514] : memref<10x64xi32, #tpu.memory_space<vmem>> -> memref<1x64xi32, #tpu.memory_space<vmem>>
        %dma_wait3A_516 = tpu.memref_squeeze %dma_wait3A_515 : memref<1x64xi32, #tpu.memory_space<vmem>> -> memref<64xi32, #tpu.memory_space<vmem>>
        %dma_wait3A_517 = arith.constant 0 : i32
        %dma_wait3A_518 = arith.constant 0 : i32
        %dma_wait3A_519 = tpu.memref_slice %arg2[%dma_wait3A_517, %dma_wait3A_518] : memref<10000x128xf32, #tpu.memory_space<hbm>> -> memref<10000x128xf32, #tpu.memory_space<hbm>>
        %dma_wait3A_520 = tpu.memref_slice %arg15[%dma_wait3A_509] : memref<5x!tpu.dma_semaphore, #tpu.memory_space<semaphore_mem>> -> memref<1x!tpu.dma_semaphore, #tpu.memory_space<semaphore_mem>>
        %dma_wait3A_521 = tpu.memref_squeeze %dma_wait3A_520 : memref<1x!tpu.dma_semaphore, #tpu.memory_space<semaphore_mem>> -> memref<!tpu.dma_semaphore, #tpu.memory_space<semaphore_mem>>
        tpu.wait_indirect_dma semaphore(%dma_wait3A_521 : memref<!tpu.dma_semaphore, #tpu.memory_space<semaphore_mem>>) src(%dma_wait3A_519 : memref<10000x128xf32, #tpu.memory_space<hbm>>) dst(%dma_wait3A_513 : memref<64x128xf32, #tpu.memory_space<vmem>>)
        %dma_wait3A_522 = arith.constant 0 : i32
        %dma_wait3A_523 = arith.constant 0 : i32
        %dma_wait3A_524 = arith.constant 0 : i32
        %dma_wait3A_525 = tpu.memref_slice %arg7[%dma_wait3A_522, %dma_wait3A_524] : memref<10x64xi32, #tpu.memory_space<vmem>> -> memref<1x64xi32, #tpu.memory_space<vmem>>
        %dma_wait3A_526 = tpu.memref_squeeze %dma_wait3A_525 : memref<1x64xi32, #tpu.memory_space<vmem>> -> memref<64xi32, #tpu.memory_space<vmem>>
        %dma_wait3A_527 = tpu.memref_slice %arg3[%mul3A_2] : memref<640000xi32, #tpu.memory_space<hbm>> -> memref<64xi32, #tpu.memory_space<hbm>>
        %dma_wait3A_528 = tpu.memref_slice %arg14[%dma_wait3A_523] : memref<10x!tpu.dma_semaphore, #tpu.memory_space<semaphore_mem>> -> memref<1x!tpu.dma_semaphore, #tpu.memory_space<semaphore_mem>>
        %dma_wait3A_529 = tpu.memref_squeeze %dma_wait3A_528 : memref<1x!tpu.dma_semaphore, #tpu.memory_space<semaphore_mem>> -> memref<!tpu.dma_semaphore, #tpu.memory_space<semaphore_mem>>
        %dma_wait3A_530 = arith.constant 0 : i32
        %dma_wait3A_531 = tpu.memref_slice %arg7[%dma_wait3A_522, %dma_wait3A_530] : memref<10x64xi32, #tpu.memory_space<vmem>> -> memref<1x64xi32, #tpu.memory_space<vmem>>
        %dma_wait3A_532 = tpu.memref_squeeze %dma_wait3A_531 : memref<1x64xi32, #tpu.memory_space<vmem>> -> memref<64xi32, #tpu.memory_space<vmem>>
        %dma_wait3A_533 = tpu.memref_slice %arg3[%mul3A_2] : memref<640000xi32, #tpu.memory_space<hbm>> -> memref<64xi32, #tpu.memory_space<hbm>>
        tpu.wait_dma2 semaphore(%dma_wait3A_529 : memref<!tpu.dma_semaphore, #tpu.memory_space<semaphore_mem>>) src(%dma_wait3A_533 : memref<64xi32, #tpu.memory_space<hbm>>) dst(%dma_wait3A_532 : memref<64xi32, #tpu.memory_space<vmem>>)
        %dma_start3A_534 = arith.constant 0 : i32
        %dma_start3A_535 = arith.constant 0 : i32
        %dma_start3A_536 = arith.constant 0 : i32
        %dma_start3A_537 = arith.constant 0 : i32
        %dma_start3A_538 = arith.constant 0 : i32
        %dma_start3A_539 = tpu.memref_slice %arg8[%dma_start3A_534, %dma_start3A_537, %dma_start3A_538] : memref<5x64x128xf32, #tpu.memory_space<vmem>> -> memref<1x64x128xf32, #tpu.memory_space<vmem>>
        %dma_start3A_540 = tpu.memref_squeeze %dma_start3A_539 : memref<1x64x128xf32, #tpu.memory_space<vmem>> -> memref<64x128xf32, #tpu.memory_space<vmem>>
        %dma_start3A_541 = arith.constant 0 : i32
        %dma_start3A_542 = tpu.memref_slice %arg7[%dma_start3A_535, %dma_start3A_541] : memref<10x64xi32, #tpu.memory_space<vmem>> -> memref<1x64xi32, #tpu.memory_space<vmem>>
        %dma_start3A_543 = tpu.memref_squeeze %dma_start3A_542 : memref<1x64xi32, #tpu.memory_space<vmem>> -> memref<64xi32, #tpu.memory_space<vmem>>
        %dma_start3A_544 = arith.constant 0 : i32
        %dma_start3A_545 = arith.constant 0 : i32
        %dma_start3A_546 = tpu.memref_slice %arg12[%dma_start3A_544, %dma_start3A_545] : memref<10240x128xf32, #tpu.memory_space<vmem_shared>> -> memref<10240x128xf32, #tpu.memory_space<vmem_shared>>
        %dma_start3A_547 = tpu.memref_slice %arg16[%dma_start3A_536] : memref<5x!tpu.dma_semaphore, #tpu.memory_space<semaphore_mem>> -> memref<1x!tpu.dma_semaphore, #tpu.memory_space<semaphore_mem>>
        %dma_start3A_548 = tpu.memref_squeeze %dma_start3A_547 : memref<1x!tpu.dma_semaphore, #tpu.memory_space<semaphore_mem>> -> memref<!tpu.dma_semaphore, #tpu.memory_space<semaphore_mem>>
        tpu.enqueue_indirect_dma source(%dma_start3A_540 : memref<64x128xf32, #tpu.memory_space<vmem>>) target(%dma_start3A_546 : memref<10240x128xf32, #tpu.memory_space<vmem_shared>>) offsets(%dma_start3A_543 : memref<64xi32, #tpu.memory_space<vmem>>) semaphore(%dma_start3A_548 : memref<!tpu.dma_semaphore, #tpu.memory_space<semaphore_mem>>) {add = true}
        %add3A_549 = arith.constant 2 : i32
        %add3A_550 = arith.addi %add3A_421, %add3A_549 : i32
        %lt3A_551 = arith.constant 156 : i32
        %lt3A_552 = arith.cmpi slt, %add3A_550, %lt3A_551 : i32
        %ge3A = arith.constant 3 : i32
        %ge3A_553 = arith.cmpi sge, %add3A_421, %ge3A : i32
        %and3A = arith.andi %lt3A_552, %ge3A_553 : i1
        %convert_element_type3A_554 = arith.extui %and3A : i1 to i32
        %cond3A_555 = arith.constant 0 : i32
        %cond3A_556 = arith.cmpi ne, %convert_element_type3A_554, %cond3A_555 : i32
        scf.if %cond3A_556 {
          %dma_wait3A_571 = arith.constant 2 : i32
          %dma_wait3A_572 = arith.constant 2 : i32
          %dma_wait3A_573 = arith.constant 2 : i32
          %dma_wait3A_574 = arith.constant 0 : i32
          %dma_wait3A_575 = arith.constant 0 : i32
          %dma_wait3A_576 = tpu.memref_slice %arg8[%dma_wait3A_571, %dma_wait3A_574, %dma_wait3A_575] : memref<5x64x128xf32, #tpu.memory_space<vmem>> -> memref<1x64x128xf32, #tpu.memory_space<vmem>>
          %dma_wait3A_577 = tpu.memref_squeeze %dma_wait3A_576 : memref<1x64x128xf32, #tpu.memory_space<vmem>> -> memref<64x128xf32, #tpu.memory_space<vmem>>
          %dma_wait3A_578 = arith.constant 0 : i32
          %dma_wait3A_579 = tpu.memref_slice %arg7[%dma_wait3A_572, %dma_wait3A_578] : memref<10x64xi32, #tpu.memory_space<vmem>> -> memref<1x64xi32, #tpu.memory_space<vmem>>
          %dma_wait3A_580 = tpu.memref_squeeze %dma_wait3A_579 : memref<1x64xi32, #tpu.memory_space<vmem>> -> memref<64xi32, #tpu.memory_space<vmem>>
          %dma_wait3A_581 = arith.constant 0 : i32
          %dma_wait3A_582 = arith.constant 0 : i32
          %dma_wait3A_583 = tpu.memref_slice %arg12[%dma_wait3A_581, %dma_wait3A_582] : memref<10240x128xf32, #tpu.memory_space<vmem_shared>> -> memref<10240x128xf32, #tpu.memory_space<vmem_shared>>
          %dma_wait3A_584 = tpu.memref_slice %arg16[%dma_wait3A_573] : memref<5x!tpu.dma_semaphore, #tpu.memory_space<semaphore_mem>> -> memref<1x!tpu.dma_semaphore, #tpu.memory_space<semaphore_mem>>
          %dma_wait3A_585 = tpu.memref_squeeze %dma_wait3A_584 : memref<1x!tpu.dma_semaphore, #tpu.memory_space<semaphore_mem>> -> memref<!tpu.dma_semaphore, #tpu.memory_space<semaphore_mem>>
          tpu.wait_indirect_dma semaphore(%dma_wait3A_585 : memref<!tpu.dma_semaphore, #tpu.memory_space<semaphore_mem>>) src(%dma_wait3A_577 : memref<64x128xf32, #tpu.memory_space<vmem>>) dst(%dma_wait3A_583 : memref<10240x128xf32, #tpu.memory_space<vmem_shared>>)
        } else {
        }
        %add3A_557 = arith.constant 2 : i32
        %add3A_558 = arith.addi %add3A_421, %add3A_557 : i32
        %lt3A_559 = arith.constant 156 : i32
        %lt3A_560 = arith.cmpi slt, %add3A_558, %lt3A_559 : i32
        %convert_element_type3A_561 = arith.extui %lt3A_560 : i1 to i32
        %cond3A_562 = arith.constant 0 : i32
        %cond3A_563 = arith.cmpi ne, %convert_element_type3A_561, %cond3A_562 : i32
        scf.if %cond3A_563 {
          %dma_wait3A_571 = arith.constant 2 : i32
          %dma_wait3A_572 = arith.constant 2 : i32
          %dma_wait3A_573 = arith.constant 0 : i32
          %dma_wait3A_574 = tpu.memref_slice %arg6[%dma_wait3A_571, %dma_wait3A_573] : memref<10x64xi32, #tpu.memory_space<vmem>> -> memref<1x64xi32, #tpu.memory_space<vmem>>
          %dma_wait3A_575 = tpu.memref_squeeze %dma_wait3A_574 : memref<1x64xi32, #tpu.memory_space<vmem>> -> memref<64xi32, #tpu.memory_space<vmem>>
          %dma_wait3A_576 = tpu.memref_slice %arg3[%mul3A_2] : memref<640000xi32, #tpu.memory_space<hbm>> -> memref<64xi32, #tpu.memory_space<hbm>>
          %dma_wait3A_577 = tpu.memref_slice %arg13[%dma_wait3A_572] : memref<10x!tpu.dma_semaphore, #tpu.memory_space<semaphore_mem>> -> memref<1x!tpu.dma_semaphore, #tpu.memory_space<semaphore_mem>>
          %dma_wait3A_578 = tpu.memref_squeeze %dma_wait3A_577 : memref<1x!tpu.dma_semaphore, #tpu.memory_space<semaphore_mem>> -> memref<!tpu.dma_semaphore, #tpu.memory_space<semaphore_mem>>
          %dma_wait3A_579 = arith.constant 0 : i32
          %dma_wait3A_580 = tpu.memref_slice %arg6[%dma_wait3A_571, %dma_wait3A_579] : memref<10x64xi32, #tpu.memory_space<vmem>> -> memref<1x64xi32, #tpu.memory_space<vmem>>
          %dma_wait3A_581 = tpu.memref_squeeze %dma_wait3A_580 : memref<1x64xi32, #tpu.memory_space<vmem>> -> memref<64xi32, #tpu.memory_space<vmem>>
          %dma_wait3A_582 = tpu.memref_slice %arg3[%mul3A_2] : memref<640000xi32, #tpu.memory_space<hbm>> -> memref<64xi32, #tpu.memory_space<hbm>>
          tpu.wait_dma2 semaphore(%dma_wait3A_578 : memref<!tpu.dma_semaphore, #tpu.memory_space<semaphore_mem>>) src(%dma_wait3A_582 : memref<64xi32, #tpu.memory_space<hbm>>) dst(%dma_wait3A_581 : memref<64xi32, #tpu.memory_space<vmem>>)
          %add3A_583 = arith.constant 2 : i32
          %add3A_584 = arith.addi %add3A_421, %add3A_583 : i32
          %dma_start3A_585 = arith.constant 2 : i32
          %dma_start3A_586 = arith.constant 2 : i32
          %dma_start3A_587 = arith.constant 2 : i32
          %dma_start3A_588 = arith.constant 0 : i32
          %dma_start3A_589 = arith.constant 0 : i32
          %dma_start3A_590 = tpu.memref_slice %arg8[%dma_start3A_586, %dma_start3A_588, %dma_start3A_589] : memref<5x64x128xf32, #tpu.memory_space<vmem>> -> memref<1x64x128xf32, #tpu.memory_space<vmem>>
          %dma_start3A_591 = tpu.memref_squeeze %dma_start3A_590 : memref<1x64x128xf32, #tpu.memory_space<vmem>> -> memref<64x128xf32, #tpu.memory_space<vmem>>
          %dma_start3A_592 = arith.constant 0 : i32
          %dma_start3A_593 = tpu.memref_slice %arg6[%dma_start3A_585, %dma_start3A_592] : memref<10x64xi32, #tpu.memory_space<vmem>> -> memref<1x64xi32, #tpu.memory_space<vmem>>
          %dma_start3A_594 = tpu.memref_squeeze %dma_start3A_593 : memref<1x64xi32, #tpu.memory_space<vmem>> -> memref<64xi32, #tpu.memory_space<vmem>>
          %dma_start3A_595 = arith.constant 0 : i32
          %dma_start3A_596 = arith.constant 0 : i32
          %dma_start3A_597 = tpu.memref_slice %arg2[%dma_start3A_595, %dma_start3A_596] : memref<10000x128xf32, #tpu.memory_space<hbm>> -> memref<10000x128xf32, #tpu.memory_space<hbm>>
          %dma_start3A_598 = tpu.memref_slice %arg15[%dma_start3A_587] : memref<5x!tpu.dma_semaphore, #tpu.memory_space<semaphore_mem>> -> memref<1x!tpu.dma_semaphore, #tpu.memory_space<semaphore_mem>>
          %dma_start3A_599 = tpu.memref_squeeze %dma_start3A_598 : memref<1x!tpu.dma_semaphore, #tpu.memory_space<semaphore_mem>> -> memref<!tpu.dma_semaphore, #tpu.memory_space<semaphore_mem>>
          tpu.enqueue_indirect_dma source(%dma_start3A_597 : memref<10000x128xf32, #tpu.memory_space<hbm>>) target(%dma_start3A_591 : memref<64x128xf32, #tpu.memory_space<vmem>>) offsets(%dma_start3A_594 : memref<64xi32, #tpu.memory_space<vmem>>) semaphore(%dma_start3A_599 : memref<!tpu.dma_semaphore, #tpu.memory_space<semaphore_mem>>)
        } else {
        }
        %add3A_564 = arith.constant 6 : i32
        %add3A_565 = arith.addi %add3A_421, %add3A_564 : i32
        %lt3A_566 = arith.constant 156 : i32
        %lt3A_567 = arith.cmpi slt, %add3A_565, %lt3A_566 : i32
        %convert_element_type3A_568 = arith.extui %lt3A_567 : i1 to i32
        %cond3A_569 = arith.constant 0 : i32
        %cond3A_570 = arith.cmpi ne, %convert_element_type3A_568, %cond3A_569 : i32
        scf.if %cond3A_570 {
          %add3A_571 = arith.constant 6 : i32
          %add3A_572 = arith.addi %add3A_421, %add3A_571 : i32
          %mul3A_573 = arith.constant 64 : i32
          %mul3A_574 = arith.muli %add3A_572, %mul3A_573 : i32
          %add3A_575 = arith.addi %mul3A_2, %mul3A_574 : i32
          %dma_start3A_576 = arith.constant 6 : i32
          %dma_start3A_577 = arith.constant 6 : i32
          %dma_start3A_578 = arith.constant 0 : i32
          %dma_start3A_579 = tpu.memref_slice %arg6[%dma_start3A_576, %dma_start3A_578] : memref<10x64xi32, #tpu.memory_space<vmem>> -> memref<1x64xi32, #tpu.memory_space<vmem>>
          %dma_start3A_580 = tpu.memref_squeeze %dma_start3A_579 : memref<1x64xi32, #tpu.memory_space<vmem>> -> memref<64xi32, #tpu.memory_space<vmem>>
          %dma_start3A_581 = tpu.memref_slice %arg3[%add3A_575] : memref<640000xi32, #tpu.memory_space<hbm>> -> memref<64xi32, #tpu.memory_space<hbm>>
          %dma_start3A_582 = tpu.memref_slice %arg13[%dma_start3A_577] : memref<10x!tpu.dma_semaphore, #tpu.memory_space<semaphore_mem>> -> memref<1x!tpu.dma_semaphore, #tpu.memory_space<semaphore_mem>>
          %dma_start3A_583 = tpu.memref_squeeze %dma_start3A_582 : memref<1x!tpu.dma_semaphore, #tpu.memory_space<semaphore_mem>> -> memref<!tpu.dma_semaphore, #tpu.memory_space<semaphore_mem>>
          %dma_start3A_584 = arith.constant 0 : i32
          %dma_start3A_585 = tpu.memref_slice %arg6[%dma_start3A_576, %dma_start3A_584] : memref<10x64xi32, #tpu.memory_space<vmem>> -> memref<1x64xi32, #tpu.memory_space<vmem>>
          %dma_start3A_586 = tpu.memref_squeeze %dma_start3A_585 : memref<1x64xi32, #tpu.memory_space<vmem>> -> memref<64xi32, #tpu.memory_space<vmem>>
          %dma_start3A_587 = tpu.memref_slice %arg3[%add3A_575] : memref<640000xi32, #tpu.memory_space<hbm>> -> memref<64xi32, #tpu.memory_space<hbm>>
          tpu.enqueue_dma source(%dma_start3A_587 : memref<64xi32, #tpu.memory_space<hbm>>) target(%dma_start3A_586 : memref<64xi32, #tpu.memory_space<vmem>>) target_semaphore(%dma_start3A_583 : memref<!tpu.dma_semaphore, #tpu.memory_space<semaphore_mem>>)
          %add3A_588 = arith.constant 320000 : i32
          %add3A_589 = arith.addi %add3A_588, %mul3A_2 : i32
          %mul3A_590 = arith.constant 64 : i32
          %mul3A_591 = arith.muli %add3A_572, %mul3A_590 : i32
          %add3A_592 = arith.addi %add3A_589, %mul3A_591 : i32
          %dma_start3A_593 = arith.constant 6 : i32
          %dma_start3A_594 = arith.constant 6 : i32
          %dma_start3A_595 = arith.constant 0 : i32
          %dma_start3A_596 = tpu.memref_slice %arg7[%dma_start3A_593, %dma_start3A_595] : memref<10x64xi32, #tpu.memory_space<vmem>> -> memref<1x64xi32, #tpu.memory_space<vmem>>
          %dma_start3A_597 = tpu.memref_squeeze %dma_start3A_596 : memref<1x64xi32, #tpu.memory_space<vmem>> -> memref<64xi32, #tpu.memory_space<vmem>>
          %dma_start3A_598 = tpu.memref_slice %arg3[%add3A_592] : memref<640000xi32, #tpu.memory_space<hbm>> -> memref<64xi32, #tpu.memory_space<hbm>>
          %dma_start3A_599 = tpu.memref_slice %arg14[%dma_start3A_594] : memref<10x!tpu.dma_semaphore, #tpu.memory_space<semaphore_mem>> -> memref<1x!tpu.dma_semaphore, #tpu.memory_space<semaphore_mem>>
          %dma_start3A_600 = tpu.memref_squeeze %dma_start3A_599 : memref<1x!tpu.dma_semaphore, #tpu.memory_space<semaphore_mem>> -> memref<!tpu.dma_semaphore, #tpu.memory_space<semaphore_mem>>
          %dma_start3A_601 = arith.constant 0 : i32
          %dma_start3A_602 = tpu.memref_slice %arg7[%dma_start3A_593, %dma_start3A_601] : memref<10x64xi32, #tpu.memory_space<vmem>> -> memref<1x64xi32, #tpu.memory_space<vmem>>
          %dma_start3A_603 = tpu.memref_squeeze %dma_start3A_602 : memref<1x64xi32, #tpu.memory_space<vmem>> -> memref<64xi32, #tpu.memory_space<vmem>>
          %dma_start3A_604 = tpu.memref_slice %arg3[%add3A_592] : memref<640000xi32, #tpu.memory_space<hbm>> -> memref<64xi32, #tpu.memory_space<hbm>>
          tpu.enqueue_dma source(%dma_start3A_604 : memref<64xi32, #tpu.memory_space<hbm>>) target(%dma_start3A_603 : memref<64xi32, #tpu.memory_space<vmem>>) target_semaphore(%dma_start3A_600 : memref<!tpu.dma_semaphore, #tpu.memory_space<semaphore_mem>>)
        } else {
        }
      } else {
      }
      %mul3A_426 = arith.constant 10 : i32
      %mul3A_427 = arith.muli %mul3A_426, %scan3A_417 : i32
      %add3A_428 = arith.constant 1 : i32
      %add3A_429 = arith.addi %mul3A_427, %add3A_428 : i32
      %lt3A_430 = arith.constant 156 : i32
      %lt3A_431 = arith.cmpi slt, %add3A_429, %lt3A_430 : i32
      %convert_element_type3A_432 = arith.extui %lt3A_431 : i1 to i32
      %cond3A_433 = arith.constant 0 : i32
      %cond3A_434 = arith.cmpi ne, %convert_element_type3A_432, %cond3A_433 : i32
      scf.if %cond3A_434 {
        %dma_wait3A_507 = arith.constant 1 : i32
        %dma_wait3A_508 = arith.constant 1 : i32
        %dma_wait3A_509 = arith.constant 1 : i32
        %dma_wait3A_510 = arith.constant 0 : i32
        %dma_wait3A_511 = arith.constant 0 : i32
        %dma_wait3A_512 = tpu.memref_slice %arg8[%dma_wait3A_508, %dma_wait3A_510, %dma_wait3A_511] : memref<5x64x128xf32, #tpu.memory_space<vmem>> -> memref<1x64x128xf32, #tpu.memory_space<vmem>>
        %dma_wait3A_513 = tpu.memref_squeeze %dma_wait3A_512 : memref<1x64x128xf32, #tpu.memory_space<vmem>> -> memref<64x128xf32, #tpu.memory_space<vmem>>
        %dma_wait3A_514 = arith.constant 0 : i32
        %dma_wait3A_515 = tpu.memref_slice %arg6[%dma_wait3A_507, %dma_wait3A_514] : memref<10x64xi32, #tpu.memory_space<vmem>> -> memref<1x64xi32, #tpu.memory_space<vmem>>
        %dma_wait3A_516 = tpu.memref_squeeze %dma_wait3A_515 : memref<1x64xi32, #tpu.memory_space<vmem>> -> memref<64xi32, #tpu.memory_space<vmem>>
        %dma_wait3A_517 = arith.constant 0 : i32
        %dma_wait3A_518 = arith.constant 0 : i32
        %dma_wait3A_519 = tpu.memref_slice %arg2[%dma_wait3A_517, %dma_wait3A_518] : memref<10000x128xf32, #tpu.memory_space<hbm>> -> memref<10000x128xf32, #tpu.memory_space<hbm>>
        %dma_wait3A_520 = tpu.memref_slice %arg15[%dma_wait3A_509] : memref<5x!tpu.dma_semaphore, #tpu.memory_space<semaphore_mem>> -> memref<1x!tpu.dma_semaphore, #tpu.memory_space<semaphore_mem>>
        %dma_wait3A_521 = tpu.memref_squeeze %dma_wait3A_520 : memref<1x!tpu.dma_semaphore, #tpu.memory_space<semaphore_mem>> -> memref<!tpu.dma_semaphore, #tpu.memory_space<semaphore_mem>>
        tpu.wait_indirect_dma semaphore(%dma_wait3A_521 : memref<!tpu.dma_semaphore, #tpu.memory_space<semaphore_mem>>) src(%dma_wait3A_519 : memref<10000x128xf32, #tpu.memory_space<hbm>>) dst(%dma_wait3A_513 : memref<64x128xf32, #tpu.memory_space<vmem>>)
        %dma_wait3A_522 = arith.constant 1 : i32
        %dma_wait3A_523 = arith.constant 1 : i32
        %dma_wait3A_524 = arith.constant 0 : i32
        %dma_wait3A_525 = tpu.memref_slice %arg7[%dma_wait3A_522, %dma_wait3A_524] : memref<10x64xi32, #tpu.memory_space<vmem>> -> memref<1x64xi32, #tpu.memory_space<vmem>>
        %dma_wait3A_526 = tpu.memref_squeeze %dma_wait3A_525 : memref<1x64xi32, #tpu.memory_space<vmem>> -> memref<64xi32, #tpu.memory_space<vmem>>
        %dma_wait3A_527 = tpu.memref_slice %arg3[%mul3A_2] : memref<640000xi32, #tpu.memory_space<hbm>> -> memref<64xi32, #tpu.memory_space<hbm>>
        %dma_wait3A_528 = tpu.memref_slice %arg14[%dma_wait3A_523] : memref<10x!tpu.dma_semaphore, #tpu.memory_space<semaphore_mem>> -> memref<1x!tpu.dma_semaphore, #tpu.memory_space<semaphore_mem>>
        %dma_wait3A_529 = tpu.memref_squeeze %dma_wait3A_528 : memref<1x!tpu.dma_semaphore, #tpu.memory_space<semaphore_mem>> -> memref<!tpu.dma_semaphore, #tpu.memory_space<semaphore_mem>>
        %dma_wait3A_530 = arith.constant 0 : i32
        %dma_wait3A_531 = tpu.memref_slice %arg7[%dma_wait3A_522, %dma_wait3A_530] : memref<10x64xi32, #tpu.memory_space<vmem>> -> memref<1x64xi32, #tpu.memory_space<vmem>>
        %dma_wait3A_532 = tpu.memref_squeeze %dma_wait3A_531 : memref<1x64xi32, #tpu.memory_space<vmem>> -> memref<64xi32, #tpu.memory_space<vmem>>
        %dma_wait3A_533 = tpu.memref_slice %arg3[%mul3A_2] : memref<640000xi32, #tpu.memory_space<hbm>> -> memref<64xi32, #tpu.memory_space<hbm>>
        tpu.wait_dma2 semaphore(%dma_wait3A_529 : memref<!tpu.dma_semaphore, #tpu.memory_space<semaphore_mem>>) src(%dma_wait3A_533 : memref<64xi32, #tpu.memory_space<hbm>>) dst(%dma_wait3A_532 : memref<64xi32, #tpu.memory_space<vmem>>)
        %dma_start3A_534 = arith.constant 1 : i32
        %dma_start3A_535 = arith.constant 1 : i32
        %dma_start3A_536 = arith.constant 1 : i32
        %dma_start3A_537 = arith.constant 0 : i32
        %dma_start3A_538 = arith.constant 0 : i32
        %dma_start3A_539 = tpu.memref_slice %arg8[%dma_start3A_534, %dma_start3A_537, %dma_start3A_538] : memref<5x64x128xf32, #tpu.memory_space<vmem>> -> memref<1x64x128xf32, #tpu.memory_space<vmem>>
        %dma_start3A_540 = tpu.memref_squeeze %dma_start3A_539 : memref<1x64x128xf32, #tpu.memory_space<vmem>> -> memref<64x128xf32, #tpu.memory_space<vmem>>
        %dma_start3A_541 = arith.constant 0 : i32
        %dma_start3A_542 = tpu.memref_slice %arg7[%dma_start3A_535, %dma_start3A_541] : memref<10x64xi32, #tpu.memory_space<vmem>> -> memref<1x64xi32, #tpu.memory_space<vmem>>
        %dma_start3A_543 = tpu.memref_squeeze %dma_start3A_542 : memref<1x64xi32, #tpu.memory_space<vmem>> -> memref<64xi32, #tpu.memory_space<vmem>>
        %dma_start3A_544 = arith.constant 0 : i32
        %dma_start3A_545 = arith.constant 0 : i32
        %dma_start3A_546 = tpu.memref_slice %arg12[%dma_start3A_544, %dma_start3A_545] : memref<10240x128xf32, #tpu.memory_space<vmem_shared>> -> memref<10240x128xf32, #tpu.memory_space<vmem_shared>>
        %dma_start3A_547 = tpu.memref_slice %arg16[%dma_start3A_536] : memref<5x!tpu.dma_semaphore, #tpu.memory_space<semaphore_mem>> -> memref<1x!tpu.dma_semaphore, #tpu.memory_space<semaphore_mem>>
        %dma_start3A_548 = tpu.memref_squeeze %dma_start3A_547 : memref<1x!tpu.dma_semaphore, #tpu.memory_space<semaphore_mem>> -> memref<!tpu.dma_semaphore, #tpu.memory_space<semaphore_mem>>
        tpu.enqueue_indirect_dma source(%dma_start3A_540 : memref<64x128xf32, #tpu.memory_space<vmem>>) target(%dma_start3A_546 : memref<10240x128xf32, #tpu.memory_space<vmem_shared>>) offsets(%dma_start3A_543 : memref<64xi32, #tpu.memory_space<vmem>>) semaphore(%dma_start3A_548 : memref<!tpu.dma_semaphore, #tpu.memory_space<semaphore_mem>>) {add = true}
        %add3A_549 = arith.constant 2 : i32
        %add3A_550 = arith.addi %add3A_429, %add3A_549 : i32
        %lt3A_551 = arith.constant 156 : i32
        %lt3A_552 = arith.cmpi slt, %add3A_550, %lt3A_551 : i32
        %ge3A = arith.constant 3 : i32
        %ge3A_553 = arith.cmpi sge, %add3A_429, %ge3A : i32
        %and3A = arith.andi %lt3A_552, %ge3A_553 : i1
        %convert_element_type3A_554 = arith.extui %and3A : i1 to i32
        %cond3A_555 = arith.constant 0 : i32
        %cond3A_556 = arith.cmpi ne, %convert_element_type3A_554, %cond3A_555 : i32
        scf.if %cond3A_556 {
          %dma_wait3A_571 = arith.constant 3 : i32
          %dma_wait3A_572 = arith.constant 3 : i32
          %dma_wait3A_573 = arith.constant 3 : i32
          %dma_wait3A_574 = arith.constant 0 : i32
          %dma_wait3A_575 = arith.constant 0 : i32
          %dma_wait3A_576 = tpu.memref_slice %arg8[%dma_wait3A_571, %dma_wait3A_574, %dma_wait3A_575] : memref<5x64x128xf32, #tpu.memory_space<vmem>> -> memref<1x64x128xf32, #tpu.memory_space<vmem>>
          %dma_wait3A_577 = tpu.memref_squeeze %dma_wait3A_576 : memref<1x64x128xf32, #tpu.memory_space<vmem>> -> memref<64x128xf32, #tpu.memory_space<vmem>>
          %dma_wait3A_578 = arith.constant 0 : i32
          %dma_wait3A_579 = tpu.memref_slice %arg7[%dma_wait3A_572, %dma_wait3A_578] : memref<10x64xi32, #tpu.memory_space<vmem>> -> memref<1x64xi32, #tpu.memory_space<vmem>>
          %dma_wait3A_580 = tpu.memref_squeeze %dma_wait3A_579 : memref<1x64xi32, #tpu.memory_space<vmem>> -> memref<64xi32, #tpu.memory_space<vmem>>
          %dma_wait3A_581 = arith.constant 0 : i32
          %dma_wait3A_582 = arith.constant 0 : i32
          %dma_wait3A_583 = tpu.memref_slice %arg12[%dma_wait3A_581, %dma_wait3A_582] : memref<10240x128xf32, #tpu.memory_space<vmem_shared>> -> memref<10240x128xf32, #tpu.memory_space<vmem_shared>>
          %dma_wait3A_584 = tpu.memref_slice %arg16[%dma_wait3A_573] : memref<5x!tpu.dma_semaphore, #tpu.memory_space<semaphore_mem>> -> memref<1x!tpu.dma_semaphore, #tpu.memory_space<semaphore_mem>>
          %dma_wait3A_585 = tpu.memref_squeeze %dma_wait3A_584 : memref<1x!tpu.dma_semaphore, #tpu.memory_space<semaphore_mem>> -> memref<!tpu.dma_semaphore, #tpu.memory_space<semaphore_mem>>
          tpu.wait_indirect_dma semaphore(%dma_wait3A_585 : memref<!tpu.dma_semaphore, #tpu.memory_space<semaphore_mem>>) src(%dma_wait3A_577 : memref<64x128xf32, #tpu.memory_space<vmem>>) dst(%dma_wait3A_583 : memref<10240x128xf32, #tpu.memory_space<vmem_shared>>)
        } else {
        }
        %add3A_557 = arith.constant 2 : i32
        %add3A_558 = arith.addi %add3A_429, %add3A_557 : i32
        %lt3A_559 = arith.constant 156 : i32
        %lt3A_560 = arith.cmpi slt, %add3A_558, %lt3A_559 : i32
        %convert_element_type3A_561 = arith.extui %lt3A_560 : i1 to i32
        %cond3A_562 = arith.constant 0 : i32
        %cond3A_563 = arith.cmpi ne, %convert_element_type3A_561, %cond3A_562 : i32
        scf.if %cond3A_563 {
          %dma_wait3A_571 = arith.constant 3 : i32
          %dma_wait3A_572 = arith.constant 3 : i32
          %dma_wait3A_573 = arith.constant 0 : i32
          %dma_wait3A_574 = tpu.memref_slice %arg6[%dma_wait3A_571, %dma_wait3A_573] : memref<10x64xi32, #tpu.memory_space<vmem>> -> memref<1x64xi32, #tpu.memory_space<vmem>>
          %dma_wait3A_575 = tpu.memref_squeeze %dma_wait3A_574 : memref<1x64xi32, #tpu.memory_space<vmem>> -> memref<64xi32, #tpu.memory_space<vmem>>
          %dma_wait3A_576 = tpu.memref_slice %arg3[%mul3A_2] : memref<640000xi32, #tpu.memory_space<hbm>> -> memref<64xi32, #tpu.memory_space<hbm>>
          %dma_wait3A_577 = tpu.memref_slice %arg13[%dma_wait3A_572] : memref<10x!tpu.dma_semaphore, #tpu.memory_space<semaphore_mem>> -> memref<1x!tpu.dma_semaphore, #tpu.memory_space<semaphore_mem>>
          %dma_wait3A_578 = tpu.memref_squeeze %dma_wait3A_577 : memref<1x!tpu.dma_semaphore, #tpu.memory_space<semaphore_mem>> -> memref<!tpu.dma_semaphore, #tpu.memory_space<semaphore_mem>>
          %dma_wait3A_579 = arith.constant 0 : i32
          %dma_wait3A_580 = tpu.memref_slice %arg6[%dma_wait3A_571, %dma_wait3A_579] : memref<10x64xi32, #tpu.memory_space<vmem>> -> memref<1x64xi32, #tpu.memory_space<vmem>>
          %dma_wait3A_581 = tpu.memref_squeeze %dma_wait3A_580 : memref<1x64xi32, #tpu.memory_space<vmem>> -> memref<64xi32, #tpu.memory_space<vmem>>
          %dma_wait3A_582 = tpu.memref_slice %arg3[%mul3A_2] : memref<640000xi32, #tpu.memory_space<hbm>> -> memref<64xi32, #tpu.memory_space<hbm>>
          tpu.wait_dma2 semaphore(%dma_wait3A_578 : memref<!tpu.dma_semaphore, #tpu.memory_space<semaphore_mem>>) src(%dma_wait3A_582 : memref<64xi32, #tpu.memory_space<hbm>>) dst(%dma_wait3A_581 : memref<64xi32, #tpu.memory_space<vmem>>)
          %add3A_583 = arith.constant 2 : i32
          %add3A_584 = arith.addi %add3A_429, %add3A_583 : i32
          %dma_start3A_585 = arith.constant 3 : i32
          %dma_start3A_586 = arith.constant 3 : i32
          %dma_start3A_587 = arith.constant 3 : i32
          %dma_start3A_588 = arith.constant 0 : i32
          %dma_start3A_589 = arith.constant 0 : i32
          %dma_start3A_590 = tpu.memref_slice %arg8[%dma_start3A_586, %dma_start3A_588, %dma_start3A_589] : memref<5x64x128xf32, #tpu.memory_space<vmem>> -> memref<1x64x128xf32, #tpu.memory_space<vmem>>
          %dma_start3A_591 = tpu.memref_squeeze %dma_start3A_590 : memref<1x64x128xf32, #tpu.memory_space<vmem>> -> memref<64x128xf32, #tpu.memory_space<vmem>>
          %dma_start3A_592 = arith.constant 0 : i32
          %dma_start3A_593 = tpu.memref_slice %arg6[%dma_start3A_585, %dma_start3A_592] : memref<10x64xi32, #tpu.memory_space<vmem>> -> memref<1x64xi32, #tpu.memory_space<vmem>>
          %dma_start3A_594 = tpu.memref_squeeze %dma_start3A_593 : memref<1x64xi32, #tpu.memory_space<vmem>> -> memref<64xi32, #tpu.memory_space<vmem>>
          %dma_start3A_595 = arith.constant 0 : i32
          %dma_start3A_596 = arith.constant 0 : i32
          %dma_start3A_597 = tpu.memref_slice %arg2[%dma_start3A_595, %dma_start3A_596] : memref<10000x128xf32, #tpu.memory_space<hbm>> -> memref<10000x128xf32, #tpu.memory_space<hbm>>
          %dma_start3A_598 = tpu.memref_slice %arg15[%dma_start3A_587] : memref<5x!tpu.dma_semaphore, #tpu.memory_space<semaphore_mem>> -> memref<1x!tpu.dma_semaphore, #tpu.memory_space<semaphore_mem>>
          %dma_start3A_599 = tpu.memref_squeeze %dma_start3A_598 : memref<1x!tpu.dma_semaphore, #tpu.memory_space<semaphore_mem>> -> memref<!tpu.dma_semaphore, #tpu.memory_space<semaphore_mem>>
          tpu.enqueue_indirect_dma source(%dma_start3A_597 : memref<10000x128xf32, #tpu.memory_space<hbm>>) target(%dma_start3A_591 : memref<64x128xf32, #tpu.memory_space<vmem>>) offsets(%dma_start3A_594 : memref<64xi32, #tpu.memory_space<vmem>>) semaphore(%dma_start3A_599 : memref<!tpu.dma_semaphore, #tpu.memory_space<semaphore_mem>>)
        } else {
        }
        %add3A_564 = arith.constant 6 : i32
        %add3A_565 = arith.addi %add3A_429, %add3A_564 : i32
        %lt3A_566 = arith.constant 156 : i32
        %lt3A_567 = arith.cmpi slt, %add3A_565, %lt3A_566 : i32
        %convert_element_type3A_568 = arith.extui %lt3A_567 : i1 to i32
        %cond3A_569 = arith.constant 0 : i32
        %cond3A_570 = arith.cmpi ne, %convert_element_type3A_568, %cond3A_569 : i32
        scf.if %cond3A_570 {
          %add3A_571 = arith.constant 6 : i32
          %add3A_572 = arith.addi %add3A_429, %add3A_571 : i32
          %mul3A_573 = arith.constant 64 : i32
          %mul3A_574 = arith.muli %add3A_572, %mul3A_573 : i32
          %add3A_575 = arith.addi %mul3A_2, %mul3A_574 : i32
          %dma_start3A_576 = arith.constant 7 : i32
          %dma_start3A_577 = arith.constant 7 : i32
          %dma_start3A_578 = arith.constant 0 : i32
          %dma_start3A_579 = tpu.memref_slice %arg6[%dma_start3A_576, %dma_start3A_578] : memref<10x64xi32, #tpu.memory_space<vmem>> -> memref<1x64xi32, #tpu.memory_space<vmem>>
          %dma_start3A_580 = tpu.memref_squeeze %dma_start3A_579 : memref<1x64xi32, #tpu.memory_space<vmem>> -> memref<64xi32, #tpu.memory_space<vmem>>
          %dma_start3A_581 = tpu.memref_slice %arg3[%add3A_575] : memref<640000xi32, #tpu.memory_space<hbm>> -> memref<64xi32, #tpu.memory_space<hbm>>
          %dma_start3A_582 = tpu.memref_slice %arg13[%dma_start3A_577] : memref<10x!tpu.dma_semaphore, #tpu.memory_space<semaphore_mem>> -> memref<1x!tpu.dma_semaphore, #tpu.memory_space<semaphore_mem>>
          %dma_start3A_583 = tpu.memref_squeeze %dma_start3A_582 : memref<1x!tpu.dma_semaphore, #tpu.memory_space<semaphore_mem>> -> memref<!tpu.dma_semaphore, #tpu.memory_space<semaphore_mem>>
          %dma_start3A_584 = arith.constant 0 : i32
          %dma_start3A_585 = tpu.memref_slice %arg6[%dma_start3A_576, %dma_start3A_584] : memref<10x64xi32, #tpu.memory_space<vmem>> -> memref<1x64xi32, #tpu.memory_space<vmem>>
          %dma_start3A_586 = tpu.memref_squeeze %dma_start3A_585 : memref<1x64xi32, #tpu.memory_space<vmem>> -> memref<64xi32, #tpu.memory_space<vmem>>
          %dma_start3A_587 = tpu.memref_slice %arg3[%add3A_575] : memref<640000xi32, #tpu.memory_space<hbm>> -> memref<64xi32, #tpu.memory_space<hbm>>
          tpu.enqueue_dma source(%dma_start3A_587 : memref<64xi32, #tpu.memory_space<hbm>>) target(%dma_start3A_586 : memref<64xi32, #tpu.memory_space<vmem>>) target_semaphore(%dma_start3A_583 : memref<!tpu.dma_semaphore, #tpu.memory_space<semaphore_mem>>)
          %add3A_588 = arith.constant 320000 : i32
          %add3A_589 = arith.addi %add3A_588, %mul3A_2 : i32
          %mul3A_590 = arith.constant 64 : i32
          %mul3A_591 = arith.muli %add3A_572, %mul3A_590 : i32
          %add3A_592 = arith.addi %add3A_589, %mul3A_591 : i32
          %dma_start3A_593 = arith.constant 7 : i32
          %dma_start3A_594 = arith.constant 7 : i32
          %dma_start3A_595 = arith.constant 0 : i32
          %dma_start3A_596 = tpu.memref_slice %arg7[%dma_start3A_593, %dma_start3A_595] : memref<10x64xi32, #tpu.memory_space<vmem>> -> memref<1x64xi32, #tpu.memory_space<vmem>>
          %dma_start3A_597 = tpu.memref_squeeze %dma_start3A_596 : memref<1x64xi32, #tpu.memory_space<vmem>> -> memref<64xi32, #tpu.memory_space<vmem>>
          %dma_start3A_598 = tpu.memref_slice %arg3[%add3A_592] : memref<640000xi32, #tpu.memory_space<hbm>> -> memref<64xi32, #tpu.memory_space<hbm>>
          %dma_start3A_599 = tpu.memref_slice %arg14[%dma_start3A_594] : memref<10x!tpu.dma_semaphore, #tpu.memory_space<semaphore_mem>> -> memref<1x!tpu.dma_semaphore, #tpu.memory_space<semaphore_mem>>
          %dma_start3A_600 = tpu.memref_squeeze %dma_start3A_599 : memref<1x!tpu.dma_semaphore, #tpu.memory_space<semaphore_mem>> -> memref<!tpu.dma_semaphore, #tpu.memory_space<semaphore_mem>>
          %dma_start3A_601 = arith.constant 0 : i32
          %dma_start3A_602 = tpu.memref_slice %arg7[%dma_start3A_593, %dma_start3A_601] : memref<10x64xi32, #tpu.memory_space<vmem>> -> memref<1x64xi32, #tpu.memory_space<vmem>>
          %dma_start3A_603 = tpu.memref_squeeze %dma_start3A_602 : memref<1x64xi32, #tpu.memory_space<vmem>> -> memref<64xi32, #tpu.memory_space<vmem>>
          %dma_start3A_604 = tpu.memref_slice %arg3[%add3A_592] : memref<640000xi32, #tpu.memory_space<hbm>> -> memref<64xi32, #tpu.memory_space<hbm>>
          tpu.enqueue_dma source(%dma_start3A_604 : memref<64xi32, #tpu.memory_space<hbm>>) target(%dma_start3A_603 : memref<64xi32, #tpu.memory_space<vmem>>) target_semaphore(%dma_start3A_600 : memref<!tpu.dma_semaphore, #tpu.memory_space<semaphore_mem>>)
        } else {
        }
      } else {
      }
      %mul3A_435 = arith.constant 10 : i32
      %mul3A_436 = arith.muli %mul3A_435, %scan3A_417 : i32
      %add3A_437 = arith.constant 2 : i32
      %add3A_438 = arith.addi %mul3A_436, %add3A_437 : i32
      %lt3A_439 = arith.constant 156 : i32
      %lt3A_440 = arith.cmpi slt, %add3A_438, %lt3A_439 : i32
      %convert_element_type3A_441 = arith.extui %lt3A_440 : i1 to i32
      %cond3A_442 = arith.constant 0 : i32
      %cond3A_443 = arith.cmpi ne, %convert_element_type3A_441, %cond3A_442 : i32
      scf.if %cond3A_443 {
        %dma_wait3A_507 = arith.constant 2 : i32
        %dma_wait3A_508 = arith.constant 2 : i32
        %dma_wait3A_509 = arith.constant 2 : i32
        %dma_wait3A_510 = arith.constant 0 : i32
        %dma_wait3A_511 = arith.constant 0 : i32
        %dma_wait3A_512 = tpu.memref_slice %arg8[%dma_wait3A_508, %dma_wait3A_510, %dma_wait3A_511] : memref<5x64x128xf32, #tpu.memory_space<vmem>> -> memref<1x64x128xf32, #tpu.memory_space<vmem>>
        %dma_wait3A_513 = tpu.memref_squeeze %dma_wait3A_512 : memref<1x64x128xf32, #tpu.memory_space<vmem>> -> memref<64x128xf32, #tpu.memory_space<vmem>>
        %dma_wait3A_514 = arith.constant 0 : i32
        %dma_wait3A_515 = tpu.memref_slice %arg6[%dma_wait3A_507, %dma_wait3A_514] : memref<10x64xi32, #tpu.memory_space<vmem>> -> memref<1x64xi32, #tpu.memory_space<vmem>>
        %dma_wait3A_516 = tpu.memref_squeeze %dma_wait3A_515 : memref<1x64xi32, #tpu.memory_space<vmem>> -> memref<64xi32, #tpu.memory_space<vmem>>
        %dma_wait3A_517 = arith.constant 0 : i32
        %dma_wait3A_518 = arith.constant 0 : i32
        %dma_wait3A_519 = tpu.memref_slice %arg2[%dma_wait3A_517, %dma_wait3A_518] : memref<10000x128xf32, #tpu.memory_space<hbm>> -> memref<10000x128xf32, #tpu.memory_space<hbm>>
        %dma_wait3A_520 = tpu.memref_slice %arg15[%dma_wait3A_509] : memref<5x!tpu.dma_semaphore, #tpu.memory_space<semaphore_mem>> -> memref<1x!tpu.dma_semaphore, #tpu.memory_space<semaphore_mem>>
        %dma_wait3A_521 = tpu.memref_squeeze %dma_wait3A_520 : memref<1x!tpu.dma_semaphore, #tpu.memory_space<semaphore_mem>> -> memref<!tpu.dma_semaphore, #tpu.memory_space<semaphore_mem>>
        tpu.wait_indirect_dma semaphore(%dma_wait3A_521 : memref<!tpu.dma_semaphore, #tpu.memory_space<semaphore_mem>>) src(%dma_wait3A_519 : memref<10000x128xf32, #tpu.memory_space<hbm>>) dst(%dma_wait3A_513 : memref<64x128xf32, #tpu.memory_space<vmem>>)
        %dma_wait3A_522 = arith.constant 2 : i32
        %dma_wait3A_523 = arith.constant 2 : i32
        %dma_wait3A_524 = arith.constant 0 : i32
        %dma_wait3A_525 = tpu.memref_slice %arg7[%dma_wait3A_522, %dma_wait3A_524] : memref<10x64xi32, #tpu.memory_space<vmem>> -> memref<1x64xi32, #tpu.memory_space<vmem>>
        %dma_wait3A_526 = tpu.memref_squeeze %dma_wait3A_525 : memref<1x64xi32, #tpu.memory_space<vmem>> -> memref<64xi32, #tpu.memory_space<vmem>>
        %dma_wait3A_527 = tpu.memref_slice %arg3[%mul3A_2] : memref<640000xi32, #tpu.memory_space<hbm>> -> memref<64xi32, #tpu.memory_space<hbm>>
        %dma_wait3A_528 = tpu.memref_slice %arg14[%dma_wait3A_523] : memref<10x!tpu.dma_semaphore, #tpu.memory_space<semaphore_mem>> -> memref<1x!tpu.dma_semaphore, #tpu.memory_space<semaphore_mem>>
        %dma_wait3A_529 = tpu.memref_squeeze %dma_wait3A_528 : memref<1x!tpu.dma_semaphore, #tpu.memory_space<semaphore_mem>> -> memref<!tpu.dma_semaphore, #tpu.memory_space<semaphore_mem>>
        %dma_wait3A_530 = arith.constant 0 : i32
        %dma_wait3A_531 = tpu.memref_slice %arg7[%dma_wait3A_522, %dma_wait3A_530] : memref<10x64xi32, #tpu.memory_space<vmem>> -> memref<1x64xi32, #tpu.memory_space<vmem>>
        %dma_wait3A_532 = tpu.memref_squeeze %dma_wait3A_531 : memref<1x64xi32, #tpu.memory_space<vmem>> -> memref<64xi32, #tpu.memory_space<vmem>>
        %dma_wait3A_533 = tpu.memref_slice %arg3[%mul3A_2] : memref<640000xi32, #tpu.memory_space<hbm>> -> memref<64xi32, #tpu.memory_space<hbm>>
        tpu.wait_dma2 semaphore(%dma_wait3A_529 : memref<!tpu.dma_semaphore, #tpu.memory_space<semaphore_mem>>) src(%dma_wait3A_533 : memref<64xi32, #tpu.memory_space<hbm>>) dst(%dma_wait3A_532 : memref<64xi32, #tpu.memory_space<vmem>>)
        %dma_start3A_534 = arith.constant 2 : i32
        %dma_start3A_535 = arith.constant 2 : i32
        %dma_start3A_536 = arith.constant 2 : i32
        %dma_start3A_537 = arith.constant 0 : i32
        %dma_start3A_538 = arith.constant 0 : i32
        %dma_start3A_539 = tpu.memref_slice %arg8[%dma_start3A_534, %dma_start3A_537, %dma_start3A_538] : memref<5x64x128xf32, #tpu.memory_space<vmem>> -> memref<1x64x128xf32, #tpu.memory_space<vmem>>
        %dma_start3A_540 = tpu.memref_squeeze %dma_start3A_539 : memref<1x64x128xf32, #tpu.memory_space<vmem>> -> memref<64x128xf32, #tpu.memory_space<vmem>>
        %dma_start3A_541 = arith.constant 0 : i32
        %dma_start3A_542 = tpu.memref_slice %arg7[%dma_start3A_535, %dma_start3A_541] : memref<10x64xi32, #tpu.memory_space<vmem>> -> memref<1x64xi32, #tpu.memory_space<vmem>>
        %dma_start3A_543 = tpu.memref_squeeze %dma_start3A_542 : memref<1x64xi32, #tpu.memory_space<vmem>> -> memref<64xi32, #tpu.memory_space<vmem>>
        %dma_start3A_544 = arith.constant 0 : i32
        %dma_start3A_545 = arith.constant 0 : i32
        %dma_start3A_546 = tpu.memref_slice %arg12[%dma_start3A_544, %dma_start3A_545] : memref<10240x128xf32, #tpu.memory_space<vmem_shared>> -> memref<10240x128xf32, #tpu.memory_space<vmem_shared>>
        %dma_start3A_547 = tpu.memref_slice %arg16[%dma_start3A_536] : memref<5x!tpu.dma_semaphore, #tpu.memory_space<semaphore_mem>> -> memref<1x!tpu.dma_semaphore, #tpu.memory_space<semaphore_mem>>
        %dma_start3A_548 = tpu.memref_squeeze %dma_start3A_547 : memref<1x!tpu.dma_semaphore, #tpu.memory_space<semaphore_mem>> -> memref<!tpu.dma_semaphore, #tpu.memory_space<semaphore_mem>>
        tpu.enqueue_indirect_dma source(%dma_start3A_540 : memref<64x128xf32, #tpu.memory_space<vmem>>) target(%dma_start3A_546 : memref<10240x128xf32, #tpu.memory_space<vmem_shared>>) offsets(%dma_start3A_543 : memref<64xi32, #tpu.memory_space<vmem>>) semaphore(%dma_start3A_548 : memref<!tpu.dma_semaphore, #tpu.memory_space<semaphore_mem>>) {add = true}
        %add3A_549 = arith.constant 2 : i32
        %add3A_550 = arith.addi %add3A_438, %add3A_549 : i32
        %lt3A_551 = arith.constant 156 : i32
        %lt3A_552 = arith.cmpi slt, %add3A_550, %lt3A_551 : i32
        %ge3A = arith.constant 3 : i32
        %ge3A_553 = arith.cmpi sge, %add3A_438, %ge3A : i32
        %and3A = arith.andi %lt3A_552, %ge3A_553 : i1
        %convert_element_type3A_554 = arith.extui %and3A : i1 to i32
        %cond3A_555 = arith.constant 0 : i32
        %cond3A_556 = arith.cmpi ne, %convert_element_type3A_554, %cond3A_555 : i32
        scf.if %cond3A_556 {
          %dma_wait3A_571 = arith.constant 4 : i32
          %dma_wait3A_572 = arith.constant 4 : i32
          %dma_wait3A_573 = arith.constant 4 : i32
          %dma_wait3A_574 = arith.constant 0 : i32
          %dma_wait3A_575 = arith.constant 0 : i32
          %dma_wait3A_576 = tpu.memref_slice %arg8[%dma_wait3A_571, %dma_wait3A_574, %dma_wait3A_575] : memref<5x64x128xf32, #tpu.memory_space<vmem>> -> memref<1x64x128xf32, #tpu.memory_space<vmem>>
          %dma_wait3A_577 = tpu.memref_squeeze %dma_wait3A_576 : memref<1x64x128xf32, #tpu.memory_space<vmem>> -> memref<64x128xf32, #tpu.memory_space<vmem>>
          %dma_wait3A_578 = arith.constant 0 : i32
          %dma_wait3A_579 = tpu.memref_slice %arg7[%dma_wait3A_572, %dma_wait3A_578] : memref<10x64xi32, #tpu.memory_space<vmem>> -> memref<1x64xi32, #tpu.memory_space<vmem>>
          %dma_wait3A_580 = tpu.memref_squeeze %dma_wait3A_579 : memref<1x64xi32, #tpu.memory_space<vmem>> -> memref<64xi32, #tpu.memory_space<vmem>>
          %dma_wait3A_581 = arith.constant 0 : i32
          %dma_wait3A_582 = arith.constant 0 : i32
          %dma_wait3A_583 = tpu.memref_slice %arg12[%dma_wait3A_581, %dma_wait3A_582] : memref<10240x128xf32, #tpu.memory_space<vmem_shared>> -> memref<10240x128xf32, #tpu.memory_space<vmem_shared>>
          %dma_wait3A_584 = tpu.memref_slice %arg16[%dma_wait3A_573] : memref<5x!tpu.dma_semaphore, #tpu.memory_space<semaphore_mem>> -> memref<1x!tpu.dma_semaphore, #tpu.memory_space<semaphore_mem>>
          %dma_wait3A_585 = tpu.memref_squeeze %dma_wait3A_584 : memref<1x!tpu.dma_semaphore, #tpu.memory_space<semaphore_mem>> -> memref<!tpu.dma_semaphore, #tpu.memory_space<semaphore_mem>>
          tpu.wait_indirect_dma semaphore(%dma_wait3A_585 : memref<!tpu.dma_semaphore, #tpu.memory_space<semaphore_mem>>) src(%dma_wait3A_577 : memref<64x128xf32, #tpu.memory_space<vmem>>) dst(%dma_wait3A_583 : memref<10240x128xf32, #tpu.memory_space<vmem_shared>>)
        } else {
        }
        %add3A_557 = arith.constant 2 : i32
        %add3A_558 = arith.addi %add3A_438, %add3A_557 : i32
        %lt3A_559 = arith.constant 156 : i32
        %lt3A_560 = arith.cmpi slt, %add3A_558, %lt3A_559 : i32
        %convert_element_type3A_561 = arith.extui %lt3A_560 : i1 to i32
        %cond3A_562 = arith.constant 0 : i32
        %cond3A_563 = arith.cmpi ne, %convert_element_type3A_561, %cond3A_562 : i32
        scf.if %cond3A_563 {
          %dma_wait3A_571 = arith.constant 4 : i32
          %dma_wait3A_572 = arith.constant 4 : i32
          %dma_wait3A_573 = arith.constant 0 : i32
          %dma_wait3A_574 = tpu.memref_slice %arg6[%dma_wait3A_571, %dma_wait3A_573] : memref<10x64xi32, #tpu.memory_space<vmem>> -> memref<1x64xi32, #tpu.memory_space<vmem>>
          %dma_wait3A_575 = tpu.memref_squeeze %dma_wait3A_574 : memref<1x64xi32, #tpu.memory_space<vmem>> -> memref<64xi32, #tpu.memory_space<vmem>>
          %dma_wait3A_576 = tpu.memref_slice %arg3[%mul3A_2] : memref<640000xi32, #tpu.memory_space<hbm>> -> memref<64xi32, #tpu.memory_space<hbm>>
          %dma_wait3A_577 = tpu.memref_slice %arg13[%dma_wait3A_572] : memref<10x!tpu.dma_semaphore, #tpu.memory_space<semaphore_mem>> -> memref<1x!tpu.dma_semaphore, #tpu.memory_space<semaphore_mem>>
          %dma_wait3A_578 = tpu.memref_squeeze %dma_wait3A_577 : memref<1x!tpu.dma_semaphore, #tpu.memory_space<semaphore_mem>> -> memref<!tpu.dma_semaphore, #tpu.memory_space<semaphore_mem>>
          %dma_wait3A_579 = arith.constant 0 : i32
          %dma_wait3A_580 = tpu.memref_slice %arg6[%dma_wait3A_571, %dma_wait3A_579] : memref<10x64xi32, #tpu.memory_space<vmem>> -> memref<1x64xi32, #tpu.memory_space<vmem>>
          %dma_wait3A_581 = tpu.memref_squeeze %dma_wait3A_580 : memref<1x64xi32, #tpu.memory_space<vmem>> -> memref<64xi32, #tpu.memory_space<vmem>>
          %dma_wait3A_582 = tpu.memref_slice %arg3[%mul3A_2] : memref<640000xi32, #tpu.memory_space<hbm>> -> memref<64xi32, #tpu.memory_space<hbm>>
          tpu.wait_dma2 semaphore(%dma_wait3A_578 : memref<!tpu.dma_semaphore, #tpu.memory_space<semaphore_mem>>) src(%dma_wait3A_582 : memref<64xi32, #tpu.memory_space<hbm>>) dst(%dma_wait3A_581 : memref<64xi32, #tpu.memory_space<vmem>>)
          %add3A_583 = arith.constant 2 : i32
          %add3A_584 = arith.addi %add3A_438, %add3A_583 : i32
          %dma_start3A_585 = arith.constant 4 : i32
          %dma_start3A_586 = arith.constant 4 : i32
          %dma_start3A_587 = arith.constant 4 : i32
          %dma_start3A_588 = arith.constant 0 : i32
          %dma_start3A_589 = arith.constant 0 : i32
          %dma_start3A_590 = tpu.memref_slice %arg8[%dma_start3A_586, %dma_start3A_588, %dma_start3A_589] : memref<5x64x128xf32, #tpu.memory_space<vmem>> -> memref<1x64x128xf32, #tpu.memory_space<vmem>>
          %dma_start3A_591 = tpu.memref_squeeze %dma_start3A_590 : memref<1x64x128xf32, #tpu.memory_space<vmem>> -> memref<64x128xf32, #tpu.memory_space<vmem>>
          %dma_start3A_592 = arith.constant 0 : i32
          %dma_start3A_593 = tpu.memref_slice %arg6[%dma_start3A_585, %dma_start3A_592] : memref<10x64xi32, #tpu.memory_space<vmem>> -> memref<1x64xi32, #tpu.memory_space<vmem>>
          %dma_start3A_594 = tpu.memref_squeeze %dma_start3A_593 : memref<1x64xi32, #tpu.memory_space<vmem>> -> memref<64xi32, #tpu.memory_space<vmem>>
          %dma_start3A_595 = arith.constant 0 : i32
          %dma_start3A_596 = arith.constant 0 : i32
          %dma_start3A_597 = tpu.memref_slice %arg2[%dma_start3A_595, %dma_start3A_596] : memref<10000x128xf32, #tpu.memory_space<hbm>> -> memref<10000x128xf32, #tpu.memory_space<hbm>>
          %dma_start3A_598 = tpu.memref_slice %arg15[%dma_start3A_587] : memref<5x!tpu.dma_semaphore, #tpu.memory_space<semaphore_mem>> -> memref<1x!tpu.dma_semaphore, #tpu.memory_space<semaphore_mem>>
          %dma_start3A_599 = tpu.memref_squeeze %dma_start3A_598 : memref<1x!tpu.dma_semaphore, #tpu.memory_space<semaphore_mem>> -> memref<!tpu.dma_semaphore, #tpu.memory_space<semaphore_mem>>
          tpu.enqueue_indirect_dma source(%dma_start3A_597 : memref<10000x128xf32, #tpu.memory_space<hbm>>) target(%dma_start3A_591 : memref<64x128xf32, #tpu.memory_space<vmem>>) offsets(%dma_start3A_594 : memref<64xi32, #tpu.memory_space<vmem>>) semaphore(%dma_start3A_599 : memref<!tpu.dma_semaphore, #tpu.memory_space<semaphore_mem>>)
        } else {
        }
        %add3A_564 = arith.constant 6 : i32
        %add3A_565 = arith.addi %add3A_438, %add3A_564 : i32
        %lt3A_566 = arith.constant 156 : i32
        %lt3A_567 = arith.cmpi slt, %add3A_565, %lt3A_566 : i32
        %convert_element_type3A_568 = arith.extui %lt3A_567 : i1 to i32
        %cond3A_569 = arith.constant 0 : i32
        %cond3A_570 = arith.cmpi ne, %convert_element_type3A_568, %cond3A_569 : i32
        scf.if %cond3A_570 {
          %add3A_571 = arith.constant 6 : i32
          %add3A_572 = arith.addi %add3A_438, %add3A_571 : i32
          %mul3A_573 = arith.constant 64 : i32
          %mul3A_574 = arith.muli %add3A_572, %mul3A_573 : i32
          %add3A_575 = arith.addi %mul3A_2, %mul3A_574 : i32
          %dma_start3A_576 = arith.constant 8 : i32
          %dma_start3A_577 = arith.constant 8 : i32
          %dma_start3A_578 = arith.constant 0 : i32
          %dma_start3A_579 = tpu.memref_slice %arg6[%dma_start3A_576, %dma_start3A_578] : memref<10x64xi32, #tpu.memory_space<vmem>> -> memref<1x64xi32, #tpu.memory_space<vmem>>
          %dma_start3A_580 = tpu.memref_squeeze %dma_start3A_579 : memref<1x64xi32, #tpu.memory_space<vmem>> -> memref<64xi32, #tpu.memory_space<vmem>>
          %dma_start3A_581 = tpu.memref_slice %arg3[%add3A_575] : memref<640000xi32, #tpu.memory_space<hbm>> -> memref<64xi32, #tpu.memory_space<hbm>>
          %dma_start3A_582 = tpu.memref_slice %arg13[%dma_start3A_577] : memref<10x!tpu.dma_semaphore, #tpu.memory_space<semaphore_mem>> -> memref<1x!tpu.dma_semaphore, #tpu.memory_space<semaphore_mem>>
          %dma_start3A_583 = tpu.memref_squeeze %dma_start3A_582 : memref<1x!tpu.dma_semaphore, #tpu.memory_space<semaphore_mem>> -> memref<!tpu.dma_semaphore, #tpu.memory_space<semaphore_mem>>
          %dma_start3A_584 = arith.constant 0 : i32
          %dma_start3A_585 = tpu.memref_slice %arg6[%dma_start3A_576, %dma_start3A_584] : memref<10x64xi32, #tpu.memory_space<vmem>> -> memref<1x64xi32, #tpu.memory_space<vmem>>
          %dma_start3A_586 = tpu.memref_squeeze %dma_start3A_585 : memref<1x64xi32, #tpu.memory_space<vmem>> -> memref<64xi32, #tpu.memory_space<vmem>>
          %dma_start3A_587 = tpu.memref_slice %arg3[%add3A_575] : memref<640000xi32, #tpu.memory_space<hbm>> -> memref<64xi32, #tpu.memory_space<hbm>>
          tpu.enqueue_dma source(%dma_start3A_587 : memref<64xi32, #tpu.memory_space<hbm>>) target(%dma_start3A_586 : memref<64xi32, #tpu.memory_space<vmem>>) target_semaphore(%dma_start3A_583 : memref<!tpu.dma_semaphore, #tpu.memory_space<semaphore_mem>>)
          %add3A_588 = arith.constant 320000 : i32
          %add3A_589 = arith.addi %add3A_588, %mul3A_2 : i32
          %mul3A_590 = arith.constant 64 : i32
          %mul3A_591 = arith.muli %add3A_572, %mul3A_590 : i32
          %add3A_592 = arith.addi %add3A_589, %mul3A_591 : i32
          %dma_start3A_593 = arith.constant 8 : i32
          %dma_start3A_594 = arith.constant 8 : i32
          %dma_start3A_595 = arith.constant 0 : i32
          %dma_start3A_596 = tpu.memref_slice %arg7[%dma_start3A_593, %dma_start3A_595] : memref<10x64xi32, #tpu.memory_space<vmem>> -> memref<1x64xi32, #tpu.memory_space<vmem>>
          %dma_start3A_597 = tpu.memref_squeeze %dma_start3A_596 : memref<1x64xi32, #tpu.memory_space<vmem>> -> memref<64xi32, #tpu.memory_space<vmem>>
          %dma_start3A_598 = tpu.memref_slice %arg3[%add3A_592] : memref<640000xi32, #tpu.memory_space<hbm>> -> memref<64xi32, #tpu.memory_space<hbm>>
          %dma_start3A_599 = tpu.memref_slice %arg14[%dma_start3A_594] : memref<10x!tpu.dma_semaphore, #tpu.memory_space<semaphore_mem>> -> memref<1x!tpu.dma_semaphore, #tpu.memory_space<semaphore_mem>>
          %dma_start3A_600 = tpu.memref_squeeze %dma_start3A_599 : memref<1x!tpu.dma_semaphore, #tpu.memory_space<semaphore_mem>> -> memref<!tpu.dma_semaphore, #tpu.memory_space<semaphore_mem>>
          %dma_start3A_601 = arith.constant 0 : i32
          %dma_start3A_602 = tpu.memref_slice %arg7[%dma_start3A_593, %dma_start3A_601] : memref<10x64xi32, #tpu.memory_space<vmem>> -> memref<1x64xi32, #tpu.memory_space<vmem>>
          %dma_start3A_603 = tpu.memref_squeeze %dma_start3A_602 : memref<1x64xi32, #tpu.memory_space<vmem>> -> memref<64xi32, #tpu.memory_space<vmem>>
          %dma_start3A_604 = tpu.memref_slice %arg3[%add3A_592] : memref<640000xi32, #tpu.memory_space<hbm>> -> memref<64xi32, #tpu.memory_space<hbm>>
          tpu.enqueue_dma source(%dma_start3A_604 : memref<64xi32, #tpu.memory_space<hbm>>) target(%dma_start3A_603 : memref<64xi32, #tpu.memory_space<vmem>>) target_semaphore(%dma_start3A_600 : memref<!tpu.dma_semaphore, #tpu.memory_space<semaphore_mem>>)
        } else {
        }
      } else {
      }
      %mul3A_444 = arith.constant 10 : i32
      %mul3A_445 = arith.muli %mul3A_444, %scan3A_417 : i32
      %add3A_446 = arith.constant 3 : i32
      %add3A_447 = arith.addi %mul3A_445, %add3A_446 : i32
      %lt3A_448 = arith.constant 156 : i32
      %lt3A_449 = arith.cmpi slt, %add3A_447, %lt3A_448 : i32
      %convert_element_type3A_450 = arith.extui %lt3A_449 : i1 to i32
      %cond3A_451 = arith.constant 0 : i32
      %cond3A_452 = arith.cmpi ne, %convert_element_type3A_450, %cond3A_451 : i32
      scf.if %cond3A_452 {
        %dma_wait3A_507 = arith.constant 3 : i32
        %dma_wait3A_508 = arith.constant 3 : i32
        %dma_wait3A_509 = arith.constant 3 : i32
        %dma_wait3A_510 = arith.constant 0 : i32
        %dma_wait3A_511 = arith.constant 0 : i32
        %dma_wait3A_512 = tpu.memref_slice %arg8[%dma_wait3A_508, %dma_wait3A_510, %dma_wait3A_511] : memref<5x64x128xf32, #tpu.memory_space<vmem>> -> memref<1x64x128xf32, #tpu.memory_space<vmem>>
        %dma_wait3A_513 = tpu.memref_squeeze %dma_wait3A_512 : memref<1x64x128xf32, #tpu.memory_space<vmem>> -> memref<64x128xf32, #tpu.memory_space<vmem>>
        %dma_wait3A_514 = arith.constant 0 : i32
        %dma_wait3A_515 = tpu.memref_slice %arg6[%dma_wait3A_507, %dma_wait3A_514] : memref<10x64xi32, #tpu.memory_space<vmem>> -> memref<1x64xi32, #tpu.memory_space<vmem>>
        %dma_wait3A_516 = tpu.memref_squeeze %dma_wait3A_515 : memref<1x64xi32, #tpu.memory_space<vmem>> -> memref<64xi32, #tpu.memory_space<vmem>>
        %dma_wait3A_517 = arith.constant 0 : i32
        %dma_wait3A_518 = arith.constant 0 : i32
        %dma_wait3A_519 = tpu.memref_slice %arg2[%dma_wait3A_517, %dma_wait3A_518] : memref<10000x128xf32, #tpu.memory_space<hbm>> -> memref<10000x128xf32, #tpu.memory_space<hbm>>
        %dma_wait3A_520 = tpu.memref_slice %arg15[%dma_wait3A_509] : memref<5x!tpu.dma_semaphore, #tpu.memory_space<semaphore_mem>> -> memref<1x!tpu.dma_semaphore, #tpu.memory_space<semaphore_mem>>
        %dma_wait3A_521 = tpu.memref_squeeze %dma_wait3A_520 : memref<1x!tpu.dma_semaphore, #tpu.memory_space<semaphore_mem>> -> memref<!tpu.dma_semaphore, #tpu.memory_space<semaphore_mem>>
        tpu.wait_indirect_dma semaphore(%dma_wait3A_521 : memref<!tpu.dma_semaphore, #tpu.memory_space<semaphore_mem>>) src(%dma_wait3A_519 : memref<10000x128xf32, #tpu.memory_space<hbm>>) dst(%dma_wait3A_513 : memref<64x128xf32, #tpu.memory_space<vmem>>)
        %dma_wait3A_522 = arith.constant 3 : i32
        %dma_wait3A_523 = arith.constant 3 : i32
        %dma_wait3A_524 = arith.constant 0 : i32
        %dma_wait3A_525 = tpu.memref_slice %arg7[%dma_wait3A_522, %dma_wait3A_524] : memref<10x64xi32, #tpu.memory_space<vmem>> -> memref<1x64xi32, #tpu.memory_space<vmem>>
        %dma_wait3A_526 = tpu.memref_squeeze %dma_wait3A_525 : memref<1x64xi32, #tpu.memory_space<vmem>> -> memref<64xi32, #tpu.memory_space<vmem>>
        %dma_wait3A_527 = tpu.memref_slice %arg3[%mul3A_2] : memref<640000xi32, #tpu.memory_space<hbm>> -> memref<64xi32, #tpu.memory_space<hbm>>
        %dma_wait3A_528 = tpu.memref_slice %arg14[%dma_wait3A_523] : memref<10x!tpu.dma_semaphore, #tpu.memory_space<semaphore_mem>> -> memref<1x!tpu.dma_semaphore, #tpu.memory_space<semaphore_mem>>
        %dma_wait3A_529 = tpu.memref_squeeze %dma_wait3A_528 : memref<1x!tpu.dma_semaphore, #tpu.memory_space<semaphore_mem>> -> memref<!tpu.dma_semaphore, #tpu.memory_space<semaphore_mem>>
        %dma_wait3A_530 = arith.constant 0 : i32
        %dma_wait3A_531 = tpu.memref_slice %arg7[%dma_wait3A_522, %dma_wait3A_530] : memref<10x64xi32, #tpu.memory_space<vmem>> -> memref<1x64xi32, #tpu.memory_space<vmem>>
        %dma_wait3A_532 = tpu.memref_squeeze %dma_wait3A_531 : memref<1x64xi32, #tpu.memory_space<vmem>> -> memref<64xi32, #tpu.memory_space<vmem>>
        %dma_wait3A_533 = tpu.memref_slice %arg3[%mul3A_2] : memref<640000xi32, #tpu.memory_space<hbm>> -> memref<64xi32, #tpu.memory_space<hbm>>
        tpu.wait_dma2 semaphore(%dma_wait3A_529 : memref<!tpu.dma_semaphore, #tpu.memory_space<semaphore_mem>>) src(%dma_wait3A_533 : memref<64xi32, #tpu.memory_space<hbm>>) dst(%dma_wait3A_532 : memref<64xi32, #tpu.memory_space<vmem>>)
        %dma_start3A_534 = arith.constant 3 : i32
        %dma_start3A_535 = arith.constant 3 : i32
        %dma_start3A_536 = arith.constant 3 : i32
        %dma_start3A_537 = arith.constant 0 : i32
        %dma_start3A_538 = arith.constant 0 : i32
        %dma_start3A_539 = tpu.memref_slice %arg8[%dma_start3A_534, %dma_start3A_537, %dma_start3A_538] : memref<5x64x128xf32, #tpu.memory_space<vmem>> -> memref<1x64x128xf32, #tpu.memory_space<vmem>>
        %dma_start3A_540 = tpu.memref_squeeze %dma_start3A_539 : memref<1x64x128xf32, #tpu.memory_space<vmem>> -> memref<64x128xf32, #tpu.memory_space<vmem>>
        %dma_start3A_541 = arith.constant 0 : i32
        %dma_start3A_542 = tpu.memref_slice %arg7[%dma_start3A_535, %dma_start3A_541] : memref<10x64xi32, #tpu.memory_space<vmem>> -> memref<1x64xi32, #tpu.memory_space<vmem>>
        %dma_start3A_543 = tpu.memref_squeeze %dma_start3A_542 : memref<1x64xi32, #tpu.memory_space<vmem>> -> memref<64xi32, #tpu.memory_space<vmem>>
        %dma_start3A_544 = arith.constant 0 : i32
        %dma_start3A_545 = arith.constant 0 : i32
        %dma_start3A_546 = tpu.memref_slice %arg12[%dma_start3A_544, %dma_start3A_545] : memref<10240x128xf32, #tpu.memory_space<vmem_shared>> -> memref<10240x128xf32, #tpu.memory_space<vmem_shared>>
        %dma_start3A_547 = tpu.memref_slice %arg16[%dma_start3A_536] : memref<5x!tpu.dma_semaphore, #tpu.memory_space<semaphore_mem>> -> memref<1x!tpu.dma_semaphore, #tpu.memory_space<semaphore_mem>>
        %dma_start3A_548 = tpu.memref_squeeze %dma_start3A_547 : memref<1x!tpu.dma_semaphore, #tpu.memory_space<semaphore_mem>> -> memref<!tpu.dma_semaphore, #tpu.memory_space<semaphore_mem>>
        tpu.enqueue_indirect_dma source(%dma_start3A_540 : memref<64x128xf32, #tpu.memory_space<vmem>>) target(%dma_start3A_546 : memref<10240x128xf32, #tpu.memory_space<vmem_shared>>) offsets(%dma_start3A_543 : memref<64xi32, #tpu.memory_space<vmem>>) semaphore(%dma_start3A_548 : memref<!tpu.dma_semaphore, #tpu.memory_space<semaphore_mem>>) {add = true}
        %add3A_549 = arith.constant 2 : i32
        %add3A_550 = arith.addi %add3A_447, %add3A_549 : i32
        %lt3A_551 = arith.constant 156 : i32
        %lt3A_552 = arith.cmpi slt, %add3A_550, %lt3A_551 : i32
        %ge3A = arith.constant 3 : i32
        %ge3A_553 = arith.cmpi sge, %add3A_447, %ge3A : i32
        %and3A = arith.andi %lt3A_552, %ge3A_553 : i1
        %convert_element_type3A_554 = arith.extui %and3A : i1 to i32
        %cond3A_555 = arith.constant 0 : i32
        %cond3A_556 = arith.cmpi ne, %convert_element_type3A_554, %cond3A_555 : i32
        scf.if %cond3A_556 {
          %dma_wait3A_571 = arith.constant 0 : i32
          %dma_wait3A_572 = arith.constant 5 : i32
          %dma_wait3A_573 = arith.constant 0 : i32
          %dma_wait3A_574 = arith.constant 0 : i32
          %dma_wait3A_575 = arith.constant 0 : i32
          %dma_wait3A_576 = tpu.memref_slice %arg8[%dma_wait3A_571, %dma_wait3A_574, %dma_wait3A_575] : memref<5x64x128xf32, #tpu.memory_space<vmem>> -> memref<1x64x128xf32, #tpu.memory_space<vmem>>
          %dma_wait3A_577 = tpu.memref_squeeze %dma_wait3A_576 : memref<1x64x128xf32, #tpu.memory_space<vmem>> -> memref<64x128xf32, #tpu.memory_space<vmem>>
          %dma_wait3A_578 = arith.constant 0 : i32
          %dma_wait3A_579 = tpu.memref_slice %arg7[%dma_wait3A_572, %dma_wait3A_578] : memref<10x64xi32, #tpu.memory_space<vmem>> -> memref<1x64xi32, #tpu.memory_space<vmem>>
          %dma_wait3A_580 = tpu.memref_squeeze %dma_wait3A_579 : memref<1x64xi32, #tpu.memory_space<vmem>> -> memref<64xi32, #tpu.memory_space<vmem>>
          %dma_wait3A_581 = arith.constant 0 : i32
          %dma_wait3A_582 = arith.constant 0 : i32
          %dma_wait3A_583 = tpu.memref_slice %arg12[%dma_wait3A_581, %dma_wait3A_582] : memref<10240x128xf32, #tpu.memory_space<vmem_shared>> -> memref<10240x128xf32, #tpu.memory_space<vmem_shared>>
          %dma_wait3A_584 = tpu.memref_slice %arg16[%dma_wait3A_573] : memref<5x!tpu.dma_semaphore, #tpu.memory_space<semaphore_mem>> -> memref<1x!tpu.dma_semaphore, #tpu.memory_space<semaphore_mem>>
          %dma_wait3A_585 = tpu.memref_squeeze %dma_wait3A_584 : memref<1x!tpu.dma_semaphore, #tpu.memory_space<semaphore_mem>> -> memref<!tpu.dma_semaphore, #tpu.memory_space<semaphore_mem>>
          tpu.wait_indirect_dma semaphore(%dma_wait3A_585 : memref<!tpu.dma_semaphore, #tpu.memory_space<semaphore_mem>>) src(%dma_wait3A_577 : memref<64x128xf32, #tpu.memory_space<vmem>>) dst(%dma_wait3A_583 : memref<10240x128xf32, #tpu.memory_space<vmem_shared>>)
        } else {
        }
        %add3A_557 = arith.constant 2 : i32
        %add3A_558 = arith.addi %add3A_447, %add3A_557 : i32
        %lt3A_559 = arith.constant 156 : i32
        %lt3A_560 = arith.cmpi slt, %add3A_558, %lt3A_559 : i32
        %convert_element_type3A_561 = arith.extui %lt3A_560 : i1 to i32
        %cond3A_562 = arith.constant 0 : i32
        %cond3A_563 = arith.cmpi ne, %convert_element_type3A_561, %cond3A_562 : i32
        scf.if %cond3A_563 {
          %dma_wait3A_571 = arith.constant 5 : i32
          %dma_wait3A_572 = arith.constant 5 : i32
          %dma_wait3A_573 = arith.constant 0 : i32
          %dma_wait3A_574 = tpu.memref_slice %arg6[%dma_wait3A_571, %dma_wait3A_573] : memref<10x64xi32, #tpu.memory_space<vmem>> -> memref<1x64xi32, #tpu.memory_space<vmem>>
          %dma_wait3A_575 = tpu.memref_squeeze %dma_wait3A_574 : memref<1x64xi32, #tpu.memory_space<vmem>> -> memref<64xi32, #tpu.memory_space<vmem>>
          %dma_wait3A_576 = tpu.memref_slice %arg3[%mul3A_2] : memref<640000xi32, #tpu.memory_space<hbm>> -> memref<64xi32, #tpu.memory_space<hbm>>
          %dma_wait3A_577 = tpu.memref_slice %arg13[%dma_wait3A_572] : memref<10x!tpu.dma_semaphore, #tpu.memory_space<semaphore_mem>> -> memref<1x!tpu.dma_semaphore, #tpu.memory_space<semaphore_mem>>
          %dma_wait3A_578 = tpu.memref_squeeze %dma_wait3A_577 : memref<1x!tpu.dma_semaphore, #tpu.memory_space<semaphore_mem>> -> memref<!tpu.dma_semaphore, #tpu.memory_space<semaphore_mem>>
          %dma_wait3A_579 = arith.constant 0 : i32
          %dma_wait3A_580 = tpu.memref_slice %arg6[%dma_wait3A_571, %dma_wait3A_579] : memref<10x64xi32, #tpu.memory_space<vmem>> -> memref<1x64xi32, #tpu.memory_space<vmem>>
          %dma_wait3A_581 = tpu.memref_squeeze %dma_wait3A_580 : memref<1x64xi32, #tpu.memory_space<vmem>> -> memref<64xi32, #tpu.memory_space<vmem>>
          %dma_wait3A_582 = tpu.memref_slice %arg3[%mul3A_2] : memref<640000xi32, #tpu.memory_space<hbm>> -> memref<64xi32, #tpu.memory_space<hbm>>
          tpu.wait_dma2 semaphore(%dma_wait3A_578 : memref<!tpu.dma_semaphore, #tpu.memory_space<semaphore_mem>>) src(%dma_wait3A_582 : memref<64xi32, #tpu.memory_space<hbm>>) dst(%dma_wait3A_581 : memref<64xi32, #tpu.memory_space<vmem>>)
          %add3A_583 = arith.constant 2 : i32
          %add3A_584 = arith.addi %add3A_447, %add3A_583 : i32
          %dma_start3A_585 = arith.constant 5 : i32
          %dma_start3A_586 = arith.constant 0 : i32
          %dma_start3A_587 = arith.constant 0 : i32
          %dma_start3A_588 = arith.constant 0 : i32
          %dma_start3A_589 = arith.constant 0 : i32
          %dma_start3A_590 = tpu.memref_slice %arg8[%dma_start3A_586, %dma_start3A_588, %dma_start3A_589] : memref<5x64x128xf32, #tpu.memory_space<vmem>> -> memref<1x64x128xf32, #tpu.memory_space<vmem>>
          %dma_start3A_591 = tpu.memref_squeeze %dma_start3A_590 : memref<1x64x128xf32, #tpu.memory_space<vmem>> -> memref<64x128xf32, #tpu.memory_space<vmem>>
          %dma_start3A_592 = arith.constant 0 : i32
          %dma_start3A_593 = tpu.memref_slice %arg6[%dma_start3A_585, %dma_start3A_592] : memref<10x64xi32, #tpu.memory_space<vmem>> -> memref<1x64xi32, #tpu.memory_space<vmem>>
          %dma_start3A_594 = tpu.memref_squeeze %dma_start3A_593 : memref<1x64xi32, #tpu.memory_space<vmem>> -> memref<64xi32, #tpu.memory_space<vmem>>
          %dma_start3A_595 = arith.constant 0 : i32
          %dma_start3A_596 = arith.constant 0 : i32
          %dma_start3A_597 = tpu.memref_slice %arg2[%dma_start3A_595, %dma_start3A_596] : memref<10000x128xf32, #tpu.memory_space<hbm>> -> memref<10000x128xf32, #tpu.memory_space<hbm>>
          %dma_start3A_598 = tpu.memref_slice %arg15[%dma_start3A_587] : memref<5x!tpu.dma_semaphore, #tpu.memory_space<semaphore_mem>> -> memref<1x!tpu.dma_semaphore, #tpu.memory_space<semaphore_mem>>
          %dma_start3A_599 = tpu.memref_squeeze %dma_start3A_598 : memref<1x!tpu.dma_semaphore, #tpu.memory_space<semaphore_mem>> -> memref<!tpu.dma_semaphore, #tpu.memory_space<semaphore_mem>>
          tpu.enqueue_indirect_dma source(%dma_start3A_597 : memref<10000x128xf32, #tpu.memory_space<hbm>>) target(%dma_start3A_591 : memref<64x128xf32, #tpu.memory_space<vmem>>) offsets(%dma_start3A_594 : memref<64xi32, #tpu.memory_space<vmem>>) semaphore(%dma_start3A_599 : memref<!tpu.dma_semaphore, #tpu.memory_space<semaphore_mem>>)
        } else {
        }
        %add3A_564 = arith.constant 6 : i32
        %add3A_565 = arith.addi %add3A_447, %add3A_564 : i32
        %lt3A_566 = arith.constant 156 : i32
        %lt3A_567 = arith.cmpi slt, %add3A_565, %lt3A_566 : i32
        %convert_element_type3A_568 = arith.extui %lt3A_567 : i1 to i32
        %cond3A_569 = arith.constant 0 : i32
        %cond3A_570 = arith.cmpi ne, %convert_element_type3A_568, %cond3A_569 : i32
        scf.if %cond3A_570 {
          %add3A_571 = arith.constant 6 : i32
          %add3A_572 = arith.addi %add3A_447, %add3A_571 : i32
          %mul3A_573 = arith.constant 64 : i32
          %mul3A_574 = arith.muli %add3A_572, %mul3A_573 : i32
          %add3A_575 = arith.addi %mul3A_2, %mul3A_574 : i32
          %dma_start3A_576 = arith.constant 9 : i32
          %dma_start3A_577 = arith.constant 9 : i32
          %dma_start3A_578 = arith.constant 0 : i32
          %dma_start3A_579 = tpu.memref_slice %arg6[%dma_start3A_576, %dma_start3A_578] : memref<10x64xi32, #tpu.memory_space<vmem>> -> memref<1x64xi32, #tpu.memory_space<vmem>>
          %dma_start3A_580 = tpu.memref_squeeze %dma_start3A_579 : memref<1x64xi32, #tpu.memory_space<vmem>> -> memref<64xi32, #tpu.memory_space<vmem>>
          %dma_start3A_581 = tpu.memref_slice %arg3[%add3A_575] : memref<640000xi32, #tpu.memory_space<hbm>> -> memref<64xi32, #tpu.memory_space<hbm>>
          %dma_start3A_582 = tpu.memref_slice %arg13[%dma_start3A_577] : memref<10x!tpu.dma_semaphore, #tpu.memory_space<semaphore_mem>> -> memref<1x!tpu.dma_semaphore, #tpu.memory_space<semaphore_mem>>
          %dma_start3A_583 = tpu.memref_squeeze %dma_start3A_582 : memref<1x!tpu.dma_semaphore, #tpu.memory_space<semaphore_mem>> -> memref<!tpu.dma_semaphore, #tpu.memory_space<semaphore_mem>>
          %dma_start3A_584 = arith.constant 0 : i32
          %dma_start3A_585 = tpu.memref_slice %arg6[%dma_start3A_576, %dma_start3A_584] : memref<10x64xi32, #tpu.memory_space<vmem>> -> memref<1x64xi32, #tpu.memory_space<vmem>>
          %dma_start3A_586 = tpu.memref_squeeze %dma_start3A_585 : memref<1x64xi32, #tpu.memory_space<vmem>> -> memref<64xi32, #tpu.memory_space<vmem>>
          %dma_start3A_587 = tpu.memref_slice %arg3[%add3A_575] : memref<640000xi32, #tpu.memory_space<hbm>> -> memref<64xi32, #tpu.memory_space<hbm>>
          tpu.enqueue_dma source(%dma_start3A_587 : memref<64xi32, #tpu.memory_space<hbm>>) target(%dma_start3A_586 : memref<64xi32, #tpu.memory_space<vmem>>) target_semaphore(%dma_start3A_583 : memref<!tpu.dma_semaphore, #tpu.memory_space<semaphore_mem>>)
          %add3A_588 = arith.constant 320000 : i32
          %add3A_589 = arith.addi %add3A_588, %mul3A_2 : i32
          %mul3A_590 = arith.constant 64 : i32
          %mul3A_591 = arith.muli %add3A_572, %mul3A_590 : i32
          %add3A_592 = arith.addi %add3A_589, %mul3A_591 : i32
          %dma_start3A_593 = arith.constant 9 : i32
          %dma_start3A_594 = arith.constant 9 : i32
          %dma_start3A_595 = arith.constant 0 : i32
          %dma_start3A_596 = tpu.memref_slice %arg7[%dma_start3A_593, %dma_start3A_595] : memref<10x64xi32, #tpu.memory_space<vmem>> -> memref<1x64xi32, #tpu.memory_space<vmem>>
          %dma_start3A_597 = tpu.memref_squeeze %dma_start3A_596 : memref<1x64xi32, #tpu.memory_space<vmem>> -> memref<64xi32, #tpu.memory_space<vmem>>
          %dma_start3A_598 = tpu.memref_slice %arg3[%add3A_592] : memref<640000xi32, #tpu.memory_space<hbm>> -> memref<64xi32, #tpu.memory_space<hbm>>
          %dma_start3A_599 = tpu.memref_slice %arg14[%dma_start3A_594] : memref<10x!tpu.dma_semaphore, #tpu.memory_space<semaphore_mem>> -> memref<1x!tpu.dma_semaphore, #tpu.memory_space<semaphore_mem>>
          %dma_start3A_600 = tpu.memref_squeeze %dma_start3A_599 : memref<1x!tpu.dma_semaphore, #tpu.memory_space<semaphore_mem>> -> memref<!tpu.dma_semaphore, #tpu.memory_space<semaphore_mem>>
          %dma_start3A_601 = arith.constant 0 : i32
          %dma_start3A_602 = tpu.memref_slice %arg7[%dma_start3A_593, %dma_start3A_601] : memref<10x64xi32, #tpu.memory_space<vmem>> -> memref<1x64xi32, #tpu.memory_space<vmem>>
          %dma_start3A_603 = tpu.memref_squeeze %dma_start3A_602 : memref<1x64xi32, #tpu.memory_space<vmem>> -> memref<64xi32, #tpu.memory_space<vmem>>
          %dma_start3A_604 = tpu.memref_slice %arg3[%add3A_592] : memref<640000xi32, #tpu.memory_space<hbm>> -> memref<64xi32, #tpu.memory_space<hbm>>
          tpu.enqueue_dma source(%dma_start3A_604 : memref<64xi32, #tpu.memory_space<hbm>>) target(%dma_start3A_603 : memref<64xi32, #tpu.memory_space<vmem>>) target_semaphore(%dma_start3A_600 : memref<!tpu.dma_semaphore, #tpu.memory_space<semaphore_mem>>)
        } else {
        }
      } else {
      }
      %mul3A_453 = arith.constant 10 : i32
      %mul3A_454 = arith.muli %mul3A_453, %scan3A_417 : i32
      %add3A_455 = arith.constant 4 : i32
      %add3A_456 = arith.addi %mul3A_454, %add3A_455 : i32
      %lt3A_457 = arith.constant 156 : i32
      %lt3A_458 = arith.cmpi slt, %add3A_456, %lt3A_457 : i32
      %convert_element_type3A_459 = arith.extui %lt3A_458 : i1 to i32
      %cond3A_460 = arith.constant 0 : i32
      %cond3A_461 = arith.cmpi ne, %convert_element_type3A_459, %cond3A_460 : i32
      scf.if %cond3A_461 {
        %dma_wait3A_507 = arith.constant 4 : i32
        %dma_wait3A_508 = arith.constant 4 : i32
        %dma_wait3A_509 = arith.constant 4 : i32
        %dma_wait3A_510 = arith.constant 0 : i32
        %dma_wait3A_511 = arith.constant 0 : i32
        %dma_wait3A_512 = tpu.memref_slice %arg8[%dma_wait3A_508, %dma_wait3A_510, %dma_wait3A_511] : memref<5x64x128xf32, #tpu.memory_space<vmem>> -> memref<1x64x128xf32, #tpu.memory_space<vmem>>
        %dma_wait3A_513 = tpu.memref_squeeze %dma_wait3A_512 : memref<1x64x128xf32, #tpu.memory_space<vmem>> -> memref<64x128xf32, #tpu.memory_space<vmem>>
        %dma_wait3A_514 = arith.constant 0 : i32
        %dma_wait3A_515 = tpu.memref_slice %arg6[%dma_wait3A_507, %dma_wait3A_514] : memref<10x64xi32, #tpu.memory_space<vmem>> -> memref<1x64xi32, #tpu.memory_space<vmem>>
        %dma_wait3A_516 = tpu.memref_squeeze %dma_wait3A_515 : memref<1x64xi32, #tpu.memory_space<vmem>> -> memref<64xi32, #tpu.memory_space<vmem>>
        %dma_wait3A_517 = arith.constant 0 : i32
        %dma_wait3A_518 = arith.constant 0 : i32
        %dma_wait3A_519 = tpu.memref_slice %arg2[%dma_wait3A_517, %dma_wait3A_518] : memref<10000x128xf32, #tpu.memory_space<hbm>> -> memref<10000x128xf32, #tpu.memory_space<hbm>>
        %dma_wait3A_520 = tpu.memref_slice %arg15[%dma_wait3A_509] : memref<5x!tpu.dma_semaphore, #tpu.memory_space<semaphore_mem>> -> memref<1x!tpu.dma_semaphore, #tpu.memory_space<semaphore_mem>>
        %dma_wait3A_521 = tpu.memref_squeeze %dma_wait3A_520 : memref<1x!tpu.dma_semaphore, #tpu.memory_space<semaphore_mem>> -> memref<!tpu.dma_semaphore, #tpu.memory_space<semaphore_mem>>
        tpu.wait_indirect_dma semaphore(%dma_wait3A_521 : memref<!tpu.dma_semaphore, #tpu.memory_space<semaphore_mem>>) src(%dma_wait3A_519 : memref<10000x128xf32, #tpu.memory_space<hbm>>) dst(%dma_wait3A_513 : memref<64x128xf32, #tpu.memory_space<vmem>>)
        %dma_wait3A_522 = arith.constant 4 : i32
        %dma_wait3A_523 = arith.constant 4 : i32
        %dma_wait3A_524 = arith.constant 0 : i32
        %dma_wait3A_525 = tpu.memref_slice %arg7[%dma_wait3A_522, %dma_wait3A_524] : memref<10x64xi32, #tpu.memory_space<vmem>> -> memref<1x64xi32, #tpu.memory_space<vmem>>
        %dma_wait3A_526 = tpu.memref_squeeze %dma_wait3A_525 : memref<1x64xi32, #tpu.memory_space<vmem>> -> memref<64xi32, #tpu.memory_space<vmem>>
        %dma_wait3A_527 = tpu.memref_slice %arg3[%mul3A_2] : memref<640000xi32, #tpu.memory_space<hbm>> -> memref<64xi32, #tpu.memory_space<hbm>>
        %dma_wait3A_528 = tpu.memref_slice %arg14[%dma_wait3A_523] : memref<10x!tpu.dma_semaphore, #tpu.memory_space<semaphore_mem>> -> memref<1x!tpu.dma_semaphore, #tpu.memory_space<semaphore_mem>>
        %dma_wait3A_529 = tpu.memref_squeeze %dma_wait3A_528 : memref<1x!tpu.dma_semaphore, #tpu.memory_space<semaphore_mem>> -> memref<!tpu.dma_semaphore, #tpu.memory_space<semaphore_mem>>
        %dma_wait3A_530 = arith.constant 0 : i32
        %dma_wait3A_531 = tpu.memref_slice %arg7[%dma_wait3A_522, %dma_wait3A_530] : memref<10x64xi32, #tpu.memory_space<vmem>> -> memref<1x64xi32, #tpu.memory_space<vmem>>
        %dma_wait3A_532 = tpu.memref_squeeze %dma_wait3A_531 : memref<1x64xi32, #tpu.memory_space<vmem>> -> memref<64xi32, #tpu.memory_space<vmem>>
        %dma_wait3A_533 = tpu.memref_slice %arg3[%mul3A_2] : memref<640000xi32, #tpu.memory_space<hbm>> -> memref<64xi32, #tpu.memory_space<hbm>>
        tpu.wait_dma2 semaphore(%dma_wait3A_529 : memref<!tpu.dma_semaphore, #tpu.memory_space<semaphore_mem>>) src(%dma_wait3A_533 : memref<64xi32, #tpu.memory_space<hbm>>) dst(%dma_wait3A_532 : memref<64xi32, #tpu.memory_space<vmem>>)
        %dma_start3A_534 = arith.constant 4 : i32
        %dma_start3A_535 = arith.constant 4 : i32
        %dma_start3A_536 = arith.constant 4 : i32
        %dma_start3A_537 = arith.constant 0 : i32
        %dma_start3A_538 = arith.constant 0 : i32
        %dma_start3A_539 = tpu.memref_slice %arg8[%dma_start3A_534, %dma_start3A_537, %dma_start3A_538] : memref<5x64x128xf32, #tpu.memory_space<vmem>> -> memref<1x64x128xf32, #tpu.memory_space<vmem>>
        %dma_start3A_540 = tpu.memref_squeeze %dma_start3A_539 : memref<1x64x128xf32, #tpu.memory_space<vmem>> -> memref<64x128xf32, #tpu.memory_space<vmem>>
        %dma_start3A_541 = arith.constant 0 : i32
        %dma_start3A_542 = tpu.memref_slice %arg7[%dma_start3A_535, %dma_start3A_541] : memref<10x64xi32, #tpu.memory_space<vmem>> -> memref<1x64xi32, #tpu.memory_space<vmem>>
        %dma_start3A_543 = tpu.memref_squeeze %dma_start3A_542 : memref<1x64xi32, #tpu.memory_space<vmem>> -> memref<64xi32, #tpu.memory_space<vmem>>
        %dma_start3A_544 = arith.constant 0 : i32
        %dma_start3A_545 = arith.constant 0 : i32
        %dma_start3A_546 = tpu.memref_slice %arg12[%dma_start3A_544, %dma_start3A_545] : memref<10240x128xf32, #tpu.memory_space<vmem_shared>> -> memref<10240x128xf32, #tpu.memory_space<vmem_shared>>
        %dma_start3A_547 = tpu.memref_slice %arg16[%dma_start3A_536] : memref<5x!tpu.dma_semaphore, #tpu.memory_space<semaphore_mem>> -> memref<1x!tpu.dma_semaphore, #tpu.memory_space<semaphore_mem>>
        %dma_start3A_548 = tpu.memref_squeeze %dma_start3A_547 : memref<1x!tpu.dma_semaphore, #tpu.memory_space<semaphore_mem>> -> memref<!tpu.dma_semaphore, #tpu.memory_space<semaphore_mem>>
        tpu.enqueue_indirect_dma source(%dma_start3A_540 : memref<64x128xf32, #tpu.memory_space<vmem>>) target(%dma_start3A_546 : memref<10240x128xf32, #tpu.memory_space<vmem_shared>>) offsets(%dma_start3A_543 : memref<64xi32, #tpu.memory_space<vmem>>) semaphore(%dma_start3A_548 : memref<!tpu.dma_semaphore, #tpu.memory_space<semaphore_mem>>) {add = true}
        %add3A_549 = arith.constant 2 : i32
        %add3A_550 = arith.addi %add3A_456, %add3A_549 : i32
        %lt3A_551 = arith.constant 156 : i32
        %lt3A_552 = arith.cmpi slt, %add3A_550, %lt3A_551 : i32
        %ge3A = arith.constant 3 : i32
        %ge3A_553 = arith.cmpi sge, %add3A_456, %ge3A : i32
        %and3A = arith.andi %lt3A_552, %ge3A_553 : i1
        %convert_element_type3A_554 = arith.extui %and3A : i1 to i32
        %cond3A_555 = arith.constant 0 : i32
        %cond3A_556 = arith.cmpi ne, %convert_element_type3A_554, %cond3A_555 : i32
        scf.if %cond3A_556 {
          %dma_wait3A_571 = arith.constant 1 : i32
          %dma_wait3A_572 = arith.constant 6 : i32
          %dma_wait3A_573 = arith.constant 1 : i32
          %dma_wait3A_574 = arith.constant 0 : i32
          %dma_wait3A_575 = arith.constant 0 : i32
          %dma_wait3A_576 = tpu.memref_slice %arg8[%dma_wait3A_571, %dma_wait3A_574, %dma_wait3A_575] : memref<5x64x128xf32, #tpu.memory_space<vmem>> -> memref<1x64x128xf32, #tpu.memory_space<vmem>>
          %dma_wait3A_577 = tpu.memref_squeeze %dma_wait3A_576 : memref<1x64x128xf32, #tpu.memory_space<vmem>> -> memref<64x128xf32, #tpu.memory_space<vmem>>
          %dma_wait3A_578 = arith.constant 0 : i32
          %dma_wait3A_579 = tpu.memref_slice %arg7[%dma_wait3A_572, %dma_wait3A_578] : memref<10x64xi32, #tpu.memory_space<vmem>> -> memref<1x64xi32, #tpu.memory_space<vmem>>
          %dma_wait3A_580 = tpu.memref_squeeze %dma_wait3A_579 : memref<1x64xi32, #tpu.memory_space<vmem>> -> memref<64xi32, #tpu.memory_space<vmem>>
          %dma_wait3A_581 = arith.constant 0 : i32
          %dma_wait3A_582 = arith.constant 0 : i32
          %dma_wait3A_583 = tpu.memref_slice %arg12[%dma_wait3A_581, %dma_wait3A_582] : memref<10240x128xf32, #tpu.memory_space<vmem_shared>> -> memref<10240x128xf32, #tpu.memory_space<vmem_shared>>
          %dma_wait3A_584 = tpu.memref_slice %arg16[%dma_wait3A_573] : memref<5x!tpu.dma_semaphore, #tpu.memory_space<semaphore_mem>> -> memref<1x!tpu.dma_semaphore, #tpu.memory_space<semaphore_mem>>
          %dma_wait3A_585 = tpu.memref_squeeze %dma_wait3A_584 : memref<1x!tpu.dma_semaphore, #tpu.memory_space<semaphore_mem>> -> memref<!tpu.dma_semaphore, #tpu.memory_space<semaphore_mem>>
          tpu.wait_indirect_dma semaphore(%dma_wait3A_585 : memref<!tpu.dma_semaphore, #tpu.memory_space<semaphore_mem>>) src(%dma_wait3A_577 : memref<64x128xf32, #tpu.memory_space<vmem>>) dst(%dma_wait3A_583 : memref<10240x128xf32, #tpu.memory_space<vmem_shared>>)
        } else {
        }
        %add3A_557 = arith.constant 2 : i32
        %add3A_558 = arith.addi %add3A_456, %add3A_557 : i32
        %lt3A_559 = arith.constant 156 : i32
        %lt3A_560 = arith.cmpi slt, %add3A_558, %lt3A_559 : i32
        %convert_element_type3A_561 = arith.extui %lt3A_560 : i1 to i32
        %cond3A_562 = arith.constant 0 : i32
        %cond3A_563 = arith.cmpi ne, %convert_element_type3A_561, %cond3A_562 : i32
        scf.if %cond3A_563 {
          %dma_wait3A_571 = arith.constant 6 : i32
          %dma_wait3A_572 = arith.constant 6 : i32
          %dma_wait3A_573 = arith.constant 0 : i32
          %dma_wait3A_574 = tpu.memref_slice %arg6[%dma_wait3A_571, %dma_wait3A_573] : memref<10x64xi32, #tpu.memory_space<vmem>> -> memref<1x64xi32, #tpu.memory_space<vmem>>
          %dma_wait3A_575 = tpu.memref_squeeze %dma_wait3A_574 : memref<1x64xi32, #tpu.memory_space<vmem>> -> memref<64xi32, #tpu.memory_space<vmem>>
          %dma_wait3A_576 = tpu.memref_slice %arg3[%mul3A_2] : memref<640000xi32, #tpu.memory_space<hbm>> -> memref<64xi32, #tpu.memory_space<hbm>>
          %dma_wait3A_577 = tpu.memref_slice %arg13[%dma_wait3A_572] : memref<10x!tpu.dma_semaphore, #tpu.memory_space<semaphore_mem>> -> memref<1x!tpu.dma_semaphore, #tpu.memory_space<semaphore_mem>>
          %dma_wait3A_578 = tpu.memref_squeeze %dma_wait3A_577 : memref<1x!tpu.dma_semaphore, #tpu.memory_space<semaphore_mem>> -> memref<!tpu.dma_semaphore, #tpu.memory_space<semaphore_mem>>
          %dma_wait3A_579 = arith.constant 0 : i32
          %dma_wait3A_580 = tpu.memref_slice %arg6[%dma_wait3A_571, %dma_wait3A_579] : memref<10x64xi32, #tpu.memory_space<vmem>> -> memref<1x64xi32, #tpu.memory_space<vmem>>
          %dma_wait3A_581 = tpu.memref_squeeze %dma_wait3A_580 : memref<1x64xi32, #tpu.memory_space<vmem>> -> memref<64xi32, #tpu.memory_space<vmem>>
          %dma_wait3A_582 = tpu.memref_slice %arg3[%mul3A_2] : memref<640000xi32, #tpu.memory_space<hbm>> -> memref<64xi32, #tpu.memory_space<hbm>>
          tpu.wait_dma2 semaphore(%dma_wait3A_578 : memref<!tpu.dma_semaphore, #tpu.memory_space<semaphore_mem>>) src(%dma_wait3A_582 : memref<64xi32, #tpu.memory_space<hbm>>) dst(%dma_wait3A_581 : memref<64xi32, #tpu.memory_space<vmem>>)
          %add3A_583 = arith.constant 2 : i32
          %add3A_584 = arith.addi %add3A_456, %add3A_583 : i32
          %dma_start3A_585 = arith.constant 6 : i32
          %dma_start3A_586 = arith.constant 1 : i32
          %dma_start3A_587 = arith.constant 1 : i32
          %dma_start3A_588 = arith.constant 0 : i32
          %dma_start3A_589 = arith.constant 0 : i32
          %dma_start3A_590 = tpu.memref_slice %arg8[%dma_start3A_586, %dma_start3A_588, %dma_start3A_589] : memref<5x64x128xf32, #tpu.memory_space<vmem>> -> memref<1x64x128xf32, #tpu.memory_space<vmem>>
          %dma_start3A_591 = tpu.memref_squeeze %dma_start3A_590 : memref<1x64x128xf32, #tpu.memory_space<vmem>> -> memref<64x128xf32, #tpu.memory_space<vmem>>
          %dma_start3A_592 = arith.constant 0 : i32
          %dma_start3A_593 = tpu.memref_slice %arg6[%dma_start3A_585, %dma_start3A_592] : memref<10x64xi32, #tpu.memory_space<vmem>> -> memref<1x64xi32, #tpu.memory_space<vmem>>
          %dma_start3A_594 = tpu.memref_squeeze %dma_start3A_593 : memref<1x64xi32, #tpu.memory_space<vmem>> -> memref<64xi32, #tpu.memory_space<vmem>>
          %dma_start3A_595 = arith.constant 0 : i32
          %dma_start3A_596 = arith.constant 0 : i32
          %dma_start3A_597 = tpu.memref_slice %arg2[%dma_start3A_595, %dma_start3A_596] : memref<10000x128xf32, #tpu.memory_space<hbm>> -> memref<10000x128xf32, #tpu.memory_space<hbm>>
          %dma_start3A_598 = tpu.memref_slice %arg15[%dma_start3A_587] : memref<5x!tpu.dma_semaphore, #tpu.memory_space<semaphore_mem>> -> memref<1x!tpu.dma_semaphore, #tpu.memory_space<semaphore_mem>>
          %dma_start3A_599 = tpu.memref_squeeze %dma_start3A_598 : memref<1x!tpu.dma_semaphore, #tpu.memory_space<semaphore_mem>> -> memref<!tpu.dma_semaphore, #tpu.memory_space<semaphore_mem>>
          tpu.enqueue_indirect_dma source(%dma_start3A_597 : memref<10000x128xf32, #tpu.memory_space<hbm>>) target(%dma_start3A_591 : memref<64x128xf32, #tpu.memory_space<vmem>>) offsets(%dma_start3A_594 : memref<64xi32, #tpu.memory_space<vmem>>) semaphore(%dma_start3A_599 : memref<!tpu.dma_semaphore, #tpu.memory_space<semaphore_mem>>)
        } else {
        }
        %add3A_564 = arith.constant 6 : i32
        %add3A_565 = arith.addi %add3A_456, %add3A_564 : i32
        %lt3A_566 = arith.constant 156 : i32
        %lt3A_567 = arith.cmpi slt, %add3A_565, %lt3A_566 : i32
        %convert_element_type3A_568 = arith.extui %lt3A_567 : i1 to i32
        %cond3A_569 = arith.constant 0 : i32
        %cond3A_570 = arith.cmpi ne, %convert_element_type3A_568, %cond3A_569 : i32
        scf.if %cond3A_570 {
          %add3A_571 = arith.constant 6 : i32
          %add3A_572 = arith.addi %add3A_456, %add3A_571 : i32
          %mul3A_573 = arith.constant 64 : i32
          %mul3A_574 = arith.muli %add3A_572, %mul3A_573 : i32
          %add3A_575 = arith.addi %mul3A_2, %mul3A_574 : i32
          %dma_start3A_576 = arith.constant 0 : i32
          %dma_start3A_577 = arith.constant 0 : i32
          %dma_start3A_578 = arith.constant 0 : i32
          %dma_start3A_579 = tpu.memref_slice %arg6[%dma_start3A_576, %dma_start3A_578] : memref<10x64xi32, #tpu.memory_space<vmem>> -> memref<1x64xi32, #tpu.memory_space<vmem>>
          %dma_start3A_580 = tpu.memref_squeeze %dma_start3A_579 : memref<1x64xi32, #tpu.memory_space<vmem>> -> memref<64xi32, #tpu.memory_space<vmem>>
          %dma_start3A_581 = tpu.memref_slice %arg3[%add3A_575] : memref<640000xi32, #tpu.memory_space<hbm>> -> memref<64xi32, #tpu.memory_space<hbm>>
          %dma_start3A_582 = tpu.memref_slice %arg13[%dma_start3A_577] : memref<10x!tpu.dma_semaphore, #tpu.memory_space<semaphore_mem>> -> memref<1x!tpu.dma_semaphore, #tpu.memory_space<semaphore_mem>>
          %dma_start3A_583 = tpu.memref_squeeze %dma_start3A_582 : memref<1x!tpu.dma_semaphore, #tpu.memory_space<semaphore_mem>> -> memref<!tpu.dma_semaphore, #tpu.memory_space<semaphore_mem>>
          %dma_start3A_584 = arith.constant 0 : i32
          %dma_start3A_585 = tpu.memref_slice %arg6[%dma_start3A_576, %dma_start3A_584] : memref<10x64xi32, #tpu.memory_space<vmem>> -> memref<1x64xi32, #tpu.memory_space<vmem>>
          %dma_start3A_586 = tpu.memref_squeeze %dma_start3A_585 : memref<1x64xi32, #tpu.memory_space<vmem>> -> memref<64xi32, #tpu.memory_space<vmem>>
          %dma_start3A_587 = tpu.memref_slice %arg3[%add3A_575] : memref<640000xi32, #tpu.memory_space<hbm>> -> memref<64xi32, #tpu.memory_space<hbm>>
          tpu.enqueue_dma source(%dma_start3A_587 : memref<64xi32, #tpu.memory_space<hbm>>) target(%dma_start3A_586 : memref<64xi32, #tpu.memory_space<vmem>>) target_semaphore(%dma_start3A_583 : memref<!tpu.dma_semaphore, #tpu.memory_space<semaphore_mem>>)
          %add3A_588 = arith.constant 320000 : i32
          %add3A_589 = arith.addi %add3A_588, %mul3A_2 : i32
          %mul3A_590 = arith.constant 64 : i32
          %mul3A_591 = arith.muli %add3A_572, %mul3A_590 : i32
          %add3A_592 = arith.addi %add3A_589, %mul3A_591 : i32
          %dma_start3A_593 = arith.constant 0 : i32
          %dma_start3A_594 = arith.constant 0 : i32
          %dma_start3A_595 = arith.constant 0 : i32
          %dma_start3A_596 = tpu.memref_slice %arg7[%dma_start3A_593, %dma_start3A_595] : memref<10x64xi32, #tpu.memory_space<vmem>> -> memref<1x64xi32, #tpu.memory_space<vmem>>
          %dma_start3A_597 = tpu.memref_squeeze %dma_start3A_596 : memref<1x64xi32, #tpu.memory_space<vmem>> -> memref<64xi32, #tpu.memory_space<vmem>>
          %dma_start3A_598 = tpu.memref_slice %arg3[%add3A_592] : memref<640000xi32, #tpu.memory_space<hbm>> -> memref<64xi32, #tpu.memory_space<hbm>>
          %dma_start3A_599 = tpu.memref_slice %arg14[%dma_start3A_594] : memref<10x!tpu.dma_semaphore, #tpu.memory_space<semaphore_mem>> -> memref<1x!tpu.dma_semaphore, #tpu.memory_space<semaphore_mem>>
          %dma_start3A_600 = tpu.memref_squeeze %dma_start3A_599 : memref<1x!tpu.dma_semaphore, #tpu.memory_space<semaphore_mem>> -> memref<!tpu.dma_semaphore, #tpu.memory_space<semaphore_mem>>
          %dma_start3A_601 = arith.constant 0 : i32
          %dma_start3A_602 = tpu.memref_slice %arg7[%dma_start3A_593, %dma_start3A_601] : memref<10x64xi32, #tpu.memory_space<vmem>> -> memref<1x64xi32, #tpu.memory_space<vmem>>
          %dma_start3A_603 = tpu.memref_squeeze %dma_start3A_602 : memref<1x64xi32, #tpu.memory_space<vmem>> -> memref<64xi32, #tpu.memory_space<vmem>>
          %dma_start3A_604 = tpu.memref_slice %arg3[%add3A_592] : memref<640000xi32, #tpu.memory_space<hbm>> -> memref<64xi32, #tpu.memory_space<hbm>>
          tpu.enqueue_dma source(%dma_start3A_604 : memref<64xi32, #tpu.memory_space<hbm>>) target(%dma_start3A_603 : memref<64xi32, #tpu.memory_space<vmem>>) target_semaphore(%dma_start3A_600 : memref<!tpu.dma_semaphore, #tpu.memory_space<semaphore_mem>>)
        } else {
        }
      } else {
      }
      %mul3A_462 = arith.constant 10 : i32
      %mul3A_463 = arith.muli %mul3A_462, %scan3A_417 : i32
      %add3A_464 = arith.constant 5 : i32
      %add3A_465 = arith.addi %mul3A_463, %add3A_464 : i32
      %lt3A_466 = arith.constant 156 : i32
      %lt3A_467 = arith.cmpi slt, %add3A_465, %lt3A_466 : i32
      %convert_element_type3A_468 = arith.extui %lt3A_467 : i1 to i32
      %cond3A_469 = arith.constant 0 : i32
      %cond3A_470 = arith.cmpi ne, %convert_element_type3A_468, %cond3A_469 : i32
      scf.if %cond3A_470 {
        %dma_wait3A_507 = arith.constant 5 : i32
        %dma_wait3A_508 = arith.constant 0 : i32
        %dma_wait3A_509 = arith.constant 0 : i32
        %dma_wait3A_510 = arith.constant 0 : i32
        %dma_wait3A_511 = arith.constant 0 : i32
        %dma_wait3A_512 = tpu.memref_slice %arg8[%dma_wait3A_508, %dma_wait3A_510, %dma_wait3A_511] : memref<5x64x128xf32, #tpu.memory_space<vmem>> -> memref<1x64x128xf32, #tpu.memory_space<vmem>>
        %dma_wait3A_513 = tpu.memref_squeeze %dma_wait3A_512 : memref<1x64x128xf32, #tpu.memory_space<vmem>> -> memref<64x128xf32, #tpu.memory_space<vmem>>
        %dma_wait3A_514 = arith.constant 0 : i32
        %dma_wait3A_515 = tpu.memref_slice %arg6[%dma_wait3A_507, %dma_wait3A_514] : memref<10x64xi32, #tpu.memory_space<vmem>> -> memref<1x64xi32, #tpu.memory_space<vmem>>
        %dma_wait3A_516 = tpu.memref_squeeze %dma_wait3A_515 : memref<1x64xi32, #tpu.memory_space<vmem>> -> memref<64xi32, #tpu.memory_space<vmem>>
        %dma_wait3A_517 = arith.constant 0 : i32
        %dma_wait3A_518 = arith.constant 0 : i32
        %dma_wait3A_519 = tpu.memref_slice %arg2[%dma_wait3A_517, %dma_wait3A_518] : memref<10000x128xf32, #tpu.memory_space<hbm>> -> memref<10000x128xf32, #tpu.memory_space<hbm>>
        %dma_wait3A_520 = tpu.memref_slice %arg15[%dma_wait3A_509] : memref<5x!tpu.dma_semaphore, #tpu.memory_space<semaphore_mem>> -> memref<1x!tpu.dma_semaphore, #tpu.memory_space<semaphore_mem>>
        %dma_wait3A_521 = tpu.memref_squeeze %dma_wait3A_520 : memref<1x!tpu.dma_semaphore, #tpu.memory_space<semaphore_mem>> -> memref<!tpu.dma_semaphore, #tpu.memory_space<semaphore_mem>>
        tpu.wait_indirect_dma semaphore(%dma_wait3A_521 : memref<!tpu.dma_semaphore, #tpu.memory_space<semaphore_mem>>) src(%dma_wait3A_519 : memref<10000x128xf32, #tpu.memory_space<hbm>>) dst(%dma_wait3A_513 : memref<64x128xf32, #tpu.memory_space<vmem>>)
        %dma_wait3A_522 = arith.constant 5 : i32
        %dma_wait3A_523 = arith.constant 5 : i32
        %dma_wait3A_524 = arith.constant 0 : i32
        %dma_wait3A_525 = tpu.memref_slice %arg7[%dma_wait3A_522, %dma_wait3A_524] : memref<10x64xi32, #tpu.memory_space<vmem>> -> memref<1x64xi32, #tpu.memory_space<vmem>>
        %dma_wait3A_526 = tpu.memref_squeeze %dma_wait3A_525 : memref<1x64xi32, #tpu.memory_space<vmem>> -> memref<64xi32, #tpu.memory_space<vmem>>
        %dma_wait3A_527 = tpu.memref_slice %arg3[%mul3A_2] : memref<640000xi32, #tpu.memory_space<hbm>> -> memref<64xi32, #tpu.memory_space<hbm>>
        %dma_wait3A_528 = tpu.memref_slice %arg14[%dma_wait3A_523] : memref<10x!tpu.dma_semaphore, #tpu.memory_space<semaphore_mem>> -> memref<1x!tpu.dma_semaphore, #tpu.memory_space<semaphore_mem>>
        %dma_wait3A_529 = tpu.memref_squeeze %dma_wait3A_528 : memref<1x!tpu.dma_semaphore, #tpu.memory_space<semaphore_mem>> -> memref<!tpu.dma_semaphore, #tpu.memory_space<semaphore_mem>>
        %dma_wait3A_530 = arith.constant 0 : i32
        %dma_wait3A_531 = tpu.memref_slice %arg7[%dma_wait3A_522, %dma_wait3A_530] : memref<10x64xi32, #tpu.memory_space<vmem>> -> memref<1x64xi32, #tpu.memory_space<vmem>>
        %dma_wait3A_532 = tpu.memref_squeeze %dma_wait3A_531 : memref<1x64xi32, #tpu.memory_space<vmem>> -> memref<64xi32, #tpu.memory_space<vmem>>
        %dma_wait3A_533 = tpu.memref_slice %arg3[%mul3A_2] : memref<640000xi32, #tpu.memory_space<hbm>> -> memref<64xi32, #tpu.memory_space<hbm>>
        tpu.wait_dma2 semaphore(%dma_wait3A_529 : memref<!tpu.dma_semaphore, #tpu.memory_space<semaphore_mem>>) src(%dma_wait3A_533 : memref<64xi32, #tpu.memory_space<hbm>>) dst(%dma_wait3A_532 : memref<64xi32, #tpu.memory_space<vmem>>)
        %dma_start3A_534 = arith.constant 0 : i32
        %dma_start3A_535 = arith.constant 5 : i32
        %dma_start3A_536 = arith.constant 0 : i32
        %dma_start3A_537 = arith.constant 0 : i32
        %dma_start3A_538 = arith.constant 0 : i32
        %dma_start3A_539 = tpu.memref_slice %arg8[%dma_start3A_534, %dma_start3A_537, %dma_start3A_538] : memref<5x64x128xf32, #tpu.memory_space<vmem>> -> memref<1x64x128xf32, #tpu.memory_space<vmem>>
        %dma_start3A_540 = tpu.memref_squeeze %dma_start3A_539 : memref<1x64x128xf32, #tpu.memory_space<vmem>> -> memref<64x128xf32, #tpu.memory_space<vmem>>
        %dma_start3A_541 = arith.constant 0 : i32
        %dma_start3A_542 = tpu.memref_slice %arg7[%dma_start3A_535, %dma_start3A_541] : memref<10x64xi32, #tpu.memory_space<vmem>> -> memref<1x64xi32, #tpu.memory_space<vmem>>
        %dma_start3A_543 = tpu.memref_squeeze %dma_start3A_542 : memref<1x64xi32, #tpu.memory_space<vmem>> -> memref<64xi32, #tpu.memory_space<vmem>>
        %dma_start3A_544 = arith.constant 0 : i32
        %dma_start3A_545 = arith.constant 0 : i32
        %dma_start3A_546 = tpu.memref_slice %arg12[%dma_start3A_544, %dma_start3A_545] : memref<10240x128xf32, #tpu.memory_space<vmem_shared>> -> memref<10240x128xf32, #tpu.memory_space<vmem_shared>>
        %dma_start3A_547 = tpu.memref_slice %arg16[%dma_start3A_536] : memref<5x!tpu.dma_semaphore, #tpu.memory_space<semaphore_mem>> -> memref<1x!tpu.dma_semaphore, #tpu.memory_space<semaphore_mem>>
        %dma_start3A_548 = tpu.memref_squeeze %dma_start3A_547 : memref<1x!tpu.dma_semaphore, #tpu.memory_space<semaphore_mem>> -> memref<!tpu.dma_semaphore, #tpu.memory_space<semaphore_mem>>
        tpu.enqueue_indirect_dma source(%dma_start3A_540 : memref<64x128xf32, #tpu.memory_space<vmem>>) target(%dma_start3A_546 : memref<10240x128xf32, #tpu.memory_space<vmem_shared>>) offsets(%dma_start3A_543 : memref<64xi32, #tpu.memory_space<vmem>>) semaphore(%dma_start3A_548 : memref<!tpu.dma_semaphore, #tpu.memory_space<semaphore_mem>>) {add = true}
        %add3A_549 = arith.constant 2 : i32
        %add3A_550 = arith.addi %add3A_465, %add3A_549 : i32
        %lt3A_551 = arith.constant 156 : i32
        %lt3A_552 = arith.cmpi slt, %add3A_550, %lt3A_551 : i32
        %ge3A = arith.constant 3 : i32
        %ge3A_553 = arith.cmpi sge, %add3A_465, %ge3A : i32
        %and3A = arith.andi %lt3A_552, %ge3A_553 : i1
        %convert_element_type3A_554 = arith.extui %and3A : i1 to i32
        %cond3A_555 = arith.constant 0 : i32
        %cond3A_556 = arith.cmpi ne, %convert_element_type3A_554, %cond3A_555 : i32
        scf.if %cond3A_556 {
          %dma_wait3A_571 = arith.constant 2 : i32
          %dma_wait3A_572 = arith.constant 7 : i32
          %dma_wait3A_573 = arith.constant 2 : i32
          %dma_wait3A_574 = arith.constant 0 : i32
          %dma_wait3A_575 = arith.constant 0 : i32
          %dma_wait3A_576 = tpu.memref_slice %arg8[%dma_wait3A_571, %dma_wait3A_574, %dma_wait3A_575] : memref<5x64x128xf32, #tpu.memory_space<vmem>> -> memref<1x64x128xf32, #tpu.memory_space<vmem>>
          %dma_wait3A_577 = tpu.memref_squeeze %dma_wait3A_576 : memref<1x64x128xf32, #tpu.memory_space<vmem>> -> memref<64x128xf32, #tpu.memory_space<vmem>>
          %dma_wait3A_578 = arith.constant 0 : i32
          %dma_wait3A_579 = tpu.memref_slice %arg7[%dma_wait3A_572, %dma_wait3A_578] : memref<10x64xi32, #tpu.memory_space<vmem>> -> memref<1x64xi32, #tpu.memory_space<vmem>>
          %dma_wait3A_580 = tpu.memref_squeeze %dma_wait3A_579 : memref<1x64xi32, #tpu.memory_space<vmem>> -> memref<64xi32, #tpu.memory_space<vmem>>
          %dma_wait3A_581 = arith.constant 0 : i32
          %dma_wait3A_582 = arith.constant 0 : i32
          %dma_wait3A_583 = tpu.memref_slice %arg12[%dma_wait3A_581, %dma_wait3A_582] : memref<10240x128xf32, #tpu.memory_space<vmem_shared>> -> memref<10240x128xf32, #tpu.memory_space<vmem_shared>>
          %dma_wait3A_584 = tpu.memref_slice %arg16[%dma_wait3A_573] : memref<5x!tpu.dma_semaphore, #tpu.memory_space<semaphore_mem>> -> memref<1x!tpu.dma_semaphore, #tpu.memory_space<semaphore_mem>>
          %dma_wait3A_585 = tpu.memref_squeeze %dma_wait3A_584 : memref<1x!tpu.dma_semaphore, #tpu.memory_space<semaphore_mem>> -> memref<!tpu.dma_semaphore, #tpu.memory_space<semaphore_mem>>
          tpu.wait_indirect_dma semaphore(%dma_wait3A_585 : memref<!tpu.dma_semaphore, #tpu.memory_space<semaphore_mem>>) src(%dma_wait3A_577 : memref<64x128xf32, #tpu.memory_space<vmem>>) dst(%dma_wait3A_583 : memref<10240x128xf32, #tpu.memory_space<vmem_shared>>)
        } else {
        }
        %add3A_557 = arith.constant 2 : i32
        %add3A_558 = arith.addi %add3A_465, %add3A_557 : i32
        %lt3A_559 = arith.constant 156 : i32
        %lt3A_560 = arith.cmpi slt, %add3A_558, %lt3A_559 : i32
        %convert_element_type3A_561 = arith.extui %lt3A_560 : i1 to i32
        %cond3A_562 = arith.constant 0 : i32
        %cond3A_563 = arith.cmpi ne, %convert_element_type3A_561, %cond3A_562 : i32
        scf.if %cond3A_563 {
          %dma_wait3A_571 = arith.constant 7 : i32
          %dma_wait3A_572 = arith.constant 7 : i32
          %dma_wait3A_573 = arith.constant 0 : i32
          %dma_wait3A_574 = tpu.memref_slice %arg6[%dma_wait3A_571, %dma_wait3A_573] : memref<10x64xi32, #tpu.memory_space<vmem>> -> memref<1x64xi32, #tpu.memory_space<vmem>>
          %dma_wait3A_575 = tpu.memref_squeeze %dma_wait3A_574 : memref<1x64xi32, #tpu.memory_space<vmem>> -> memref<64xi32, #tpu.memory_space<vmem>>
          %dma_wait3A_576 = tpu.memref_slice %arg3[%mul3A_2] : memref<640000xi32, #tpu.memory_space<hbm>> -> memref<64xi32, #tpu.memory_space<hbm>>
          %dma_wait3A_577 = tpu.memref_slice %arg13[%dma_wait3A_572] : memref<10x!tpu.dma_semaphore, #tpu.memory_space<semaphore_mem>> -> memref<1x!tpu.dma_semaphore, #tpu.memory_space<semaphore_mem>>
          %dma_wait3A_578 = tpu.memref_squeeze %dma_wait3A_577 : memref<1x!tpu.dma_semaphore, #tpu.memory_space<semaphore_mem>> -> memref<!tpu.dma_semaphore, #tpu.memory_space<semaphore_mem>>
          %dma_wait3A_579 = arith.constant 0 : i32
          %dma_wait3A_580 = tpu.memref_slice %arg6[%dma_wait3A_571, %dma_wait3A_579] : memref<10x64xi32, #tpu.memory_space<vmem>> -> memref<1x64xi32, #tpu.memory_space<vmem>>
          %dma_wait3A_581 = tpu.memref_squeeze %dma_wait3A_580 : memref<1x64xi32, #tpu.memory_space<vmem>> -> memref<64xi32, #tpu.memory_space<vmem>>
          %dma_wait3A_582 = tpu.memref_slice %arg3[%mul3A_2] : memref<640000xi32, #tpu.memory_space<hbm>> -> memref<64xi32, #tpu.memory_space<hbm>>
          tpu.wait_dma2 semaphore(%dma_wait3A_578 : memref<!tpu.dma_semaphore, #tpu.memory_space<semaphore_mem>>) src(%dma_wait3A_582 : memref<64xi32, #tpu.memory_space<hbm>>) dst(%dma_wait3A_581 : memref<64xi32, #tpu.memory_space<vmem>>)
          %add3A_583 = arith.constant 2 : i32
          %add3A_584 = arith.addi %add3A_465, %add3A_583 : i32
          %dma_start3A_585 = arith.constant 7 : i32
          %dma_start3A_586 = arith.constant 2 : i32
          %dma_start3A_587 = arith.constant 2 : i32
          %dma_start3A_588 = arith.constant 0 : i32
          %dma_start3A_589 = arith.constant 0 : i32
          %dma_start3A_590 = tpu.memref_slice %arg8[%dma_start3A_586, %dma_start3A_588, %dma_start3A_589] : memref<5x64x128xf32, #tpu.memory_space<vmem>> -> memref<1x64x128xf32, #tpu.memory_space<vmem>>
          %dma_start3A_591 = tpu.memref_squeeze %dma_start3A_590 : memref<1x64x128xf32, #tpu.memory_space<vmem>> -> memref<64x128xf32, #tpu.memory_space<vmem>>
          %dma_start3A_592 = arith.constant 0 : i32
          %dma_start3A_593 = tpu.memref_slice %arg6[%dma_start3A_585, %dma_start3A_592] : memref<10x64xi32, #tpu.memory_space<vmem>> -> memref<1x64xi32, #tpu.memory_space<vmem>>
          %dma_start3A_594 = tpu.memref_squeeze %dma_start3A_593 : memref<1x64xi32, #tpu.memory_space<vmem>> -> memref<64xi32, #tpu.memory_space<vmem>>
          %dma_start3A_595 = arith.constant 0 : i32
          %dma_start3A_596 = arith.constant 0 : i32
          %dma_start3A_597 = tpu.memref_slice %arg2[%dma_start3A_595, %dma_start3A_596] : memref<10000x128xf32, #tpu.memory_space<hbm>> -> memref<10000x128xf32, #tpu.memory_space<hbm>>
          %dma_start3A_598 = tpu.memref_slice %arg15[%dma_start3A_587] : memref<5x!tpu.dma_semaphore, #tpu.memory_space<semaphore_mem>> -> memref<1x!tpu.dma_semaphore, #tpu.memory_space<semaphore_mem>>
          %dma_start3A_599 = tpu.memref_squeeze %dma_start3A_598 : memref<1x!tpu.dma_semaphore, #tpu.memory_space<semaphore_mem>> -> memref<!tpu.dma_semaphore, #tpu.memory_space<semaphore_mem>>
          tpu.enqueue_indirect_dma source(%dma_start3A_597 : memref<10000x128xf32, #tpu.memory_space<hbm>>) target(%dma_start3A_591 : memref<64x128xf32, #tpu.memory_space<vmem>>) offsets(%dma_start3A_594 : memref<64xi32, #tpu.memory_space<vmem>>) semaphore(%dma_start3A_599 : memref<!tpu.dma_semaphore, #tpu.memory_space<semaphore_mem>>)
        } else {
        }
        %add3A_564 = arith.constant 6 : i32
        %add3A_565 = arith.addi %add3A_465, %add3A_564 : i32
        %lt3A_566 = arith.constant 156 : i32
        %lt3A_567 = arith.cmpi slt, %add3A_565, %lt3A_566 : i32
        %convert_element_type3A_568 = arith.extui %lt3A_567 : i1 to i32
        %cond3A_569 = arith.constant 0 : i32
        %cond3A_570 = arith.cmpi ne, %convert_element_type3A_568, %cond3A_569 : i32
        scf.if %cond3A_570 {
          %add3A_571 = arith.constant 6 : i32
          %add3A_572 = arith.addi %add3A_465, %add3A_571 : i32
          %mul3A_573 = arith.constant 64 : i32
          %mul3A_574 = arith.muli %add3A_572, %mul3A_573 : i32
          %add3A_575 = arith.addi %mul3A_2, %mul3A_574 : i32
          %dma_start3A_576 = arith.constant 1 : i32
          %dma_start3A_577 = arith.constant 1 : i32
          %dma_start3A_578 = arith.constant 0 : i32
          %dma_start3A_579 = tpu.memref_slice %arg6[%dma_start3A_576, %dma_start3A_578] : memref<10x64xi32, #tpu.memory_space<vmem>> -> memref<1x64xi32, #tpu.memory_space<vmem>>
          %dma_start3A_580 = tpu.memref_squeeze %dma_start3A_579 : memref<1x64xi32, #tpu.memory_space<vmem>> -> memref<64xi32, #tpu.memory_space<vmem>>
          %dma_start3A_581 = tpu.memref_slice %arg3[%add3A_575] : memref<640000xi32, #tpu.memory_space<hbm>> -> memref<64xi32, #tpu.memory_space<hbm>>
          %dma_start3A_582 = tpu.memref_slice %arg13[%dma_start3A_577] : memref<10x!tpu.dma_semaphore, #tpu.memory_space<semaphore_mem>> -> memref<1x!tpu.dma_semaphore, #tpu.memory_space<semaphore_mem>>
          %dma_start3A_583 = tpu.memref_squeeze %dma_start3A_582 : memref<1x!tpu.dma_semaphore, #tpu.memory_space<semaphore_mem>> -> memref<!tpu.dma_semaphore, #tpu.memory_space<semaphore_mem>>
          %dma_start3A_584 = arith.constant 0 : i32
          %dma_start3A_585 = tpu.memref_slice %arg6[%dma_start3A_576, %dma_start3A_584] : memref<10x64xi32, #tpu.memory_space<vmem>> -> memref<1x64xi32, #tpu.memory_space<vmem>>
          %dma_start3A_586 = tpu.memref_squeeze %dma_start3A_585 : memref<1x64xi32, #tpu.memory_space<vmem>> -> memref<64xi32, #tpu.memory_space<vmem>>
          %dma_start3A_587 = tpu.memref_slice %arg3[%add3A_575] : memref<640000xi32, #tpu.memory_space<hbm>> -> memref<64xi32, #tpu.memory_space<hbm>>
          tpu.enqueue_dma source(%dma_start3A_587 : memref<64xi32, #tpu.memory_space<hbm>>) target(%dma_start3A_586 : memref<64xi32, #tpu.memory_space<vmem>>) target_semaphore(%dma_start3A_583 : memref<!tpu.dma_semaphore, #tpu.memory_space<semaphore_mem>>)
          %add3A_588 = arith.constant 320000 : i32
          %add3A_589 = arith.addi %add3A_588, %mul3A_2 : i32
          %mul3A_590 = arith.constant 64 : i32
          %mul3A_591 = arith.muli %add3A_572, %mul3A_590 : i32
          %add3A_592 = arith.addi %add3A_589, %mul3A_591 : i32
          %dma_start3A_593 = arith.constant 1 : i32
          %dma_start3A_594 = arith.constant 1 : i32
          %dma_start3A_595 = arith.constant 0 : i32
          %dma_start3A_596 = tpu.memref_slice %arg7[%dma_start3A_593, %dma_start3A_595] : memref<10x64xi32, #tpu.memory_space<vmem>> -> memref<1x64xi32, #tpu.memory_space<vmem>>
          %dma_start3A_597 = tpu.memref_squeeze %dma_start3A_596 : memref<1x64xi32, #tpu.memory_space<vmem>> -> memref<64xi32, #tpu.memory_space<vmem>>
          %dma_start3A_598 = tpu.memref_slice %arg3[%add3A_592] : memref<640000xi32, #tpu.memory_space<hbm>> -> memref<64xi32, #tpu.memory_space<hbm>>
          %dma_start3A_599 = tpu.memref_slice %arg14[%dma_start3A_594] : memref<10x!tpu.dma_semaphore, #tpu.memory_space<semaphore_mem>> -> memref<1x!tpu.dma_semaphore, #tpu.memory_space<semaphore_mem>>
          %dma_start3A_600 = tpu.memref_squeeze %dma_start3A_599 : memref<1x!tpu.dma_semaphore, #tpu.memory_space<semaphore_mem>> -> memref<!tpu.dma_semaphore, #tpu.memory_space<semaphore_mem>>
          %dma_start3A_601 = arith.constant 0 : i32
          %dma_start3A_602 = tpu.memref_slice %arg7[%dma_start3A_593, %dma_start3A_601] : memref<10x64xi32, #tpu.memory_space<vmem>> -> memref<1x64xi32, #tpu.memory_space<vmem>>
          %dma_start3A_603 = tpu.memref_squeeze %dma_start3A_602 : memref<1x64xi32, #tpu.memory_space<vmem>> -> memref<64xi32, #tpu.memory_space<vmem>>
          %dma_start3A_604 = tpu.memref_slice %arg3[%add3A_592] : memref<640000xi32, #tpu.memory_space<hbm>> -> memref<64xi32, #tpu.memory_space<hbm>>
          tpu.enqueue_dma source(%dma_start3A_604 : memref<64xi32, #tpu.memory_space<hbm>>) target(%dma_start3A_603 : memref<64xi32, #tpu.memory_space<vmem>>) target_semaphore(%dma_start3A_600 : memref<!tpu.dma_semaphore, #tpu.memory_space<semaphore_mem>>)
        } else {
        }
      } else {
      }
      %mul3A_471 = arith.constant 10 : i32
      %mul3A_472 = arith.muli %mul3A_471, %scan3A_417 : i32
      %add3A_473 = arith.constant 6 : i32
      %add3A_474 = arith.addi %mul3A_472, %add3A_473 : i32
      %lt3A_475 = arith.constant 156 : i32
      %lt3A_476 = arith.cmpi slt, %add3A_474, %lt3A_475 : i32
      %convert_element_type3A_477 = arith.extui %lt3A_476 : i1 to i32
      %cond3A_478 = arith.constant 0 : i32
      %cond3A_479 = arith.cmpi ne, %convert_element_type3A_477, %cond3A_478 : i32
      scf.if %cond3A_479 {
        %dma_wait3A_507 = arith.constant 6 : i32
        %dma_wait3A_508 = arith.constant 1 : i32
        %dma_wait3A_509 = arith.constant 1 : i32
        %dma_wait3A_510 = arith.constant 0 : i32
        %dma_wait3A_511 = arith.constant 0 : i32
        %dma_wait3A_512 = tpu.memref_slice %arg8[%dma_wait3A_508, %dma_wait3A_510, %dma_wait3A_511] : memref<5x64x128xf32, #tpu.memory_space<vmem>> -> memref<1x64x128xf32, #tpu.memory_space<vmem>>
        %dma_wait3A_513 = tpu.memref_squeeze %dma_wait3A_512 : memref<1x64x128xf32, #tpu.memory_space<vmem>> -> memref<64x128xf32, #tpu.memory_space<vmem>>
        %dma_wait3A_514 = arith.constant 0 : i32
        %dma_wait3A_515 = tpu.memref_slice %arg6[%dma_wait3A_507, %dma_wait3A_514] : memref<10x64xi32, #tpu.memory_space<vmem>> -> memref<1x64xi32, #tpu.memory_space<vmem>>
        %dma_wait3A_516 = tpu.memref_squeeze %dma_wait3A_515 : memref<1x64xi32, #tpu.memory_space<vmem>> -> memref<64xi32, #tpu.memory_space<vmem>>
        %dma_wait3A_517 = arith.constant 0 : i32
        %dma_wait3A_518 = arith.constant 0 : i32
        %dma_wait3A_519 = tpu.memref_slice %arg2[%dma_wait3A_517, %dma_wait3A_518] : memref<10000x128xf32, #tpu.memory_space<hbm>> -> memref<10000x128xf32, #tpu.memory_space<hbm>>
        %dma_wait3A_520 = tpu.memref_slice %arg15[%dma_wait3A_509] : memref<5x!tpu.dma_semaphore, #tpu.memory_space<semaphore_mem>> -> memref<1x!tpu.dma_semaphore, #tpu.memory_space<semaphore_mem>>
        %dma_wait3A_521 = tpu.memref_squeeze %dma_wait3A_520 : memref<1x!tpu.dma_semaphore, #tpu.memory_space<semaphore_mem>> -> memref<!tpu.dma_semaphore, #tpu.memory_space<semaphore_mem>>
        tpu.wait_indirect_dma semaphore(%dma_wait3A_521 : memref<!tpu.dma_semaphore, #tpu.memory_space<semaphore_mem>>) src(%dma_wait3A_519 : memref<10000x128xf32, #tpu.memory_space<hbm>>) dst(%dma_wait3A_513 : memref<64x128xf32, #tpu.memory_space<vmem>>)
        %dma_wait3A_522 = arith.constant 6 : i32
        %dma_wait3A_523 = arith.constant 6 : i32
        %dma_wait3A_524 = arith.constant 0 : i32
        %dma_wait3A_525 = tpu.memref_slice %arg7[%dma_wait3A_522, %dma_wait3A_524] : memref<10x64xi32, #tpu.memory_space<vmem>> -> memref<1x64xi32, #tpu.memory_space<vmem>>
        %dma_wait3A_526 = tpu.memref_squeeze %dma_wait3A_525 : memref<1x64xi32, #tpu.memory_space<vmem>> -> memref<64xi32, #tpu.memory_space<vmem>>
        %dma_wait3A_527 = tpu.memref_slice %arg3[%mul3A_2] : memref<640000xi32, #tpu.memory_space<hbm>> -> memref<64xi32, #tpu.memory_space<hbm>>
        %dma_wait3A_528 = tpu.memref_slice %arg14[%dma_wait3A_523] : memref<10x!tpu.dma_semaphore, #tpu.memory_space<semaphore_mem>> -> memref<1x!tpu.dma_semaphore, #tpu.memory_space<semaphore_mem>>
        %dma_wait3A_529 = tpu.memref_squeeze %dma_wait3A_528 : memref<1x!tpu.dma_semaphore, #tpu.memory_space<semaphore_mem>> -> memref<!tpu.dma_semaphore, #tpu.memory_space<semaphore_mem>>
        %dma_wait3A_530 = arith.constant 0 : i32
        %dma_wait3A_531 = tpu.memref_slice %arg7[%dma_wait3A_522, %dma_wait3A_530] : memref<10x64xi32, #tpu.memory_space<vmem>> -> memref<1x64xi32, #tpu.memory_space<vmem>>
        %dma_wait3A_532 = tpu.memref_squeeze %dma_wait3A_531 : memref<1x64xi32, #tpu.memory_space<vmem>> -> memref<64xi32, #tpu.memory_space<vmem>>
        %dma_wait3A_533 = tpu.memref_slice %arg3[%mul3A_2] : memref<640000xi32, #tpu.memory_space<hbm>> -> memref<64xi32, #tpu.memory_space<hbm>>
        tpu.wait_dma2 semaphore(%dma_wait3A_529 : memref<!tpu.dma_semaphore, #tpu.memory_space<semaphore_mem>>) src(%dma_wait3A_533 : memref<64xi32, #tpu.memory_space<hbm>>) dst(%dma_wait3A_532 : memref<64xi32, #tpu.memory_space<vmem>>)
        %dma_start3A_534 = arith.constant 1 : i32
        %dma_start3A_535 = arith.constant 6 : i32
        %dma_start3A_536 = arith.constant 1 : i32
        %dma_start3A_537 = arith.constant 0 : i32
        %dma_start3A_538 = arith.constant 0 : i32
        %dma_start3A_539 = tpu.memref_slice %arg8[%dma_start3A_534, %dma_start3A_537, %dma_start3A_538] : memref<5x64x128xf32, #tpu.memory_space<vmem>> -> memref<1x64x128xf32, #tpu.memory_space<vmem>>
        %dma_start3A_540 = tpu.memref_squeeze %dma_start3A_539 : memref<1x64x128xf32, #tpu.memory_space<vmem>> -> memref<64x128xf32, #tpu.memory_space<vmem>>
        %dma_start3A_541 = arith.constant 0 : i32
        %dma_start3A_542 = tpu.memref_slice %arg7[%dma_start3A_535, %dma_start3A_541] : memref<10x64xi32, #tpu.memory_space<vmem>> -> memref<1x64xi32, #tpu.memory_space<vmem>>
        %dma_start3A_543 = tpu.memref_squeeze %dma_start3A_542 : memref<1x64xi32, #tpu.memory_space<vmem>> -> memref<64xi32, #tpu.memory_space<vmem>>
        %dma_start3A_544 = arith.constant 0 : i32
        %dma_start3A_545 = arith.constant 0 : i32
        %dma_start3A_546 = tpu.memref_slice %arg12[%dma_start3A_544, %dma_start3A_545] : memref<10240x128xf32, #tpu.memory_space<vmem_shared>> -> memref<10240x128xf32, #tpu.memory_space<vmem_shared>>
        %dma_start3A_547 = tpu.memref_slice %arg16[%dma_start3A_536] : memref<5x!tpu.dma_semaphore, #tpu.memory_space<semaphore_mem>> -> memref<1x!tpu.dma_semaphore, #tpu.memory_space<semaphore_mem>>
        %dma_start3A_548 = tpu.memref_squeeze %dma_start3A_547 : memref<1x!tpu.dma_semaphore, #tpu.memory_space<semaphore_mem>> -> memref<!tpu.dma_semaphore, #tpu.memory_space<semaphore_mem>>
        tpu.enqueue_indirect_dma source(%dma_start3A_540 : memref<64x128xf32, #tpu.memory_space<vmem>>) target(%dma_start3A_546 : memref<10240x128xf32, #tpu.memory_space<vmem_shared>>) offsets(%dma_start3A_543 : memref<64xi32, #tpu.memory_space<vmem>>) semaphore(%dma_start3A_548 : memref<!tpu.dma_semaphore, #tpu.memory_space<semaphore_mem>>) {add = true}
        %add3A_549 = arith.constant 2 : i32
        %add3A_550 = arith.addi %add3A_474, %add3A_549 : i32
        %lt3A_551 = arith.constant 156 : i32
        %lt3A_552 = arith.cmpi slt, %add3A_550, %lt3A_551 : i32
        %ge3A = arith.constant 3 : i32
        %ge3A_553 = arith.cmpi sge, %add3A_474, %ge3A : i32
        %and3A = arith.andi %lt3A_552, %ge3A_553 : i1
        %convert_element_type3A_554 = arith.extui %and3A : i1 to i32
        %cond3A_555 = arith.constant 0 : i32
        %cond3A_556 = arith.cmpi ne, %convert_element_type3A_554, %cond3A_555 : i32
        scf.if %cond3A_556 {
          %dma_wait3A_571 = arith.constant 3 : i32
          %dma_wait3A_572 = arith.constant 8 : i32
          %dma_wait3A_573 = arith.constant 3 : i32
          %dma_wait3A_574 = arith.constant 0 : i32
          %dma_wait3A_575 = arith.constant 0 : i32
          %dma_wait3A_576 = tpu.memref_slice %arg8[%dma_wait3A_571, %dma_wait3A_574, %dma_wait3A_575] : memref<5x64x128xf32, #tpu.memory_space<vmem>> -> memref<1x64x128xf32, #tpu.memory_space<vmem>>
          %dma_wait3A_577 = tpu.memref_squeeze %dma_wait3A_576 : memref<1x64x128xf32, #tpu.memory_space<vmem>> -> memref<64x128xf32, #tpu.memory_space<vmem>>
          %dma_wait3A_578 = arith.constant 0 : i32
          %dma_wait3A_579 = tpu.memref_slice %arg7[%dma_wait3A_572, %dma_wait3A_578] : memref<10x64xi32, #tpu.memory_space<vmem>> -> memref<1x64xi32, #tpu.memory_space<vmem>>
          %dma_wait3A_580 = tpu.memref_squeeze %dma_wait3A_579 : memref<1x64xi32, #tpu.memory_space<vmem>> -> memref<64xi32, #tpu.memory_space<vmem>>
          %dma_wait3A_581 = arith.constant 0 : i32
          %dma_wait3A_582 = arith.constant 0 : i32
          %dma_wait3A_583 = tpu.memref_slice %arg12[%dma_wait3A_581, %dma_wait3A_582] : memref<10240x128xf32, #tpu.memory_space<vmem_shared>> -> memref<10240x128xf32, #tpu.memory_space<vmem_shared>>
          %dma_wait3A_584 = tpu.memref_slice %arg16[%dma_wait3A_573] : memref<5x!tpu.dma_semaphore, #tpu.memory_space<semaphore_mem>> -> memref<1x!tpu.dma_semaphore, #tpu.memory_space<semaphore_mem>>
          %dma_wait3A_585 = tpu.memref_squeeze %dma_wait3A_584 : memref<1x!tpu.dma_semaphore, #tpu.memory_space<semaphore_mem>> -> memref<!tpu.dma_semaphore, #tpu.memory_space<semaphore_mem>>
          tpu.wait_indirect_dma semaphore(%dma_wait3A_585 : memref<!tpu.dma_semaphore, #tpu.memory_space<semaphore_mem>>) src(%dma_wait3A_577 : memref<64x128xf32, #tpu.memory_space<vmem>>) dst(%dma_wait3A_583 : memref<10240x128xf32, #tpu.memory_space<vmem_shared>>)
        } else {
        }
        %add3A_557 = arith.constant 2 : i32
        %add3A_558 = arith.addi %add3A_474, %add3A_557 : i32
        %lt3A_559 = arith.constant 156 : i32
        %lt3A_560 = arith.cmpi slt, %add3A_558, %lt3A_559 : i32
        %convert_element_type3A_561 = arith.extui %lt3A_560 : i1 to i32
        %cond3A_562 = arith.constant 0 : i32
        %cond3A_563 = arith.cmpi ne, %convert_element_type3A_561, %cond3A_562 : i32
        scf.if %cond3A_563 {
          %dma_wait3A_571 = arith.constant 8 : i32
          %dma_wait3A_572 = arith.constant 8 : i32
          %dma_wait3A_573 = arith.constant 0 : i32
          %dma_wait3A_574 = tpu.memref_slice %arg6[%dma_wait3A_571, %dma_wait3A_573] : memref<10x64xi32, #tpu.memory_space<vmem>> -> memref<1x64xi32, #tpu.memory_space<vmem>>
          %dma_wait3A_575 = tpu.memref_squeeze %dma_wait3A_574 : memref<1x64xi32, #tpu.memory_space<vmem>> -> memref<64xi32, #tpu.memory_space<vmem>>
          %dma_wait3A_576 = tpu.memref_slice %arg3[%mul3A_2] : memref<640000xi32, #tpu.memory_space<hbm>> -> memref<64xi32, #tpu.memory_space<hbm>>
          %dma_wait3A_577 = tpu.memref_slice %arg13[%dma_wait3A_572] : memref<10x!tpu.dma_semaphore, #tpu.memory_space<semaphore_mem>> -> memref<1x!tpu.dma_semaphore, #tpu.memory_space<semaphore_mem>>
          %dma_wait3A_578 = tpu.memref_squeeze %dma_wait3A_577 : memref<1x!tpu.dma_semaphore, #tpu.memory_space<semaphore_mem>> -> memref<!tpu.dma_semaphore, #tpu.memory_space<semaphore_mem>>
          %dma_wait3A_579 = arith.constant 0 : i32
          %dma_wait3A_580 = tpu.memref_slice %arg6[%dma_wait3A_571, %dma_wait3A_579] : memref<10x64xi32, #tpu.memory_space<vmem>> -> memref<1x64xi32, #tpu.memory_space<vmem>>
          %dma_wait3A_581 = tpu.memref_squeeze %dma_wait3A_580 : memref<1x64xi32, #tpu.memory_space<vmem>> -> memref<64xi32, #tpu.memory_space<vmem>>
          %dma_wait3A_582 = tpu.memref_slice %arg3[%mul3A_2] : memref<640000xi32, #tpu.memory_space<hbm>> -> memref<64xi32, #tpu.memory_space<hbm>>
          tpu.wait_dma2 semaphore(%dma_wait3A_578 : memref<!tpu.dma_semaphore, #tpu.memory_space<semaphore_mem>>) src(%dma_wait3A_582 : memref<64xi32, #tpu.memory_space<hbm>>) dst(%dma_wait3A_581 : memref<64xi32, #tpu.memory_space<vmem>>)
          %add3A_583 = arith.constant 2 : i32
          %add3A_584 = arith.addi %add3A_474, %add3A_583 : i32
          %dma_start3A_585 = arith.constant 8 : i32
          %dma_start3A_586 = arith.constant 3 : i32
          %dma_start3A_587 = arith.constant 3 : i32
          %dma_start3A_588 = arith.constant 0 : i32
          %dma_start3A_589 = arith.constant 0 : i32
          %dma_start3A_590 = tpu.memref_slice %arg8[%dma_start3A_586, %dma_start3A_588, %dma_start3A_589] : memref<5x64x128xf32, #tpu.memory_space<vmem>> -> memref<1x64x128xf32, #tpu.memory_space<vmem>>
          %dma_start3A_591 = tpu.memref_squeeze %dma_start3A_590 : memref<1x64x128xf32, #tpu.memory_space<vmem>> -> memref<64x128xf32, #tpu.memory_space<vmem>>
          %dma_start3A_592 = arith.constant 0 : i32
          %dma_start3A_593 = tpu.memref_slice %arg6[%dma_start3A_585, %dma_start3A_592] : memref<10x64xi32, #tpu.memory_space<vmem>> -> memref<1x64xi32, #tpu.memory_space<vmem>>
          %dma_start3A_594 = tpu.memref_squeeze %dma_start3A_593 : memref<1x64xi32, #tpu.memory_space<vmem>> -> memref<64xi32, #tpu.memory_space<vmem>>
          %dma_start3A_595 = arith.constant 0 : i32
          %dma_start3A_596 = arith.constant 0 : i32
          %dma_start3A_597 = tpu.memref_slice %arg2[%dma_start3A_595, %dma_start3A_596] : memref<10000x128xf32, #tpu.memory_space<hbm>> -> memref<10000x128xf32, #tpu.memory_space<hbm>>
          %dma_start3A_598 = tpu.memref_slice %arg15[%dma_start3A_587] : memref<5x!tpu.dma_semaphore, #tpu.memory_space<semaphore_mem>> -> memref<1x!tpu.dma_semaphore, #tpu.memory_space<semaphore_mem>>
          %dma_start3A_599 = tpu.memref_squeeze %dma_start3A_598 : memref<1x!tpu.dma_semaphore, #tpu.memory_space<semaphore_mem>> -> memref<!tpu.dma_semaphore, #tpu.memory_space<semaphore_mem>>
          tpu.enqueue_indirect_dma source(%dma_start3A_597 : memref<10000x128xf32, #tpu.memory_space<hbm>>) target(%dma_start3A_591 : memref<64x128xf32, #tpu.memory_space<vmem>>) offsets(%dma_start3A_594 : memref<64xi32, #tpu.memory_space<vmem>>) semaphore(%dma_start3A_599 : memref<!tpu.dma_semaphore, #tpu.memory_space<semaphore_mem>>)
        } else {
        }
        %add3A_564 = arith.constant 6 : i32
        %add3A_565 = arith.addi %add3A_474, %add3A_564 : i32
        %lt3A_566 = arith.constant 156 : i32
        %lt3A_567 = arith.cmpi slt, %add3A_565, %lt3A_566 : i32
        %convert_element_type3A_568 = arith.extui %lt3A_567 : i1 to i32
        %cond3A_569 = arith.constant 0 : i32
        %cond3A_570 = arith.cmpi ne, %convert_element_type3A_568, %cond3A_569 : i32
        scf.if %cond3A_570 {
          %add3A_571 = arith.constant 6 : i32
          %add3A_572 = arith.addi %add3A_474, %add3A_571 : i32
          %mul3A_573 = arith.constant 64 : i32
          %mul3A_574 = arith.muli %add3A_572, %mul3A_573 : i32
          %add3A_575 = arith.addi %mul3A_2, %mul3A_574 : i32
          %dma_start3A_576 = arith.constant 2 : i32
          %dma_start3A_577 = arith.constant 2 : i32
          %dma_start3A_578 = arith.constant 0 : i32
          %dma_start3A_579 = tpu.memref_slice %arg6[%dma_start3A_576, %dma_start3A_578] : memref<10x64xi32, #tpu.memory_space<vmem>> -> memref<1x64xi32, #tpu.memory_space<vmem>>
          %dma_start3A_580 = tpu.memref_squeeze %dma_start3A_579 : memref<1x64xi32, #tpu.memory_space<vmem>> -> memref<64xi32, #tpu.memory_space<vmem>>
          %dma_start3A_581 = tpu.memref_slice %arg3[%add3A_575] : memref<640000xi32, #tpu.memory_space<hbm>> -> memref<64xi32, #tpu.memory_space<hbm>>
          %dma_start3A_582 = tpu.memref_slice %arg13[%dma_start3A_577] : memref<10x!tpu.dma_semaphore, #tpu.memory_space<semaphore_mem>> -> memref<1x!tpu.dma_semaphore, #tpu.memory_space<semaphore_mem>>
          %dma_start3A_583 = tpu.memref_squeeze %dma_start3A_582 : memref<1x!tpu.dma_semaphore, #tpu.memory_space<semaphore_mem>> -> memref<!tpu.dma_semaphore, #tpu.memory_space<semaphore_mem>>
          %dma_start3A_584 = arith.constant 0 : i32
          %dma_start3A_585 = tpu.memref_slice %arg6[%dma_start3A_576, %dma_start3A_584] : memref<10x64xi32, #tpu.memory_space<vmem>> -> memref<1x64xi32, #tpu.memory_space<vmem>>
          %dma_start3A_586 = tpu.memref_squeeze %dma_start3A_585 : memref<1x64xi32, #tpu.memory_space<vmem>> -> memref<64xi32, #tpu.memory_space<vmem>>
          %dma_start3A_587 = tpu.memref_slice %arg3[%add3A_575] : memref<640000xi32, #tpu.memory_space<hbm>> -> memref<64xi32, #tpu.memory_space<hbm>>
          tpu.enqueue_dma source(%dma_start3A_587 : memref<64xi32, #tpu.memory_space<hbm>>) target(%dma_start3A_586 : memref<64xi32, #tpu.memory_space<vmem>>) target_semaphore(%dma_start3A_583 : memref<!tpu.dma_semaphore, #tpu.memory_space<semaphore_mem>>)
          %add3A_588 = arith.constant 320000 : i32
          %add3A_589 = arith.addi %add3A_588, %mul3A_2 : i32
          %mul3A_590 = arith.constant 64 : i32
          %mul3A_591 = arith.muli %add3A_572, %mul3A_590 : i32
          %add3A_592 = arith.addi %add3A_589, %mul3A_591 : i32
          %dma_start3A_593 = arith.constant 2 : i32
          %dma_start3A_594 = arith.constant 2 : i32
          %dma_start3A_595 = arith.constant 0 : i32
          %dma_start3A_596 = tpu.memref_slice %arg7[%dma_start3A_593, %dma_start3A_595] : memref<10x64xi32, #tpu.memory_space<vmem>> -> memref<1x64xi32, #tpu.memory_space<vmem>>
          %dma_start3A_597 = tpu.memref_squeeze %dma_start3A_596 : memref<1x64xi32, #tpu.memory_space<vmem>> -> memref<64xi32, #tpu.memory_space<vmem>>
          %dma_start3A_598 = tpu.memref_slice %arg3[%add3A_592] : memref<640000xi32, #tpu.memory_space<hbm>> -> memref<64xi32, #tpu.memory_space<hbm>>
          %dma_start3A_599 = tpu.memref_slice %arg14[%dma_start3A_594] : memref<10x!tpu.dma_semaphore, #tpu.memory_space<semaphore_mem>> -> memref<1x!tpu.dma_semaphore, #tpu.memory_space<semaphore_mem>>
          %dma_start3A_600 = tpu.memref_squeeze %dma_start3A_599 : memref<1x!tpu.dma_semaphore, #tpu.memory_space<semaphore_mem>> -> memref<!tpu.dma_semaphore, #tpu.memory_space<semaphore_mem>>
          %dma_start3A_601 = arith.constant 0 : i32
          %dma_start3A_602 = tpu.memref_slice %arg7[%dma_start3A_593, %dma_start3A_601] : memref<10x64xi32, #tpu.memory_space<vmem>> -> memref<1x64xi32, #tpu.memory_space<vmem>>
          %dma_start3A_603 = tpu.memref_squeeze %dma_start3A_602 : memref<1x64xi32, #tpu.memory_space<vmem>> -> memref<64xi32, #tpu.memory_space<vmem>>
          %dma_start3A_604 = tpu.memref_slice %arg3[%add3A_592] : memref<640000xi32, #tpu.memory_space<hbm>> -> memref<64xi32, #tpu.memory_space<hbm>>
          tpu.enqueue_dma source(%dma_start3A_604 : memref<64xi32, #tpu.memory_space<hbm>>) target(%dma_start3A_603 : memref<64xi32, #tpu.memory_space<vmem>>) target_semaphore(%dma_start3A_600 : memref<!tpu.dma_semaphore, #tpu.memory_space<semaphore_mem>>)
        } else {
        }
      } else {
      }
      %mul3A_480 = arith.constant 10 : i32
      %mul3A_481 = arith.muli %mul3A_480, %scan3A_417 : i32
      %add3A_482 = arith.constant 7 : i32
      %add3A_483 = arith.addi %mul3A_481, %add3A_482 : i32
      %lt3A_484 = arith.constant 156 : i32
      %lt3A_485 = arith.cmpi slt, %add3A_483, %lt3A_484 : i32
      %convert_element_type3A_486 = arith.extui %lt3A_485 : i1 to i32
      %cond3A_487 = arith.constant 0 : i32
      %cond3A_488 = arith.cmpi ne, %convert_element_type3A_486, %cond3A_487 : i32
      scf.if %cond3A_488 {
        %dma_wait3A_507 = arith.constant 7 : i32
        %dma_wait3A_508 = arith.constant 2 : i32
        %dma_wait3A_509 = arith.constant 2 : i32
        %dma_wait3A_510 = arith.constant 0 : i32
        %dma_wait3A_511 = arith.constant 0 : i32
        %dma_wait3A_512 = tpu.memref_slice %arg8[%dma_wait3A_508, %dma_wait3A_510, %dma_wait3A_511] : memref<5x64x128xf32, #tpu.memory_space<vmem>> -> memref<1x64x128xf32, #tpu.memory_space<vmem>>
        %dma_wait3A_513 = tpu.memref_squeeze %dma_wait3A_512 : memref<1x64x128xf32, #tpu.memory_space<vmem>> -> memref<64x128xf32, #tpu.memory_space<vmem>>
        %dma_wait3A_514 = arith.constant 0 : i32
        %dma_wait3A_515 = tpu.memref_slice %arg6[%dma_wait3A_507, %dma_wait3A_514] : memref<10x64xi32, #tpu.memory_space<vmem>> -> memref<1x64xi32, #tpu.memory_space<vmem>>
        %dma_wait3A_516 = tpu.memref_squeeze %dma_wait3A_515 : memref<1x64xi32, #tpu.memory_space<vmem>> -> memref<64xi32, #tpu.memory_space<vmem>>
        %dma_wait3A_517 = arith.constant 0 : i32
        %dma_wait3A_518 = arith.constant 0 : i32
        %dma_wait3A_519 = tpu.memref_slice %arg2[%dma_wait3A_517, %dma_wait3A_518] : memref<10000x128xf32, #tpu.memory_space<hbm>> -> memref<10000x128xf32, #tpu.memory_space<hbm>>
        %dma_wait3A_520 = tpu.memref_slice %arg15[%dma_wait3A_509] : memref<5x!tpu.dma_semaphore, #tpu.memory_space<semaphore_mem>> -> memref<1x!tpu.dma_semaphore, #tpu.memory_space<semaphore_mem>>
        %dma_wait3A_521 = tpu.memref_squeeze %dma_wait3A_520 : memref<1x!tpu.dma_semaphore, #tpu.memory_space<semaphore_mem>> -> memref<!tpu.dma_semaphore, #tpu.memory_space<semaphore_mem>>
        tpu.wait_indirect_dma semaphore(%dma_wait3A_521 : memref<!tpu.dma_semaphore, #tpu.memory_space<semaphore_mem>>) src(%dma_wait3A_519 : memref<10000x128xf32, #tpu.memory_space<hbm>>) dst(%dma_wait3A_513 : memref<64x128xf32, #tpu.memory_space<vmem>>)
        %dma_wait3A_522 = arith.constant 7 : i32
        %dma_wait3A_523 = arith.constant 7 : i32
        %dma_wait3A_524 = arith.constant 0 : i32
        %dma_wait3A_525 = tpu.memref_slice %arg7[%dma_wait3A_522, %dma_wait3A_524] : memref<10x64xi32, #tpu.memory_space<vmem>> -> memref<1x64xi32, #tpu.memory_space<vmem>>
        %dma_wait3A_526 = tpu.memref_squeeze %dma_wait3A_525 : memref<1x64xi32, #tpu.memory_space<vmem>> -> memref<64xi32, #tpu.memory_space<vmem>>
        %dma_wait3A_527 = tpu.memref_slice %arg3[%mul3A_2] : memref<640000xi32, #tpu.memory_space<hbm>> -> memref<64xi32, #tpu.memory_space<hbm>>
        %dma_wait3A_528 = tpu.memref_slice %arg14[%dma_wait3A_523] : memref<10x!tpu.dma_semaphore, #tpu.memory_space<semaphore_mem>> -> memref<1x!tpu.dma_semaphore, #tpu.memory_space<semaphore_mem>>
        %dma_wait3A_529 = tpu.memref_squeeze %dma_wait3A_528 : memref<1x!tpu.dma_semaphore, #tpu.memory_space<semaphore_mem>> -> memref<!tpu.dma_semaphore, #tpu.memory_space<semaphore_mem>>
        %dma_wait3A_530 = arith.constant 0 : i32
        %dma_wait3A_531 = tpu.memref_slice %arg7[%dma_wait3A_522, %dma_wait3A_530] : memref<10x64xi32, #tpu.memory_space<vmem>> -> memref<1x64xi32, #tpu.memory_space<vmem>>
        %dma_wait3A_532 = tpu.memref_squeeze %dma_wait3A_531 : memref<1x64xi32, #tpu.memory_space<vmem>> -> memref<64xi32, #tpu.memory_space<vmem>>
        %dma_wait3A_533 = tpu.memref_slice %arg3[%mul3A_2] : memref<640000xi32, #tpu.memory_space<hbm>> -> memref<64xi32, #tpu.memory_space<hbm>>
        tpu.wait_dma2 semaphore(%dma_wait3A_529 : memref<!tpu.dma_semaphore, #tpu.memory_space<semaphore_mem>>) src(%dma_wait3A_533 : memref<64xi32, #tpu.memory_space<hbm>>) dst(%dma_wait3A_532 : memref<64xi32, #tpu.memory_space<vmem>>)
        %dma_start3A_534 = arith.constant 2 : i32
        %dma_start3A_535 = arith.constant 7 : i32
        %dma_start3A_536 = arith.constant 2 : i32
        %dma_start3A_537 = arith.constant 0 : i32
        %dma_start3A_538 = arith.constant 0 : i32
        %dma_start3A_539 = tpu.memref_slice %arg8[%dma_start3A_534, %dma_start3A_537, %dma_start3A_538] : memref<5x64x128xf32, #tpu.memory_space<vmem>> -> memref<1x64x128xf32, #tpu.memory_space<vmem>>
        %dma_start3A_540 = tpu.memref_squeeze %dma_start3A_539 : memref<1x64x128xf32, #tpu.memory_space<vmem>> -> memref<64x128xf32, #tpu.memory_space<vmem>>
        %dma_start3A_541 = arith.constant 0 : i32
        %dma_start3A_542 = tpu.memref_slice %arg7[%dma_start3A_535, %dma_start3A_541] : memref<10x64xi32, #tpu.memory_space<vmem>> -> memref<1x64xi32, #tpu.memory_space<vmem>>
        %dma_start3A_543 = tpu.memref_squeeze %dma_start3A_542 : memref<1x64xi32, #tpu.memory_space<vmem>> -> memref<64xi32, #tpu.memory_space<vmem>>
        %dma_start3A_544 = arith.constant 0 : i32
        %dma_start3A_545 = arith.constant 0 : i32
        %dma_start3A_546 = tpu.memref_slice %arg12[%dma_start3A_544, %dma_start3A_545] : memref<10240x128xf32, #tpu.memory_space<vmem_shared>> -> memref<10240x128xf32, #tpu.memory_space<vmem_shared>>
        %dma_start3A_547 = tpu.memref_slice %arg16[%dma_start3A_536] : memref<5x!tpu.dma_semaphore, #tpu.memory_space<semaphore_mem>> -> memref<1x!tpu.dma_semaphore, #tpu.memory_space<semaphore_mem>>
        %dma_start3A_548 = tpu.memref_squeeze %dma_start3A_547 : memref<1x!tpu.dma_semaphore, #tpu.memory_space<semaphore_mem>> -> memref<!tpu.dma_semaphore, #tpu.memory_space<semaphore_mem>>
        tpu.enqueue_indirect_dma source(%dma_start3A_540 : memref<64x128xf32, #tpu.memory_space<vmem>>) target(%dma_start3A_546 : memref<10240x128xf32, #tpu.memory_space<vmem_shared>>) offsets(%dma_start3A_543 : memref<64xi32, #tpu.memory_space<vmem>>) semaphore(%dma_start3A_548 : memref<!tpu.dma_semaphore, #tpu.memory_space<semaphore_mem>>) {add = true}
        %add3A_549 = arith.constant 2 : i32
        %add3A_550 = arith.addi %add3A_483, %add3A_549 : i32
        %lt3A_551 = arith.constant 156 : i32
        %lt3A_552 = arith.cmpi slt, %add3A_550, %lt3A_551 : i32
        %ge3A = arith.constant 3 : i32
        %ge3A_553 = arith.cmpi sge, %add3A_483, %ge3A : i32
        %and3A = arith.andi %lt3A_552, %ge3A_553 : i1
        %convert_element_type3A_554 = arith.extui %and3A : i1 to i32
        %cond3A_555 = arith.constant 0 : i32
        %cond3A_556 = arith.cmpi ne, %convert_element_type3A_554, %cond3A_555 : i32
        scf.if %cond3A_556 {
          %dma_wait3A_571 = arith.constant 4 : i32
          %dma_wait3A_572 = arith.constant 9 : i32
          %dma_wait3A_573 = arith.constant 4 : i32
          %dma_wait3A_574 = arith.constant 0 : i32
          %dma_wait3A_575 = arith.constant 0 : i32
          %dma_wait3A_576 = tpu.memref_slice %arg8[%dma_wait3A_571, %dma_wait3A_574, %dma_wait3A_575] : memref<5x64x128xf32, #tpu.memory_space<vmem>> -> memref<1x64x128xf32, #tpu.memory_space<vmem>>
          %dma_wait3A_577 = tpu.memref_squeeze %dma_wait3A_576 : memref<1x64x128xf32, #tpu.memory_space<vmem>> -> memref<64x128xf32, #tpu.memory_space<vmem>>
          %dma_wait3A_578 = arith.constant 0 : i32
          %dma_wait3A_579 = tpu.memref_slice %arg7[%dma_wait3A_572, %dma_wait3A_578] : memref<10x64xi32, #tpu.memory_space<vmem>> -> memref<1x64xi32, #tpu.memory_space<vmem>>
          %dma_wait3A_580 = tpu.memref_squeeze %dma_wait3A_579 : memref<1x64xi32, #tpu.memory_space<vmem>> -> memref<64xi32, #tpu.memory_space<vmem>>
          %dma_wait3A_581 = arith.constant 0 : i32
          %dma_wait3A_582 = arith.constant 0 : i32
          %dma_wait3A_583 = tpu.memref_slice %arg12[%dma_wait3A_581, %dma_wait3A_582] : memref<10240x128xf32, #tpu.memory_space<vmem_shared>> -> memref<10240x128xf32, #tpu.memory_space<vmem_shared>>
          %dma_wait3A_584 = tpu.memref_slice %arg16[%dma_wait3A_573] : memref<5x!tpu.dma_semaphore, #tpu.memory_space<semaphore_mem>> -> memref<1x!tpu.dma_semaphore, #tpu.memory_space<semaphore_mem>>
          %dma_wait3A_585 = tpu.memref_squeeze %dma_wait3A_584 : memref<1x!tpu.dma_semaphore, #tpu.memory_space<semaphore_mem>> -> memref<!tpu.dma_semaphore, #tpu.memory_space<semaphore_mem>>
          tpu.wait_indirect_dma semaphore(%dma_wait3A_585 : memref<!tpu.dma_semaphore, #tpu.memory_space<semaphore_mem>>) src(%dma_wait3A_577 : memref<64x128xf32, #tpu.memory_space<vmem>>) dst(%dma_wait3A_583 : memref<10240x128xf32, #tpu.memory_space<vmem_shared>>)
        } else {
        }
        %add3A_557 = arith.constant 2 : i32
        %add3A_558 = arith.addi %add3A_483, %add3A_557 : i32
        %lt3A_559 = arith.constant 156 : i32
        %lt3A_560 = arith.cmpi slt, %add3A_558, %lt3A_559 : i32
        %convert_element_type3A_561 = arith.extui %lt3A_560 : i1 to i32
        %cond3A_562 = arith.constant 0 : i32
        %cond3A_563 = arith.cmpi ne, %convert_element_type3A_561, %cond3A_562 : i32
        scf.if %cond3A_563 {
          %dma_wait3A_571 = arith.constant 9 : i32
          %dma_wait3A_572 = arith.constant 9 : i32
          %dma_wait3A_573 = arith.constant 0 : i32
          %dma_wait3A_574 = tpu.memref_slice %arg6[%dma_wait3A_571, %dma_wait3A_573] : memref<10x64xi32, #tpu.memory_space<vmem>> -> memref<1x64xi32, #tpu.memory_space<vmem>>
          %dma_wait3A_575 = tpu.memref_squeeze %dma_wait3A_574 : memref<1x64xi32, #tpu.memory_space<vmem>> -> memref<64xi32, #tpu.memory_space<vmem>>
          %dma_wait3A_576 = tpu.memref_slice %arg3[%mul3A_2] : memref<640000xi32, #tpu.memory_space<hbm>> -> memref<64xi32, #tpu.memory_space<hbm>>
          %dma_wait3A_577 = tpu.memref_slice %arg13[%dma_wait3A_572] : memref<10x!tpu.dma_semaphore, #tpu.memory_space<semaphore_mem>> -> memref<1x!tpu.dma_semaphore, #tpu.memory_space<semaphore_mem>>
          %dma_wait3A_578 = tpu.memref_squeeze %dma_wait3A_577 : memref<1x!tpu.dma_semaphore, #tpu.memory_space<semaphore_mem>> -> memref<!tpu.dma_semaphore, #tpu.memory_space<semaphore_mem>>
          %dma_wait3A_579 = arith.constant 0 : i32
          %dma_wait3A_580 = tpu.memref_slice %arg6[%dma_wait3A_571, %dma_wait3A_579] : memref<10x64xi32, #tpu.memory_space<vmem>> -> memref<1x64xi32, #tpu.memory_space<vmem>>
          %dma_wait3A_581 = tpu.memref_squeeze %dma_wait3A_580 : memref<1x64xi32, #tpu.memory_space<vmem>> -> memref<64xi32, #tpu.memory_space<vmem>>
          %dma_wait3A_582 = tpu.memref_slice %arg3[%mul3A_2] : memref<640000xi32, #tpu.memory_space<hbm>> -> memref<64xi32, #tpu.memory_space<hbm>>
          tpu.wait_dma2 semaphore(%dma_wait3A_578 : memref<!tpu.dma_semaphore, #tpu.memory_space<semaphore_mem>>) src(%dma_wait3A_582 : memref<64xi32, #tpu.memory_space<hbm>>) dst(%dma_wait3A_581 : memref<64xi32, #tpu.memory_space<vmem>>)
          %add3A_583 = arith.constant 2 : i32
          %add3A_584 = arith.addi %add3A_483, %add3A_583 : i32
          %dma_start3A_585 = arith.constant 9 : i32
          %dma_start3A_586 = arith.constant 4 : i32
          %dma_start3A_587 = arith.constant 4 : i32
          %dma_start3A_588 = arith.constant 0 : i32
          %dma_start3A_589 = arith.constant 0 : i32
          %dma_start3A_590 = tpu.memref_slice %arg8[%dma_start3A_586, %dma_start3A_588, %dma_start3A_589] : memref<5x64x128xf32, #tpu.memory_space<vmem>> -> memref<1x64x128xf32, #tpu.memory_space<vmem>>
          %dma_start3A_591 = tpu.memref_squeeze %dma_start3A_590 : memref<1x64x128xf32, #tpu.memory_space<vmem>> -> memref<64x128xf32, #tpu.memory_space<vmem>>
          %dma_start3A_592 = arith.constant 0 : i32
          %dma_start3A_593 = tpu.memref_slice %arg6[%dma_start3A_585, %dma_start3A_592] : memref<10x64xi32, #tpu.memory_space<vmem>> -> memref<1x64xi32, #tpu.memory_space<vmem>>
          %dma_start3A_594 = tpu.memref_squeeze %dma_start3A_593 : memref<1x64xi32, #tpu.memory_space<vmem>> -> memref<64xi32, #tpu.memory_space<vmem>>
          %dma_start3A_595 = arith.constant 0 : i32
          %dma_start3A_596 = arith.constant 0 : i32
          %dma_start3A_597 = tpu.memref_slice %arg2[%dma_start3A_595, %dma_start3A_596] : memref<10000x128xf32, #tpu.memory_space<hbm>> -> memref<10000x128xf32, #tpu.memory_space<hbm>>
          %dma_start3A_598 = tpu.memref_slice %arg15[%dma_start3A_587] : memref<5x!tpu.dma_semaphore, #tpu.memory_space<semaphore_mem>> -> memref<1x!tpu.dma_semaphore, #tpu.memory_space<semaphore_mem>>
          %dma_start3A_599 = tpu.memref_squeeze %dma_start3A_598 : memref<1x!tpu.dma_semaphore, #tpu.memory_space<semaphore_mem>> -> memref<!tpu.dma_semaphore, #tpu.memory_space<semaphore_mem>>
          tpu.enqueue_indirect_dma source(%dma_start3A_597 : memref<10000x128xf32, #tpu.memory_space<hbm>>) target(%dma_start3A_591 : memref<64x128xf32, #tpu.memory_space<vmem>>) offsets(%dma_start3A_594 : memref<64xi32, #tpu.memory_space<vmem>>) semaphore(%dma_start3A_599 : memref<!tpu.dma_semaphore, #tpu.memory_space<semaphore_mem>>)
        } else {
        }
        %add3A_564 = arith.constant 6 : i32
        %add3A_565 = arith.addi %add3A_483, %add3A_564 : i32
        %lt3A_566 = arith.constant 156 : i32
        %lt3A_567 = arith.cmpi slt, %add3A_565, %lt3A_566 : i32
        %convert_element_type3A_568 = arith.extui %lt3A_567 : i1 to i32
        %cond3A_569 = arith.constant 0 : i32
        %cond3A_570 = arith.cmpi ne, %convert_element_type3A_568, %cond3A_569 : i32
        scf.if %cond3A_570 {
          %add3A_571 = arith.constant 6 : i32
          %add3A_572 = arith.addi %add3A_483, %add3A_571 : i32
          %mul3A_573 = arith.constant 64 : i32
          %mul3A_574 = arith.muli %add3A_572, %mul3A_573 : i32
          %add3A_575 = arith.addi %mul3A_2, %mul3A_574 : i32
          %dma_start3A_576 = arith.constant 3 : i32
          %dma_start3A_577 = arith.constant 3 : i32
          %dma_start3A_578 = arith.constant 0 : i32
          %dma_start3A_579 = tpu.memref_slice %arg6[%dma_start3A_576, %dma_start3A_578] : memref<10x64xi32, #tpu.memory_space<vmem>> -> memref<1x64xi32, #tpu.memory_space<vmem>>
          %dma_start3A_580 = tpu.memref_squeeze %dma_start3A_579 : memref<1x64xi32, #tpu.memory_space<vmem>> -> memref<64xi32, #tpu.memory_space<vmem>>
          %dma_start3A_581 = tpu.memref_slice %arg3[%add3A_575] : memref<640000xi32, #tpu.memory_space<hbm>> -> memref<64xi32, #tpu.memory_space<hbm>>
          %dma_start3A_582 = tpu.memref_slice %arg13[%dma_start3A_577] : memref<10x!tpu.dma_semaphore, #tpu.memory_space<semaphore_mem>> -> memref<1x!tpu.dma_semaphore, #tpu.memory_space<semaphore_mem>>
          %dma_start3A_583 = tpu.memref_squeeze %dma_start3A_582 : memref<1x!tpu.dma_semaphore, #tpu.memory_space<semaphore_mem>> -> memref<!tpu.dma_semaphore, #tpu.memory_space<semaphore_mem>>
          %dma_start3A_584 = arith.constant 0 : i32
          %dma_start3A_585 = tpu.memref_slice %arg6[%dma_start3A_576, %dma_start3A_584] : memref<10x64xi32, #tpu.memory_space<vmem>> -> memref<1x64xi32, #tpu.memory_space<vmem>>
          %dma_start3A_586 = tpu.memref_squeeze %dma_start3A_585 : memref<1x64xi32, #tpu.memory_space<vmem>> -> memref<64xi32, #tpu.memory_space<vmem>>
          %dma_start3A_587 = tpu.memref_slice %arg3[%add3A_575] : memref<640000xi32, #tpu.memory_space<hbm>> -> memref<64xi32, #tpu.memory_space<hbm>>
          tpu.enqueue_dma source(%dma_start3A_587 : memref<64xi32, #tpu.memory_space<hbm>>) target(%dma_start3A_586 : memref<64xi32, #tpu.memory_space<vmem>>) target_semaphore(%dma_start3A_583 : memref<!tpu.dma_semaphore, #tpu.memory_space<semaphore_mem>>)
          %add3A_588 = arith.constant 320000 : i32
          %add3A_589 = arith.addi %add3A_588, %mul3A_2 : i32
          %mul3A_590 = arith.constant 64 : i32
          %mul3A_591 = arith.muli %add3A_572, %mul3A_590 : i32
          %add3A_592 = arith.addi %add3A_589, %mul3A_591 : i32
          %dma_start3A_593 = arith.constant 3 : i32
          %dma_start3A_594 = arith.constant 3 : i32
          %dma_start3A_595 = arith.constant 0 : i32
          %dma_start3A_596 = tpu.memref_slice %arg7[%dma_start3A_593, %dma_start3A_595] : memref<10x64xi32, #tpu.memory_space<vmem>> -> memref<1x64xi32, #tpu.memory_space<vmem>>
          %dma_start3A_597 = tpu.memref_squeeze %dma_start3A_596 : memref<1x64xi32, #tpu.memory_space<vmem>> -> memref<64xi32, #tpu.memory_space<vmem>>
          %dma_start3A_598 = tpu.memref_slice %arg3[%add3A_592] : memref<640000xi32, #tpu.memory_space<hbm>> -> memref<64xi32, #tpu.memory_space<hbm>>
          %dma_start3A_599 = tpu.memref_slice %arg14[%dma_start3A_594] : memref<10x!tpu.dma_semaphore, #tpu.memory_space<semaphore_mem>> -> memref<1x!tpu.dma_semaphore, #tpu.memory_space<semaphore_mem>>
          %dma_start3A_600 = tpu.memref_squeeze %dma_start3A_599 : memref<1x!tpu.dma_semaphore, #tpu.memory_space<semaphore_mem>> -> memref<!tpu.dma_semaphore, #tpu.memory_space<semaphore_mem>>
          %dma_start3A_601 = arith.constant 0 : i32
          %dma_start3A_602 = tpu.memref_slice %arg7[%dma_start3A_593, %dma_start3A_601] : memref<10x64xi32, #tpu.memory_space<vmem>> -> memref<1x64xi32, #tpu.memory_space<vmem>>
          %dma_start3A_603 = tpu.memref_squeeze %dma_start3A_602 : memref<1x64xi32, #tpu.memory_space<vmem>> -> memref<64xi32, #tpu.memory_space<vmem>>
          %dma_start3A_604 = tpu.memref_slice %arg3[%add3A_592] : memref<640000xi32, #tpu.memory_space<hbm>> -> memref<64xi32, #tpu.memory_space<hbm>>
          tpu.enqueue_dma source(%dma_start3A_604 : memref<64xi32, #tpu.memory_space<hbm>>) target(%dma_start3A_603 : memref<64xi32, #tpu.memory_space<vmem>>) target_semaphore(%dma_start3A_600 : memref<!tpu.dma_semaphore, #tpu.memory_space<semaphore_mem>>)
        } else {
        }
      } else {
      }
      %mul3A_489 = arith.constant 10 : i32
      %mul3A_490 = arith.muli %mul3A_489, %scan3A_417 : i32
      %add3A_491 = arith.constant 8 : i32
      %add3A_492 = arith.addi %mul3A_490, %add3A_491 : i32
      %lt3A_493 = arith.constant 156 : i32
      %lt3A_494 = arith.cmpi slt, %add3A_492, %lt3A_493 : i32
      %convert_element_type3A_495 = arith.extui %lt3A_494 : i1 to i32
      %cond3A_496 = arith.constant 0 : i32
      %cond3A_497 = arith.cmpi ne, %convert_element_type3A_495, %cond3A_496 : i32
      scf.if %cond3A_497 {
        %dma_wait3A_507 = arith.constant 8 : i32
        %dma_wait3A_508 = arith.constant 3 : i32
        %dma_wait3A_509 = arith.constant 3 : i32
        %dma_wait3A_510 = arith.constant 0 : i32
        %dma_wait3A_511 = arith.constant 0 : i32
        %dma_wait3A_512 = tpu.memref_slice %arg8[%dma_wait3A_508, %dma_wait3A_510, %dma_wait3A_511] : memref<5x64x128xf32, #tpu.memory_space<vmem>> -> memref<1x64x128xf32, #tpu.memory_space<vmem>>
        %dma_wait3A_513 = tpu.memref_squeeze %dma_wait3A_512 : memref<1x64x128xf32, #tpu.memory_space<vmem>> -> memref<64x128xf32, #tpu.memory_space<vmem>>
        %dma_wait3A_514 = arith.constant 0 : i32
        %dma_wait3A_515 = tpu.memref_slice %arg6[%dma_wait3A_507, %dma_wait3A_514] : memref<10x64xi32, #tpu.memory_space<vmem>> -> memref<1x64xi32, #tpu.memory_space<vmem>>
        %dma_wait3A_516 = tpu.memref_squeeze %dma_wait3A_515 : memref<1x64xi32, #tpu.memory_space<vmem>> -> memref<64xi32, #tpu.memory_space<vmem>>
        %dma_wait3A_517 = arith.constant 0 : i32
        %dma_wait3A_518 = arith.constant 0 : i32
        %dma_wait3A_519 = tpu.memref_slice %arg2[%dma_wait3A_517, %dma_wait3A_518] : memref<10000x128xf32, #tpu.memory_space<hbm>> -> memref<10000x128xf32, #tpu.memory_space<hbm>>
        %dma_wait3A_520 = tpu.memref_slice %arg15[%dma_wait3A_509] : memref<5x!tpu.dma_semaphore, #tpu.memory_space<semaphore_mem>> -> memref<1x!tpu.dma_semaphore, #tpu.memory_space<semaphore_mem>>
        %dma_wait3A_521 = tpu.memref_squeeze %dma_wait3A_520 : memref<1x!tpu.dma_semaphore, #tpu.memory_space<semaphore_mem>> -> memref<!tpu.dma_semaphore, #tpu.memory_space<semaphore_mem>>
        tpu.wait_indirect_dma semaphore(%dma_wait3A_521 : memref<!tpu.dma_semaphore, #tpu.memory_space<semaphore_mem>>) src(%dma_wait3A_519 : memref<10000x128xf32, #tpu.memory_space<hbm>>) dst(%dma_wait3A_513 : memref<64x128xf32, #tpu.memory_space<vmem>>)
        %dma_wait3A_522 = arith.constant 8 : i32
        %dma_wait3A_523 = arith.constant 8 : i32
        %dma_wait3A_524 = arith.constant 0 : i32
        %dma_wait3A_525 = tpu.memref_slice %arg7[%dma_wait3A_522, %dma_wait3A_524] : memref<10x64xi32, #tpu.memory_space<vmem>> -> memref<1x64xi32, #tpu.memory_space<vmem>>
        %dma_wait3A_526 = tpu.memref_squeeze %dma_wait3A_525 : memref<1x64xi32, #tpu.memory_space<vmem>> -> memref<64xi32, #tpu.memory_space<vmem>>
        %dma_wait3A_527 = tpu.memref_slice %arg3[%mul3A_2] : memref<640000xi32, #tpu.memory_space<hbm>> -> memref<64xi32, #tpu.memory_space<hbm>>
        %dma_wait3A_528 = tpu.memref_slice %arg14[%dma_wait3A_523] : memref<10x!tpu.dma_semaphore, #tpu.memory_space<semaphore_mem>> -> memref<1x!tpu.dma_semaphore, #tpu.memory_space<semaphore_mem>>
        %dma_wait3A_529 = tpu.memref_squeeze %dma_wait3A_528 : memref<1x!tpu.dma_semaphore, #tpu.memory_space<semaphore_mem>> -> memref<!tpu.dma_semaphore, #tpu.memory_space<semaphore_mem>>
        %dma_wait3A_530 = arith.constant 0 : i32
        %dma_wait3A_531 = tpu.memref_slice %arg7[%dma_wait3A_522, %dma_wait3A_530] : memref<10x64xi32, #tpu.memory_space<vmem>> -> memref<1x64xi32, #tpu.memory_space<vmem>>
        %dma_wait3A_532 = tpu.memref_squeeze %dma_wait3A_531 : memref<1x64xi32, #tpu.memory_space<vmem>> -> memref<64xi32, #tpu.memory_space<vmem>>
        %dma_wait3A_533 = tpu.memref_slice %arg3[%mul3A_2] : memref<640000xi32, #tpu.memory_space<hbm>> -> memref<64xi32, #tpu.memory_space<hbm>>
        tpu.wait_dma2 semaphore(%dma_wait3A_529 : memref<!tpu.dma_semaphore, #tpu.memory_space<semaphore_mem>>) src(%dma_wait3A_533 : memref<64xi32, #tpu.memory_space<hbm>>) dst(%dma_wait3A_532 : memref<64xi32, #tpu.memory_space<vmem>>)
        %dma_start3A_534 = arith.constant 3 : i32
        %dma_start3A_535 = arith.constant 8 : i32
        %dma_start3A_536 = arith.constant 3 : i32
        %dma_start3A_537 = arith.constant 0 : i32
        %dma_start3A_538 = arith.constant 0 : i32
        %dma_start3A_539 = tpu.memref_slice %arg8[%dma_start3A_534, %dma_start3A_537, %dma_start3A_538] : memref<5x64x128xf32, #tpu.memory_space<vmem>> -> memref<1x64x128xf32, #tpu.memory_space<vmem>>
        %dma_start3A_540 = tpu.memref_squeeze %dma_start3A_539 : memref<1x64x128xf32, #tpu.memory_space<vmem>> -> memref<64x128xf32, #tpu.memory_space<vmem>>
        %dma_start3A_541 = arith.constant 0 : i32
        %dma_start3A_542 = tpu.memref_slice %arg7[%dma_start3A_535, %dma_start3A_541] : memref<10x64xi32, #tpu.memory_space<vmem>> -> memref<1x64xi32, #tpu.memory_space<vmem>>
        %dma_start3A_543 = tpu.memref_squeeze %dma_start3A_542 : memref<1x64xi32, #tpu.memory_space<vmem>> -> memref<64xi32, #tpu.memory_space<vmem>>
        %dma_start3A_544 = arith.constant 0 : i32
        %dma_start3A_545 = arith.constant 0 : i32
        %dma_start3A_546 = tpu.memref_slice %arg12[%dma_start3A_544, %dma_start3A_545] : memref<10240x128xf32, #tpu.memory_space<vmem_shared>> -> memref<10240x128xf32, #tpu.memory_space<vmem_shared>>
        %dma_start3A_547 = tpu.memref_slice %arg16[%dma_start3A_536] : memref<5x!tpu.dma_semaphore, #tpu.memory_space<semaphore_mem>> -> memref<1x!tpu.dma_semaphore, #tpu.memory_space<semaphore_mem>>
        %dma_start3A_548 = tpu.memref_squeeze %dma_start3A_547 : memref<1x!tpu.dma_semaphore, #tpu.memory_space<semaphore_mem>> -> memref<!tpu.dma_semaphore, #tpu.memory_space<semaphore_mem>>
        tpu.enqueue_indirect_dma source(%dma_start3A_540 : memref<64x128xf32, #tpu.memory_space<vmem>>) target(%dma_start3A_546 : memref<10240x128xf32, #tpu.memory_space<vmem_shared>>) offsets(%dma_start3A_543 : memref<64xi32, #tpu.memory_space<vmem>>) semaphore(%dma_start3A_548 : memref<!tpu.dma_semaphore, #tpu.memory_space<semaphore_mem>>) {add = true}
        %add3A_549 = arith.constant 2 : i32
        %add3A_550 = arith.addi %add3A_492, %add3A_549 : i32
        %lt3A_551 = arith.constant 156 : i32
        %lt3A_552 = arith.cmpi slt, %add3A_550, %lt3A_551 : i32
        %ge3A = arith.constant 3 : i32
        %ge3A_553 = arith.cmpi sge, %add3A_492, %ge3A : i32
        %and3A = arith.andi %lt3A_552, %ge3A_553 : i1
        %convert_element_type3A_554 = arith.extui %and3A : i1 to i32
        %cond3A_555 = arith.constant 0 : i32
        %cond3A_556 = arith.cmpi ne, %convert_element_type3A_554, %cond3A_555 : i32
        scf.if %cond3A_556 {
          %dma_wait3A_571 = arith.constant 0 : i32
          %dma_wait3A_572 = arith.constant 0 : i32
          %dma_wait3A_573 = arith.constant 0 : i32
          %dma_wait3A_574 = arith.constant 0 : i32
          %dma_wait3A_575 = arith.constant 0 : i32
          %dma_wait3A_576 = tpu.memref_slice %arg8[%dma_wait3A_571, %dma_wait3A_574, %dma_wait3A_575] : memref<5x64x128xf32, #tpu.memory_space<vmem>> -> memref<1x64x128xf32, #tpu.memory_space<vmem>>
          %dma_wait3A_577 = tpu.memref_squeeze %dma_wait3A_576 : memref<1x64x128xf32, #tpu.memory_space<vmem>> -> memref<64x128xf32, #tpu.memory_space<vmem>>
          %dma_wait3A_578 = arith.constant 0 : i32
          %dma_wait3A_579 = tpu.memref_slice %arg7[%dma_wait3A_572, %dma_wait3A_578] : memref<10x64xi32, #tpu.memory_space<vmem>> -> memref<1x64xi32, #tpu.memory_space<vmem>>
          %dma_wait3A_580 = tpu.memref_squeeze %dma_wait3A_579 : memref<1x64xi32, #tpu.memory_space<vmem>> -> memref<64xi32, #tpu.memory_space<vmem>>
          %dma_wait3A_581 = arith.constant 0 : i32
          %dma_wait3A_582 = arith.constant 0 : i32
          %dma_wait3A_583 = tpu.memref_slice %arg12[%dma_wait3A_581, %dma_wait3A_582] : memref<10240x128xf32, #tpu.memory_space<vmem_shared>> -> memref<10240x128xf32, #tpu.memory_space<vmem_shared>>
          %dma_wait3A_584 = tpu.memref_slice %arg16[%dma_wait3A_573] : memref<5x!tpu.dma_semaphore, #tpu.memory_space<semaphore_mem>> -> memref<1x!tpu.dma_semaphore, #tpu.memory_space<semaphore_mem>>
          %dma_wait3A_585 = tpu.memref_squeeze %dma_wait3A_584 : memref<1x!tpu.dma_semaphore, #tpu.memory_space<semaphore_mem>> -> memref<!tpu.dma_semaphore, #tpu.memory_space<semaphore_mem>>
          tpu.wait_indirect_dma semaphore(%dma_wait3A_585 : memref<!tpu.dma_semaphore, #tpu.memory_space<semaphore_mem>>) src(%dma_wait3A_577 : memref<64x128xf32, #tpu.memory_space<vmem>>) dst(%dma_wait3A_583 : memref<10240x128xf32, #tpu.memory_space<vmem_shared>>)
        } else {
        }
        %add3A_557 = arith.constant 2 : i32
        %add3A_558 = arith.addi %add3A_492, %add3A_557 : i32
        %lt3A_559 = arith.constant 156 : i32
        %lt3A_560 = arith.cmpi slt, %add3A_558, %lt3A_559 : i32
        %convert_element_type3A_561 = arith.extui %lt3A_560 : i1 to i32
        %cond3A_562 = arith.constant 0 : i32
        %cond3A_563 = arith.cmpi ne, %convert_element_type3A_561, %cond3A_562 : i32
        scf.if %cond3A_563 {
          %dma_wait3A_571 = arith.constant 0 : i32
          %dma_wait3A_572 = arith.constant 0 : i32
          %dma_wait3A_573 = arith.constant 0 : i32
          %dma_wait3A_574 = tpu.memref_slice %arg6[%dma_wait3A_571, %dma_wait3A_573] : memref<10x64xi32, #tpu.memory_space<vmem>> -> memref<1x64xi32, #tpu.memory_space<vmem>>
          %dma_wait3A_575 = tpu.memref_squeeze %dma_wait3A_574 : memref<1x64xi32, #tpu.memory_space<vmem>> -> memref<64xi32, #tpu.memory_space<vmem>>
          %dma_wait3A_576 = tpu.memref_slice %arg3[%mul3A_2] : memref<640000xi32, #tpu.memory_space<hbm>> -> memref<64xi32, #tpu.memory_space<hbm>>
          %dma_wait3A_577 = tpu.memref_slice %arg13[%dma_wait3A_572] : memref<10x!tpu.dma_semaphore, #tpu.memory_space<semaphore_mem>> -> memref<1x!tpu.dma_semaphore, #tpu.memory_space<semaphore_mem>>
          %dma_wait3A_578 = tpu.memref_squeeze %dma_wait3A_577 : memref<1x!tpu.dma_semaphore, #tpu.memory_space<semaphore_mem>> -> memref<!tpu.dma_semaphore, #tpu.memory_space<semaphore_mem>>
          %dma_wait3A_579 = arith.constant 0 : i32
          %dma_wait3A_580 = tpu.memref_slice %arg6[%dma_wait3A_571, %dma_wait3A_579] : memref<10x64xi32, #tpu.memory_space<vmem>> -> memref<1x64xi32, #tpu.memory_space<vmem>>
          %dma_wait3A_581 = tpu.memref_squeeze %dma_wait3A_580 : memref<1x64xi32, #tpu.memory_space<vmem>> -> memref<64xi32, #tpu.memory_space<vmem>>
          %dma_wait3A_582 = tpu.memref_slice %arg3[%mul3A_2] : memref<640000xi32, #tpu.memory_space<hbm>> -> memref<64xi32, #tpu.memory_space<hbm>>
          tpu.wait_dma2 semaphore(%dma_wait3A_578 : memref<!tpu.dma_semaphore, #tpu.memory_space<semaphore_mem>>) src(%dma_wait3A_582 : memref<64xi32, #tpu.memory_space<hbm>>) dst(%dma_wait3A_581 : memref<64xi32, #tpu.memory_space<vmem>>)
          %add3A_583 = arith.constant 2 : i32
          %add3A_584 = arith.addi %add3A_492, %add3A_583 : i32
          %dma_start3A_585 = arith.constant 0 : i32
          %dma_start3A_586 = arith.constant 0 : i32
          %dma_start3A_587 = arith.constant 0 : i32
          %dma_start3A_588 = arith.constant 0 : i32
          %dma_start3A_589 = arith.constant 0 : i32
          %dma_start3A_590 = tpu.memref_slice %arg8[%dma_start3A_586, %dma_start3A_588, %dma_start3A_589] : memref<5x64x128xf32, #tpu.memory_space<vmem>> -> memref<1x64x128xf32, #tpu.memory_space<vmem>>
          %dma_start3A_591 = tpu.memref_squeeze %dma_start3A_590 : memref<1x64x128xf32, #tpu.memory_space<vmem>> -> memref<64x128xf32, #tpu.memory_space<vmem>>
          %dma_start3A_592 = arith.constant 0 : i32
          %dma_start3A_593 = tpu.memref_slice %arg6[%dma_start3A_585, %dma_start3A_592] : memref<10x64xi32, #tpu.memory_space<vmem>> -> memref<1x64xi32, #tpu.memory_space<vmem>>
          %dma_start3A_594 = tpu.memref_squeeze %dma_start3A_593 : memref<1x64xi32, #tpu.memory_space<vmem>> -> memref<64xi32, #tpu.memory_space<vmem>>
          %dma_start3A_595 = arith.constant 0 : i32
          %dma_start3A_596 = arith.constant 0 : i32
          %dma_start3A_597 = tpu.memref_slice %arg2[%dma_start3A_595, %dma_start3A_596] : memref<10000x128xf32, #tpu.memory_space<hbm>> -> memref<10000x128xf32, #tpu.memory_space<hbm>>
          %dma_start3A_598 = tpu.memref_slice %arg15[%dma_start3A_587] : memref<5x!tpu.dma_semaphore, #tpu.memory_space<semaphore_mem>> -> memref<1x!tpu.dma_semaphore, #tpu.memory_space<semaphore_mem>>
          %dma_start3A_599 = tpu.memref_squeeze %dma_start3A_598 : memref<1x!tpu.dma_semaphore, #tpu.memory_space<semaphore_mem>> -> memref<!tpu.dma_semaphore, #tpu.memory_space<semaphore_mem>>
          tpu.enqueue_indirect_dma source(%dma_start3A_597 : memref<10000x128xf32, #tpu.memory_space<hbm>>) target(%dma_start3A_591 : memref<64x128xf32, #tpu.memory_space<vmem>>) offsets(%dma_start3A_594 : memref<64xi32, #tpu.memory_space<vmem>>) semaphore(%dma_start3A_599 : memref<!tpu.dma_semaphore, #tpu.memory_space<semaphore_mem>>)
        } else {
        }
        %add3A_564 = arith.constant 6 : i32
        %add3A_565 = arith.addi %add3A_492, %add3A_564 : i32
        %lt3A_566 = arith.constant 156 : i32
        %lt3A_567 = arith.cmpi slt, %add3A_565, %lt3A_566 : i32
        %convert_element_type3A_568 = arith.extui %lt3A_567 : i1 to i32
        %cond3A_569 = arith.constant 0 : i32
        %cond3A_570 = arith.cmpi ne, %convert_element_type3A_568, %cond3A_569 : i32
        scf.if %cond3A_570 {
          %add3A_571 = arith.constant 6 : i32
          %add3A_572 = arith.addi %add3A_492, %add3A_571 : i32
          %mul3A_573 = arith.constant 64 : i32
          %mul3A_574 = arith.muli %add3A_572, %mul3A_573 : i32
          %add3A_575 = arith.addi %mul3A_2, %mul3A_574 : i32
          %dma_start3A_576 = arith.constant 4 : i32
          %dma_start3A_577 = arith.constant 4 : i32
          %dma_start3A_578 = arith.constant 0 : i32
          %dma_start3A_579 = tpu.memref_slice %arg6[%dma_start3A_576, %dma_start3A_578] : memref<10x64xi32, #tpu.memory_space<vmem>> -> memref<1x64xi32, #tpu.memory_space<vmem>>
          %dma_start3A_580 = tpu.memref_squeeze %dma_start3A_579 : memref<1x64xi32, #tpu.memory_space<vmem>> -> memref<64xi32, #tpu.memory_space<vmem>>
          %dma_start3A_581 = tpu.memref_slice %arg3[%add3A_575] : memref<640000xi32, #tpu.memory_space<hbm>> -> memref<64xi32, #tpu.memory_space<hbm>>
          %dma_start3A_582 = tpu.memref_slice %arg13[%dma_start3A_577] : memref<10x!tpu.dma_semaphore, #tpu.memory_space<semaphore_mem>> -> memref<1x!tpu.dma_semaphore, #tpu.memory_space<semaphore_mem>>
          %dma_start3A_583 = tpu.memref_squeeze %dma_start3A_582 : memref<1x!tpu.dma_semaphore, #tpu.memory_space<semaphore_mem>> -> memref<!tpu.dma_semaphore, #tpu.memory_space<semaphore_mem>>
          %dma_start3A_584 = arith.constant 0 : i32
          %dma_start3A_585 = tpu.memref_slice %arg6[%dma_start3A_576, %dma_start3A_584] : memref<10x64xi32, #tpu.memory_space<vmem>> -> memref<1x64xi32, #tpu.memory_space<vmem>>
          %dma_start3A_586 = tpu.memref_squeeze %dma_start3A_585 : memref<1x64xi32, #tpu.memory_space<vmem>> -> memref<64xi32, #tpu.memory_space<vmem>>
          %dma_start3A_587 = tpu.memref_slice %arg3[%add3A_575] : memref<640000xi32, #tpu.memory_space<hbm>> -> memref<64xi32, #tpu.memory_space<hbm>>
          tpu.enqueue_dma source(%dma_start3A_587 : memref<64xi32, #tpu.memory_space<hbm>>) target(%dma_start3A_586 : memref<64xi32, #tpu.memory_space<vmem>>) target_semaphore(%dma_start3A_583 : memref<!tpu.dma_semaphore, #tpu.memory_space<semaphore_mem>>)
          %add3A_588 = arith.constant 320000 : i32
          %add3A_589 = arith.addi %add3A_588, %mul3A_2 : i32
          %mul3A_590 = arith.constant 64 : i32
          %mul3A_591 = arith.muli %add3A_572, %mul3A_590 : i32
          %add3A_592 = arith.addi %add3A_589, %mul3A_591 : i32
          %dma_start3A_593 = arith.constant 4 : i32
          %dma_start3A_594 = arith.constant 4 : i32
          %dma_start3A_595 = arith.constant 0 : i32
          %dma_start3A_596 = tpu.memref_slice %arg7[%dma_start3A_593, %dma_start3A_595] : memref<10x64xi32, #tpu.memory_space<vmem>> -> memref<1x64xi32, #tpu.memory_space<vmem>>
          %dma_start3A_597 = tpu.memref_squeeze %dma_start3A_596 : memref<1x64xi32, #tpu.memory_space<vmem>> -> memref<64xi32, #tpu.memory_space<vmem>>
          %dma_start3A_598 = tpu.memref_slice %arg3[%add3A_592] : memref<640000xi32, #tpu.memory_space<hbm>> -> memref<64xi32, #tpu.memory_space<hbm>>
          %dma_start3A_599 = tpu.memref_slice %arg14[%dma_start3A_594] : memref<10x!tpu.dma_semaphore, #tpu.memory_space<semaphore_mem>> -> memref<1x!tpu.dma_semaphore, #tpu.memory_space<semaphore_mem>>
          %dma_start3A_600 = tpu.memref_squeeze %dma_start3A_599 : memref<1x!tpu.dma_semaphore, #tpu.memory_space<semaphore_mem>> -> memref<!tpu.dma_semaphore, #tpu.memory_space<semaphore_mem>>
          %dma_start3A_601 = arith.constant 0 : i32
          %dma_start3A_602 = tpu.memref_slice %arg7[%dma_start3A_593, %dma_start3A_601] : memref<10x64xi32, #tpu.memory_space<vmem>> -> memref<1x64xi32, #tpu.memory_space<vmem>>
          %dma_start3A_603 = tpu.memref_squeeze %dma_start3A_602 : memref<1x64xi32, #tpu.memory_space<vmem>> -> memref<64xi32, #tpu.memory_space<vmem>>
          %dma_start3A_604 = tpu.memref_slice %arg3[%add3A_592] : memref<640000xi32, #tpu.memory_space<hbm>> -> memref<64xi32, #tpu.memory_space<hbm>>
          tpu.enqueue_dma source(%dma_start3A_604 : memref<64xi32, #tpu.memory_space<hbm>>) target(%dma_start3A_603 : memref<64xi32, #tpu.memory_space<vmem>>) target_semaphore(%dma_start3A_600 : memref<!tpu.dma_semaphore, #tpu.memory_space<semaphore_mem>>)
        } else {
        }
      } else {
      }
      %mul3A_498 = arith.constant 10 : i32
      %mul3A_499 = arith.muli %mul3A_498, %scan3A_417 : i32
      %add3A_500 = arith.constant 9 : i32
      %add3A_501 = arith.addi %mul3A_499, %add3A_500 : i32
      %lt3A_502 = arith.constant 156 : i32
      %lt3A_503 = arith.cmpi slt, %add3A_501, %lt3A_502 : i32
      %convert_element_type3A_504 = arith.extui %lt3A_503 : i1 to i32
      %cond3A_505 = arith.constant 0 : i32
      %cond3A_506 = arith.cmpi ne, %convert_element_type3A_504, %cond3A_505 : i32
      scf.if %cond3A_506 {
        %dma_wait3A_507 = arith.constant 9 : i32
        %dma_wait3A_508 = arith.constant 4 : i32
        %dma_wait3A_509 = arith.constant 4 : i32
        %dma_wait3A_510 = arith.constant 0 : i32
        %dma_wait3A_511 = arith.constant 0 : i32
        %dma_wait3A_512 = tpu.memref_slice %arg8[%dma_wait3A_508, %dma_wait3A_510, %dma_wait3A_511] : memref<5x64x128xf32, #tpu.memory_space<vmem>> -> memref<1x64x128xf32, #tpu.memory_space<vmem>>
        %dma_wait3A_513 = tpu.memref_squeeze %dma_wait3A_512 : memref<1x64x128xf32, #tpu.memory_space<vmem>> -> memref<64x128xf32, #tpu.memory_space<vmem>>
        %dma_wait3A_514 = arith.constant 0 : i32
        %dma_wait3A_515 = tpu.memref_slice %arg6[%dma_wait3A_507, %dma_wait3A_514] : memref<10x64xi32, #tpu.memory_space<vmem>> -> memref<1x64xi32, #tpu.memory_space<vmem>>
        %dma_wait3A_516 = tpu.memref_squeeze %dma_wait3A_515 : memref<1x64xi32, #tpu.memory_space<vmem>> -> memref<64xi32, #tpu.memory_space<vmem>>
        %dma_wait3A_517 = arith.constant 0 : i32
        %dma_wait3A_518 = arith.constant 0 : i32
        %dma_wait3A_519 = tpu.memref_slice %arg2[%dma_wait3A_517, %dma_wait3A_518] : memref<10000x128xf32, #tpu.memory_space<hbm>> -> memref<10000x128xf32, #tpu.memory_space<hbm>>
        %dma_wait3A_520 = tpu.memref_slice %arg15[%dma_wait3A_509] : memref<5x!tpu.dma_semaphore, #tpu.memory_space<semaphore_mem>> -> memref<1x!tpu.dma_semaphore, #tpu.memory_space<semaphore_mem>>
        %dma_wait3A_521 = tpu.memref_squeeze %dma_wait3A_520 : memref<1x!tpu.dma_semaphore, #tpu.memory_space<semaphore_mem>> -> memref<!tpu.dma_semaphore, #tpu.memory_space<semaphore_mem>>
        tpu.wait_indirect_dma semaphore(%dma_wait3A_521 : memref<!tpu.dma_semaphore, #tpu.memory_space<semaphore_mem>>) src(%dma_wait3A_519 : memref<10000x128xf32, #tpu.memory_space<hbm>>) dst(%dma_wait3A_513 : memref<64x128xf32, #tpu.memory_space<vmem>>)
        %dma_wait3A_522 = arith.constant 9 : i32
        %dma_wait3A_523 = arith.constant 9 : i32
        %dma_wait3A_524 = arith.constant 0 : i32
        %dma_wait3A_525 = tpu.memref_slice %arg7[%dma_wait3A_522, %dma_wait3A_524] : memref<10x64xi32, #tpu.memory_space<vmem>> -> memref<1x64xi32, #tpu.memory_space<vmem>>
        %dma_wait3A_526 = tpu.memref_squeeze %dma_wait3A_525 : memref<1x64xi32, #tpu.memory_space<vmem>> -> memref<64xi32, #tpu.memory_space<vmem>>
        %dma_wait3A_527 = tpu.memref_slice %arg3[%mul3A_2] : memref<640000xi32, #tpu.memory_space<hbm>> -> memref<64xi32, #tpu.memory_space<hbm>>
        %dma_wait3A_528 = tpu.memref_slice %arg14[%dma_wait3A_523] : memref<10x!tpu.dma_semaphore, #tpu.memory_space<semaphore_mem>> -> memref<1x!tpu.dma_semaphore, #tpu.memory_space<semaphore_mem>>
        %dma_wait3A_529 = tpu.memref_squeeze %dma_wait3A_528 : memref<1x!tpu.dma_semaphore, #tpu.memory_space<semaphore_mem>> -> memref<!tpu.dma_semaphore, #tpu.memory_space<semaphore_mem>>
        %dma_wait3A_530 = arith.constant 0 : i32
        %dma_wait3A_531 = tpu.memref_slice %arg7[%dma_wait3A_522, %dma_wait3A_530] : memref<10x64xi32, #tpu.memory_space<vmem>> -> memref<1x64xi32, #tpu.memory_space<vmem>>
        %dma_wait3A_532 = tpu.memref_squeeze %dma_wait3A_531 : memref<1x64xi32, #tpu.memory_space<vmem>> -> memref<64xi32, #tpu.memory_space<vmem>>
        %dma_wait3A_533 = tpu.memref_slice %arg3[%mul3A_2] : memref<640000xi32, #tpu.memory_space<hbm>> -> memref<64xi32, #tpu.memory_space<hbm>>
        tpu.wait_dma2 semaphore(%dma_wait3A_529 : memref<!tpu.dma_semaphore, #tpu.memory_space<semaphore_mem>>) src(%dma_wait3A_533 : memref<64xi32, #tpu.memory_space<hbm>>) dst(%dma_wait3A_532 : memref<64xi32, #tpu.memory_space<vmem>>)
        %dma_start3A_534 = arith.constant 4 : i32
        %dma_start3A_535 = arith.constant 9 : i32
        %dma_start3A_536 = arith.constant 4 : i32
        %dma_start3A_537 = arith.constant 0 : i32
        %dma_start3A_538 = arith.constant 0 : i32
        %dma_start3A_539 = tpu.memref_slice %arg8[%dma_start3A_534, %dma_start3A_537, %dma_start3A_538] : memref<5x64x128xf32, #tpu.memory_space<vmem>> -> memref<1x64x128xf32, #tpu.memory_space<vmem>>
        %dma_start3A_540 = tpu.memref_squeeze %dma_start3A_539 : memref<1x64x128xf32, #tpu.memory_space<vmem>> -> memref<64x128xf32, #tpu.memory_space<vmem>>
        %dma_start3A_541 = arith.constant 0 : i32
        %dma_start3A_542 = tpu.memref_slice %arg7[%dma_start3A_535, %dma_start3A_541] : memref<10x64xi32, #tpu.memory_space<vmem>> -> memref<1x64xi32, #tpu.memory_space<vmem>>
        %dma_start3A_543 = tpu.memref_squeeze %dma_start3A_542 : memref<1x64xi32, #tpu.memory_space<vmem>> -> memref<64xi32, #tpu.memory_space<vmem>>
        %dma_start3A_544 = arith.constant 0 : i32
        %dma_start3A_545 = arith.constant 0 : i32
        %dma_start3A_546 = tpu.memref_slice %arg12[%dma_start3A_544, %dma_start3A_545] : memref<10240x128xf32, #tpu.memory_space<vmem_shared>> -> memref<10240x128xf32, #tpu.memory_space<vmem_shared>>
        %dma_start3A_547 = tpu.memref_slice %arg16[%dma_start3A_536] : memref<5x!tpu.dma_semaphore, #tpu.memory_space<semaphore_mem>> -> memref<1x!tpu.dma_semaphore, #tpu.memory_space<semaphore_mem>>
        %dma_start3A_548 = tpu.memref_squeeze %dma_start3A_547 : memref<1x!tpu.dma_semaphore, #tpu.memory_space<semaphore_mem>> -> memref<!tpu.dma_semaphore, #tpu.memory_space<semaphore_mem>>
        tpu.enqueue_indirect_dma source(%dma_start3A_540 : memref<64x128xf32, #tpu.memory_space<vmem>>) target(%dma_start3A_546 : memref<10240x128xf32, #tpu.memory_space<vmem_shared>>) offsets(%dma_start3A_543 : memref<64xi32, #tpu.memory_space<vmem>>) semaphore(%dma_start3A_548 : memref<!tpu.dma_semaphore, #tpu.memory_space<semaphore_mem>>) {add = true}
        %add3A_549 = arith.constant 2 : i32
        %add3A_550 = arith.addi %add3A_501, %add3A_549 : i32
        %lt3A_551 = arith.constant 156 : i32
        %lt3A_552 = arith.cmpi slt, %add3A_550, %lt3A_551 : i32
        %ge3A = arith.constant 3 : i32
        %ge3A_553 = arith.cmpi sge, %add3A_501, %ge3A : i32
        %and3A = arith.andi %lt3A_552, %ge3A_553 : i1
        %convert_element_type3A_554 = arith.extui %and3A : i1 to i32
        %cond3A_555 = arith.constant 0 : i32
        %cond3A_556 = arith.cmpi ne, %convert_element_type3A_554, %cond3A_555 : i32
        scf.if %cond3A_556 {
          %dma_wait3A_571 = arith.constant 1 : i32
          %dma_wait3A_572 = arith.constant 1 : i32
          %dma_wait3A_573 = arith.constant 1 : i32
          %dma_wait3A_574 = arith.constant 0 : i32
          %dma_wait3A_575 = arith.constant 0 : i32
          %dma_wait3A_576 = tpu.memref_slice %arg8[%dma_wait3A_571, %dma_wait3A_574, %dma_wait3A_575] : memref<5x64x128xf32, #tpu.memory_space<vmem>> -> memref<1x64x128xf32, #tpu.memory_space<vmem>>
          %dma_wait3A_577 = tpu.memref_squeeze %dma_wait3A_576 : memref<1x64x128xf32, #tpu.memory_space<vmem>> -> memref<64x128xf32, #tpu.memory_space<vmem>>
          %dma_wait3A_578 = arith.constant 0 : i32
          %dma_wait3A_579 = tpu.memref_slice %arg7[%dma_wait3A_572, %dma_wait3A_578] : memref<10x64xi32, #tpu.memory_space<vmem>> -> memref<1x64xi32, #tpu.memory_space<vmem>>
          %dma_wait3A_580 = tpu.memref_squeeze %dma_wait3A_579 : memref<1x64xi32, #tpu.memory_space<vmem>> -> memref<64xi32, #tpu.memory_space<vmem>>
          %dma_wait3A_581 = arith.constant 0 : i32
          %dma_wait3A_582 = arith.constant 0 : i32
          %dma_wait3A_583 = tpu.memref_slice %arg12[%dma_wait3A_581, %dma_wait3A_582] : memref<10240x128xf32, #tpu.memory_space<vmem_shared>> -> memref<10240x128xf32, #tpu.memory_space<vmem_shared>>
          %dma_wait3A_584 = tpu.memref_slice %arg16[%dma_wait3A_573] : memref<5x!tpu.dma_semaphore, #tpu.memory_space<semaphore_mem>> -> memref<1x!tpu.dma_semaphore, #tpu.memory_space<semaphore_mem>>
          %dma_wait3A_585 = tpu.memref_squeeze %dma_wait3A_584 : memref<1x!tpu.dma_semaphore, #tpu.memory_space<semaphore_mem>> -> memref<!tpu.dma_semaphore, #tpu.memory_space<semaphore_mem>>
          tpu.wait_indirect_dma semaphore(%dma_wait3A_585 : memref<!tpu.dma_semaphore, #tpu.memory_space<semaphore_mem>>) src(%dma_wait3A_577 : memref<64x128xf32, #tpu.memory_space<vmem>>) dst(%dma_wait3A_583 : memref<10240x128xf32, #tpu.memory_space<vmem_shared>>)
        } else {
        }
        %add3A_557 = arith.constant 2 : i32
        %add3A_558 = arith.addi %add3A_501, %add3A_557 : i32
        %lt3A_559 = arith.constant 156 : i32
        %lt3A_560 = arith.cmpi slt, %add3A_558, %lt3A_559 : i32
        %convert_element_type3A_561 = arith.extui %lt3A_560 : i1 to i32
        %cond3A_562 = arith.constant 0 : i32
        %cond3A_563 = arith.cmpi ne, %convert_element_type3A_561, %cond3A_562 : i32
        scf.if %cond3A_563 {
          %dma_wait3A_571 = arith.constant 1 : i32
          %dma_wait3A_572 = arith.constant 1 : i32
          %dma_wait3A_573 = arith.constant 0 : i32
          %dma_wait3A_574 = tpu.memref_slice %arg6[%dma_wait3A_571, %dma_wait3A_573] : memref<10x64xi32, #tpu.memory_space<vmem>> -> memref<1x64xi32, #tpu.memory_space<vmem>>
          %dma_wait3A_575 = tpu.memref_squeeze %dma_wait3A_574 : memref<1x64xi32, #tpu.memory_space<vmem>> -> memref<64xi32, #tpu.memory_space<vmem>>
          %dma_wait3A_576 = tpu.memref_slice %arg3[%mul3A_2] : memref<640000xi32, #tpu.memory_space<hbm>> -> memref<64xi32, #tpu.memory_space<hbm>>
          %dma_wait3A_577 = tpu.memref_slice %arg13[%dma_wait3A_572] : memref<10x!tpu.dma_semaphore, #tpu.memory_space<semaphore_mem>> -> memref<1x!tpu.dma_semaphore, #tpu.memory_space<semaphore_mem>>
          %dma_wait3A_578 = tpu.memref_squeeze %dma_wait3A_577 : memref<1x!tpu.dma_semaphore, #tpu.memory_space<semaphore_mem>> -> memref<!tpu.dma_semaphore, #tpu.memory_space<semaphore_mem>>
          %dma_wait3A_579 = arith.constant 0 : i32
          %dma_wait3A_580 = tpu.memref_slice %arg6[%dma_wait3A_571, %dma_wait3A_579] : memref<10x64xi32, #tpu.memory_space<vmem>> -> memref<1x64xi32, #tpu.memory_space<vmem>>
          %dma_wait3A_581 = tpu.memref_squeeze %dma_wait3A_580 : memref<1x64xi32, #tpu.memory_space<vmem>> -> memref<64xi32, #tpu.memory_space<vmem>>
          %dma_wait3A_582 = tpu.memref_slice %arg3[%mul3A_2] : memref<640000xi32, #tpu.memory_space<hbm>> -> memref<64xi32, #tpu.memory_space<hbm>>
          tpu.wait_dma2 semaphore(%dma_wait3A_578 : memref<!tpu.dma_semaphore, #tpu.memory_space<semaphore_mem>>) src(%dma_wait3A_582 : memref<64xi32, #tpu.memory_space<hbm>>) dst(%dma_wait3A_581 : memref<64xi32, #tpu.memory_space<vmem>>)
          %add3A_583 = arith.constant 2 : i32
          %add3A_584 = arith.addi %add3A_501, %add3A_583 : i32
          %dma_start3A_585 = arith.constant 1 : i32
          %dma_start3A_586 = arith.constant 1 : i32
          %dma_start3A_587 = arith.constant 1 : i32
          %dma_start3A_588 = arith.constant 0 : i32
          %dma_start3A_589 = arith.constant 0 : i32
          %dma_start3A_590 = tpu.memref_slice %arg8[%dma_start3A_586, %dma_start3A_588, %dma_start3A_589] : memref<5x64x128xf32, #tpu.memory_space<vmem>> -> memref<1x64x128xf32, #tpu.memory_space<vmem>>
          %dma_start3A_591 = tpu.memref_squeeze %dma_start3A_590 : memref<1x64x128xf32, #tpu.memory_space<vmem>> -> memref<64x128xf32, #tpu.memory_space<vmem>>
          %dma_start3A_592 = arith.constant 0 : i32
          %dma_start3A_593 = tpu.memref_slice %arg6[%dma_start3A_585, %dma_start3A_592] : memref<10x64xi32, #tpu.memory_space<vmem>> -> memref<1x64xi32, #tpu.memory_space<vmem>>
          %dma_start3A_594 = tpu.memref_squeeze %dma_start3A_593 : memref<1x64xi32, #tpu.memory_space<vmem>> -> memref<64xi32, #tpu.memory_space<vmem>>
          %dma_start3A_595 = arith.constant 0 : i32
          %dma_start3A_596 = arith.constant 0 : i32
          %dma_start3A_597 = tpu.memref_slice %arg2[%dma_start3A_595, %dma_start3A_596] : memref<10000x128xf32, #tpu.memory_space<hbm>> -> memref<10000x128xf32, #tpu.memory_space<hbm>>
          %dma_start3A_598 = tpu.memref_slice %arg15[%dma_start3A_587] : memref<5x!tpu.dma_semaphore, #tpu.memory_space<semaphore_mem>> -> memref<1x!tpu.dma_semaphore, #tpu.memory_space<semaphore_mem>>
          %dma_start3A_599 = tpu.memref_squeeze %dma_start3A_598 : memref<1x!tpu.dma_semaphore, #tpu.memory_space<semaphore_mem>> -> memref<!tpu.dma_semaphore, #tpu.memory_space<semaphore_mem>>
          tpu.enqueue_indirect_dma source(%dma_start3A_597 : memref<10000x128xf32, #tpu.memory_space<hbm>>) target(%dma_start3A_591 : memref<64x128xf32, #tpu.memory_space<vmem>>) offsets(%dma_start3A_594 : memref<64xi32, #tpu.memory_space<vmem>>) semaphore(%dma_start3A_599 : memref<!tpu.dma_semaphore, #tpu.memory_space<semaphore_mem>>)
        } else {
        }
        %add3A_564 = arith.constant 6 : i32
        %add3A_565 = arith.addi %add3A_501, %add3A_564 : i32
        %lt3A_566 = arith.constant 156 : i32
        %lt3A_567 = arith.cmpi slt, %add3A_565, %lt3A_566 : i32
        %convert_element_type3A_568 = arith.extui %lt3A_567 : i1 to i32
        %cond3A_569 = arith.constant 0 : i32
        %cond3A_570 = arith.cmpi ne, %convert_element_type3A_568, %cond3A_569 : i32
        scf.if %cond3A_570 {
          %add3A_571 = arith.constant 6 : i32
          %add3A_572 = arith.addi %add3A_501, %add3A_571 : i32
          %mul3A_573 = arith.constant 64 : i32
          %mul3A_574 = arith.muli %add3A_572, %mul3A_573 : i32
          %add3A_575 = arith.addi %mul3A_2, %mul3A_574 : i32
          %dma_start3A_576 = arith.constant 5 : i32
          %dma_start3A_577 = arith.constant 5 : i32
          %dma_start3A_578 = arith.constant 0 : i32
          %dma_start3A_579 = tpu.memref_slice %arg6[%dma_start3A_576, %dma_start3A_578] : memref<10x64xi32, #tpu.memory_space<vmem>> -> memref<1x64xi32, #tpu.memory_space<vmem>>
          %dma_start3A_580 = tpu.memref_squeeze %dma_start3A_579 : memref<1x64xi32, #tpu.memory_space<vmem>> -> memref<64xi32, #tpu.memory_space<vmem>>
          %dma_start3A_581 = tpu.memref_slice %arg3[%add3A_575] : memref<640000xi32, #tpu.memory_space<hbm>> -> memref<64xi32, #tpu.memory_space<hbm>>
          %dma_start3A_582 = tpu.memref_slice %arg13[%dma_start3A_577] : memref<10x!tpu.dma_semaphore, #tpu.memory_space<semaphore_mem>> -> memref<1x!tpu.dma_semaphore, #tpu.memory_space<semaphore_mem>>
          %dma_start3A_583 = tpu.memref_squeeze %dma_start3A_582 : memref<1x!tpu.dma_semaphore, #tpu.memory_space<semaphore_mem>> -> memref<!tpu.dma_semaphore, #tpu.memory_space<semaphore_mem>>
          %dma_start3A_584 = arith.constant 0 : i32
          %dma_start3A_585 = tpu.memref_slice %arg6[%dma_start3A_576, %dma_start3A_584] : memref<10x64xi32, #tpu.memory_space<vmem>> -> memref<1x64xi32, #tpu.memory_space<vmem>>
          %dma_start3A_586 = tpu.memref_squeeze %dma_start3A_585 : memref<1x64xi32, #tpu.memory_space<vmem>> -> memref<64xi32, #tpu.memory_space<vmem>>
          %dma_start3A_587 = tpu.memref_slice %arg3[%add3A_575] : memref<640000xi32, #tpu.memory_space<hbm>> -> memref<64xi32, #tpu.memory_space<hbm>>
          tpu.enqueue_dma source(%dma_start3A_587 : memref<64xi32, #tpu.memory_space<hbm>>) target(%dma_start3A_586 : memref<64xi32, #tpu.memory_space<vmem>>) target_semaphore(%dma_start3A_583 : memref<!tpu.dma_semaphore, #tpu.memory_space<semaphore_mem>>)
          %add3A_588 = arith.constant 320000 : i32
          %add3A_589 = arith.addi %add3A_588, %mul3A_2 : i32
          %mul3A_590 = arith.constant 64 : i32
          %mul3A_591 = arith.muli %add3A_572, %mul3A_590 : i32
          %add3A_592 = arith.addi %add3A_589, %mul3A_591 : i32
          %dma_start3A_593 = arith.constant 5 : i32
          %dma_start3A_594 = arith.constant 5 : i32
          %dma_start3A_595 = arith.constant 0 : i32
          %dma_start3A_596 = tpu.memref_slice %arg7[%dma_start3A_593, %dma_start3A_595] : memref<10x64xi32, #tpu.memory_space<vmem>> -> memref<1x64xi32, #tpu.memory_space<vmem>>
          %dma_start3A_597 = tpu.memref_squeeze %dma_start3A_596 : memref<1x64xi32, #tpu.memory_space<vmem>> -> memref<64xi32, #tpu.memory_space<vmem>>
          %dma_start3A_598 = tpu.memref_slice %arg3[%add3A_592] : memref<640000xi32, #tpu.memory_space<hbm>> -> memref<64xi32, #tpu.memory_space<hbm>>
          %dma_start3A_599 = tpu.memref_slice %arg14[%dma_start3A_594] : memref<10x!tpu.dma_semaphore, #tpu.memory_space<semaphore_mem>> -> memref<1x!tpu.dma_semaphore, #tpu.memory_space<semaphore_mem>>
          %dma_start3A_600 = tpu.memref_squeeze %dma_start3A_599 : memref<1x!tpu.dma_semaphore, #tpu.memory_space<semaphore_mem>> -> memref<!tpu.dma_semaphore, #tpu.memory_space<semaphore_mem>>
          %dma_start3A_601 = arith.constant 0 : i32
          %dma_start3A_602 = tpu.memref_slice %arg7[%dma_start3A_593, %dma_start3A_601] : memref<10x64xi32, #tpu.memory_space<vmem>> -> memref<1x64xi32, #tpu.memory_space<vmem>>
          %dma_start3A_603 = tpu.memref_squeeze %dma_start3A_602 : memref<1x64xi32, #tpu.memory_space<vmem>> -> memref<64xi32, #tpu.memory_space<vmem>>
          %dma_start3A_604 = tpu.memref_slice %arg3[%add3A_592] : memref<640000xi32, #tpu.memory_space<hbm>> -> memref<64xi32, #tpu.memory_space<hbm>>
          tpu.enqueue_dma source(%dma_start3A_604 : memref<64xi32, #tpu.memory_space<hbm>>) target(%dma_start3A_603 : memref<64xi32, #tpu.memory_space<vmem>>) target_semaphore(%dma_start3A_600 : memref<!tpu.dma_semaphore, #tpu.memory_space<semaphore_mem>>)
        } else {
        }
      } else {
      }
    }
    %scan3A_295 = arith.constant 16 : i32
    %dma_wait3A_296 = arith.constant 0 : i32
    %dma_wait3A_297 = arith.constant 0 : i32
    %dma_wait3A_298 = arith.constant 0 : i32
    %dma_wait3A_299 = arith.constant 0 : i32
    %dma_wait3A_300 = arith.constant 0 : i32
    %dma_wait3A_301 = tpu.memref_slice %arg8[%dma_wait3A_296, %dma_wait3A_299, %dma_wait3A_300] : memref<5x64x128xf32, #tpu.memory_space<vmem>> -> memref<1x64x128xf32, #tpu.memory_space<vmem>>
    %dma_wait3A_302 = tpu.memref_squeeze %dma_wait3A_301 : memref<1x64x128xf32, #tpu.memory_space<vmem>> -> memref<64x128xf32, #tpu.memory_space<vmem>>
    %dma_wait3A_303 = arith.constant 0 : i32
    %dma_wait3A_304 = tpu.memref_slice %arg7[%dma_wait3A_297, %dma_wait3A_303] : memref<10x64xi32, #tpu.memory_space<vmem>> -> memref<1x64xi32, #tpu.memory_space<vmem>>
    %dma_wait3A_305 = tpu.memref_squeeze %dma_wait3A_304 : memref<1x64xi32, #tpu.memory_space<vmem>> -> memref<64xi32, #tpu.memory_space<vmem>>
    %dma_wait3A_306 = arith.constant 0 : i32
    %dma_wait3A_307 = arith.constant 0 : i32
    %dma_wait3A_308 = tpu.memref_slice %arg12[%dma_wait3A_306, %dma_wait3A_307] : memref<10240x128xf32, #tpu.memory_space<vmem_shared>> -> memref<10240x128xf32, #tpu.memory_space<vmem_shared>>
    %dma_wait3A_309 = tpu.memref_slice %arg16[%dma_wait3A_298] : memref<5x!tpu.dma_semaphore, #tpu.memory_space<semaphore_mem>> -> memref<1x!tpu.dma_semaphore, #tpu.memory_space<semaphore_mem>>
    %dma_wait3A_310 = tpu.memref_squeeze %dma_wait3A_309 : memref<1x!tpu.dma_semaphore, #tpu.memory_space<semaphore_mem>> -> memref<!tpu.dma_semaphore, #tpu.memory_space<semaphore_mem>>
    tpu.wait_indirect_dma semaphore(%dma_wait3A_310 : memref<!tpu.dma_semaphore, #tpu.memory_space<semaphore_mem>>) src(%dma_wait3A_302 : memref<64x128xf32, #tpu.memory_space<vmem>>) dst(%dma_wait3A_308 : memref<10240x128xf32, #tpu.memory_space<vmem_shared>>)
    %dma_wait3A_311 = arith.constant 1 : i32
    %dma_wait3A_312 = arith.constant 0 : i32
    %dma_wait3A_313 = arith.constant 1 : i32
    %dma_wait3A_314 = arith.constant 0 : i32
    %dma_wait3A_315 = arith.constant 0 : i32
    %dma_wait3A_316 = tpu.memref_slice %arg8[%dma_wait3A_311, %dma_wait3A_314, %dma_wait3A_315] : memref<5x64x128xf32, #tpu.memory_space<vmem>> -> memref<1x64x128xf32, #tpu.memory_space<vmem>>
    %dma_wait3A_317 = tpu.memref_squeeze %dma_wait3A_316 : memref<1x64x128xf32, #tpu.memory_space<vmem>> -> memref<64x128xf32, #tpu.memory_space<vmem>>
    %dma_wait3A_318 = arith.constant 0 : i32
    %dma_wait3A_319 = tpu.memref_slice %arg7[%dma_wait3A_312, %dma_wait3A_318] : memref<10x64xi32, #tpu.memory_space<vmem>> -> memref<1x64xi32, #tpu.memory_space<vmem>>
    %dma_wait3A_320 = tpu.memref_squeeze %dma_wait3A_319 : memref<1x64xi32, #tpu.memory_space<vmem>> -> memref<64xi32, #tpu.memory_space<vmem>>
    %dma_wait3A_321 = arith.constant 0 : i32
    %dma_wait3A_322 = arith.constant 0 : i32
    %dma_wait3A_323 = tpu.memref_slice %arg12[%dma_wait3A_321, %dma_wait3A_322] : memref<10240x128xf32, #tpu.memory_space<vmem_shared>> -> memref<10240x128xf32, #tpu.memory_space<vmem_shared>>
    %dma_wait3A_324 = tpu.memref_slice %arg16[%dma_wait3A_313] : memref<5x!tpu.dma_semaphore, #tpu.memory_space<semaphore_mem>> -> memref<1x!tpu.dma_semaphore, #tpu.memory_space<semaphore_mem>>
    %dma_wait3A_325 = tpu.memref_squeeze %dma_wait3A_324 : memref<1x!tpu.dma_semaphore, #tpu.memory_space<semaphore_mem>> -> memref<!tpu.dma_semaphore, #tpu.memory_space<semaphore_mem>>
    tpu.wait_indirect_dma semaphore(%dma_wait3A_325 : memref<!tpu.dma_semaphore, #tpu.memory_space<semaphore_mem>>) src(%dma_wait3A_317 : memref<64x128xf32, #tpu.memory_space<vmem>>) dst(%dma_wait3A_323 : memref<10240x128xf32, #tpu.memory_space<vmem_shared>>)
    %dma_wait3A_326 = arith.constant 2 : i32
    %dma_wait3A_327 = arith.constant 0 : i32
    %dma_wait3A_328 = arith.constant 2 : i32
    %dma_wait3A_329 = arith.constant 0 : i32
    %dma_wait3A_330 = arith.constant 0 : i32
    %dma_wait3A_331 = tpu.memref_slice %arg8[%dma_wait3A_326, %dma_wait3A_329, %dma_wait3A_330] : memref<5x64x128xf32, #tpu.memory_space<vmem>> -> memref<1x64x128xf32, #tpu.memory_space<vmem>>
    %dma_wait3A_332 = tpu.memref_squeeze %dma_wait3A_331 : memref<1x64x128xf32, #tpu.memory_space<vmem>> -> memref<64x128xf32, #tpu.memory_space<vmem>>
    %dma_wait3A_333 = arith.constant 0 : i32
    %dma_wait3A_334 = tpu.memref_slice %arg7[%dma_wait3A_327, %dma_wait3A_333] : memref<10x64xi32, #tpu.memory_space<vmem>> -> memref<1x64xi32, #tpu.memory_space<vmem>>
    %dma_wait3A_335 = tpu.memref_squeeze %dma_wait3A_334 : memref<1x64xi32, #tpu.memory_space<vmem>> -> memref<64xi32, #tpu.memory_space<vmem>>
    %dma_wait3A_336 = arith.constant 0 : i32
    %dma_wait3A_337 = arith.constant 0 : i32
    %dma_wait3A_338 = tpu.memref_slice %arg12[%dma_wait3A_336, %dma_wait3A_337] : memref<10240x128xf32, #tpu.memory_space<vmem_shared>> -> memref<10240x128xf32, #tpu.memory_space<vmem_shared>>
    %dma_wait3A_339 = tpu.memref_slice %arg16[%dma_wait3A_328] : memref<5x!tpu.dma_semaphore, #tpu.memory_space<semaphore_mem>> -> memref<1x!tpu.dma_semaphore, #tpu.memory_space<semaphore_mem>>
    %dma_wait3A_340 = tpu.memref_squeeze %dma_wait3A_339 : memref<1x!tpu.dma_semaphore, #tpu.memory_space<semaphore_mem>> -> memref<!tpu.dma_semaphore, #tpu.memory_space<semaphore_mem>>
    tpu.wait_indirect_dma semaphore(%dma_wait3A_340 : memref<!tpu.dma_semaphore, #tpu.memory_space<semaphore_mem>>) src(%dma_wait3A_332 : memref<64x128xf32, #tpu.memory_space<vmem>>) dst(%dma_wait3A_338 : memref<10240x128xf32, #tpu.memory_space<vmem_shared>>)
    %dma_wait3A_341 = arith.constant 3 : i32
    %dma_wait3A_342 = arith.constant 0 : i32
    %dma_wait3A_343 = arith.constant 3 : i32
    %dma_wait3A_344 = arith.constant 0 : i32
    %dma_wait3A_345 = arith.constant 0 : i32
    %dma_wait3A_346 = tpu.memref_slice %arg8[%dma_wait3A_341, %dma_wait3A_344, %dma_wait3A_345] : memref<5x64x128xf32, #tpu.memory_space<vmem>> -> memref<1x64x128xf32, #tpu.memory_space<vmem>>
    %dma_wait3A_347 = tpu.memref_squeeze %dma_wait3A_346 : memref<1x64x128xf32, #tpu.memory_space<vmem>> -> memref<64x128xf32, #tpu.memory_space<vmem>>
    %dma_wait3A_348 = arith.constant 0 : i32
    %dma_wait3A_349 = tpu.memref_slice %arg7[%dma_wait3A_342, %dma_wait3A_348] : memref<10x64xi32, #tpu.memory_space<vmem>> -> memref<1x64xi32, #tpu.memory_space<vmem>>
    %dma_wait3A_350 = tpu.memref_squeeze %dma_wait3A_349 : memref<1x64xi32, #tpu.memory_space<vmem>> -> memref<64xi32, #tpu.memory_space<vmem>>
    %dma_wait3A_351 = arith.constant 0 : i32
    %dma_wait3A_352 = arith.constant 0 : i32
    %dma_wait3A_353 = tpu.memref_slice %arg12[%dma_wait3A_351, %dma_wait3A_352] : memref<10240x128xf32, #tpu.memory_space<vmem_shared>> -> memref<10240x128xf32, #tpu.memory_space<vmem_shared>>
    %dma_wait3A_354 = tpu.memref_slice %arg16[%dma_wait3A_343] : memref<5x!tpu.dma_semaphore, #tpu.memory_space<semaphore_mem>> -> memref<1x!tpu.dma_semaphore, #tpu.memory_space<semaphore_mem>>
    %dma_wait3A_355 = tpu.memref_squeeze %dma_wait3A_354 : memref<1x!tpu.dma_semaphore, #tpu.memory_space<semaphore_mem>> -> memref<!tpu.dma_semaphore, #tpu.memory_space<semaphore_mem>>
    tpu.wait_indirect_dma semaphore(%dma_wait3A_355 : memref<!tpu.dma_semaphore, #tpu.memory_space<semaphore_mem>>) src(%dma_wait3A_347 : memref<64x128xf32, #tpu.memory_space<vmem>>) dst(%dma_wait3A_353 : memref<10240x128xf32, #tpu.memory_space<vmem_shared>>)
    %dma_wait3A_356 = arith.constant 4 : i32
    %dma_wait3A_357 = arith.constant 0 : i32
    %dma_wait3A_358 = arith.constant 4 : i32
    %dma_wait3A_359 = arith.constant 0 : i32
    %dma_wait3A_360 = arith.constant 0 : i32
    %dma_wait3A_361 = tpu.memref_slice %arg8[%dma_wait3A_356, %dma_wait3A_359, %dma_wait3A_360] : memref<5x64x128xf32, #tpu.memory_space<vmem>> -> memref<1x64x128xf32, #tpu.memory_space<vmem>>
    %dma_wait3A_362 = tpu.memref_squeeze %dma_wait3A_361 : memref<1x64x128xf32, #tpu.memory_space<vmem>> -> memref<64x128xf32, #tpu.memory_space<vmem>>
    %dma_wait3A_363 = arith.constant 0 : i32
    %dma_wait3A_364 = tpu.memref_slice %arg7[%dma_wait3A_357, %dma_wait3A_363] : memref<10x64xi32, #tpu.memory_space<vmem>> -> memref<1x64xi32, #tpu.memory_space<vmem>>
    %dma_wait3A_365 = tpu.memref_squeeze %dma_wait3A_364 : memref<1x64xi32, #tpu.memory_space<vmem>> -> memref<64xi32, #tpu.memory_space<vmem>>
    %dma_wait3A_366 = arith.constant 0 : i32
    %dma_wait3A_367 = arith.constant 0 : i32
    %dma_wait3A_368 = tpu.memref_slice %arg12[%dma_wait3A_366, %dma_wait3A_367] : memref<10240x128xf32, #tpu.memory_space<vmem_shared>> -> memref<10240x128xf32, #tpu.memory_space<vmem_shared>>
    %dma_wait3A_369 = tpu.memref_slice %arg16[%dma_wait3A_358] : memref<5x!tpu.dma_semaphore, #tpu.memory_space<semaphore_mem>> -> memref<1x!tpu.dma_semaphore, #tpu.memory_space<semaphore_mem>>
    %dma_wait3A_370 = tpu.memref_squeeze %dma_wait3A_369 : memref<1x!tpu.dma_semaphore, #tpu.memory_space<semaphore_mem>> -> memref<!tpu.dma_semaphore, #tpu.memory_space<semaphore_mem>>
    tpu.wait_indirect_dma semaphore(%dma_wait3A_370 : memref<!tpu.dma_semaphore, #tpu.memory_space<semaphore_mem>>) src(%dma_wait3A_362 : memref<64x128xf32, #tpu.memory_space<vmem>>) dst(%dma_wait3A_368 : memref<10240x128xf32, #tpu.memory_space<vmem_shared>>)
    %add3A_371 = arith.constant 9984 : i32
    %add3A_372 = arith.addi %mul3A_2, %add3A_371 : i32
    %dma_start3A_373 = arith.constant 0 : i32
    %dma_start3A_374 = tpu.memref_slice %arg3[%add3A_372] : memref<640000xi32, #tpu.memory_space<hbm>> -> memref<16xi32, #tpu.memory_space<hbm>>
    %dma_start3A_375 = tpu.memref_slice %arg13[%dma_start3A_373] : memref<10x!tpu.dma_semaphore, #tpu.memory_space<semaphore_mem>> -> memref<1x!tpu.dma_semaphore, #tpu.memory_space<semaphore_mem>>
    %dma_start3A_376 = tpu.memref_squeeze %dma_start3A_375 : memref<1x!tpu.dma_semaphore, #tpu.memory_space<semaphore_mem>> -> memref<!tpu.dma_semaphore, #tpu.memory_space<semaphore_mem>>
    %dma_start3A_377 = tpu.memref_slice %arg3[%add3A_372] : memref<640000xi32, #tpu.memory_space<hbm>> -> memref<16xi32, #tpu.memory_space<hbm>>
    tpu.enqueue_dma source(%dma_start3A_377 : memref<16xi32, #tpu.memory_space<hbm>>) target(%arg9 : memref<16xi32, #tpu.memory_space<vmem>>) target_semaphore(%dma_start3A_376 : memref<!tpu.dma_semaphore, #tpu.memory_space<semaphore_mem>>)
    %add3A_378 = arith.constant 320000 : i32
    %add3A_379 = arith.addi %add3A_378, %mul3A_2 : i32
    %add3A_380 = arith.constant 9984 : i32
    %add3A_381 = arith.addi %add3A_379, %add3A_380 : i32
    %dma_start3A_382 = arith.constant 0 : i32
    %dma_start3A_383 = tpu.memref_slice %arg3[%add3A_381] : memref<640000xi32, #tpu.memory_space<hbm>> -> memref<16xi32, #tpu.memory_space<hbm>>
    %dma_start3A_384 = tpu.memref_slice %arg14[%dma_start3A_382] : memref<10x!tpu.dma_semaphore, #tpu.memory_space<semaphore_mem>> -> memref<1x!tpu.dma_semaphore, #tpu.memory_space<semaphore_mem>>
    %dma_start3A_385 = tpu.memref_squeeze %dma_start3A_384 : memref<1x!tpu.dma_semaphore, #tpu.memory_space<semaphore_mem>> -> memref<!tpu.dma_semaphore, #tpu.memory_space<semaphore_mem>>
    %dma_start3A_386 = tpu.memref_slice %arg3[%add3A_381] : memref<640000xi32, #tpu.memory_space<hbm>> -> memref<16xi32, #tpu.memory_space<hbm>>
    tpu.enqueue_dma source(%dma_start3A_386 : memref<16xi32, #tpu.memory_space<hbm>>) target(%arg10 : memref<16xi32, #tpu.memory_space<vmem>>) target_semaphore(%dma_start3A_385 : memref<!tpu.dma_semaphore, #tpu.memory_space<semaphore_mem>>)
    %dma_wait3A_387 = arith.constant 0 : i32
    %dma_wait3A_388 = tpu.memref_slice %arg3[%mul3A_2] : memref<640000xi32, #tpu.memory_space<hbm>> -> memref<16xi32, #tpu.memory_space<hbm>>
    %dma_wait3A_389 = tpu.memref_slice %arg13[%dma_wait3A_387] : memref<10x!tpu.dma_semaphore, #tpu.memory_space<semaphore_mem>> -> memref<1x!tpu.dma_semaphore, #tpu.memory_space<semaphore_mem>>
    %dma_wait3A_390 = tpu.memref_squeeze %dma_wait3A_389 : memref<1x!tpu.dma_semaphore, #tpu.memory_space<semaphore_mem>> -> memref<!tpu.dma_semaphore, #tpu.memory_space<semaphore_mem>>
    %dma_wait3A_391 = tpu.memref_slice %arg3[%mul3A_2] : memref<640000xi32, #tpu.memory_space<hbm>> -> memref<16xi32, #tpu.memory_space<hbm>>
    tpu.wait_dma2 semaphore(%dma_wait3A_390 : memref<!tpu.dma_semaphore, #tpu.memory_space<semaphore_mem>>) src(%dma_wait3A_391 : memref<16xi32, #tpu.memory_space<hbm>>) dst(%arg9 : memref<16xi32, #tpu.memory_space<vmem>>)
    %dma_start3A_392 = arith.constant 0 : i32
    %dma_start3A_393 = arith.constant 0 : i32
    %dma_start3A_394 = arith.constant 0 : i32
    %dma_start3A_395 = tpu.memref_slice %arg2[%dma_start3A_393, %dma_start3A_394] : memref<10000x128xf32, #tpu.memory_space<hbm>> -> memref<10000x128xf32, #tpu.memory_space<hbm>>
    %dma_start3A_396 = tpu.memref_slice %arg15[%dma_start3A_392] : memref<5x!tpu.dma_semaphore, #tpu.memory_space<semaphore_mem>> -> memref<1x!tpu.dma_semaphore, #tpu.memory_space<semaphore_mem>>
    %dma_start3A_397 = tpu.memref_squeeze %dma_start3A_396 : memref<1x!tpu.dma_semaphore, #tpu.memory_space<semaphore_mem>> -> memref<!tpu.dma_semaphore, #tpu.memory_space<semaphore_mem>>
    tpu.enqueue_indirect_dma source(%dma_start3A_395 : memref<10000x128xf32, #tpu.memory_space<hbm>>) target(%arg11 : memref<16x128xf32, #tpu.memory_space<vmem>>) offsets(%arg9 : memref<16xi32, #tpu.memory_space<vmem>>) semaphore(%dma_start3A_397 : memref<!tpu.dma_semaphore, #tpu.memory_space<semaphore_mem>>)
    %dma_wait3A_398 = arith.constant 0 : i32
    %dma_wait3A_399 = arith.constant 0 : i32
    %dma_wait3A_400 = arith.constant 0 : i32
    %dma_wait3A_401 = tpu.memref_slice %arg2[%dma_wait3A_399, %dma_wait3A_400] : memref<10000x128xf32, #tpu.memory_space<hbm>> -> memref<10000x128xf32, #tpu.memory_space<hbm>>
    %dma_wait3A_402 = tpu.memref_slice %arg15[%dma_wait3A_398] : memref<5x!tpu.dma_semaphore, #tpu.memory_space<semaphore_mem>> -> memref<1x!tpu.dma_semaphore, #tpu.memory_space<semaphore_mem>>
    %dma_wait3A_403 = tpu.memref_squeeze %dma_wait3A_402 : memref<1x!tpu.dma_semaphore, #tpu.memory_space<semaphore_mem>> -> memref<!tpu.dma_semaphore, #tpu.memory_space<semaphore_mem>>
    tpu.wait_indirect_dma semaphore(%dma_wait3A_403 : memref<!tpu.dma_semaphore, #tpu.memory_space<semaphore_mem>>) src(%dma_wait3A_401 : memref<10000x128xf32, #tpu.memory_space<hbm>>) dst(%arg11 : memref<16x128xf32, #tpu.memory_space<vmem>>)
    %dma_wait3A_404 = arith.constant 0 : i32
    %dma_wait3A_405 = tpu.memref_slice %arg3[%mul3A_2] : memref<640000xi32, #tpu.memory_space<hbm>> -> memref<16xi32, #tpu.memory_space<hbm>>
    %dma_wait3A_406 = tpu.memref_slice %arg14[%dma_wait3A_404] : memref<10x!tpu.dma_semaphore, #tpu.memory_space<semaphore_mem>> -> memref<1x!tpu.dma_semaphore, #tpu.memory_space<semaphore_mem>>
    %dma_wait3A_407 = tpu.memref_squeeze %dma_wait3A_406 : memref<1x!tpu.dma_semaphore, #tpu.memory_space<semaphore_mem>> -> memref<!tpu.dma_semaphore, #tpu.memory_space<semaphore_mem>>
    %dma_wait3A_408 = tpu.memref_slice %arg3[%mul3A_2] : memref<640000xi32, #tpu.memory_space<hbm>> -> memref<16xi32, #tpu.memory_space<hbm>>
    tpu.wait_dma2 semaphore(%dma_wait3A_407 : memref<!tpu.dma_semaphore, #tpu.memory_space<semaphore_mem>>) src(%dma_wait3A_408 : memref<16xi32, #tpu.memory_space<hbm>>) dst(%arg10 : memref<16xi32, #tpu.memory_space<vmem>>)
    "tpu.region"() ({
      %run_scoped3A_417 = tpu.sem_alloc : memref<!tpu.dma_semaphore, #tpu.memory_space<semaphore_mem>>
      %dma_start3A_418 = arith.constant 0 : i32
      %dma_start3A_419 = arith.constant 0 : i32
      %dma_start3A_420 = tpu.memref_slice %arg12[%dma_start3A_418, %dma_start3A_419] : memref<10240x128xf32, #tpu.memory_space<vmem_shared>> -> memref<10240x128xf32, #tpu.memory_space<vmem_shared>>
      tpu.enqueue_indirect_dma source(%arg11 : memref<16x128xf32, #tpu.memory_space<vmem>>) target(%dma_start3A_420 : memref<10240x128xf32, #tpu.memory_space<vmem_shared>>) offsets(%arg10 : memref<16xi32, #tpu.memory_space<vmem>>) semaphore(%run_scoped3A_417 : memref<!tpu.dma_semaphore, #tpu.memory_space<semaphore_mem>>) {add = true}
      %dma_wait3A_421 = arith.constant 0 : i32
      %dma_wait3A_422 = arith.constant 0 : i32
      %dma_wait3A_423 = tpu.memref_slice %arg12[%dma_wait3A_421, %dma_wait3A_422] : memref<10240x128xf32, #tpu.memory_space<vmem_shared>> -> memref<10240x128xf32, #tpu.memory_space<vmem_shared>>
      tpu.wait_indirect_dma semaphore(%run_scoped3A_417 : memref<!tpu.dma_semaphore, #tpu.memory_space<semaphore_mem>>) src(%arg11 : memref<16x128xf32, #tpu.memory_space<vmem>>) dst(%dma_wait3A_423 : memref<10240x128xf32, #tpu.memory_space<vmem_shared>>)
      tpu.yield
    }) : () -> ()
    %barrier3A_409 = arith.constant 0 : index
    tpu.barrier barrier_id(%barrier3A_409)
    %eq3A = arith.constant 0 : i32
    %eq3A_410 = arith.cmpi eq, %arg0, %eq3A : i32
    %convert_element_type3A = arith.extui %eq3A_410 : i1 to i32
    %cond3A = arith.constant 0 : i32
    %cond3A_411 = arith.cmpi ne, %convert_element_type3A, %cond3A : i32
    scf.if %cond3A_411 {
      %mul3A_417 = arith.constant 640 : i32
      %mul3A_418 = arith.muli %arg1, %mul3A_417 : i32
      %mul3A_419 = arith.constant 640 : i32
      %mul3A_420 = arith.muli %arg1, %mul3A_419 : i32
      "tpu.region"() ({
        %run_scoped3A_421 = tpu.sem_alloc : memref<!tpu.dma_semaphore, #tpu.memory_space<semaphore_mem>>
        %dma_start3A_422 = arith.constant 0 : i32
        %dma_start3A_423 = tpu.memref_slice %arg4[%mul3A_420, %dma_start3A_422] : memref<10240x128xf32, #tpu.memory_space<hbm>> -> memref<640x128xf32, #tpu.memory_space<hbm>>
        %dma_start3A_424 = arith.constant 0 : i32
        %dma_start3A_425 = tpu.memref_slice %arg12[%mul3A_418, %dma_start3A_424] : memref<10240x128xf32, #tpu.memory_space<vmem_shared>> -> memref<640x128xf32, #tpu.memory_space<vmem_shared>>
        tpu.enqueue_dma source(%dma_start3A_425 : memref<640x128xf32, #tpu.memory_space<vmem_shared>>) target(%dma_start3A_423 : memref<640x128xf32, #tpu.memory_space<hbm>>) target_semaphore(%run_scoped3A_421 : memref<!tpu.dma_semaphore, #tpu.memory_space<semaphore_mem>>)
        %dma_wait3A_426 = arith.constant 0 : i32
        %dma_wait3A_427 = tpu.memref_slice %arg4[%mul3A_420, %dma_wait3A_426] : memref<10240x128xf32, #tpu.memory_space<hbm>> -> memref<640x128xf32, #tpu.memory_space<hbm>>
        %dma_wait3A_428 = arith.constant 0 : i32
        %dma_wait3A_429 = tpu.memref_slice %arg12[%mul3A_418, %dma_wait3A_428] : memref<10240x128xf32, #tpu.memory_space<vmem_shared>> -> memref<640x128xf32, #tpu.memory_space<vmem_shared>>
        tpu.wait_dma2 semaphore(%run_scoped3A_421 : memref<!tpu.dma_semaphore, #tpu.memory_space<semaphore_mem>>) src(%dma_wait3A_429 : memref<640x128xf32, #tpu.memory_space<vmem_shared>>) dst(%dma_wait3A_427 : memref<640x128xf32, #tpu.memory_space<hbm>>)
        tpu.yield
      }) : () -> ()
    } else {
    }
    %eq3A_412 = arith.constant 1 : i32
    %eq3A_413 = arith.cmpi eq, %arg0, %eq3A_412 : i32
    %convert_element_type3A_414 = arith.extui %eq3A_413 : i1 to i32
    %cond3A_415 = arith.constant 0 : i32
    %cond3A_416 = arith.cmpi ne, %convert_element_type3A_414, %cond3A_415 : i32
    scf.if %cond3A_416 {
      %mul3A_417 = arith.constant 640 : i32
      %mul3A_418 = arith.muli %arg1, %mul3A_417 : i32
      %mul3A_419 = arith.constant 640 : i32
      %mul3A_420 = arith.muli %arg1, %mul3A_419 : i32
      "tpu.region"() ({
        %run_scoped3A_421 = tpu.sem_alloc : memref<!tpu.dma_semaphore, #tpu.memory_space<semaphore_mem>>
        %dma_start3A_422 = arith.constant 0 : i32
        %dma_start3A_423 = tpu.memref_slice %arg5[%mul3A_420, %dma_start3A_422] : memref<10240x128xf32, #tpu.memory_space<hbm>> -> memref<640x128xf32, #tpu.memory_space<hbm>>
        %dma_start3A_424 = arith.constant 0 : i32
        %dma_start3A_425 = tpu.memref_slice %arg12[%mul3A_418, %dma_start3A_424] : memref<10240x128xf32, #tpu.memory_space<vmem_shared>> -> memref<640x128xf32, #tpu.memory_space<vmem_shared>>
        tpu.enqueue_dma source(%dma_start3A_425 : memref<640x128xf32, #tpu.memory_space<vmem_shared>>) target(%dma_start3A_423 : memref<640x128xf32, #tpu.memory_space<hbm>>) target_semaphore(%run_scoped3A_421 : memref<!tpu.dma_semaphore, #tpu.memory_space<semaphore_mem>>)
        %dma_wait3A_426 = arith.constant 0 : i32
        %dma_wait3A_427 = tpu.memref_slice %arg5[%mul3A_420, %dma_wait3A_426] : memref<10240x128xf32, #tpu.memory_space<hbm>> -> memref<640x128xf32, #tpu.memory_space<hbm>>
        %dma_wait3A_428 = arith.constant 0 : i32
        %dma_wait3A_429 = tpu.memref_slice %arg12[%mul3A_418, %dma_wait3A_428] : memref<10240x128xf32, #tpu.memory_space<vmem_shared>> -> memref<640x128xf32, #tpu.memory_space<vmem_shared>>
        tpu.wait_dma2 semaphore(%run_scoped3A_421 : memref<!tpu.dma_semaphore, #tpu.memory_space<semaphore_mem>>) src(%dma_wait3A_429 : memref<640x128xf32, #tpu.memory_space<vmem_shared>>) dst(%dma_wait3A_427 : memref<640x128xf32, #tpu.memory_space<hbm>>)
        tpu.yield
      }) : () -> ()
    } else {
    }
    return
  }
}

#map = affine_map<(d0, d1) -> (0)>
#map1 = affine_map<(d0, d1) -> (0, 0)>
module attributes {stable_mosaic.version = 14 : i64} {
  func.func @_deg_kernel(%arg0: i32, %arg1: i32, %arg2: memref<640000xi32, #tpu.memory_space<hbm>>, %arg3: memref<2x10240xf32, #tpu.memory_space<hbm>>, %arg4: memref<10000xi32, #tpu.memory_space<vmem>>, %arg5: memref<10240xf32, #tpu.memory_space<vmem>>, %arg6: memref<16x640xf32, #tpu.memory_space<vmem>>, %arg7: memref<640xf32, #tpu.memory_space<vmem>>, %arg8: memref<16x10240xf32, #tpu.memory_space<vmem_shared>>) attributes {dimension_semantics = [#tpu.dimension_semantics<core_parallel>, #tpu.dimension_semantics<subcore_parallel>], iteration_bounds = array<i64: 2, 16>, scalar_prefetch = 0 : i64, scratch_operands = 5 : i64, tpu.core_type = #tpu.core_type<sc_vector_subcore>, window_params = [{transform_indices = #map}, {transform_indices = #map1}]} {
    %mul3A = arith.constant 16 : i32
    %mul3A_0 = arith.muli %arg0, %mul3A : i32
    %add3A = arith.addi %mul3A_0, %arg1 : i32
    %mul3A_1 = arith.constant 10000 : i32
    %mul3A_2 = arith.muli %add3A, %mul3A_1 : i32
    %add3A_3 = arith.constant 320000 : i32
    %add3A_4 = arith.addi %add3A_3, %mul3A_2 : i32
    "tpu.region"() ({
      %run_scoped3A = tpu.sem_alloc : memref<!tpu.dma_semaphore, #tpu.memory_space<semaphore_mem>>
      %dma_start3A = tpu.memref_slice %arg2[%add3A_4] : memref<640000xi32, #tpu.memory_space<hbm>> -> memref<10000xi32, #tpu.memory_space<hbm>>
      %dma_start3A_30 = tpu.memref_slice %arg2[%add3A_4] : memref<640000xi32, #tpu.memory_space<hbm>> -> memref<10000xi32, #tpu.memory_space<hbm>>
      tpu.enqueue_dma source(%dma_start3A_30 : memref<10000xi32, #tpu.memory_space<hbm>>) target(%arg4 : memref<10000xi32, #tpu.memory_space<vmem>>) target_semaphore(%run_scoped3A : memref<!tpu.dma_semaphore, #tpu.memory_space<semaphore_mem>>)
      %dma_wait3A = tpu.memref_slice %arg2[%add3A_4] : memref<640000xi32, #tpu.memory_space<hbm>> -> memref<10000xi32, #tpu.memory_space<hbm>>
      %dma_wait3A_31 = tpu.memref_slice %arg2[%add3A_4] : memref<640000xi32, #tpu.memory_space<hbm>> -> memref<10000xi32, #tpu.memory_space<hbm>>
      tpu.wait_dma2 semaphore(%run_scoped3A : memref<!tpu.dma_semaphore, #tpu.memory_space<semaphore_mem>>) src(%dma_wait3A_31 : memref<10000xi32, #tpu.memory_space<hbm>>) dst(%arg4 : memref<10000xi32, #tpu.memory_space<vmem>>)
      tpu.yield
    }) : () -> ()
    %broadcast_in_dim3A = arith.constant 0.000000e+00 : f32
    %broadcast_in_dim3A_5 = vector.broadcast %broadcast_in_dim3A : f32 to vector<16xf32>
    %broadcast_in_dim3A_6 = arith.constant 1.000000e+00 : f32
    %broadcast_in_dim3A_7 = vector.broadcast %broadcast_in_dim3A_6 : f32 to vector<16xf32>
    %scan3A = arith.constant 0 : i32
    %scan3A_8 = arith.constant 0 : i32
    %scan3A_9 = arith.constant 160 : i32
    %scan3A_10 = arith.addi %scan3A_8, %scan3A_9 : i32
    %scan3A_11 = arith.constant 1 : i32
    scf.for %scan3A_30 = %scan3A_8 to %scan3A_10 step %scan3A_11  : i32 {
      %mul3A_31 = arith.constant 64 : i32
      %mul3A_32 = arith.muli %scan3A_30, %mul3A_31 : i32
      %swap3A = arith.index_cast %mul3A_32 : i32 to index
      %swap3A_33 = tpu.vector_load %arg5[%swap3A] {strides = array<i32>} : memref<10240xf32, #tpu.memory_space<vmem>>, vector<16xf32>,
      tpu.vector_store %arg5[%swap3A], %broadcast_in_dim3A_5 {strides = array<i32>} : memref<10240xf32, #tpu.memory_space<vmem>>, vector<16xf32>,
      %mul3A_34 = arith.constant 64 : i32
      %mul3A_35 = arith.muli %scan3A_30, %mul3A_34 : i32
      %add3A_36 = arith.constant 16 : i32
      %add3A_37 = arith.addi %mul3A_35, %add3A_36 : i32
      %swap3A_38 = arith.index_cast %add3A_37 : i32 to index
      %swap3A_39 = tpu.vector_load %arg5[%swap3A_38] {strides = array<i32>} : memref<10240xf32, #tpu.memory_space<vmem>>, vector<16xf32>,
      tpu.vector_store %arg5[%swap3A_38], %broadcast_in_dim3A_5 {strides = array<i32>} : memref<10240xf32, #tpu.memory_space<vmem>>, vector<16xf32>,
      %mul3A_40 = arith.constant 64 : i32
      %mul3A_41 = arith.muli %scan3A_30, %mul3A_40 : i32
      %add3A_42 = arith.constant 32 : i32
      %add3A_43 = arith.addi %mul3A_41, %add3A_42 : i32
      %swap3A_44 = arith.index_cast %add3A_43 : i32 to index
      %swap3A_45 = tpu.vector_load %arg5[%swap3A_44] {strides = array<i32>} : memref<10240xf32, #tpu.memory_space<vmem>>, vector<16xf32>,
      tpu.vector_store %arg5[%swap3A_44], %broadcast_in_dim3A_5 {strides = array<i32>} : memref<10240xf32, #tpu.memory_space<vmem>>, vector<16xf32>,
      %mul3A_46 = arith.constant 64 : i32
      %mul3A_47 = arith.muli %scan3A_30, %mul3A_46 : i32
      %add3A_48 = arith.constant 48 : i32
      %add3A_49 = arith.addi %mul3A_47, %add3A_48 : i32
      %swap3A_50 = arith.index_cast %add3A_49 : i32 to index
      %swap3A_51 = tpu.vector_load %arg5[%swap3A_50] {strides = array<i32>} : memref<10240xf32, #tpu.memory_space<vmem>>, vector<16xf32>,
      tpu.vector_store %arg5[%swap3A_50], %broadcast_in_dim3A_5 {strides = array<i32>} : memref<10240xf32, #tpu.memory_space<vmem>>, vector<16xf32>,
    }
    %scan3A_12 = arith.constant 160 : i32
    %scan3A_13 = arith.constant 0 : i32
    %scan3A_14 = arith.constant 0 : i32
    %scan3A_15 = arith.constant 156 : i32
    %scan3A_16 = arith.addi %scan3A_14, %scan3A_15 : i32
    %scan3A_17 = arith.constant 1 : i32
    scf.for %scan3A_30 = %scan3A_14 to %scan3A_16 step %scan3A_17  : i32 {
      %mul3A_31 = arith.constant 64 : i32
      %mul3A_32 = arith.muli %scan3A_30, %mul3A_31 : i32
      %get3A_33 = arith.index_cast %mul3A_32 : i32 to index
      %get3A_34 = tpu.vector_load %arg4[%get3A_33] {strides = array<i32>} : memref<10000xi32, #tpu.memory_space<vmem>>, vector<16xi32>,
      %mul3A_35 = arith.constant 64 : i32
      %mul3A_36 = arith.muli %scan3A_30, %mul3A_35 : i32
      %add3A_37 = arith.constant 16 : i32
      %add3A_38 = arith.addi %mul3A_36, %add3A_37 : i32
      %get3A_39 = arith.index_cast %add3A_38 : i32 to index
      %get3A_40 = tpu.vector_load %arg4[%get3A_39] {strides = array<i32>} : memref<10000xi32, #tpu.memory_space<vmem>>, vector<16xi32>,
      %mul3A_41 = arith.constant 64 : i32
      %mul3A_42 = arith.muli %scan3A_30, %mul3A_41 : i32
      %add3A_43 = arith.constant 32 : i32
      %add3A_44 = arith.addi %mul3A_42, %add3A_43 : i32
      %get3A_45 = arith.index_cast %add3A_44 : i32 to index
      %get3A_46 = tpu.vector_load %arg4[%get3A_45] {strides = array<i32>} : memref<10000xi32, #tpu.memory_space<vmem>>, vector<16xi32>,
      %mul3A_47 = arith.constant 64 : i32
      %mul3A_48 = arith.muli %scan3A_30, %mul3A_47 : i32
      %add3A_49 = arith.constant 48 : i32
      %add3A_50 = arith.addi %mul3A_48, %add3A_49 : i32
      %get3A_51 = arith.index_cast %add3A_50 : i32 to index
      %get3A_52 = tpu.vector_load %arg4[%get3A_51] {strides = array<i32>} : memref<10000xi32, #tpu.memory_space<vmem>>, vector<16xi32>,
      tpu.vector_store_idx %arg5[%get3A_34], %broadcast_in_dim3A_7 {add = true} : memref<10240xf32, #tpu.memory_space<vmem>>[vector<16xi32>], vector<16xf32>,
      tpu.vector_store_idx %arg5[%get3A_40], %broadcast_in_dim3A_7 {add = true} : memref<10240xf32, #tpu.memory_space<vmem>>[vector<16xi32>], vector<16xf32>,
      tpu.vector_store_idx %arg5[%get3A_46], %broadcast_in_dim3A_7 {add = true} : memref<10240xf32, #tpu.memory_space<vmem>>[vector<16xi32>], vector<16xf32>,
      tpu.vector_store_idx %arg5[%get3A_52], %broadcast_in_dim3A_7 {add = true} : memref<10240xf32, #tpu.memory_space<vmem>>[vector<16xi32>], vector<16xf32>,
    }
    %scan3A_18 = arith.constant 156 : i32
    %get3A = arith.constant 9984 : index
    %get3A_19 = tpu.vector_load %arg4[%get3A] {strides = array<i32>} : memref<10000xi32, #tpu.memory_space<vmem>>, vector<16xi32>,
    tpu.vector_store_idx %arg5[%get3A_19], %broadcast_in_dim3A_7 {add = true} : memref<10240xf32, #tpu.memory_space<vmem>>[vector<16xi32>], vector<16xf32>,
    "tpu.region"() ({
      %run_scoped3A = tpu.sem_alloc : memref<!tpu.dma_semaphore, #tpu.memory_space<semaphore_mem>>
      %dma_start3A = arith.constant 0 : i32
      %dma_start3A_30 = tpu.memref_slice %arg8[%arg1, %dma_start3A] : memref<16x10240xf32, #tpu.memory_space<vmem_shared>> -> memref<1x10240xf32, #tpu.memory_space<vmem_shared>>
      %dma_start3A_31 = tpu.memref_squeeze %dma_start3A_30 : memref<1x10240xf32, #tpu.memory_space<vmem_shared>> -> memref<10240xf32, #tpu.memory_space<vmem_shared>>
      %dma_start3A_32 = arith.constant 0 : i32
      %dma_start3A_33 = tpu.memref_slice %arg8[%arg1, %dma_start3A_32] : memref<16x10240xf32, #tpu.memory_space<vmem_shared>> -> memref<1x10240xf32, #tpu.memory_space<vmem_shared>>
      %dma_start3A_34 = tpu.memref_squeeze %dma_start3A_33 : memref<1x10240xf32, #tpu.memory_space<vmem_shared>> -> memref<10240xf32, #tpu.memory_space<vmem_shared>>
      tpu.enqueue_dma source(%arg5 : memref<10240xf32, #tpu.memory_space<vmem>>) target(%dma_start3A_34 : memref<10240xf32, #tpu.memory_space<vmem_shared>>) target_semaphore(%run_scoped3A : memref<!tpu.dma_semaphore, #tpu.memory_space<semaphore_mem>>)
      %dma_wait3A = arith.constant 0 : i32
      %dma_wait3A_35 = tpu.memref_slice %arg8[%arg1, %dma_wait3A] : memref<16x10240xf32, #tpu.memory_space<vmem_shared>> -> memref<1x10240xf32, #tpu.memory_space<vmem_shared>>
      %dma_wait3A_36 = tpu.memref_squeeze %dma_wait3A_35 : memref<1x10240xf32, #tpu.memory_space<vmem_shared>> -> memref<10240xf32, #tpu.memory_space<vmem_shared>>
      %dma_wait3A_37 = arith.constant 0 : i32
      %dma_wait3A_38 = tpu.memref_slice %arg8[%arg1, %dma_wait3A_37] : memref<16x10240xf32, #tpu.memory_space<vmem_shared>> -> memref<1x10240xf32, #tpu.memory_space<vmem_shared>>
      %dma_wait3A_39 = tpu.memref_squeeze %dma_wait3A_38 : memref<1x10240xf32, #tpu.memory_space<vmem_shared>> -> memref<10240xf32, #tpu.memory_space<vmem_shared>>
      tpu.wait_dma2 semaphore(%run_scoped3A : memref<!tpu.dma_semaphore, #tpu.memory_space<semaphore_mem>>) src(%arg5 : memref<10240xf32, #tpu.memory_space<vmem>>) dst(%dma_wait3A_39 : memref<10240xf32, #tpu.memory_space<vmem_shared>>)
      tpu.yield
    }) : () -> ()
    %barrier3A = arith.constant 0 : index
    tpu.barrier barrier_id(%barrier3A)
    %mul3A_20 = arith.constant 640 : i32
    %mul3A_21 = arith.muli %arg1, %mul3A_20 : i32
    "tpu.region"() ({
      %run_scoped3A = tpu.sem_alloc : memref<!tpu.dma_semaphore, #tpu.memory_space<semaphore_mem>>
      %dma_start3A = arith.constant 0 : i32
      %dma_start3A_30 = tpu.memref_slice %arg8[%dma_start3A, %mul3A_21] : memref<16x10240xf32, #tpu.memory_space<vmem_shared>> -> memref<16x640xf32, #tpu.memory_space<vmem_shared>>
      %dma_start3A_31 = arith.constant 0 : i32
      %dma_start3A_32 = tpu.memref_slice %arg8[%dma_start3A_31, %mul3A_21] : memref<16x10240xf32, #tpu.memory_space<vmem_shared>> -> memref<16x640xf32, #tpu.memory_space<vmem_shared>>
      tpu.enqueue_dma source(%dma_start3A_32 : memref<16x640xf32, #tpu.memory_space<vmem_shared>>) target(%arg6 : memref<16x640xf32, #tpu.memory_space<vmem>>) target_semaphore(%run_scoped3A : memref<!tpu.dma_semaphore, #tpu.memory_space<semaphore_mem>>)
      %dma_wait3A = arith.constant 0 : i32
      %dma_wait3A_33 = tpu.memref_slice %arg8[%dma_wait3A, %mul3A_21] : memref<16x10240xf32, #tpu.memory_space<vmem_shared>> -> memref<16x640xf32, #tpu.memory_space<vmem_shared>>
      %dma_wait3A_34 = arith.constant 0 : i32
      %dma_wait3A_35 = tpu.memref_slice %arg8[%dma_wait3A_34, %mul3A_21] : memref<16x10240xf32, #tpu.memory_space<vmem_shared>> -> memref<16x640xf32, #tpu.memory_space<vmem_shared>>
      tpu.wait_dma2 semaphore(%run_scoped3A : memref<!tpu.dma_semaphore, #tpu.memory_space<semaphore_mem>>) src(%dma_wait3A_35 : memref<16x640xf32, #tpu.memory_space<vmem_shared>>) dst(%arg6 : memref<16x640xf32, #tpu.memory_space<vmem>>)
      tpu.yield
    }) : () -> ()
    %scan3A_22 = arith.constant 0 : i32
    %scan3A_23 = arith.constant 0 : i32
    %scan3A_24 = arith.constant 40 : i32
    %scan3A_25 = arith.addi %scan3A_23, %scan3A_24 : i32
    %scan3A_26 = arith.constant 1 : i32
    scf.for %scan3A_30 = %scan3A_23 to %scan3A_25 step %scan3A_26  : i32 {
      %mul3A_31 = arith.constant 16 : i32
      %mul3A_32 = arith.muli %scan3A_30, %mul3A_31 : i32
      %get3A_33 = arith.constant 0 : i32
      %get3A_34 = arith.index_cast %get3A_33 : i32 to index
      %get3A_35 = arith.index_cast %mul3A_32 : i32 to index
      %get3A_36 = tpu.vector_load %arg6[%get3A_34, %get3A_35] {strides = array<i32>} : memref<16x640xf32, #tpu.memory_space<vmem>>, vector<16xf32>,
      %mul3A_37 = arith.constant 16 : i32
      %mul3A_38 = arith.muli %scan3A_30, %mul3A_37 : i32
      %get3A_39 = arith.constant 1 : i32
      %get3A_40 = arith.index_cast %get3A_39 : i32 to index
      %get3A_41 = arith.index_cast %mul3A_38 : i32 to index
      %get3A_42 = tpu.vector_load %arg6[%get3A_40, %get3A_41] {strides = array<i32>} : memref<16x640xf32, #tpu.memory_space<vmem>>, vector<16xf32>,
      %add3A_43 = arith.addf %get3A_36, %get3A_42 : vector<16xf32>
      %mul3A_44 = arith.constant 16 : i32
      %mul3A_45 = arith.muli %scan3A_30, %mul3A_44 : i32
      %get3A_46 = arith.constant 2 : i32
      %get3A_47 = arith.index_cast %get3A_46 : i32 to index
      %get3A_48 = arith.index_cast %mul3A_45 : i32 to index
      %get3A_49 = tpu.vector_load %arg6[%get3A_47, %get3A_48] {strides = array<i32>} : memref<16x640xf32, #tpu.memory_space<vmem>>, vector<16xf32>,
      %add3A_50 = arith.addf %add3A_43, %get3A_49 : vector<16xf32>
      %mul3A_51 = arith.constant 16 : i32
      %mul3A_52 = arith.muli %scan3A_30, %mul3A_51 : i32
      %get3A_53 = arith.constant 3 : i32
      %get3A_54 = arith.index_cast %get3A_53 : i32 to index
      %get3A_55 = arith.index_cast %mul3A_52 : i32 to index
      %get3A_56 = tpu.vector_load %arg6[%get3A_54, %get3A_55] {strides = array<i32>} : memref<16x640xf32, #tpu.memory_space<vmem>>, vector<16xf32>,
      %add3A_57 = arith.addf %add3A_50, %get3A_56 : vector<16xf32>
      %mul3A_58 = arith.constant 16 : i32
      %mul3A_59 = arith.muli %scan3A_30, %mul3A_58 : i32
      %get3A_60 = arith.constant 4 : i32
      %get3A_61 = arith.index_cast %get3A_60 : i32 to index
      %get3A_62 = arith.index_cast %mul3A_59 : i32 to index
      %get3A_63 = tpu.vector_load %arg6[%get3A_61, %get3A_62] {strides = array<i32>} : memref<16x640xf32, #tpu.memory_space<vmem>>, vector<16xf32>,
      %add3A_64 = arith.addf %add3A_57, %get3A_63 : vector<16xf32>
      %mul3A_65 = arith.constant 16 : i32
      %mul3A_66 = arith.muli %scan3A_30, %mul3A_65 : i32
      %get3A_67 = arith.constant 5 : i32
      %get3A_68 = arith.index_cast %get3A_67 : i32 to index
      %get3A_69 = arith.index_cast %mul3A_66 : i32 to index
      %get3A_70 = tpu.vector_load %arg6[%get3A_68, %get3A_69] {strides = array<i32>} : memref<16x640xf32, #tpu.memory_space<vmem>>, vector<16xf32>,
      %add3A_71 = arith.addf %add3A_64, %get3A_70 : vector<16xf32>
      %mul3A_72 = arith.constant 16 : i32
      %mul3A_73 = arith.muli %scan3A_30, %mul3A_72 : i32
      %get3A_74 = arith.constant 6 : i32
      %get3A_75 = arith.index_cast %get3A_74 : i32 to index
      %get3A_76 = arith.index_cast %mul3A_73 : i32 to index
      %get3A_77 = tpu.vector_load %arg6[%get3A_75, %get3A_76] {strides = array<i32>} : memref<16x640xf32, #tpu.memory_space<vmem>>, vector<16xf32>,
      %add3A_78 = arith.addf %add3A_71, %get3A_77 : vector<16xf32>
      %mul3A_79 = arith.constant 16 : i32
      %mul3A_80 = arith.muli %scan3A_30, %mul3A_79 : i32
      %get3A_81 = arith.constant 7 : i32
      %get3A_82 = arith.index_cast %get3A_81 : i32 to index
      %get3A_83 = arith.index_cast %mul3A_80 : i32 to index
      %get3A_84 = tpu.vector_load %arg6[%get3A_82, %get3A_83] {strides = array<i32>} : memref<16x640xf32, #tpu.memory_space<vmem>>, vector<16xf32>,
      %add3A_85 = arith.addf %add3A_78, %get3A_84 : vector<16xf32>
      %mul3A_86 = arith.constant 16 : i32
      %mul3A_87 = arith.muli %scan3A_30, %mul3A_86 : i32
      %get3A_88 = arith.constant 8 : i32
      %get3A_89 = arith.index_cast %get3A_88 : i32 to index
      %get3A_90 = arith.index_cast %mul3A_87 : i32 to index
      %get3A_91 = tpu.vector_load %arg6[%get3A_89, %get3A_90] {strides = array<i32>} : memref<16x640xf32, #tpu.memory_space<vmem>>, vector<16xf32>,
      %add3A_92 = arith.addf %add3A_85, %get3A_91 : vector<16xf32>
      %mul3A_93 = arith.constant 16 : i32
      %mul3A_94 = arith.muli %scan3A_30, %mul3A_93 : i32
      %get3A_95 = arith.constant 9 : i32
      %get3A_96 = arith.index_cast %get3A_95 : i32 to index
      %get3A_97 = arith.index_cast %mul3A_94 : i32 to index
      %get3A_98 = tpu.vector_load %arg6[%get3A_96, %get3A_97] {strides = array<i32>} : memref<16x640xf32, #tpu.memory_space<vmem>>, vector<16xf32>,
      %add3A_99 = arith.addf %add3A_92, %get3A_98 : vector<16xf32>
      %mul3A_100 = arith.constant 16 : i32
      %mul3A_101 = arith.muli %scan3A_30, %mul3A_100 : i32
      %get3A_102 = arith.constant 10 : i32
      %get3A_103 = arith.index_cast %get3A_102 : i32 to index
      %get3A_104 = arith.index_cast %mul3A_101 : i32 to index
      %get3A_105 = tpu.vector_load %arg6[%get3A_103, %get3A_104] {strides = array<i32>} : memref<16x640xf32, #tpu.memory_space<vmem>>, vector<16xf32>,
      %add3A_106 = arith.addf %add3A_99, %get3A_105 : vector<16xf32>
      %mul3A_107 = arith.constant 16 : i32
      %mul3A_108 = arith.muli %scan3A_30, %mul3A_107 : i32
      %get3A_109 = arith.constant 11 : i32
      %get3A_110 = arith.index_cast %get3A_109 : i32 to index
      %get3A_111 = arith.index_cast %mul3A_108 : i32 to index
      %get3A_112 = tpu.vector_load %arg6[%get3A_110, %get3A_111] {strides = array<i32>} : memref<16x640xf32, #tpu.memory_space<vmem>>, vector<16xf32>,
      %add3A_113 = arith.addf %add3A_106, %get3A_112 : vector<16xf32>
      %mul3A_114 = arith.constant 16 : i32
      %mul3A_115 = arith.muli %scan3A_30, %mul3A_114 : i32
      %get3A_116 = arith.constant 12 : i32
      %get3A_117 = arith.index_cast %get3A_116 : i32 to index
      %get3A_118 = arith.index_cast %mul3A_115 : i32 to index
      %get3A_119 = tpu.vector_load %arg6[%get3A_117, %get3A_118] {strides = array<i32>} : memref<16x640xf32, #tpu.memory_space<vmem>>, vector<16xf32>,
      %add3A_120 = arith.addf %add3A_113, %get3A_119 : vector<16xf32>
      %mul3A_121 = arith.constant 16 : i32
      %mul3A_122 = arith.muli %scan3A_30, %mul3A_121 : i32
      %get3A_123 = arith.constant 13 : i32
      %get3A_124 = arith.index_cast %get3A_123 : i32 to index
      %get3A_125 = arith.index_cast %mul3A_122 : i32 to index
      %get3A_126 = tpu.vector_load %arg6[%get3A_124, %get3A_125] {strides = array<i32>} : memref<16x640xf32, #tpu.memory_space<vmem>>, vector<16xf32>,
      %add3A_127 = arith.addf %add3A_120, %get3A_126 : vector<16xf32>
      %mul3A_128 = arith.constant 16 : i32
      %mul3A_129 = arith.muli %scan3A_30, %mul3A_128 : i32
      %get3A_130 = arith.constant 14 : i32
      %get3A_131 = arith.index_cast %get3A_130 : i32 to index
      %get3A_132 = arith.index_cast %mul3A_129 : i32 to index
      %get3A_133 = tpu.vector_load %arg6[%get3A_131, %get3A_132] {strides = array<i32>} : memref<16x640xf32, #tpu.memory_space<vmem>>, vector<16xf32>,
      %add3A_134 = arith.addf %add3A_127, %get3A_133 : vector<16xf32>
      %mul3A_135 = arith.constant 16 : i32
      %mul3A_136 = arith.muli %scan3A_30, %mul3A_135 : i32
      %get3A_137 = arith.constant 15 : i32
      %get3A_138 = arith.index_cast %get3A_137 : i32 to index
      %get3A_139 = arith.index_cast %mul3A_136 : i32 to index
      %get3A_140 = tpu.vector_load %arg6[%get3A_138, %get3A_139] {strides = array<i32>} : memref<16x640xf32, #tpu.memory_space<vmem>>, vector<16xf32>,
      %add3A_141 = arith.addf %add3A_134, %get3A_140 : vector<16xf32>
      %mul3A_142 = arith.constant 16 : i32
      %mul3A_143 = arith.muli %scan3A_30, %mul3A_142 : i32
      %swap3A = arith.index_cast %mul3A_143 : i32 to index
      %swap3A_144 = tpu.vector_load %arg7[%swap3A] {strides = array<i32>} : memref<640xf32, #tpu.memory_space<vmem>>, vector<16xf32>,
      tpu.vector_store %arg7[%swap3A], %add3A_141 {strides = array<i32>} : memref<640xf32, #tpu.memory_space<vmem>>, vector<16xf32>,
    }
    %scan3A_27 = arith.constant 40 : i32
    %mul3A_28 = arith.constant 640 : i32
    %mul3A_29 = arith.muli %arg1, %mul3A_28 : i32
    "tpu.region"() ({
      %run_scoped3A = tpu.sem_alloc : memref<!tpu.dma_semaphore, #tpu.memory_space<semaphore_mem>>
      %dma_start3A = tpu.memref_slice %arg3[%arg0, %mul3A_29] : memref<2x10240xf32, #tpu.memory_space<hbm>> -> memref<1x640xf32, #tpu.memory_space<hbm>>
      %dma_start3A_30 = tpu.memref_squeeze %dma_start3A : memref<1x640xf32, #tpu.memory_space<hbm>> -> memref<640xf32, #tpu.memory_space<hbm>>
      %dma_start3A_31 = tpu.memref_slice %arg3[%arg0, %mul3A_29] : memref<2x10240xf32, #tpu.memory_space<hbm>> -> memref<1x640xf32, #tpu.memory_space<hbm>>
      %dma_start3A_32 = tpu.memref_squeeze %dma_start3A_31 : memref<1x640xf32, #tpu.memory_space<hbm>> -> memref<640xf32, #tpu.memory_space<hbm>>
      tpu.enqueue_dma source(%arg7 : memref<640xf32, #tpu.memory_space<vmem>>) target(%dma_start3A_32 : memref<640xf32, #tpu.memory_space<hbm>>) target_semaphore(%run_scoped3A : memref<!tpu.dma_semaphore, #tpu.memory_space<semaphore_mem>>)
      %dma_wait3A = tpu.memref_slice %arg3[%arg0, %mul3A_29] : memref<2x10240xf32, #tpu.memory_space<hbm>> -> memref<1x640xf32, #tpu.memory_space<hbm>>
      %dma_wait3A_33 = tpu.memref_squeeze %dma_wait3A : memref<1x640xf32, #tpu.memory_space<hbm>> -> memref<640xf32, #tpu.memory_space<hbm>>
      %dma_wait3A_34 = tpu.memref_slice %arg3[%arg0, %mul3A_29] : memref<2x10240xf32, #tpu.memory_space<hbm>> -> memref<1x640xf32, #tpu.memory_space<hbm>>
      %dma_wait3A_35 = tpu.memref_squeeze %dma_wait3A_34 : memref<1x640xf32, #tpu.memory_space<hbm>> -> memref<640xf32, #tpu.memory_space<hbm>>
      tpu.wait_dma2 semaphore(%run_scoped3A : memref<!tpu.dma_semaphore, #tpu.memory_space<semaphore_mem>>) src(%arg7 : memref<640xf32, #tpu.memory_space<vmem>>) dst(%dma_wait3A_35 : memref<640xf32, #tpu.memory_space<hbm>>)
      tpu.yield
    }) : () -> ()
    return
  }
}

module attributes {stable_mosaic.version = 14 : i64} {
  func.func @_mmn_body(%arg0: i32, %arg1: memref<2000x128xf32, #tpu.memory_space<vmem>>, %arg2: memref<2000x128xf32, #tpu.memory_space<vmem>>, %arg3: memref<2000x128xf32, #tpu.memory_space<vmem>>, %arg4: memref<2000x1xf32, #tpu.memory_space<vmem>>, %arg5: memref<2000x1xf32, #tpu.memory_space<vmem>>, %arg6: memref<128x128xf32, #tpu.memory_space<vmem>>, %arg7: memref<1x128xf32, #tpu.memory_space<vmem>>, %arg8: memref<1x128xf32, #tpu.memory_space<vmem>>, %arg9: memref<1x128xf32, #tpu.memory_space<vmem>>, %arg10: memref<1x128xf32, #tpu.memory_space<vmem>>, %arg11: memref<2000x128xf32, #tpu.memory_space<vmem>>, %arg12: memref<2000x128xf32, #tpu.memory_space<vmem>>, %arg13: memref<8x128xf32, #tpu.memory_space<vmem>>, %arg14: memref<8x128xf32, #tpu.memory_space<vmem>>) attributes {dimension_semantics = [#tpu.dimension_semantics<arbitrary>], iteration_bounds = array<i64: 10>, scalar_prefetch = 0 : i64, scratch_operands = 0 : i64, tpu.core_type = #tpu.core_type<tc>, window_params = [{transform_indices = @transform_0, window_bounds = array<i64: 2000, 128>}, {transform_indices = @transform_1, window_bounds = array<i64: 2000, 128>}, {transform_indices = @transform_2, window_bounds = array<i64: 2000, 128>}, {transform_indices = @transform_3, window_bounds = array<i64: 2000, 1>}, {transform_indices = @transform_4, window_bounds = array<i64: 2000, 1>}, {pipeline_mode = #tpu.pipeline_mode<synchronous>, transform_indices = @transform_5, window_bounds = array<i64: 128, 128>}, {pipeline_mode = #tpu.pipeline_mode<synchronous>, transform_indices = @transform_6, window_bounds = array<i64: 1, 128>}, {pipeline_mode = #tpu.pipeline_mode<synchronous>, transform_indices = @transform_7, window_bounds = array<i64: 1, 128>}, {pipeline_mode = #tpu.pipeline_mode<synchronous>, transform_indices = @transform_8, window_bounds = array<i64: 1, 128>}, {pipeline_mode = #tpu.pipeline_mode<synchronous>, transform_indices = @transform_9, window_bounds = array<i64: 1, 128>}, {transform_indices = @transform_10, window_bounds = array<i64: 2000, 128>}, {transform_indices = @transform_11, window_bounds = array<i64: 2000, 128>}, {pipeline_mode = #tpu.pipeline_mode<synchronous>, transform_indices = @transform_12, window_bounds = array<i64: 8, 128>}, {pipeline_mode = #tpu.pipeline_mode<synchronous>, transform_indices = @transform_13, window_bounds = array<i64: 8, 128>}]} {
    %lt3A = arith.constant 5 : i32
    %lt3A_0 = arith.cmpi slt, %arg0, %lt3A : i32
    %convert_element_type3A = arith.extui %lt3A_0 : i1 to i32
    %cond3A = arith.constant 0 : i32
    %cond3A_1 = arith.cmpi ne, %convert_element_type3A, %cond3A : i32
    scf.if %cond3A_1 {
      %get3A = arith.constant 0 : index
      %get3A_6 = arith.constant 0 : index
      %get3A_7 = vector.load %arg4[%get3A, %get3A_6] : memref<2000x1xf32, #tpu.memory_space<vmem>>, vector<2000x1xf32>
      %get3A_8 = arith.constant 0 : index
      %get3A_9 = arith.constant 0 : index
      %get3A_10 = vector.load %arg1[%get3A_8, %get3A_9] : memref<2000x128xf32, #tpu.memory_space<vmem>>, vector<2000x128xf32>
      %get3A_11 = arith.constant 0 : index
      %get3A_12 = arith.constant 0 : index
      %get3A_13 = vector.load %arg2[%get3A_11, %get3A_12] : memref<2000x128xf32, #tpu.memory_space<vmem>>, vector<2000x128xf32>
      %add3A = arith.addf %get3A_10, %get3A_13 : vector<2000x128xf32>
      %mul3A = vector.broadcast %get3A_7 : vector<2000x1xf32> to vector<2000x128xf32>
      %mul3A_14 = arith.mulf %mul3A, %add3A : vector<2000x128xf32>
      %get3A_15 = arith.constant 0 : index
      %get3A_16 = arith.constant 0 : index
      %get3A_17 = vector.load %arg5[%get3A_15, %get3A_16] : memref<2000x1xf32, #tpu.memory_space<vmem>>, vector<2000x1xf32>
      %get3A_18 = arith.constant 0 : index
      %get3A_19 = arith.constant 0 : index
      %get3A_20 = vector.load %arg3[%get3A_18, %get3A_19] : memref<2000x128xf32, #tpu.memory_space<vmem>>, vector<2000x128xf32>
      %mul3A_21 = vector.broadcast %get3A_17 : vector<2000x1xf32> to vector<2000x128xf32>
      %mul3A_22 = arith.mulf %mul3A_21, %get3A_20 : vector<2000x128xf32>
      %add3A_23 = arith.addf %mul3A_14, %mul3A_22 : vector<2000x128xf32>
      %get3A_24 = arith.constant 0 : index
      %get3A_25 = arith.constant 0 : index
      %get3A_26 = vector.load %arg6[%get3A_24, %get3A_25] : memref<128x128xf32, #tpu.memory_space<vmem>>, vector<128x128xf32>
      %dot_general3A = arith.constant dense<0.000000e+00> : vector<2000x128xf32>
      %dot_general3A_27 = tpu.matmul %add3A_23, %get3A_26, %dot_general3A {dimension_numbers = #tpu.dot_dimension_numbers<[1], [0], [0], [1], [0, 0, 1, 1], [], []>, transpose_lhs_hint = false} : vector<2000x128xf32>, vector<128x128xf32>, vector<2000x128xf32> -> vector<2000x128xf32>
      %get3A_28 = arith.constant 0 : index
      %get3A_29 = arith.constant 0 : index
      %get3A_30 = vector.load %arg7[%get3A_28, %get3A_29] : memref<1x128xf32, #tpu.memory_space<vmem>>, vector<1x128xf32>
      %add3A_31 = vector.broadcast %get3A_30 : vector<1x128xf32> to vector<2000x128xf32>
      %add3A_32 = arith.addf %dot_general3A_27, %add3A_31 : vector<2000x128xf32>
      %swap3A = arith.constant 0 : index
      %swap3A_33 = arith.constant 0 : index
      %swap3A_34 = vector.load %arg12[%swap3A, %swap3A_33] : memref<2000x128xf32, #tpu.memory_space<vmem>>, vector<2000x128xf32>
      tpu.vector_store %arg12[%swap3A, %swap3A_33], %add3A_32 {strides = array<i32>} : memref<2000x128xf32, #tpu.memory_space<vmem>>, vector<2000x128xf32>,
      %eq3A = arith.constant 0 : i32
      %eq3A_35 = arith.cmpi eq, %arg0, %eq3A : i32
      %convert_element_type3A_36 = arith.extui %eq3A_35 : i1 to i32
      %cond3A_37 = arith.constant 0 : i32
      %cond3A_38 = arith.cmpi ne, %convert_element_type3A_36, %cond3A_37 : i32
      scf.if %cond3A_38 {
        %broadcast_in_dim3A_58 = arith.constant 0.000000e+00 : f32
        %broadcast_in_dim3A_59 = vector.broadcast %broadcast_in_dim3A_58 : f32 to vector<8x128xf32>
        %swap3A_60 = arith.constant 0 : index
        %swap3A_61 = arith.constant 0 : index
        %swap3A_62 = vector.load %arg13[%swap3A_60, %swap3A_61] : memref<8x128xf32, #tpu.memory_space<vmem>>, vector<8x128xf32>
        tpu.vector_store %arg13[%swap3A_60, %swap3A_61], %broadcast_in_dim3A_59 {strides = array<i32>} : memref<8x128xf32, #tpu.memory_space<vmem>>, vector<8x128xf32>,
        %broadcast_in_dim3A_63 = arith.constant 0.000000e+00 : f32
        %broadcast_in_dim3A_64 = vector.broadcast %broadcast_in_dim3A_63 : f32 to vector<8x128xf32>
        %swap3A_65 = arith.constant 0 : index
        %swap3A_66 = arith.constant 0 : index
        %swap3A_67 = vector.load %arg14[%swap3A_65, %swap3A_66] : memref<8x128xf32, #tpu.memory_space<vmem>>, vector<8x128xf32>
        tpu.vector_store %arg14[%swap3A_65, %swap3A_66], %broadcast_in_dim3A_64 {strides = array<i32>} : memref<8x128xf32, #tpu.memory_space<vmem>>, vector<8x128xf32>,
      } else {
      }
      %get3A_39 = arith.constant 0 : index
      %get3A_40 = arith.constant 0 : index
      %get3A_41 = vector.load %arg13[%get3A_39, %get3A_40] : memref<8x128xf32, #tpu.memory_space<vmem>>, vector<1x128xf32>
      %reduce_sum3A = arith.constant dense<0.000000e+00> : vector<128xf32>
      %reduce_sum3A_42 = vector.multi_reduction <add>, %add3A_32, %reduce_sum3A [0] : vector<2000x128xf32> to vector<128xf32>
      %broadcast_in_dim3A = vector.shape_cast %reduce_sum3A_42 : vector<128xf32> to vector<1x128xf32>
      %add3A_43 = arith.addf %get3A_41, %broadcast_in_dim3A : vector<1x128xf32>
      %swap3A_44 = arith.constant 0 : index
      %swap3A_45 = arith.constant 0 : index
      %swap3A_46 = vector.load %arg13[%swap3A_44, %swap3A_45] : memref<8x128xf32, #tpu.memory_space<vmem>>, vector<1x128xf32>
      tpu.vector_store %arg13[%swap3A_44, %swap3A_45], %add3A_43 {strides = array<i32>} : memref<8x128xf32, #tpu.memory_space<vmem>>, vector<1x128xf32>,
      %get3A_47 = arith.constant 0 : index
      %get3A_48 = arith.constant 0 : index
      %get3A_49 = vector.load %arg14[%get3A_47, %get3A_48] : memref<8x128xf32, #tpu.memory_space<vmem>>, vector<1x128xf32>
      %mul3A_50 = arith.mulf %add3A_32, %add3A_32 : vector<2000x128xf32>
      %reduce_sum3A_51 = arith.constant dense<0.000000e+00> : vector<128xf32>
      %reduce_sum3A_52 = vector.multi_reduction <add>, %mul3A_50, %reduce_sum3A_51 [0] : vector<2000x128xf32> to vector<128xf32>
      %broadcast_in_dim3A_53 = vector.shape_cast %reduce_sum3A_52 : vector<128xf32> to vector<1x128xf32>
      %add3A_54 = arith.addf %get3A_49, %broadcast_in_dim3A_53 : vector<1x128xf32>
      %swap3A_55 = arith.constant 0 : index
      %swap3A_56 = arith.constant 0 : index
      %swap3A_57 = vector.load %arg14[%swap3A_55, %swap3A_56] : memref<8x128xf32, #tpu.memory_space<vmem>>, vector<1x128xf32>
      tpu.vector_store %arg14[%swap3A_55, %swap3A_56], %add3A_54 {strides = array<i32>} : memref<8x128xf32, #tpu.memory_space<vmem>>, vector<1x128xf32>,
    } else {
    }
    %ge3A = arith.constant 5 : i32
    %ge3A_2 = arith.cmpi sge, %arg0, %ge3A : i32
    %convert_element_type3A_3 = arith.extui %ge3A_2 : i1 to i32
    %cond3A_4 = arith.constant 0 : i32
    %cond3A_5 = arith.cmpi ne, %convert_element_type3A_3, %cond3A_4 : i32
    scf.if %cond3A_5 {
      %get3A = arith.constant 0 : index
      %get3A_6 = arith.constant 0 : index
      %get3A_7 = vector.load %arg13[%get3A, %get3A_6] : memref<8x128xf32, #tpu.memory_space<vmem>>, vector<1x128xf32>
      %mul3A = arith.constant 9.99999974E-5 : f32
      %mul3A_8 = vector.broadcast %mul3A : f32 to vector<1x128xf32>
      %mul3A_9 = arith.mulf %get3A_7, %mul3A_8 : vector<1x128xf32>
      %get3A_10 = arith.constant 0 : index
      %get3A_11 = arith.constant 0 : index
      %get3A_12 = vector.load %arg14[%get3A_10, %get3A_11] : memref<8x128xf32, #tpu.memory_space<vmem>>, vector<1x128xf32>
      %mul3A_13 = arith.constant 9.99999974E-5 : f32
      %mul3A_14 = vector.broadcast %mul3A_13 : f32 to vector<1x128xf32>
      %mul3A_15 = arith.mulf %get3A_12, %mul3A_14 : vector<1x128xf32>
      %get3A_16 = arith.constant 0 : index
      %get3A_17 = arith.constant 0 : index
      %get3A_18 = vector.load %arg10[%get3A_16, %get3A_17] : memref<1x128xf32, #tpu.memory_space<vmem>>, vector<1x128xf32>
      %mul3A_19 = arith.constant 2.000000e+00 : f32
      %mul3A_20 = vector.broadcast %mul3A_19 : f32 to vector<1x128xf32>
      %mul3A_21 = arith.mulf %mul3A_20, %get3A_18 : vector<1x128xf32>
      %mul3A_22 = arith.mulf %get3A_18, %get3A_18 : vector<1x128xf32>
      %sub3A = arith.subf %mul3A_21, %mul3A_22 : vector<1x128xf32>
      %mul3A_23 = arith.mulf %sub3A, %mul3A_9 : vector<1x128xf32>
      %mul3A_24 = arith.mulf %mul3A_23, %mul3A_9 : vector<1x128xf32>
      %sub3A_25 = arith.subf %mul3A_15, %mul3A_24 : vector<1x128xf32>
      %get3A_26 = arith.constant 0 : index
      %get3A_27 = arith.constant 0 : index
      %get3A_28 = vector.load %arg1[%get3A_26, %get3A_27] : memref<2000x128xf32, #tpu.memory_space<vmem>>, vector<2000x128xf32>
      %swap3A = arith.constant 0 : index
      %swap3A_29 = arith.constant 0 : index
      %swap3A_30 = vector.load %arg12[%swap3A, %swap3A_29] : memref<2000x128xf32, #tpu.memory_space<vmem>>, vector<2000x128xf32>
      tpu.vector_store %arg12[%swap3A, %swap3A_29], %get3A_28 {strides = array<i32>} : memref<2000x128xf32, #tpu.memory_space<vmem>>, vector<2000x128xf32>,
      %get3A_31 = arith.constant 0 : index
      %get3A_32 = arith.constant 0 : index
      %get3A_33 = vector.load %arg8[%get3A_31, %get3A_32] : memref<1x128xf32, #tpu.memory_space<vmem>>, vector<1x128xf32>
      %mul3A_34 = arith.mulf %get3A_18, %mul3A_9 : vector<1x128xf32>
      %sub3A_35 = vector.broadcast %mul3A_34 : vector<1x128xf32> to vector<2000x128xf32>
      %sub3A_36 = arith.subf %get3A_28, %sub3A_35 : vector<2000x128xf32>
      %mul3A_37 = vector.broadcast %get3A_33 : vector<1x128xf32> to vector<2000x128xf32>
      %mul3A_38 = arith.mulf %mul3A_37, %sub3A_36 : vector<2000x128xf32>
      %add3A = arith.constant 9.99999974E-6 : f32
      %add3A_39 = vector.broadcast %add3A : f32 to vector<1x128xf32>
      %add3A_40 = arith.addf %sub3A_25, %add3A_39 : vector<1x128xf32>
      %rsqrt3A = math.rsqrt %add3A_40 : vector<1x128xf32>
      %mul3A_41 = vector.broadcast %rsqrt3A : vector<1x128xf32> to vector<2000x128xf32>
      %mul3A_42 = arith.mulf %mul3A_38, %mul3A_41 : vector<2000x128xf32>
      %get3A_43 = arith.constant 0 : index
      %get3A_44 = arith.constant 0 : index
      %get3A_45 = vector.load %arg9[%get3A_43, %get3A_44] : memref<1x128xf32, #tpu.memory_space<vmem>>, vector<1x128xf32>
      %add3A_46 = vector.broadcast %get3A_45 : vector<1x128xf32> to vector<2000x128xf32>
      %add3A_47 = arith.addf %mul3A_42, %add3A_46 : vector<2000x128xf32>
      %swap3A_48 = arith.constant 0 : index
      %swap3A_49 = arith.constant 0 : index
      %swap3A_50 = vector.load %arg11[%swap3A_48, %swap3A_49] : memref<2000x128xf32, #tpu.memory_space<vmem>>, vector<2000x128xf32>
      tpu.vector_store %arg11[%swap3A_48, %swap3A_49], %add3A_47 {strides = array<i32>} : memref<2000x128xf32, #tpu.memory_space<vmem>>, vector<2000x128xf32>,
    } else {
    }
    return
  }
  func.func @transform_0(%arg0: i32) -> (i32, i32) {
    %jit3A = arith.constant 5 : i32
    %eq3A = arith.constant 0 : i32
    %eq3A_0 = arith.cmpi eq, %jit3A, %eq3A : i32
    %jit3A_1 = arith.constant 1 : i32
    %select_n3A = arith.select %eq3A_0, %jit3A_1, %jit3A : i32
    %rem3A = arith.remsi %arg0, %select_n3A : i32
    %ne3A = arith.constant 0 : i32
    %ne3A_2 = arith.cmpi ne, %rem3A, %ne3A : i32
    %lt3A = arith.constant 0 : i32
    %lt3A_3 = arith.cmpi slt, %rem3A, %lt3A : i32
    %lt3A_4 = arith.constant 0 : i32
    %lt3A_5 = arith.cmpi slt, %select_n3A, %lt3A_4 : i32
    %ne3A_6 = arith.xori %lt3A_3, %lt3A_5 : i1
    %and3A = arith.andi %ne3A_6, %ne3A_2 : i1
    %add3A = arith.addi %rem3A, %select_n3A : i32
    %select_n3A_7 = arith.select %and3A, %add3A, %rem3A : i32
    %c0_i32 = arith.constant 0 : i32
    %c0_i32_8 = arith.constant 0 : i32
    return %select_n3A_7, %c0_i32 : i32, i32
  }
  func.func @transform_1(%arg0: i32) -> (i32, i32) {
    %min3A = arith.constant 4 : i32
    %min3A_0 = arith.minsi %arg0, %min3A : i32
    %c0_i32 = arith.constant 0 : i32
    %c0_i32_1 = arith.constant 0 : i32
    return %min3A_0, %c0_i32 : i32, i32
  }
  func.func @transform_2(%arg0: i32) -> (i32, i32) {
    %min3A = arith.constant 4 : i32
    %min3A_0 = arith.minsi %arg0, %min3A : i32
    %c0_i32 = arith.constant 0 : i32
    %c0_i32_1 = arith.constant 0 : i32
    return %min3A_0, %c0_i32 : i32, i32
  }
  func.func @transform_3(%arg0: i32) -> (i32, i32) {
    %min3A = arith.constant 4 : i32
    %min3A_0 = arith.minsi %arg0, %min3A : i32
    %c0_i32 = arith.constant 0 : i32
    %c0_i32_1 = arith.constant 0 : i32
    return %min3A_0, %c0_i32 : i32, i32
  }
  func.func @transform_4(%arg0: i32) -> (i32, i32) {
    %min3A = arith.constant 4 : i32
    %min3A_0 = arith.minsi %arg0, %min3A : i32
    %c0_i32 = arith.constant 0 : i32
    %c0_i32_1 = arith.constant 0 : i32
    return %min3A_0, %c0_i32 : i32, i32
  }
  func.func @transform_5(%arg0: i32) -> (i32, i32) {
    %c0_i32 = arith.constant 0 : i32
    %c0_i32_0 = arith.constant 0 : i32
    %c0_i32_1 = arith.constant 0 : i32
    return %c0_i32, %c0_i32_0 : i32, i32
  }
  func.func @transform_6(%arg0: i32) -> (i32, i32) {
    %c0_i32 = arith.constant 0 : i32
    %c0_i32_0 = arith.constant 0 : i32
    %c0_i32_1 = arith.constant 0 : i32
    return %c0_i32, %c0_i32_0 : i32, i32
  }
  func.func @transform_7(%arg0: i32) -> (i32, i32) {
    %c0_i32 = arith.constant 0 : i32
    %c0_i32_0 = arith.constant 0 : i32
    %c0_i32_1 = arith.constant 0 : i32
    return %c0_i32, %c0_i32_0 : i32, i32
  }
  func.func @transform_8(%arg0: i32) -> (i32, i32) {
    %c0_i32 = arith.constant 0 : i32
    %c0_i32_0 = arith.constant 0 : i32
    %c0_i32_1 = arith.constant 0 : i32
    return %c0_i32, %c0_i32_0 : i32, i32
  }
  func.func @transform_9(%arg0: i32) -> (i32, i32) {
    %c0_i32 = arith.constant 0 : i32
    %c0_i32_0 = arith.constant 0 : i32
    %c0_i32_1 = arith.constant 0 : i32
    return %c0_i32, %c0_i32_0 : i32, i32
  }
  func.func @transform_10(%arg0: i32) -> (i32, i32) {
    %sub3A = arith.constant 5 : i32
    %sub3A_0 = arith.subi %arg0, %sub3A : i32
    %max3A = arith.constant 0 : i32
    %max3A_1 = arith.maxsi %sub3A_0, %max3A : i32
    %c0_i32 = arith.constant 0 : i32
    %c0_i32_2 = arith.constant 0 : i32
    return %max3A_1, %c0_i32 : i32, i32
  }
  func.func @transform_11(%arg0: i32) -> (i32, i32) {
    %jit3A = arith.constant 5 : i32
    %eq3A = arith.constant 0 : i32
    %eq3A_0 = arith.cmpi eq, %jit3A, %eq3A : i32
    %jit3A_1 = arith.constant 1 : i32
    %select_n3A = arith.select %eq3A_0, %jit3A_1, %jit3A : i32
    %rem3A = arith.remsi %arg0, %select_n3A : i32
    %ne3A = arith.constant 0 : i32
    %ne3A_2 = arith.cmpi ne, %rem3A, %ne3A : i32
    %lt3A = arith.constant 0 : i32
    %lt3A_3 = arith.cmpi slt, %rem3A, %lt3A : i32
    %lt3A_4 = arith.constant 0 : i32
    %lt3A_5 = arith.cmpi slt, %select_n3A, %lt3A_4 : i32
    %ne3A_6 = arith.xori %lt3A_3, %lt3A_5 : i1
    %and3A = arith.andi %ne3A_6, %ne3A_2 : i1
    %add3A = arith.addi %rem3A, %select_n3A : i32
    %select_n3A_7 = arith.select %and3A, %add3A, %rem3A : i32
    %c0_i32 = arith.constant 0 : i32
    %c0_i32_8 = arith.constant 0 : i32
    return %select_n3A_7, %c0_i32 : i32, i32
  }
  func.func @transform_12(%arg0: i32) -> (i32, i32) {
    %c0_i32 = arith.constant 0 : i32
    %c0_i32_0 = arith.constant 0 : i32
    %c0_i32_1 = arith.constant 0 : i32
    return %c0_i32, %c0_i32_0 : i32, i32
  }
  func.func @transform_13(%arg0: i32) -> (i32, i32) {
    %c0_i32 = arith.constant 0 : i32
    %c0_i32_0 = arith.constant 0 : i32
    %c0_i32_1 = arith.constant 0 : i32
    return %c0_i32, %c0_i32_0 : i32, i32
  }
}

module attributes {stable_mosaic.version = 14 : i64} {
  func.func @_scale_body(%arg0: i32, %arg1: memref<2000x128xf32, #tpu.memory_space<vmem>>, %arg2: memref<1x2000x1xf32, #tpu.memory_space<vmem>>, %arg3: memref<1x2000x1xf32, #tpu.memory_space<vmem>>, %arg4: memref<2000x128xf32, #tpu.memory_space<vmem>>, %arg5: memref<2000x1xf32, #tpu.memory_space<vmem>>, %arg6: memref<2000x1xf32, #tpu.memory_space<vmem>>) attributes {dimension_semantics = [#tpu.dimension_semantics<arbitrary>], iteration_bounds = array<i64: 5>, scalar_prefetch = 0 : i64, scratch_operands = 0 : i64, tpu.core_type = #tpu.core_type<tc>, window_params = [{transform_indices = @transform_0, window_bounds = array<i64: 2000, 128>}, {transform_indices = @transform_1, window_bounds = array<i64: 1, 2000, 1>}, {transform_indices = @transform_2, window_bounds = array<i64: 1, 2000, 1>}, {transform_indices = @transform_3, window_bounds = array<i64: 2000, 128>}, {transform_indices = @transform_4, window_bounds = array<i64: 2000, 1>}, {transform_indices = @transform_5, window_bounds = array<i64: 2000, 1>}]} {
    %get3A = arith.constant 0 : index
    %get3A_0 = arith.constant 0 : index
    %get3A_1 = arith.constant 0 : index
    %get3A_2 = vector.load %arg2[%get3A, %get3A_0, %get3A_1] : memref<1x2000x1xf32, #tpu.memory_space<vmem>>, vector<1x2000x1xf32>
    %get3A_3 = vector.shape_cast %get3A_2 : vector<1x2000x1xf32> to vector<2000x1xf32>
    %get3A_4 = arith.constant 0 : index
    %get3A_5 = arith.constant 0 : index
    %get3A_6 = arith.constant 0 : index
    %get3A_7 = vector.load %arg3[%get3A_4, %get3A_5, %get3A_6] : memref<1x2000x1xf32, #tpu.memory_space<vmem>>, vector<1x2000x1xf32>
    %get3A_8 = vector.shape_cast %get3A_7 : vector<1x2000x1xf32> to vector<2000x1xf32>
    %add3A = arith.addf %get3A_3, %get3A_8 : vector<2000x1xf32>
    %add3A_9 = arith.constant 1.000000e+00 : f32
    %add3A_10 = vector.broadcast %add3A_9 : f32 to vector<2000x1xf32>
    %add3A_11 = arith.addf %add3A, %add3A_10 : vector<2000x1xf32>
    %rsqrt3A = math.rsqrt %add3A_11 : vector<2000x1xf32>
    %swap3A = arith.constant 0 : index
    %swap3A_12 = arith.constant 0 : index
    %swap3A_13 = vector.load %arg5[%swap3A, %swap3A_12] : memref<2000x1xf32, #tpu.memory_space<vmem>>, vector<2000x1xf32>
    tpu.vector_store %arg5[%swap3A, %swap3A_12], %rsqrt3A {strides = array<i32>} : memref<2000x1xf32, #tpu.memory_space<vmem>>, vector<2000x1xf32>,
    %div3A = arith.constant 1.000000e+00 : f32
    %div3A_14 = vector.broadcast %div3A : f32 to vector<2000x1xf32>
    %div3A_15 = arith.divf %div3A_14, %add3A_11 : vector<2000x1xf32>
    %swap3A_16 = arith.constant 0 : index
    %swap3A_17 = arith.constant 0 : index
    %swap3A_18 = vector.load %arg6[%swap3A_16, %swap3A_17] : memref<2000x1xf32, #tpu.memory_space<vmem>>, vector<2000x1xf32>
    tpu.vector_store %arg6[%swap3A_16, %swap3A_17], %div3A_15 {strides = array<i32>} : memref<2000x1xf32, #tpu.memory_space<vmem>>, vector<2000x1xf32>,
    %get3A_19 = arith.constant 0 : index
    %get3A_20 = arith.constant 0 : index
    %get3A_21 = vector.load %arg1[%get3A_19, %get3A_20] : memref<2000x128xf32, #tpu.memory_space<vmem>>, vector<2000x128xf32>
    %mul3A = vector.broadcast %rsqrt3A : vector<2000x1xf32> to vector<2000x128xf32>
    %mul3A_22 = arith.mulf %get3A_21, %mul3A : vector<2000x128xf32>
    %swap3A_23 = arith.constant 0 : index
    %swap3A_24 = arith.constant 0 : index
    %swap3A_25 = vector.load %arg4[%swap3A_23, %swap3A_24] : memref<2000x128xf32, #tpu.memory_space<vmem>>, vector<2000x128xf32>
    tpu.vector_store %arg4[%swap3A_23, %swap3A_24], %mul3A_22 {strides = array<i32>} : memref<2000x128xf32, #tpu.memory_space<vmem>>, vector<2000x128xf32>,
    return
  }
  func.func @transform_0(%arg0: i32) -> (i32, i32) {
    %c0_i32 = arith.constant 0 : i32
    %c0_i32_0 = arith.constant 0 : i32
    return %arg0, %c0_i32 : i32, i32
  }
  func.func @transform_1(%arg0: i32) -> (i32, i32, i32) {
    %c0_i32 = arith.constant 0 : i32
    %c0_i32_0 = arith.constant 0 : i32
    %c0_i32_1 = arith.constant 0 : i32
    return %c0_i32, %arg0, %c0_i32_0 : i32, i32, i32
  }
  func.func @transform_2(%arg0: i32) -> (i32, i32, i32) {
    %c1_i32 = arith.constant 1 : i32
    %c0_i32 = arith.constant 0 : i32
    %c0_i32_0 = arith.constant 0 : i32
    return %c1_i32, %arg0, %c0_i32 : i32, i32, i32
  }
  func.func @transform_3(%arg0: i32) -> (i32, i32) {
    %c0_i32 = arith.constant 0 : i32
    %c0_i32_0 = arith.constant 0 : i32
    return %arg0, %c0_i32 : i32, i32
  }
  func.func @transform_4(%arg0: i32) -> (i32, i32) {
    %c0_i32 = arith.constant 0 : i32
    %c0_i32_0 = arith.constant 0 : i32
    return %arg0, %c0_i32 : i32, i32
  }
  func.func @transform_5(%arg0: i32) -> (i32, i32) {
    %c0_i32 = arith.constant 0 : i32
    %c0_i32_0 = arith.constant 0 : i32
    return %arg0, %c0_i32 : i32, i32
  }
}

</mosaic_0001>

<sc_bundles>
// kernel: kernel.6.cloned.1.call-start
scs
__scs_entry_jumppad:
0x0: {  	(pc) =	sbr.rel $0x88, $3  }
0x1: {  	(tag) =	ssettag $0x0;
	lr =	simm.s32 $0x1  }
0x2: {  	[smem:$0x3F9A] =	sst lr;
	_ =	strace $0xD0000000  }
0x3: {  	_ = 	snop  }
0x4: {  	_ = 	snop  }
0x5: {  	_ = 	snop  }
0x6: {  	_ = 	snop  }
0x7: {  	_ = 	snop  }
__scs_overlays_trampoline_lowered:
0x8: {  	[smem:$0x3FA9] =	sst s0  }
0x9: {  	[smem:$0x3FAA] =	sst s1  }
0xa: {  	[smem:$0x3FAB] =	sst s2  }
0xb: {  	[smem:$0x3FAC] =	sst s3  }
0xc: {  	[smem:$0x3FAD] =	sst s4  }
0xd: {  	[smem:$0x3FAE] =	sst s5  }
0xe: {  	[smem:$0x3FAF] =	sst s6  }
0xf: {  	[smem:$0x3FB0] =	sst s7  }
0x10: {  	[smem:$0x3FB1] =	sst s8  }
0x11: {  	[smem:$0x3FB2] =	sst s9;
	s0 =	simm.s32 @!p0 $0x0  }
0x12: {  	s1 =	sld [smem:$0x3F98];
	s0 =	simm.s32 @p0 $0x1  }
0x13: {  	[smem:$0x3FB3] =	sst s0;
	s0 =	simm.s32 @!p1 $0x0  }
0x14: {  	s2 =	sld [smem:$0x3F97];
	s0 =	simm.s32 @p1 $0x1  }
0x15: {  	[smem:$0x3FB4] =	sst s0;
	s0 =	simm.s32 @!p2 $0x0  }
0x16: {  	s3 =	sld [smem:$0x3FDB];
	s0 =	simm.s32 @p2 $0x1  }
0x17: {  	s4 =	simm.s32 $0x1BF5;
	[smem:$0x3FB6] =	sst s0  }
0x18: {  	s0 =	sld [smem:$0x3F99];
	_ =	swait.ge [sflag:s4], $0x0  }
0x19: {  	s7 =	sld [smem:$0x3F9A]  }
0x1a: {  	s8 =	sadd.s32 $0xFFFFE003, lr  }
0x1b: {  	s9 =	sadd.s32 $0xFFFFFEF7, lr;
	s5 =	simm.s32 $0xFFFFFFFF;
	p2 =	slt.u32 s8, $0xFFFFF086  }
0x1c: {  	p1 =	slt.u32 s9, $0xF7A;
	s5 =	simm.s32 @!p2 $0x0  }
0x1d: {  	s5 =	simm.s32 @p1 $0x1;
	p0 =	seq.s32 s7, s2  }
0x1e: {  	s7 =	smul.u32 @!p0 $0xF7A, s2;
	p2 =	seq.s32 @!p0 s5, $0x0  }
0x1f: {  	s9 =	smul.u32 $0xF7A, s1;
	s8 =	simm.s32 @!p0 $0x1BF5;
	p2 =	por !p2, p0  }
0x20: {  	[sflag:s8] =	ssyncset.s32 @!p0 $0xFFFFF086;
	s6 =	sadd.s32 @!p0 s3, s7;
	s7 =	simm.s32 @!p0 $0x108  }
0x21: {  	s3 =	sadd.s32 s3, s9;
	s6 =	sadd.s32 @!p0 $0x88, s6;
	s7 =	simm.s32 @p2 $0x1082  }
0x22: {  	[simem:s7], [sflag:s8] =	dma.local @!p0 [hbm:s6], $0xF7A  }
0x23: {  	s9 =	sor.u32 $0xD0000000, s2;
	s6 =	simm.s32 $0x108;
	_ =	swait.ge @!p0 [sflag:s8], $0x0  }
0x24: {  	s3 =	sadd.s32 $0x88, s3;
	s6 =	simm.s32 @!p1 $0x1082;
	[sflag:s4] =	ssyncset.s32 $0xFFFFF086  }
0x25: {  	[simem:s6], [sflag:s4] =	dma.local [hbm:s3], $0xF7A  }
0x26: {  	[smem:$0x3F9A] =	sst s1;
	(tag) =	ssettag s2;
	_ =	strace s9  }
0x27: {  	s1 =	sld [smem:$0x3FAA]  }
0x28: {  	s2 =	sld [smem:$0x3FAB]  }
0x29: {  	s4 =	sld [smem:$0x3FAD]  }
0x2a: {  	p0 =	seq.s32 s5, $0x0;
	s5 =	sld [smem:$0x3FAE]  }
0x2b: {  	s6 =	sld [smem:$0x3FAF]  }
0x2c: {  	s7 =	sld [smem:$0x3FB0]  }
0x2d: {  	s3 =	simm.s32 $0x108;
	s8 =	sld [smem:$0x3FB1]  }
0x2e: {  	s3 =	simm.s32 @!p0 $0x1082;
	s9 =	sld [smem:$0x3FB2]  }
0x2f: {  	lr =	sadd.s32 s0, s3;
	s0 =	sld [smem:$0x3FA9]  }
0x30: {  	s3 =	sld [smem:$0x3FAC]  }
0x31: {  	[smem:$0x3FB5] =	sst s10  }
0x32: {  	s10 =	sld [smem:$0x3FB3];
	_ =	sdelay $0x3  }
0x33: {  	p0 =	seq.s32 s10, $0x1;
	s10 =	sld [smem:$0x3FB5];
	_ =	sdelay $0x3  }
0x34: {  	[smem:$0x3FB5] =	sst s10  }
0x35: {  	s10 =	sld [smem:$0x3FB4];
	_ =	sdelay $0x3  }
0x36: {  	p1 =	seq.s32 s10, $0x1;
	s10 =	sld [smem:$0x3FB5];
	_ =	sdelay $0x3  }
0x37: {  	[smem:$0x3FB5] =	sst s10  }
0x38: {  	s10 =	sld [smem:$0x3FB6]  }
0x39: {  	_ = 	snop;
	(pc) =	sbr.ind lr, $3  }
0x3a: {  	_ = 	snop  }
0x3b: {  	_ = 	snop  }
0x3c: {  	p2 =	seq.s32 s10, $0x1;
	s10 =	sld [smem:$0x3FB5]  }
0x3d: {  	_ =	shalt  }
0x3e: {  	_ =	shalt  }
0x3f: {  	_ =	shalt  }
0x40: {  	_ =	shalt  }
0x41: {  	_ =	shalt  }
0x42: {  	_ =	shalt  }
0x43: {  	_ =	shalt  }
0x44: {  	_ =	shalt  }
0x45: {  	_ =	shalt  }
0x46: {  	_ =	shalt  }
0x47: {  	_ =	shalt  }
0x48: {  	_ =	shalt  }
0x49: {  	_ =	shalt  }
0x4a: {  	_ =	shalt  }
0x4b: {  	_ =	shalt  }
0x4c: {  	_ =	shalt  }
0x4d: {  	_ =	shalt  }
0x4e: {  	_ =	shalt  }
0x4f: {  	_ =	shalt  }
0x50: {  	_ =	shalt  }
0x51: {  	_ =	shalt  }
0x52: {  	_ =	shalt  }
0x53: {  	_ =	shalt  }
0x54: {  	_ =	shalt  }
0x55: {  	_ =	shalt  }
0x56: {  	_ =	shalt  }
0x57: {  	_ =	shalt  }
0x58: {  	_ =	shalt  }
0x59: {  	_ =	shalt  }
0x5a: {  	_ =	shalt  }
0x5b: {  	_ =	shalt  }
0x5c: {  	_ =	shalt  }
0x5d: {  	_ =	shalt  }
0x5e: {  	_ =	shalt  }
0x5f: {  	_ =	shalt  }
0x60: {  	_ =	shalt  }
0x61: {  	_ =	shalt  }
0x62: {  	_ =	shalt  }
0x63: {  	_ =	shalt  }
0x64: {  	_ =	shalt  }
0x65: {  	_ =	shalt  }
0x66: {  	_ =	shalt  }
0x67: {  	_ =	shalt  }
0x68: {  	_ =	shalt  }
0x69: {  	_ =	shalt  }
0x6a: {  	_ =	shalt  }
0x6b: {  	_ =	shalt  }
0x6c: {  	_ =	shalt  }
0x6d: {  	_ =	shalt  }
0x6e: {  	_ =	shalt  }
0x6f: {  	_ =	shalt  }
0x70: {  	_ =	shalt  }
0x71: {  	_ =	shalt  }
0x72: {  	_ =	shalt  }
0x73: {  	_ =	shalt  }
0x74: {  	_ =	shalt  }
0x75: {  	_ =	shalt  }
0x76: {  	_ =	shalt  }
0x77: {  	_ =	shalt  }
0x78: {  	_ =	shalt  }
0x79: {  	_ =	shalt  }
0x7a: {  	_ =	shalt  }
0x7b: {  	_ =	shalt  }
0x7c: {  	_ =	shalt  }
0x7d: {  	_ =	shalt  }
0x7e: {  	_ =	shalt  }
0x7f: {  	_ =	shalt  }
0x80: {  	_ =	shalt  }
0x81: {  	_ =	shalt  }
0x82: {  	_ =	shalt  }
0x83: {  	_ =	shalt  }
0x84: {  	_ =	shalt  }
0x85: {  	_ =	shalt  }
0x86: {  	_ =	shalt  }
0x87: {  	_ =	shalt  }
.Lfunc_end0:
.L_simem_size_0:
called_computation_lowered:
.L_overlay_start_0:
0x88: {  	s2 =	sld [smem:$0x3FD9]  }
0x89: {  	s3 =	sld [smem:$0x3FFE];
	_ =	sdelay $0x1  }
0x8a: {  	s1 =	srdreg.scid  }
0x8b: {  	s0 =	sand.u32 $0x1, s1  }
0x8c: {  	s17 =	sshll.u32 s0, $0xA;
	s2 =	sadd.s32 s3, s2  }
0x8d: {  	s2 =	sadd.s32 s2, s17  }
0x8e: {  	[smem:$0x3FC1] =	sst s2  }
0x8f: {  	_ = 	snop  }
0x90: {  	s2 =	sld [smem:$0x3FD0];
	(tm) =	ssettm $0x1  }
0x91: {  	s18 =	sld [smem:$0x3FFB];
	_ =	sdelay $0x3  }
0x92: {  	_ =	strace s18  }
0x93: {  	s3 =	sld [smem:$0x3FFC];
	_ =	sdelay $0x3  }
0x94: {  	_ =	strace s3  }
0x95: {  	s3 =	sld [smem:$0x3FFD];
	_ =	sdelay $0x3  }
0x96: {  	_ =	strace s3  }
0x97: {  	_ =	strace $0x8FFFFFFF  }
0x98: {  	s19 =	sld [smem:$0x3FDB];
	_ =	sdelay $0x1  }
0x99: {  	s4 =	simm.s32 $_scs_section_size  }
0x9a: {  	s5 =	simm.s32 $_size__tile_overlayer_lowered;
	s6 =	simm.s32 $_tile_overlayer_lowered  }
0x9b: {  	s22 =	simm.s32 $0x1BFF;
	s21 =	sshll.u32 s6, $0x1;
	s3 =	sadd.s32 s4, s19  }
0x9c: {  	s7 =	simm.s32 $0x0;
	s20 =	sshll.u32 s5, $0x1;
	s5 =	sadd.s32 s21, s3  }
0x9d: {  	[timem:s7], [sflag:s22] =	dma.local [hbm:s5], s20  }
0x9e: {  	_ =	swait.ge [sflag:s22], s20  }
0x9f: {  	s4 =	ssub.s32 $0x0, s20;
	[sflag:s22] =	ssyncset.done $0x0  }
0xa0: {  	[sflag:s22] =	ssyncadd.s32 s4;
	_ =	sdelay $0x1  }
0xa1: {  	s23 =	simm.s32 $0x1B8B  }
0xa2: {  	_ =	swait.ge [sflag:s23], $0x1  }
0xa3: {  	[sflag:s23] =	ssyncset.done $0x0  }
0xa4: {  	s25 =	simm.s32 $0x1B8E;
	s24 =	sld [smem:$0x3FFE];
	[sflag:s23] =	ssyncadd.s32 $0xFFFFFFFF  }
0xa5: {  	s26 =	simm.s32 $execute0_lowered;
	[smem:$0x3FD2] =	sst s25  }
0xa6: {  	s5 =	sshll.u32 s26, $0x1;
	_ =	strace $0x80000046;
	[dreg:$0x1] =	wrdreg $0xFFFFFFFF  }
0xa7: {  	s28 =	simm.s32 $_size_execute0_lowered;
	s3 =	sadd.s32 s3, s5;
	[dreg:$0x0] =	wrdreg $0x0  }
0xa8: {  	s5 =	sshll.u32 s28, $0x1;
	[dreg:$0x2] =	wrdreg s3  }
0xa9: {  	[dreg:$0x3] =	wrdreg s5  }
0xaa: {  	[dreg:$0x4] =	wrdreg $0xC0  }
0xab: {  	_ =	task [dreg:s7], $0x5FFFF  }
0xac: {  	[dreg:$0x1] =	wrdreg $0xFFFFFFFF  }
0xad: {  	[dreg:$0x0] =	wrdreg $0x60  }
0xae: {  	[dreg:$0x2] =	wrdreg s24  }
0xaf: {  	[dreg:$0x3] =	wrdreg s2  }
0xb0: {  	[dreg:$0x4] =	wrdreg $0x7A000  }
0xb1: {  	[dreg:$0x5] =	wrdreg $0x9  }
0xb2: {  	_ =	task.clear_ibuf [dreg:s7], $0x6FFFF;
	_ =	strace $0x90000046  }
0xb3: {  	s29 =	simm.s32 $0x9;
	_ =	strace $0x80000048  }
0xb4: {  	_ =	swait.ge [sflag:s29], $0x1  }
0xb5: {  	[sflag:s29] =	ssyncadd.s32 $0xFFFFFFFF  }
0xb6: {  	_ =	strace $0x90000048  }
0xb7: {  	_ =	sfence  }
0xb8: {  	s30 =	sld [smem:$0x0];
	_ =	sdelay $0x2  }
0xb9: {  	s31 =	sshll.u32 s1, $0xD;
	s1 =	sshrl.u32 s1, $0x2  }
0xba: {  	s3 =	sand.u32 $0x4000, s31;
	s1 =	sadd.s32 s1, s30  }
0xbb: {  	s0 =	sor.u32 s3, s0;
	s1 =	sshll.u32 s1, $0x11  }
0xbc: {  	s0 =	sor.u32 s1, s0  }
0xbd: {  	s0 =	sadd.s32 $0x8F2B, s0  }
0xbe: {  	[sflag:s0] =	ssyncadd.remote.s32 $0x1  }
0xbf: {  	_ =	sfence.sel $0xFFFF  }
0xc0: {  	[dreg:$0x0] =	wrdreg $0xFFFFFFFF;
	(pc) =	sbr.abs _section_cstart, $3  }
0xc1: {  	[dreg:$0x1] =	wrdreg $0xFFFFFFFF  }
0xc2: {  	_ =	task.clear_ibuf [dreg:s7], $0x2FFFF;
	_ =	strace $0x9FFFFFFF  }
0xc3: {  	(tm) =	ssettm $0x7FFFFFFF  }
tec
execute0_lowered:
.L_overlay_start_1:
0x0: {  	(tag) =	ssettag $0x1  }
0x1: {  	s3 =	rddreg [dreg:$0x0]  }
0x2: {  	s0 =	srdreg.scid;
	s6 =	rddreg [dreg:$0x1]  }
0x3: {  	s5 =	rddreg [dreg:$0x2];
	s1 =	stileid.u32;
	s2 =	simm.s32 $0x0  }
0x4: {  	s12 =	simm.s32 $0x1400;
	s13 =	simm.s32 $0x14000;
	s14 =	simm.s32 $0x4F80  }
0x5: {  	s15 =	simm.s32 $0x100;
	s4 =	sand.u32 $0x1, s0;
	s0 =	rddreg [dreg:$0x3]  }
0x6: {  	s16 =	simm.s32 $0x7780;
	s17 =	simm.s32 $0x0;
	[smem:$0x7FF] =	sst s2  }
0x7: {  	s9 =	sshrl.u32 s1, $0x3;
	s29 =	smul.u32 $0x5000, s1;
	s30 =	sshll.u32 s1, $0x7  }
0x8: {  	s11 =	smul.u32 $0x500, s1;
	s7 =	sshll.u32 s4, $0x4;
	_ =	strace $0x80000047  }
0x9: {  	s8 =	ssub.s32 $0x2, s4;
	s9 =	smul.u32 $0x50000, s9;
	s4 =	sshll.u32 s4, $0x7  }
0xa: {  	s7 =	sor.u32 s1, s7;
	s10 =	sshrl.u32 s8, $0x1;
	s11 =	sor.u32 s4, s11  }
0xb: {  	s7 =	smul.u32 $0x2710, s7;
	s8 =	ssub.s32 s8, s10;
	s10 =	sand.u32 $0x380, s30  }
0xc: {  	s9 =	sshrl.u32 s9, $0x2;
	s31 =	sshrl.u32 s11, $0x3;
	s11 =	simm.s32 $0x400  }
0xd: {  	s9 =	sadd.s32 s9, s5;
	s6 =	sadd.s32 s6, s31;
	s7 =	sshrl.u32 s7, $0x3  }
0xe: {  	s4 =	sadd.s32 s10, s9;
	s9 =	simm.s32 $0x2780;
	s3 =	sadd.s32 s3, s7  }
0xf: {  	s10 =	simm.s32 $0x80;
	s7 =	sshrl.u32 s29, $0x2;
	s3 =	sadd.s32 $0xC240, s3  }
0x10: {  	v0 =	vimm.f32 $0.0e+00;
	v1 =	vimm.f32 $1.000000000e+00;
	s5 =	sadd.s32 s7, s5;
	s7 =	smax.u32 s8, $0x1;
	s8 =	simm.s32 $0x1  }
.LBB2_1:
0x11: {  	[tilespmem:s2], [sflag:$0x1] =	stream.linear.gather [hbm4b:s3+s2], $0x2710, $0x38;
	[tilespmem:$0xA200] =	vst v63  }
0x12: {  	_ =	swait.ge [sflag:s8], $0x2710  }
0x13: {  	[sflag:s8] =	ssyncset.done $0x0  }
0x14: {  	s18 =	simm.s32 $0x0;
	[sflag:s8] =	ssyncadd.s32 $0xFFFFD8F0  }
.LBB2_2:
0x15: {  	p0 =	sne.s32 s18, $0x9F00  }
.Ltmp0:
0x16: {  	s19 =	sshra.s32 s18, $0x2;
	(pc) =	sbr.rel @p0 .LBB2_2-.Ltmp0, $4  }
0x17: {  	[tilespmem:s19+$0x2780] =	vst v0  }
0x18: {  	[tilespmem:s19+$0x2790] =	vst v0  }
0x19: {  	[tilespmem:s19+$0x27A0] =	vst v0  }
0x1a: {  	s18 =	sadd.s32 $0x100, s18;
	[tilespmem:s19+$0x27B0] =	vst v0  }
0x1b: {  	s18 =	simm.s32 $0x0  }
0x1c: {  	v3 =	vld [tilespmem:s18+$0x0]  }
0x1d: {  	v4 =	vld [tilespmem:s18+$0x10]  }
0x1e: {  	v5 =	vld [tilespmem:s18+$0x20];
	_ =	sdelay $0x1  }
0x1f: {  	v2 =	vld [tilespmem:s18+$0x30];
	_ =	sdelay $0x3  }
0x20: {  	[tilespmem:v3+s9+$0x0] =	vst.idx.add.f32.msk $0xffff, v1  }
0x21: {  	[tilespmem:v4+s9+$0x0] =	vst.idx.add.f32.msk $0xffff, v1  }
0x22: {  	s19 =	simm.s32 $0x200;
	s18 =	simm.s32 $0x100;
	[tilespmem:v5+s9+$0x0] =	vst.idx.add.f32.msk $0xffff, v1  }
.LBB2_4:
0x23: {  	p0 =	sne.s32 s19, $0x9B00  }
0x24: {  	s20 =	sshra.s32 s18, $0x2;
	[tilespmem:v2+s9+$0x0] =	vst.idx.add.f32.msk $0xffff, v1;
	s18 =	smov.u32 s19;
	s19 =	sadd.s32 $0x100, s19  }
0x25: {  	v3 =	vld [tilespmem:s20+$0x0]  }
0x26: {  	v4 =	vld [tilespmem:s20+$0x10]  }
0x27: {  	v5 =	vld [tilespmem:s20+$0x20]  }
0x28: {  	v2 =	vld [tilespmem:s20+$0x30];
	_ =	sdelay $0x2  }
.Ltmp1:
0x29: {  	(pc) =	sbr.rel @p0 .LBB2_4-.Ltmp1, $4  }
0x2a: {  	_ = 	snop  }
0x2b: {  	[tilespmem:v3+s9+$0x0] =	vst.idx.add.f32.msk $0xffff, v1  }
0x2c: {  	[tilespmem:v4+s9+$0x0] =	vst.idx.add.f32.msk $0xffff, v1  }
0x2d: {  	[tilespmem:v5+s9+$0x0] =	vst.idx.add.f32.msk $0xffff, v1  }
0x2e: {  	_ =	sdelay $0x3  }
0x2f: {  	s18 =	sshra.s32 s18, $0x2;
	[tilespmem:v2+s9+$0x0] =	vst.idx.add.f32.msk $0xffff, v1  }
0x30: {  	v2 =	vld [tilespmem:s18+$0x0]  }
0x31: {  	v3 =	vld [tilespmem:s18+$0x10]  }
0x32: {  	v4 =	vld [tilespmem:s18+$0x20]  }
0x33: {  	v5 =	vld [tilespmem:s18+$0x30];
	_ =	sdelay $0x4  }
0x34: {  	[tilespmem:v2+s9+$0x0] =	vst.idx.add.f32.msk $0xffff, v1  }
0x35: {  	[tilespmem:v3+s9+$0x0] =	vst.idx.add.f32.msk $0xffff, v1  }
0x36: {  	[tilespmem:v4+s9+$0x0] =	vst.idx.add.f32.msk $0xffff, v1  }
0x37: {  	[tilespmem:v5+s9+$0x0] =	vst.idx.add.f32.msk $0xffff, v1  }
0x38: {  	v2 =	vld [tilespmem:$0x2700];
	_ =	sdelay $0x7  }
0x39: {  	[tilespmem:v2+s9+$0x0] =	vst.idx.add.f32.msk $0xffff, v1  }
0x3a: {  	[spmem:s4] =	stream.strided.scatter [tilespmem:s9], [sflag:$0x1], $0x2800, s11, s10, $0x38;
	[tilespmem:$0xA200] =	vst v63  }
0x3b: {  	_ =	swait.ge [sflag:s8], $0x2800  }
0x3c: {  	[sflag:s8] =	ssyncset.done $0x0  }
0x3d: {  	[sflag:s8] =	ssyncadd.s32 $0xFFFFD800  }
0x3e: {  	[bflag:$0x0] =	sbarrier.arrive $0xFFFF  }
0x3f: {  	[tilespmem:s14], [sflag:$0x1] =	stream.strided.gather [spmem:s5], $0x2800, s13, s12, $0x38;
	[tilespmem:$0xA200] =	vst v63  }
0x40: {  	s30 =	simm.s32 $0x0;
	_ =	swait.ge [sflag:s8], $0x2800  }
0x41: {  	s19 =	sand.u32 $0x70, s30;
	s18 =	sand.u32 $0x1C00, s30;
	[sflag:s8] =	ssyncset.done $0x0  }
0x42: {  	s18 =	sor.u32 s19, s18;
	[sflag:s8] =	ssyncadd.s32 $0xFFFFD800  }
0x43: {  	v2 =	vld [tilespmem:s18+$0x5000]  }
0x44: {  	v3 =	vld [tilespmem:s18+$0x4F80];
	_ =	sdelay $0x1  }
0x45: {  	v54 =	vld [tilespmem:s18+$0x5080];
	_ =	sdelay $0x1  }
0x46: {  	v55 =	vld [tilespmem:s18+$0x5100]  }
0x47: {  	v2 =	vadd.f32 v2, v3  }
0x48: {  	v3 =	vld [tilespmem:s18+$0x5180]  }
0x49: {  	v2 =	vadd.f32 v54, v2  }
0x4a: {  	v56 =	vld [tilespmem:s18+$0x5200]  }
0x4b: {  	v2 =	vadd.f32 v55, v2  }
0x4c: {  	v57 =	vld [tilespmem:s18+$0x5280]  }
0x4d: {  	v2 =	vadd.f32 v3, v2  }
0x4e: {  	v3 =	vld [tilespmem:s18+$0x5300]  }
0x4f: {  	v2 =	vadd.f32 v56, v2  }
0x50: {  	v58 =	vld [tilespmem:s18+$0x6380]  }
0x51: {  	v2 =	vadd.f32 v57, v2  }
0x52: {  	v59 =	vld [tilespmem:s18+$0x6400]  }
0x53: {  	v2 =	vadd.f32 v3, v2  }
0x54: {  	v3 =	vld [tilespmem:s18+$0x6480]  }
0x55: {  	v2 =	vadd.f32 v58, v2  }
0x56: {  	v60 =	vld [tilespmem:s18+$0x6500]  }
0x57: {  	v2 =	vadd.f32 v59, v2  }
0x58: {  	v61 =	vld [tilespmem:s18+$0x6580]  }
0x59: {  	v2 =	vadd.f32 v3, v2  }
0x5a: {  	v3 =	vld [tilespmem:s18+$0x6600]  }
0x5b: {  	v2 =	vadd.f32 v60, v2  }
0x5c: {  	v62 =	vld [tilespmem:s18+$0x6680]  }
0x5d: {  	v2 =	vadd.f32 v61, v2  }
0x5e: {  	v63 =	vld [tilespmem:s18+$0x6700]  }
0x5f: {  	v2 =	vadd.f32 v3, v2;
	_ =	sdelay $0x1  }
0x60: {  	v2 =	vadd.f32 v62, v2;
	_ =	sdelay $0x1  }
0x61: {  	s31 =	simm.s32 $0x10;
	s20 =	simm.s32 $0x80;
	v2 =	vadd.f32 v63, v2  }
0x62: {  	s21 =	sand.u32 $0x1C00, s20;
	s19 =	sand.u32 $0x70, s31;
	s18 =	simm.s32 $0x7780  }
0x63: {  	s19 =	sor.u32 s19, s21;
	s21 =	simm.s32 $0x20;
	[tilespmem:s18+$0x0] =	vst v2  }
.LBB2_6:
0x64: {  	p0 =	sne.s32 s21, $0x270;
	v2 =	vld [tilespmem:s19+$0x5000]  }
0x65: {  	v3 =	vld [tilespmem:s19+$0x4F80];
	_ =	sdelay $0x1  }
0x66: {  	v4 =	vld [tilespmem:s19+$0x5080];
	_ =	sdelay $0x1  }
0x67: {  	v5 =	vld [tilespmem:s19+$0x5100]  }
0x68: {  	v2 =	vadd.f32 v2, v3  }
0x69: {  	v3 =	vld [tilespmem:s19+$0x5180]  }
0x6a: {  	v2 =	vadd.f32 v4, v2  }
0x6b: {  	v4 =	vld [tilespmem:s19+$0x5200]  }
0x6c: {  	v2 =	vadd.f32 v5, v2  }
0x6d: {  	v5 =	vld [tilespmem:s19+$0x5280]  }
0x6e: {  	v2 =	vadd.f32 v3, v2  }
0x6f: {  	v3 =	vld [tilespmem:s19+$0x5300]  }
0x70: {  	v2 =	vadd.f32 v4, v2  }
0x71: {  	v4 =	vld [tilespmem:s19+$0x6380]  }
0x72: {  	v2 =	vadd.f32 v5, v2  }
0x73: {  	v5 =	vld [tilespmem:s19+$0x6400]  }
0x74: {  	v2 =	vadd.f32 v3, v2  }
0x75: {  	v3 =	vld [tilespmem:s19+$0x6480]  }
0x76: {  	v2 =	vadd.f32 v4, v2  }
0x77: {  	v4 =	vld [tilespmem:s19+$0x6500]  }
0x78: {  	v2 =	vadd.f32 v5, v2  }
0x79: {  	v5 =	vld [tilespmem:s19+$0x6580]  }
0x7a: {  	v2 =	vadd.f32 v3, v2  }
0x7b: {  	v3 =	vld [tilespmem:s19+$0x6600]  }
0x7c: {  	v2 =	vadd.f32 v4, v2  }
0x7d: {  	v4 =	vld [tilespmem:s19+$0x6680]  }
0x7e: {  	v2 =	vadd.f32 v5, v2  }
0x7f: {  	v5 =	vld [tilespmem:s19+$0x6700]  }
0x80: {  	v2 =	vadd.f32 v3, v2;
	_ =	sdelay $0x1  }
.Ltmp2:
0x81: {  	v2 =	vadd.f32 v4, v2;
	(pc) =	sbr.rel @p0 .LBB2_6-.Ltmp2, $4  }
0x82: {  	_ = 	snop  }
0x83: {  	s20 =	sadd.s32 $0x80, s20;
	v2 =	vadd.f32 v5, v2  }
0x84: {  	s18 =	sadd.s32 $0x10, s18;
	s22 =	sand.u32 $0x1C00, s20;
	s19 =	sand.u32 $0x70, s21  }
0x85: {  	s21 =	sadd.s32 $0x10, s21;
	s19 =	sor.u32 s19, s22;
	[tilespmem:s18+$0x0] =	vst v2  }
0x86: {  	v2 =	vld [tilespmem:s19+$0x5000]  }
0x87: {  	v3 =	vld [tilespmem:s19+$0x4F80];
	_ =	sdelay $0x1  }
0x88: {  	v4 =	vld [tilespmem:s19+$0x5080];
	_ =	sdelay $0x1  }
0x89: {  	v5 =	vld [tilespmem:s19+$0x5100]  }
0x8a: {  	v2 =	vadd.f32 v2, v3  }
0x8b: {  	v3 =	vld [tilespmem:s19+$0x5180]  }
0x8c: {  	v2 =	vadd.f32 v4, v2  }
0x8d: {  	v56 =	vld [tilespmem:s19+$0x5200]  }
0x8e: {  	v2 =	vadd.f32 v5, v2  }
0x8f: {  	v57 =	vld [tilespmem:s19+$0x5280]  }
0x90: {  	v2 =	vadd.f32 v3, v2  }
0x91: {  	v3 =	vld [tilespmem:s19+$0x5300]  }
0x92: {  	v2 =	vadd.f32 v56, v2  }
0x93: {  	v58 =	vld [tilespmem:s19+$0x6380]  }
0x94: {  	v2 =	vadd.f32 v57, v2  }
0x95: {  	v59 =	vld [tilespmem:s19+$0x6400]  }
0x96: {  	v2 =	vadd.f32 v3, v2  }
0x97: {  	v3 =	vld [tilespmem:s19+$0x6480]  }
0x98: {  	v2 =	vadd.f32 v58, v2  }
0x99: {  	v60 =	vld [tilespmem:s19+$0x6500]  }
0x9a: {  	v2 =	vadd.f32 v59, v2  }
0x9b: {  	v61 =	vld [tilespmem:s19+$0x6580]  }
0x9c: {  	v2 =	vadd.f32 v3, v2  }
0x9d: {  	v3 =	vld [tilespmem:s19+$0x6600]  }
0x9e: {  	v2 =	vadd.f32 v60, v2  }
0x9f: {  	v62 =	vld [tilespmem:s19+$0x6680]  }
0xa0: {  	v2 =	vadd.f32 v61, v2  }
0xa1: {  	v63 =	vld [tilespmem:s19+$0x6700]  }
0xa2: {  	v2 =	vadd.f32 v3, v2;
	_ =	sdelay $0x1  }
0xa3: {  	v2 =	vadd.f32 v62, v2;
	_ =	sdelay $0x1  }
0xa4: {  	s17 =	sadd.s32 $0x1, s17;
	v2 =	vadd.f32 v63, v2  }
0xa5: {  	s18 =	sadd.s32 $0x10, s18;
	p0 =	sne.s32 s17, s7  }
.Ltmp3:
0xa6: {  	[tilespmem:s18+$0x0] =	vst v2;
	(pc) =	sbr.rel @p0 .LBB2_1-.Ltmp3, $4  }
0xa7: {  	[hbm4b:s6+s10] =	stream.strided.scatter [tilespmem:s16], [sflag:$0x1], $0x280, s15, s10, $0x38;
	[tilespmem:$0xA200] =	vst v63  }
0xa8: {  	_ =	swait.ge [sflag:s8], $0x280  }
0xa9: {  	[sflag:s8] =	ssyncset.done $0x0  }
0xaa: {  	[sflag:s8] =	ssyncadd.s32 $0xFFFFFD80  }
0xab: {  	_ =	sfence.sel $0x180000  }
0xac: {  	[bflag:$0x0] =	sbarrier.arrive $0xFFFF  }
0xad: {  	p0 =	sne.s32 s1, $0x0;
	_ =	strace $0x90000047  }
0xae: {  	s0 =	sadd.s32 @!p0 $0x100000, s0;
	[bflag:$0x2] =	sbarrier.arrive $0xFFFF  }
0xaf: {  	[sflag:s0] =	ssyncadd.tile.s32 @!p0 $0x1;
	_ =	shalt  }
.Lfunc_end2:
_tile_overlayer_lowered:
.L_overlay_start_2:
0xb0: {  	(tag) =	ssettag $0x2  }
0xb1: {  	s0 =	rddreg [dreg:$0x0];
	s2 =	stileid.u32  }
0xb2: {  	s1 =	rddreg [dreg:$0x1];
	p0 =	sne.s32 s2, $0x0  }
0xb3: {  	s3 =	rddreg [dreg:$0x2];
	[bflag:$0x3] =	sbarrier.arrive $0xFFFF;
	s2 =	simm.s32 @!p0 $0x1C01  }
0xb4: {  	[timem:s3], [sflag:s2] =	dma.local @!p0 [hbm:s0], s1  }
0xb5: {  	s0 =	simm.s32 @!p0 $0x1  }
0xb6: {  	_ =	swait.ge @!p0 [sflag:s0], s1  }
0xb7: {  	s1 =	ssub.s32 @!p0 $0x0, s1;
	[sflag:s0] =	ssyncset.done @!p0 $0x0  }
0xb8: {  	[sflag:s0] =	ssyncadd.s32 @!p0 s1  }
0xb9: {  	[bflag:$0x3] =	sbarrier.arrive $0xFFFF  }
0xba: {  	_ =	shalt  }

// kernel: kernel.9.cloned.1.call-start
scs
__scs_entry_jumppad:
0x0: {  	(pc) =	sbr.rel $0x88, $3  }
0x1: {  	(tag) =	ssettag $0x0;
	lr =	simm.s32 $0x1  }
0x2: {  	[smem:$0x3F9A] =	sst lr;
	_ =	strace $0xD0000000  }
0x3: {  	_ = 	snop  }
0x4: {  	_ = 	snop  }
0x5: {  	_ = 	snop  }
0x6: {  	_ = 	snop  }
0x7: {  	_ = 	snop  }
__scs_overlays_trampoline_lowered:
0x8: {  	[smem:$0x3FA9] =	sst s0  }
0x9: {  	[smem:$0x3FAA] =	sst s1  }
0xa: {  	[smem:$0x3FAB] =	sst s2  }
0xb: {  	[smem:$0x3FAC] =	sst s3  }
0xc: {  	[smem:$0x3FAD] =	sst s4  }
0xd: {  	[smem:$0x3FAE] =	sst s5  }
0xe: {  	[smem:$0x3FAF] =	sst s6  }
0xf: {  	[smem:$0x3FB0] =	sst s7  }
0x10: {  	[smem:$0x3FB1] =	sst s8  }
0x11: {  	[smem:$0x3FB2] =	sst s9;
	s0 =	simm.s32 @!p0 $0x0  }
0x12: {  	s1 =	sld [smem:$0x3F98];
	s0 =	simm.s32 @p0 $0x1  }
0x13: {  	[smem:$0x3FB3] =	sst s0;
	s0 =	simm.s32 @!p1 $0x0  }
0x14: {  	s2 =	sld [smem:$0x3F97];
	s0 =	simm.s32 @p1 $0x1  }
0x15: {  	[smem:$0x3FB4] =	sst s0;
	s0 =	simm.s32 @!p2 $0x0  }
0x16: {  	s3 =	sld [smem:$0x3FDB];
	s0 =	simm.s32 @p2 $0x1  }
0x17: {  	s4 =	simm.s32 $0x1BF5;
	[smem:$0x3FB6] =	sst s0  }
0x18: {  	s0 =	sld [smem:$0x3F99];
	_ =	swait.ge [sflag:s4], $0x0  }
0x19: {  	s7 =	sld [smem:$0x3F9A]  }
0x1a: {  	s8 =	sadd.s32 $0xFFFFE003, lr  }
0x1b: {  	s9 =	sadd.s32 $0xFFFFFEF7, lr;
	s5 =	simm.s32 $0xFFFFFFFF;
	p2 =	slt.u32 s8, $0xFFFFF086  }
0x1c: {  	p1 =	slt.u32 s9, $0xF7A;
	s5 =	simm.s32 @!p2 $0x0  }
0x1d: {  	s5 =	simm.s32 @p1 $0x1;
	p0 =	seq.s32 s7, s2  }
0x1e: {  	s7 =	smul.u32 @!p0 $0xF7A, s2;
	p2 =	seq.s32 @!p0 s5, $0x0  }
0x1f: {  	s9 =	smul.u32 $0xF7A, s1;
	s8 =	simm.s32 @!p0 $0x1BF5;
	p2 =	por !p2, p0  }
0x20: {  	[sflag:s8] =	ssyncset.s32 @!p0 $0xFFFFF086;
	s6 =	sadd.s32 @!p0 s3, s7;
	s7 =	simm.s32 @!p0 $0x108  }
0x21: {  	s3 =	sadd.s32 s3, s9;
	s6 =	sadd.s32 @!p0 $0x88, s6;
	s7 =	simm.s32 @p2 $0x1082  }
0x22: {  	[simem:s7], [sflag:s8] =	dma.local @!p0 [hbm:s6], $0xF7A  }
0x23: {  	s9 =	sor.u32 $0xD0000000, s2;
	s6 =	simm.s32 $0x108;
	_ =	swait.ge @!p0 [sflag:s8], $0x0  }
0x24: {  	s3 =	sadd.s32 $0x88, s3;
	s6 =	simm.s32 @!p1 $0x1082;
	[sflag:s4] =	ssyncset.s32 $0xFFFFF086  }
0x25: {  	[simem:s6], [sflag:s4] =	dma.local [hbm:s3], $0xF7A  }
0x26: {  	[smem:$0x3F9A] =	sst s1;
	(tag) =	ssettag s2;
	_ =	strace s9  }
0x27: {  	s1 =	sld [smem:$0x3FAA]  }
0x28: {  	s2 =	sld [smem:$0x3FAB]  }
0x29: {  	s4 =	sld [smem:$0x3FAD]  }
0x2a: {  	p0 =	seq.s32 s5, $0x0;
	s5 =	sld [smem:$0x3FAE]  }
0x2b: {  	s6 =	sld [smem:$0x3FAF]  }
0x2c: {  	s7 =	sld [smem:$0x3FB0]  }
0x2d: {  	s3 =	simm.s32 $0x108;
	s8 =	sld [smem:$0x3FB1]  }
0x2e: {  	s3 =	simm.s32 @!p0 $0x1082;
	s9 =	sld [smem:$0x3FB2]  }
0x2f: {  	lr =	sadd.s32 s0, s3;
	s0 =	sld [smem:$0x3FA9]  }
0x30: {  	s3 =	sld [smem:$0x3FAC]  }
0x31: {  	[smem:$0x3FB5] =	sst s10  }
0x32: {  	s10 =	sld [smem:$0x3FB3];
	_ =	sdelay $0x3  }
0x33: {  	p0 =	seq.s32 s10, $0x1;
	s10 =	sld [smem:$0x3FB5];
	_ =	sdelay $0x3  }
0x34: {  	[smem:$0x3FB5] =	sst s10  }
0x35: {  	s10 =	sld [smem:$0x3FB4];
	_ =	sdelay $0x3  }
0x36: {  	p1 =	seq.s32 s10, $0x1;
	s10 =	sld [smem:$0x3FB5];
	_ =	sdelay $0x3  }
0x37: {  	[smem:$0x3FB5] =	sst s10  }
0x38: {  	s10 =	sld [smem:$0x3FB6]  }
0x39: {  	_ = 	snop;
	(pc) =	sbr.ind lr, $3  }
0x3a: {  	_ = 	snop  }
0x3b: {  	_ = 	snop  }
0x3c: {  	p2 =	seq.s32 s10, $0x1;
	s10 =	sld [smem:$0x3FB5]  }
0x3d: {  	_ =	shalt  }
0x3e: {  	_ =	shalt  }
0x3f: {  	_ =	shalt  }
0x40: {  	_ =	shalt  }
0x41: {  	_ =	shalt  }
0x42: {  	_ =	shalt  }
0x43: {  	_ =	shalt  }
0x44: {  	_ =	shalt  }
0x45: {  	_ =	shalt  }
0x46: {  	_ =	shalt  }
0x47: {  	_ =	shalt  }
0x48: {  	_ =	shalt  }
0x49: {  	_ =	shalt  }
0x4a: {  	_ =	shalt  }
0x4b: {  	_ =	shalt  }
0x4c: {  	_ =	shalt  }
0x4d: {  	_ =	shalt  }
0x4e: {  	_ =	shalt  }
0x4f: {  	_ =	shalt  }
0x50: {  	_ =	shalt  }
0x51: {  	_ =	shalt  }
0x52: {  	_ =	shalt  }
0x53: {  	_ =	shalt  }
0x54: {  	_ =	shalt  }
0x55: {  	_ =	shalt  }
0x56: {  	_ =	shalt  }
0x57: {  	_ =	shalt  }
0x58: {  	_ =	shalt  }
0x59: {  	_ =	shalt  }
0x5a: {  	_ =	shalt  }
0x5b: {  	_ =	shalt  }
0x5c: {  	_ =	shalt  }
0x5d: {  	_ =	shalt  }
0x5e: {  	_ =	shalt  }
0x5f: {  	_ =	shalt  }
0x60: {  	_ =	shalt  }
0x61: {  	_ =	shalt  }
0x62: {  	_ =	shalt  }
0x63: {  	_ =	shalt  }
0x64: {  	_ =	shalt  }
0x65: {  	_ =	shalt  }
0x66: {  	_ =	shalt  }
0x67: {  	_ =	shalt  }
0x68: {  	_ =	shalt  }
0x69: {  	_ =	shalt  }
0x6a: {  	_ =	shalt  }
0x6b: {  	_ =	shalt  }
0x6c: {  	_ =	shalt  }
0x6d: {  	_ =	shalt  }
0x6e: {  	_ =	shalt  }
0x6f: {  	_ =	shalt  }
0x70: {  	_ =	shalt  }
0x71: {  	_ =	shalt  }
0x72: {  	_ =	shalt  }
0x73: {  	_ =	shalt  }
0x74: {  	_ =	shalt  }
0x75: {  	_ =	shalt  }
0x76: {  	_ =	shalt  }
0x77: {  	_ =	shalt  }
0x78: {  	_ =	shalt  }
0x79: {  	_ =	shalt  }
0x7a: {  	_ =	shalt  }
0x7b: {  	_ =	shalt  }
0x7c: {  	_ =	shalt  }
0x7d: {  	_ =	shalt  }
0x7e: {  	_ =	shalt  }
0x7f: {  	_ =	shalt  }
0x80: {  	_ =	shalt  }
0x81: {  	_ =	shalt  }
0x82: {  	_ =	shalt  }
0x83: {  	_ =	shalt  }
0x84: {  	_ =	shalt  }
0x85: {  	_ =	shalt  }
0x86: {  	_ =	shalt  }
0x87: {  	_ =	shalt  }
.Lfunc_end0:
.L_simem_size_0:
called_computation.1_lowered:
.L_overlay_start_0:
0x88: {  	s2 =	sld [smem:$0x3FD9]  }
0x89: {  	s3 =	sld [smem:$0x3FFE];
	_ =	sdelay $0x1  }
0x8a: {  	s1 =	srdreg.scid  }
0x8b: {  	s0 =	sand.u32 $0x1, s1  }
0x8c: {  	s17 =	sshll.u32 s0, $0xA;
	s2 =	sadd.s32 s3, s2  }
0x8d: {  	s2 =	sadd.s32 s2, s17  }
0x8e: {  	[smem:$0x3FC1] =	sst s2  }
0x8f: {  	_ = 	snop  }
0x90: {  	s2 =	sld [smem:$0x3FD0];
	(tm) =	ssettm $0x1  }
0x91: {  	s18 =	sld [smem:$0x3FFB];
	_ =	sdelay $0x3  }
0x92: {  	_ =	strace s18  }
0x93: {  	s3 =	sld [smem:$0x3FFC];
	_ =	sdelay $0x3  }
0x94: {  	_ =	strace s3  }
0x95: {  	s3 =	sld [smem:$0x3FFD];
	_ =	sdelay $0x3  }
0x96: {  	_ =	strace s3  }
0x97: {  	_ =	strace $0x8FFFFFFF  }
0x98: {  	s19 =	sld [smem:$0x3FDB];
	_ =	sdelay $0x1  }
0x99: {  	s4 =	simm.s32 $_scs_section_size  }
0x9a: {  	s5 =	simm.s32 $_size__tile_overlayer_lowered;
	s6 =	simm.s32 $_tile_overlayer_lowered  }
0x9b: {  	s22 =	simm.s32 $0x1BFF;
	s21 =	sshll.u32 s6, $0x1;
	s3 =	sadd.s32 s4, s19  }
0x9c: {  	s7 =	simm.s32 $0x0;
	s20 =	sshll.u32 s5, $0x1;
	s5 =	sadd.s32 s21, s3  }
0x9d: {  	[timem:s7], [sflag:s22] =	dma.local [hbm:s5], s20  }
0x9e: {  	_ =	swait.ge [sflag:s22], s20  }
0x9f: {  	s4 =	ssub.s32 $0x0, s20;
	[sflag:s22] =	ssyncset.done $0x0  }
0xa0: {  	[sflag:s22] =	ssyncadd.s32 s4;
	_ =	sdelay $0x1  }
0xa1: {  	s23 =	simm.s32 $0x1B8B  }
0xa2: {  	_ =	swait.ge [sflag:s23], $0x1  }
0xa3: {  	[sflag:s23] =	ssyncset.done $0x0  }
0xa4: {  	s25 =	simm.s32 $0x1B8E;
	s24 =	sld [smem:$0x3FFE];
	[sflag:s23] =	ssyncadd.s32 $0xFFFFFFFF  }
0xa5: {  	s26 =	simm.s32 $execute0_lowered;
	[smem:$0x3FD2] =	sst s25  }
0xa6: {  	s5 =	sshll.u32 s26, $0x1;
	_ =	strace $0x80000049;
	[dreg:$0x1] =	wrdreg $0xFFFFFFFF  }
0xa7: {  	s28 =	simm.s32 $_size_execute0_lowered;
	s3 =	sadd.s32 s3, s5;
	[dreg:$0x0] =	wrdreg $0x0  }
0xa8: {  	s5 =	sshll.u32 s28, $0x1;
	[dreg:$0x2] =	wrdreg s3  }
0xa9: {  	[dreg:$0x3] =	wrdreg s5  }
0xaa: {  	[dreg:$0x4] =	wrdreg $0xC0  }
0xab: {  	_ =	task [dreg:s7], $0x5FFFF  }
0xac: {  	[dreg:$0x1] =	wrdreg $0xFFFFFFFF  }
0xad: {  	[dreg:$0x0] =	wrdreg $0x60  }
0xae: {  	[dreg:$0x2] =	wrdreg s2  }
0xaf: {  	[dreg:$0x3] =	wrdreg s24  }
0xb0: {  	[dreg:$0x4] =	wrdreg $0xB9000  }
0xb1: {  	[dreg:$0x5] =	wrdreg $0x9  }
0xb2: {  	_ =	task.clear_ibuf [dreg:s7], $0x6FFFF;
	_ =	strace $0x90000049  }
0xb3: {  	s29 =	simm.s32 $0x9;
	_ =	strace $0x8000004B  }
0xb4: {  	_ =	swait.ge [sflag:s29], $0x1  }
0xb5: {  	[sflag:s29] =	ssyncadd.s32 $0xFFFFFFFF  }
0xb6: {  	_ =	strace $0x9000004B  }
0xb7: {  	_ =	sfence  }
0xb8: {  	s30 =	sld [smem:$0x0];
	_ =	sdelay $0x2  }
0xb9: {  	s31 =	sshll.u32 s1, $0xD;
	s1 =	sshrl.u32 s1, $0x2  }
0xba: {  	s3 =	sand.u32 $0x4000, s31;
	s1 =	sadd.s32 s1, s30  }
0xbb: {  	s0 =	sor.u32 s3, s0;
	s1 =	sshll.u32 s1, $0x11  }
0xbc: {  	s0 =	sor.u32 s1, s0  }
0xbd: {  	s0 =	sadd.s32 $0x8F2B, s0  }
0xbe: {  	[sflag:s0] =	ssyncadd.remote.s32 $0x1  }
0xbf: {  	_ =	sfence.sel $0xFFFF  }
0xc0: {  	[dreg:$0x0] =	wrdreg $0xFFFFFFFF;
	(pc) =	sbr.abs _section_cstart, $3  }
0xc1: {  	[dreg:$0x1] =	wrdreg $0xFFFFFFFF  }
0xc2: {  	_ =	task.clear_ibuf [dreg:s7], $0x2FFFF;
	_ =	strace $0x9FFFFFFF  }
0xc3: {  	(tm) =	ssettm $0x7FFFFFFF  }
tec
execute0_lowered:
.L_overlay_start_1:
0x0: {  	(tag) =	ssettag $0x1  }
0x1: {  	s0 =	rddreg [dreg:$0x0];
	s1 =	srdreg.scid  }
0x2: {  	s2 =	rddreg [dreg:$0x1];
	s10 =	stileid.u32  }
0x3: {  	s3 =	rddreg [dreg:$0x2];
	s4 =	simm.s32 $0x0;
	s8 =	smul.u32 $0x50000, s10  }
0x4: {  	s1 =	sand.u32 $0x1, s1;
	[smem:$0x7FF] =	sst s4;
	s9 =	smul.u32 $0x2710, s10  }
0x5: {  	s11 =	sadd.s32 $0x2600, s2;
	s25 =	smul.u32 $0x2800, s10;
	s5 =	sshll.u32 s1, $0x4  }
0x6: {  	s6 =	ssub.s32 $0x2, s1;
	_ =	strace $0x8000004A;
	s24 =	smul.u32 $0x27100, s1  }
0x7: {  	p0 =	seq.s32 s1, $0x1;
	[dreg:$0x4] =	wrdreg s11;
	s5 =	sor.u32 s10, s5  }
0x8: {  	s7 =	sshrl.u32 s6, $0x1;
	s8 =	sshrl.u32 s8, $0x2;
	s5 =	smul.u32 $0x2710, s5  }
0x9: {  	s6 =	ssub.s32 s6, s7;
	s8 =	sadd.s32 s8, s3;
	s7 =	sadd.s32 s9, s24  }
0xa: {  	s6 =	smax.u32 s6, $0x1;
	s26 =	sadd.s32 $0x4E4C0, s7;
	s9 =	sadd.s32 $0x2C0, s7  }
0xb: {  	s14 =	sadd.s32 $0x4E500, s7;
	s15 =	sadd.s32 $0x300, s7;
	s16 =	sadd.s32 $0x4E540, s7  }
0xc: {  	s19 =	sadd.s32 $0x340, s7;
	s20 =	sadd.s32 $0x4E580, s7;
	s21 =	sadd.s32 $0x380, s7  }
0xd: {  	s24 =	sadd.s32 $0x4E5C0, s7;
	[dreg:$0x5] =	wrdreg s8;
	s5 =	sshrl.u32 s5, $0x3  }
0xe: {  	[dreg:$0x7] =	wrdreg s6;
	s6 =	sshrl.u32 s26, $0x3;
	s13 =	sshrl.u32 s9, $0x3  }
0xf: {  	s18 =	sshrl.u32 s16, $0x3;
	s23 =	sshrl.u32 s21, $0x3;
	s26 =	sadd.s32 $0x4E480, s7  }
0x10: {  	s9 =	sadd.s32 $0x240, s7;
	s16 =	sadd.s32 $0x4E3C0, s7;
	s10 =	sadd.s32 s6, s11  }
0x11: {  	s12 =	sadd.s32 s11, s5;
	s5 =	simm.s32 $0x3E000;
	[dreg:$0x9] =	wrdreg s10  }
0x12: {  	s21 =	sadd.s32 $0x4E380, s7;
	s5 =	simm.s32 @!p0 $0x16000;
	[dreg:$0x6] =	wrdreg s12  }
0x13: {  	s2 =	sadd.s32 s5, s2;
	s5 =	sshrl.u32 s26, $0x3;
	s26 =	sadd.s32 $0x2000, s8  }
0x14: {  	s6 =	sadd.s32 $0x4E440, s7;
	s1 =	sadd.s32 s2, s25;
	[dreg:$0x1d] =	wrdreg s26  }
0x15: {  	s10 =	sadd.s32 $0x4E400, s7;
	s26 =	sadd.s32 $0xA120, s12;
	[dreg:$0x8] =	wrdreg s1  }
0x16: {  	s2 =	sshrl.u32 s15, $0x3;
	s1 =	sadd.s32 s13, s11;
	[smem:$0x7FD] =	sst s26  }
0x17: {  	s25 =	sadd.s32 $0x3C0, s7;
	s17 =	sadd.s32 s2, s11;
	[dreg:$0xa] =	wrdreg s1  }
0x18: {  	s2 =	sshrl.u32 s20, $0x3;
	s20 =	sadd.s32 $0x280, s7;
	[dreg:$0xc] =	wrdreg s17  }
0x19: {  	s1 =	sshrl.u32 s14, $0x3;
	s22 =	sadd.s32 s2, s11;
	[dreg:$0x19] =	wrdreg s20  }
0x1a: {  	s14 =	sshrl.u32 s10, $0x3;
	s10 =	sadd.s32 $0xE000, s8;
	[dreg:$0xf] =	wrdreg s22  }
0x1b: {  	s15 =	sadd.s32 $0x200, s7;
	s20 =	sadd.s32 $0x9C58, s12;
	[smem:$0x7EE] =	sst s10  }
0x1c: {  	s2 =	sshrl.u32 s25, $0x3;
	s1 =	sadd.s32 s1, s11;
	[smem:$0x7F7] =	sst s20  }
0x1d: {  	s17 =	sadd.s32 $0x1C0, s7;
	s2 =	sadd.s32 s2, s11;
	[dreg:$0xb] =	wrdreg s1  }
0x1e: {  	s22 =	sadd.s32 $0x180, s7;
	s7 =	sadd.s32 $0xA000, s8;
	[dreg:$0x12] =	wrdreg s2  }
0x1f: {  	s1 =	sadd.s32 s18, s11;
	[smem:$0x7EC] =	sst s7  }
0x20: {  	s2 =	sshrl.u32 s9, $0x3;
	s9 =	sadd.s32 $0xC000, s8;
	[dreg:$0xd] =	wrdreg s1  }
0x21: {  	s1 =	sshrl.u32 s19, $0x3;
	s13 =	sadd.s32 s2, s11;
	[smem:$0x7ED] =	sst s9  }
0x22: {  	s2 =	sshrl.u32 s16, $0x3;
	s16 =	sadd.s32 $0x9C48, s12;
	[dreg:$0x15] =	wrdreg s13  }
0x23: {  	s19 =	sshrl.u32 s17, $0x3;
	s17 =	sadd.s32 $0x10, s12;
	[smem:$0x7F3] =	sst s16  }
0x24: {  	s1 =	sadd.s32 s1, s11;
	[smem:$0x7F4] =	sst s17  }
0x25: {  	s18 =	sadd.s32 s2, s11;
	[dreg:$0xe] =	wrdreg s1  }
0x26: {  	s2 =	sadd.s32 $0x4000, s8;
	[dreg:$0x18] =	wrdreg s18  }
0x27: {  	s30 =	simm.s32 $0x9000;
	s13 =	sadd.s32 $0x12000, s8;
	[dreg:$0x1e] =	wrdreg s2  }
0x28: {  	s31 =	simm.s32 $0x18;
	s1 =	sadd.s32 s23, s11;
	[smem:$0x7F0] =	sst s13  }
0x29: {  	s23 =	sshrl.u32 s21, $0x3;
	s18 =	sadd.s32 $0x9C50, s12;
	[dreg:$0x10] =	wrdreg s1  }
0x2a: {  	s21 =	sadd.s32 $0x20, s12;
	s1 =	sshrl.u32 s24, $0x3;
	[smem:$0x7F5] =	sst s18  }
0x2b: {  	s24 =	sshrl.u32 s22, $0x3;
	[smem:$0x7F8] =	sst s21;
	s22 =	sadd.s32 $0x9C60, s12  }
0x2c: {  	s28 =	simm.s32 $0x200;
	s1 =	sadd.s32 s1, s11;
	[smem:$0x7F9] =	sst s22  }
0x2d: {  	s29 =	simm.s32 $0x480;
	s25 =	sadd.s32 s24, s11;
	[dreg:$0x11] =	wrdreg s1  }
0x2e: {  	s10 =	simm.s32 $0x880;
	s24 =	sadd.s32 $0x9C68, s12;
	[dreg:$0x1c] =	wrdreg s25  }
0x2f: {  	s20 =	simm.s32 $0x5000;
	s1 =	sadd.s32 s5, s11;
	[smem:$0x7FB] =	sst s24  }
0x30: {  	s7 =	simm.s32 $0x19;
	s5 =	sadd.s32 $0x6000, s8;
	[dreg:$0x13] =	wrdreg s1  }
0x31: {  	s9 =	simm.s32 $0x1000;
	s25 =	sadd.s32 $0x4E0, s12;
	[dreg:$0x1f] =	wrdreg s5  }
0x32: {  	s1 =	sshrl.u32 s6, $0x3;
	s6 =	sadd.s32 $0x8000, s8;
	[smem:$0x7FC] =	sst s25  }
0x33: {  	s16 =	simm.s32 $0x3000;
	s1 =	sadd.s32 s1, s11;
	[smem:$0x7EB] =	sst s6  }
0x34: {  	s17 =	simm.s32 $0x15;
	[dreg:$0x14] =	wrdreg s1;
	s1 =	sadd.s32 s14, s11  }
0x35: {  	s2 =	simm.s32 $0x1A;
	s14 =	sadd.s32 $0x9C40, s12;
	[dreg:$0x16] =	wrdreg s1  }
0x36: {  	s1 =	sshrl.u32 s15, $0x3;
	[smem:$0x7F1] =	sst s14;
	s15 =	sadd.s32 $0x8, s12  }
0x37: {  	s21 =	simm.s32 $0x16;
	s1 =	sadd.s32 s1, s11;
	[smem:$0x7F2] =	sst s15  }
0x38: {  	s22 =	simm.s32 $0x100;
	[dreg:$0x17] =	wrdreg s1;
	s1 =	sadd.s32 s19, s11  }
0x39: {  	s24 =	simm.s32 $0x7000;
	s19 =	sadd.s32 $0x18, s12;
	[dreg:$0x1a] =	wrdreg s1  }
.Ltmp0:
0x3a: {  	s1 =	sadd.s32 s23, s11;
	[smem:$0x7F6] =	sst s19;
	(pc) =	sbr.rel .LBB2_1-.Ltmp0, $4  }
0x3b: {  	s25 =	simm.s32 $0x17;
	s11 =	sadd.s32 $0x10000, s8;
	[dreg:$0x1b] =	wrdreg s1  }
0x3c: {  	s5 =	simm.s32 $0x1B;
	s23 =	sadd.s32 $0x28, s12;
	[smem:$0x7EF] =	sst s11  }
0x3d: {  	s14 =	simm.s32 $0x40;
	s12 =	simm.s32 $0x180;
	[smem:$0x7FA] =	sst s23  }
0x3e: {  	v0 =	vimm.f32 $0.0e+00;
	s11 =	simm.s32 $0x900;
	s23 =	simm.s32 $0x200;
	s1 =	simm.s32 $0x0  }
.LBB2_6:
0x3f: {  	_ =	swait.ge [sflag:s7], $0x2000  }
0x40: {  	[sflag:s7] =	ssyncset.done $0x0  }
0x41: {  	s6 =	simm.s32 $0xF;
	[sflag:s7] =	ssyncadd.s32 $0xFFFFE000  }
0x42: {  	_ =	swait.ge [sflag:s6], $0x40  }
0x43: {  	[sflag:s6] =	ssyncset.done $0x0  }
0x44: {  	s26 =	simm.s32 $0xA00;
	[sflag:s6] =	ssyncadd.s32 $0xFFFFFFC0  }
0x45: {  	[spmem:s3] =	stream.indirect.scatter.add.f32 [tilespmem:s30], [sflag:$0x1E], $0x80, s26, s14, $0xb8;
	[tilespmem:$0x1F900] =	vst v63  }
0x46: {  	_ =	swait.ge [sflag:s17], $0x2000  }
0x47: {  	[sflag:s17] =	ssyncset.done $0x0  }
0x48: {  	s8 =	simm.s32 $0x10;
	[sflag:s17] =	ssyncadd.s32 $0xFFFFE000  }
0x49: {  	_ =	swait.ge [sflag:s8], $0x40  }
0x4a: {  	[sflag:s8] =	ssyncset.done $0x0  }
0x4b: {  	s1 =	simm.s32 $0xA80;
	[sflag:s8] =	ssyncadd.s32 $0xFFFFFFC0  }
0x4c: {  	[spmem:s3] =	stream.indirect.scatter.add.f32 [tilespmem:s9], [sflag:$0x1A], $0x80, s1, s14, $0xb8;
	[tilespmem:$0x1F900] =	vst v63  }
0x4d: {  	_ =	swait.ge [sflag:s2], $0x2000  }
0x4e: {  	[sflag:s2] =	ssyncset.done $0x0  }
0x4f: {  	[sflag:s2] =	ssyncadd.s32 $0xFFFFE000  }
0x50: {  	_ =	swait.ge [sflag:s5], $0x2000  }
0x51: {  	[sflag:s5] =	ssyncset.done $0x0  }
0x52: {  	s10 =	simm.s32 $0x1C;
	[sflag:s5] =	ssyncadd.s32 $0xFFFFE000  }
0x53: {  	_ =	swait.ge [sflag:s10], $0x2000  }
0x54: {  	[sflag:s10] =	ssyncset.done $0x0  }
0x55: {  	s11 =	simm.s32 $0x1D;
	[sflag:s10] =	ssyncadd.s32 $0xFFFFE000  }
0x56: {  	_ =	swait.ge [sflag:s11], $0x2000  }
0x57: {  	[sflag:s11] =	ssyncset.done $0x0  }
0x58: {  	s12 =	simm.s32 $0x1E;
	[sflag:s11] =	ssyncadd.s32 $0xFFFFE000  }
0x59: {  	_ =	swait.ge [sflag:s12], $0x2000  }
0x5a: {  	s13 =	sld [smem:$0x7FC]  }
0x5b: {  	[sflag:s12] =	ssyncset.done $0x0  }
0x5c: {  	s10 =	simm.s32 $0xB000;
	s15 =	sld [smem:$0x7FD];
	[sflag:s12] =	ssyncadd.s32 $0xFFFFE000  }
0x5d: {  	[tilespmem:s10], [sflag:$0x1] =	stream.linear.gather [hbm4b:s13+s4], $0x10, $0x38;
	[tilespmem:$0x1F900] =	vst v63  }
0x5e: {  	s18 =	simm.s32 $0x1;
	s11 =	simm.s32 $0xB080  }
0x5f: {  	[tilespmem:s11], [sflag:$0xB] =	stream.linear.gather [hbm4b:s15+s4], $0x10, $0x38;
	[tilespmem:$0x1F900] =	vst v63  }
0x60: {  	_ =	swait.ge [sflag:s18], $0x10  }
0x61: {  	[sflag:s18] =	ssyncset.done $0x0  }
0x62: {  	s12 =	simm.s32 $0xB100;
	[sflag:s18] =	ssyncadd.s32 $0xFFFFFFF0  }
0x63: {  	[tilespmem:s12], [sflag:$0x15] =	stream.indirect.gather [hbm4b:s0+s8], $0x80, s10, s8, $0xb8;
	[tilespmem:$0x1F900] =	vst v63  }
0x64: {  	_ =	swait.ge [sflag:s17], $0x800  }
0x65: {  	[sflag:s17] =	ssyncset.done $0x0  }
0x66: {  	s19 =	simm.s32 $0xB;
	[sflag:s17] =	ssyncadd.s32 $0xFFFFF800  }
0x67: {  	_ =	swait.ge [sflag:s19], $0x10  }
0x68: {  	[sflag:s19] =	ssyncset.done $0x0  }
0x69: {  	s18 =	simm.s32 $0x1F;
	[sflag:s19] =	ssyncadd.s32 $0xFFFFFFF0  }
0x6a: {  	[spmem:s3] =	stream.indirect.scatter.add.f32 [tilespmem:s12], [sflag:$0x1F], $0x80, s11, s8, $0xb8;
	[tilespmem:$0x1F900] =	vst v63  }
0x6b: {  	_ =	swait.ge [sflag:s18], $0x800  }
0x6c: {  	[sflag:s18] =	ssyncset.done $0x0  }
0x6d: {  	[sflag:s18] =	ssyncadd.s32 $0xFFFFF800  }
0x6e: {  	s22 =	stileid.u32;
	[bflag:$0x0] =	sbarrier.arrive $0xFFFF  }
0x6f: {  	s6 =	sshll.u32 s22, $0x6;
	s23 =	rddreg [dreg:$0x5]  }
0x70: {  	s6 =	sor.u32 $0x1C1F, s6;
	s15 =	rddreg [dreg:$0x8];
	s8 =	sshrl.u32 s23, $0x3  }
0x71: {  	[hbm:s15], [sflag:s6] =	dma.local [spmem:s8], $0x2800  }
0x72: {  	_ =	swait.ge [sflag:s18], $0x2800  }
0x73: {  	s1 =	sld [smem:$0x7EA];
	_ =	sdelay $0x2  }
0x74: {  	s26 =	rddreg [dreg:$0x7];
	s1 =	sadd.s32 $0x1, s1  }
0x75: {  	p0 =	sne.s32 s1, s26  }
.Ltmp1:
0x76: {  	_ = 	snop;
	(pc) =	sbr.rel @!p0 .LBB2_7-.Ltmp1, $4  }
0x77: {  	_ = 	snop  }
0x78: {  	s22 =	simm.s32 $0x100  }
0x79: {  	s10 =	simm.s32 $0x880;
	s11 =	simm.s32 $0x900;
	[sflag:s18] =	ssyncset.done $0x0  }
0x7a: {  	s12 =	simm.s32 $0x180;
	s23 =	simm.s32 $0x200;
	[sflag:s18] =	ssyncadd.s32 $0xFFFFD800  }
.LBB2_1:
0x7b: {  	s8 =	simm.s32 $0x0  }
0x7c: {  	s15 =	sand.u32 $0xFFFFFF80, s8  }
0x7d: {  	s15 =	ssub.s32 $0x0, s15  }
0x7e: {  	s8 =	sand.u32 $0x3FFFFF80, s8;
	s15 =	sand.u32 $0xFFFFFF80, s15  }
0x7f: {  	[smem:$0x7EA] =	sst s1;
	s18 =	sand.u32 $0x70, s4;
	s15 =	sadd.s32 s15, s8  }
0x80: {  	s8 =	simm.s32 $0x1;
	s15 =	sor.u32 s18, s15;
	s18 =	simm.s32 $0x0  }
.LBB2_2:
0x81: {  	s6 =	sshll.u32 s8, $0x4;
	p0 =	sne.s32 s8, $0x1FF;
	s8 =	sadd.s32 $0x1, s8;
	[tilespmem:s15+$0x1000] =	vst v0  }
.Ltmp2:
0x82: {  	s18 =	sadd.s32 $0x10, s18;
	s15 =	sand.u32 $0xFFFFFF80, s6;
	(pc) =	sbr.rel @p0 .LBB2_2-.Ltmp2, $4  }
0x83: {  	s15 =	ssub.s32 s18, s15  }
0x84: {  	s6 =	sand.u32 $0x3FFFFF80, s6;
	s15 =	sand.u32 $0xFFFFFF80, s15  }
0x85: {  	s19 =	sand.u32 $0x70, s18;
	s6 =	sadd.s32 s15, s6  }
0x86: {  	s15 =	sor.u32 s19, s6  }
0x87: {  	[tilespmem:s15+$0x1000] =	vst v0;
	s6 =	rddreg [dreg:$0x5];
	s8 =	simm.s32 $0x1F  }
0x88: {  	[spmem:s6] =	stream.linear.scatter [tilespmem:s9], [sflag:$0x1F], $0x2000, $0x38;
	[tilespmem:$0x1F900] =	vst v63  }
0x89: {  	_ =	swait.ge [sflag:s8], $0x2000  }
0x8a: {  	[sflag:s8] =	ssyncset.done $0x0  }
0x8b: {  	s19 =	rddreg [dreg:$0x1d];
	[sflag:s8] =	ssyncadd.s32 $0xFFFFE000  }
0x8c: {  	[spmem:s19] =	stream.linear.scatter [tilespmem:s9], [sflag:$0x1F], $0x2000, $0x38;
	[tilespmem:$0x1F900] =	vst v63  }
0x8d: {  	_ =	swait.ge [sflag:s8], $0x2000  }
0x8e: {  	[sflag:s8] =	ssyncset.done $0x0  }
0x8f: {  	s26 =	rddreg [dreg:$0x1e];
	[sflag:s8] =	ssyncadd.s32 $0xFFFFE000  }
0x90: {  	[spmem:s26] =	stream.linear.scatter [tilespmem:s9], [sflag:$0x1F], $0x2000, $0x38;
	[tilespmem:$0x1F900] =	vst v63  }
0x91: {  	_ =	swait.ge [sflag:s8], $0x2000  }
0x92: {  	[sflag:s8] =	ssyncset.done $0x0  }
0x93: {  	s1 =	rddreg [dreg:$0x1f];
	[sflag:s8] =	ssyncadd.s32 $0xFFFFE000  }
0x94: {  	[spmem:s1] =	stream.linear.scatter [tilespmem:s9], [sflag:$0x1F], $0x2000, $0x38;
	[tilespmem:$0x1F900] =	vst v63  }
0x95: {  	_ =	swait.ge [sflag:s8], $0x2000  }
0x96: {  	s13 =	sld [smem:$0x7EB]  }
0x97: {  	[sflag:s8] =	ssyncset.done $0x0  }
0x98: {  	[sflag:s8] =	ssyncadd.s32 $0xFFFFE000  }
0x99: {  	[spmem:s13] =	stream.linear.scatter [tilespmem:s9], [sflag:$0x1F], $0x2000, $0x38;
	[tilespmem:$0x1F900] =	vst v63  }
0x9a: {  	_ =	swait.ge [sflag:s8], $0x2000  }
0x9b: {  	s15 =	sld [smem:$0x7EC]  }
0x9c: {  	[sflag:s8] =	ssyncset.done $0x0  }
0x9d: {  	[sflag:s8] =	ssyncadd.s32 $0xFFFFE000  }
0x9e: {  	[spmem:s15] =	stream.linear.scatter [tilespmem:s9], [sflag:$0x1F], $0x2000, $0x38;
	[tilespmem:$0x1F900] =	vst v63  }
0x9f: {  	_ =	swait.ge [sflag:s8], $0x2000  }
0xa0: {  	s18 =	sld [smem:$0x7ED]  }
0xa1: {  	[sflag:s8] =	ssyncset.done $0x0  }
0xa2: {  	[sflag:s8] =	ssyncadd.s32 $0xFFFFE000  }
0xa3: {  	[spmem:s18] =	stream.linear.scatter [tilespmem:s9], [sflag:$0x1F], $0x2000, $0x38;
	[tilespmem:$0x1F900] =	vst v63  }
0xa4: {  	_ =	swait.ge [sflag:s8], $0x2000  }
0xa5: {  	s19 =	sld [smem:$0x7EE]  }
0xa6: {  	[sflag:s8] =	ssyncset.done $0x0  }
0xa7: {  	[sflag:s8] =	ssyncadd.s32 $0xFFFFE000  }
0xa8: {  	[spmem:s19] =	stream.linear.scatter [tilespmem:s9], [sflag:$0x1F], $0x2000, $0x38;
	[tilespmem:$0x1F900] =	vst v63  }
0xa9: {  	_ =	swait.ge [sflag:s8], $0x2000  }
0xaa: {  	s26 =	sld [smem:$0x7EF]  }
0xab: {  	[sflag:s8] =	ssyncset.done $0x0  }
0xac: {  	[sflag:s8] =	ssyncadd.s32 $0xFFFFE000  }
0xad: {  	[spmem:s26] =	stream.linear.scatter [tilespmem:s9], [sflag:$0x1F], $0x2000, $0x38;
	[tilespmem:$0x1F900] =	vst v63  }
0xae: {  	_ =	swait.ge [sflag:s8], $0x2000  }
0xaf: {  	s1 =	sld [smem:$0x7F0]  }
0xb0: {  	[sflag:s8] =	ssyncset.done $0x0  }
0xb1: {  	[sflag:s8] =	ssyncadd.s32 $0xFFFFE000  }
0xb2: {  	[spmem:s1] =	stream.linear.scatter [tilespmem:s9], [sflag:$0x1F], $0x2000, $0x38;
	[tilespmem:$0x1F900] =	vst v63  }
0xb3: {  	_ =	swait.ge [sflag:s8], $0x2000  }
0xb4: {  	[sflag:s8] =	ssyncset.done $0x0  }
0xb5: {  	[sflag:s8] =	ssyncadd.s32 $0xFFFFE000  }
0xb6: {  	[bflag:$0x0] =	sbarrier.arrive $0xFFFF  }
0xb7: {  	s8 =	rddreg [dreg:$0x6]  }
0xb8: {  	s18 =	simm.s32 $0x0;
	s13 =	sld [smem:$0x7F1]  }
0xb9: {  	[tilespmem:s18], [sflag:$0x1] =	stream.linear.gather [hbm4b:s8+s18], $0x40, $0x38;
	[tilespmem:$0x1F900] =	vst v63  }
0xba: {  	s15 =	simm.s32 $0x800;
	s19 =	sld [smem:$0x7F2]  }
0xbb: {  	[tilespmem:s15], [sflag:$0xB] =	stream.linear.gather [hbm4b:s13+s18], $0x40, $0x38;
	[tilespmem:$0x1F900] =	vst v63  }
0xbc: {  	s26 =	sld [smem:$0x7F3];
	s8 =	simm.s32 $0x80  }
0xbd: {  	[tilespmem:s8], [sflag:$0x2] =	stream.linear.gather [hbm4b:s19+s18], $0x40, $0x38;
	[tilespmem:$0x1F900] =	vst v63  }
0xbe: {  	s1 =	sld [smem:$0x7F4]  }
0xbf: {  	[tilespmem:s10], [sflag:$0xC] =	stream.linear.gather [hbm4b:s26+s18], $0x40, $0x38;
	[tilespmem:$0x1F900] =	vst v63  }
0xc0: {  	s10 =	sld [smem:$0x7F5]  }
0xc1: {  	[tilespmem:s22], [sflag:$0x3] =	stream.linear.gather [hbm4b:s1+s18], $0x40, $0x38;
	[tilespmem:$0x1F900] =	vst v63  }
0xc2: {  	_ = 	snop  }
0xc3: {  	[tilespmem:s11], [sflag:$0xD] =	stream.linear.gather [hbm4b:s10+s18], $0x40, $0x38;
	[tilespmem:$0x1F900] =	vst v63  }
0xc4: {  	s11 =	sld [smem:$0x7F6];
	_ =	sdelay $0x2  }
0xc5: {  	[tilespmem:s12], [sflag:$0x4] =	stream.linear.gather [hbm4b:s11+s18], $0x40, $0x38;
	[tilespmem:$0x1F900] =	vst v63  }
0xc6: {  	s12 =	sld [smem:$0x7F7];
	_ =	sdelay $0x1  }
0xc7: {  	s13 =	simm.s32 $0x980;
	s19 =	sld [smem:$0x7F8]  }
0xc8: {  	[tilespmem:s13], [sflag:$0xE] =	stream.linear.gather [hbm4b:s12+s18], $0x40, $0x38;
	[tilespmem:$0x1F900] =	vst v63  }
0xc9: {  	s26 =	sld [smem:$0x7F9]  }
0xca: {  	[tilespmem:s23], [sflag:$0x5] =	stream.linear.gather [hbm4b:s19+s18], $0x40, $0x38;
	[tilespmem:$0x1F900] =	vst v63  }
0xcb: {  	s1 =	simm.s32 $0xA00;
	s10 =	sld [smem:$0x7FA]  }
0xcc: {  	[tilespmem:s1], [sflag:$0xF] =	stream.linear.gather [hbm4b:s26+s18], $0x40, $0x38;
	[tilespmem:$0x1F900] =	vst v63  }
0xcd: {  	s11 =	sld [smem:$0x7FB];
	s26 =	simm.s32 $0x280  }
0xce: {  	[tilespmem:s26], [sflag:$0x6] =	stream.linear.gather [hbm4b:s10+s18], $0x40, $0x38;
	[tilespmem:$0x1F900] =	vst v63  }
0xcf: {  	s12 =	simm.s32 $0xA80;
	s19 =	simm.s32 $0x1  }
0xd0: {  	[tilespmem:s12], [sflag:$0x10] =	stream.linear.gather [hbm4b:s11+s18], $0x40, $0x38;
	[tilespmem:$0x1F900] =	vst v63  }
0xd1: {  	_ =	swait.ge [sflag:s19], $0x40  }
0xd2: {  	[sflag:s19] =	ssyncset.done $0x0  }
0xd3: {  	s23 =	simm.s32 $0x2;
	[sflag:s19] =	ssyncadd.s32 $0xFFFFFFC0  }
0xd4: {  	[tilespmem:s9], [sflag:$0x15] =	stream.indirect.gather [hbm4b:s0+s14], $0x80, s18, s14, $0xb8;
	[tilespmem:$0x1F900] =	vst v63  }
0xd5: {  	_ =	swait.ge [sflag:s23], $0x40  }
0xd6: {  	[sflag:s23] =	ssyncset.done $0x0  }
0xd7: {  	s10 =	simm.s32 $0x880;
	[sflag:s23] =	ssyncadd.s32 $0xFFFFFFC0  }
0xd8: {  	[tilespmem:s16], [sflag:$0x16] =	stream.indirect.gather [hbm4b:s0+s14], $0x80, s8, s14, $0xb8;
	[tilespmem:$0x1F900] =	vst v63  }
0xd9: {  	s12 =	simm.s32 $0x180;
	s23 =	simm.s32 $0x900;
	s8 =	rddreg [dreg:$0x19]  }
.LBB2_4:
0xda: {  	_ =	swait.ge [sflag:s17], $0x2000  }
0xdb: {  	[sflag:s17] =	ssyncset.done $0x0  }
0xdc: {  	s6 =	simm.s32 $0xB;
	[sflag:s17] =	ssyncadd.s32 $0xFFFFE000  }
0xdd: {  	_ =	swait.ge [sflag:s6], $0x40  }
0xde: {  	p1 =	seq.s32 s18, $0x0;
	[sflag:s6] =	ssyncset.done $0x0  }
0xdf: {  	[sflag:s6] =	ssyncadd.s32 $0xFFFFFFC0;
	s6 =	simm.s32 @!p1 $0x1C  }
0xe0: {  	[spmem:s3] =	stream.indirect.scatter.add.f32 [tilespmem:s9], [sflag:$0x1A], $0x80, s15, s14, $0xb8;
	[tilespmem:$0x1F900] =	vst v63  }
0xe1: {  	_ =	swait.ge @!p1 [sflag:s6], $0x2000  }
0xe2: {  	[sflag:s6] =	ssyncset.done @!p1 $0x0  }
0xe3: {  	s15 =	simm.s32 $0x3;
	[sflag:s6] =	ssyncadd.s32 @!p1 $0xFFFFE000  }
0xe4: {  	_ =	swait.ge [sflag:s15], $0x40  }
0xe5: {  	[sflag:s15] =	ssyncset.done $0x0  }
0xe6: {  	p0 =	seq.s32 s18, $0x4B0;
	s6 =	rddreg [dreg:$0x1c];
	[sflag:s15] =	ssyncadd.s32 $0xFFFFFFC0  }
0xe7: {  	[tilespmem:s20], [sflag:$0x17] =	stream.indirect.gather [hbm4b:s0+s14], $0x80, s22, s14, $0xb8;
	[tilespmem:$0x1F900] =	vst v63  }
0xe8: {  	s19 =	simm.s32 @!p0 $0x300;
	s6 =	sadd.s32 @!p0 s18, s6;
	s15 =	simm.s32 @!p0 $0x0  }
0xe9: {  	[tilespmem:s19], [sflag:$0x7] =	stream.linear.gather @!p0 [hbm4b:s6+s15], $0x40, $0x38;
	[tilespmem:$0x1F900] =	vst v63  }
0xea: {  	s6 =	rddreg [dreg:$0x1b]  }
0xeb: {  	s19 =	simm.s32 @!p0 $0xB00;
	s6 =	sadd.s32 @!p0 s18, s6  }
0xec: {  	[tilespmem:s19], [sflag:$0x11] =	stream.linear.gather @!p0 [hbm4b:s6+s15], $0x40, $0x38;
	[tilespmem:$0x1F900] =	vst v63  }
0xed: {  	_ =	swait.ge [sflag:s21], $0x2000  }
0xee: {  	[sflag:s21] =	ssyncset.done $0x0  }
0xef: {  	s19 =	simm.s32 $0xC;
	[sflag:s21] =	ssyncadd.s32 $0xFFFFE000  }
0xf0: {  	_ =	swait.ge [sflag:s19], $0x40  }
0xf1: {  	[sflag:s19] =	ssyncset.done $0x0  }
0xf2: {  	s6 =	simm.s32 @!p1 $0x1D;
	[sflag:s19] =	ssyncadd.s32 $0xFFFFFFC0  }
0xf3: {  	[spmem:s3] =	stream.indirect.scatter.add.f32 [tilespmem:s16], [sflag:$0x1B], $0x80, s10, s14, $0xb8;
	[tilespmem:$0x1F900] =	vst v63  }
0xf4: {  	_ =	swait.ge @!p1 [sflag:s6], $0x2000  }
0xf5: {  	[sflag:s6] =	ssyncset.done @!p1 $0x0  }
0xf6: {  	s1 =	simm.s32 $0x4;
	[sflag:s6] =	ssyncadd.s32 @!p1 $0xFFFFE000  }
0xf7: {  	_ =	swait.ge [sflag:s1], $0x40  }
0xf8: {  	[sflag:s1] =	ssyncset.done $0x0  }
0xf9: {  	s6 =	rddreg [dreg:$0x1a];
	[sflag:s1] =	ssyncadd.s32 $0xFFFFFFC0  }
0xfa: {  	[tilespmem:s24], [sflag:$0x18] =	stream.indirect.gather [hbm4b:s0+s14], $0x80, s12, s14, $0xb8;
	[tilespmem:$0x1F900] =	vst v63  }
0xfb: {  	s19 =	simm.s32 @!p0 $0x380;
	s6 =	sadd.s32 @!p0 s18, s6  }
0xfc: {  	[tilespmem:s19], [sflag:$0x8] =	stream.linear.gather @!p0 [hbm4b:s6+s15], $0x40, $0x38;
	[tilespmem:$0x1F900] =	vst v63  }
0xfd: {  	s6 =	rddreg [dreg:$0x18]  }
0xfe: {  	s19 =	simm.s32 @!p0 $0xB80;
	s6 =	sadd.s32 @!p0 s18, s6  }
0xff: {  	[tilespmem:s19], [sflag:$0x12] =	stream.linear.gather @!p0 [hbm4b:s6+s15], $0x40, $0x38;
	[tilespmem:$0x1F900] =	vst v63  }
0x100: {  	_ =	swait.ge [sflag:s25], $0x2000  }
0x101: {  	[sflag:s25] =	ssyncset.done $0x0  }
0x102: {  	s19 =	simm.s32 $0xD;
	[sflag:s25] =	ssyncadd.s32 $0xFFFFE000  }
0x103: {  	_ =	swait.ge [sflag:s19], $0x40  }
0x104: {  	[sflag:s19] =	ssyncset.done $0x0  }
0x105: {  	s6 =	simm.s32 @!p1 $0x1E;
	[sflag:s19] =	ssyncadd.s32 $0xFFFFFFC0  }
0x106: {  	[spmem:s3] =	stream.indirect.scatter.add.f32 [tilespmem:s20], [sflag:$0x1C], $0x80, s23, s14, $0xb8;
	[tilespmem:$0x1F900] =	vst v63  }
0x107: {  	_ =	swait.ge @!p1 [sflag:s6], $0x2000  }
0x108: {  	[sflag:s6] =	ssyncset.done @!p1 $0x0  }
0x109: {  	s1 =	simm.s32 $0x5;
	[sflag:s6] =	ssyncadd.s32 @!p1 $0xFFFFE000  }
0x10a: {  	_ =	swait.ge [sflag:s1], $0x40  }
0x10b: {  	[sflag:s1] =	ssyncset.done $0x0  }
0x10c: {  	s6 =	rddreg [dreg:$0x17];
	[sflag:s1] =	ssyncadd.s32 $0xFFFFFFC0  }
0x10d: {  	[tilespmem:s30], [sflag:$0x19] =	stream.indirect.gather [hbm4b:s0+s14], $0x80, s28, s14, $0xb8;
	[tilespmem:$0x1F900] =	vst v63  }
0x10e: {  	s19 =	simm.s32 @!p0 $0x400;
	s6 =	sadd.s32 @!p0 s18, s6  }
0x10f: {  	[tilespmem:s19], [sflag:$0x9] =	stream.linear.gather @!p0 [hbm4b:s6+s15], $0x40, $0x38;
	[tilespmem:$0x1F900] =	vst v63  }
0x110: {  	s6 =	rddreg [dreg:$0x16]  }
0x111: {  	s19 =	simm.s32 @!p0 $0xC00;
	s6 =	sadd.s32 @!p0 s18, s6  }
0x112: {  	[tilespmem:s19], [sflag:$0x13] =	stream.linear.gather @!p0 [hbm4b:s6+s15], $0x40, $0x38;
	[tilespmem:$0x1F900] =	vst v63  }
0x113: {  	_ =	swait.ge [sflag:s31], $0x2000  }
0x114: {  	[sflag:s31] =	ssyncset.done $0x0  }
0x115: {  	s15 =	simm.s32 $0xE;
	[sflag:s31] =	ssyncadd.s32 $0xFFFFE000  }
0x116: {  	_ =	swait.ge [sflag:s15], $0x40  }
0x117: {  	[sflag:s15] =	ssyncset.done $0x0  }
0x118: {  	[sflag:s15] =	ssyncadd.s32 $0xFFFFFFC0  }
0x119: {  	[spmem:s3] =	stream.indirect.scatter.add.f32 [tilespmem:s24], [sflag:$0x1D], $0x80, s13, s14, $0xb8;
	[tilespmem:$0x1F900] =	vst v63  }
0x11a: {  	_ =	swait.ge [sflag:s2], $0x2000  }
0x11b: {  	[sflag:s2] =	ssyncset.done $0x0  }
.Ltmp3:
0x11c: {  	s19 =	simm.s32 $0x6;
	[sflag:s2] =	ssyncadd.s32 $0xFFFFE000;
	(pc) =	sbr.rel @p0 .LBB2_6-.Ltmp3, $4  }
0x11d: {  	_ =	swait.ge [sflag:s19], $0x40  }
0x11e: {  	s11 =	simm.s32 $0x100;
	[sflag:s19] =	ssyncset.done $0x0  }
0x11f: {  	s22 =	simm.s32 $0x800;
	s13 =	simm.s32 $0x980;
	[sflag:s19] =	ssyncadd.s32 $0xFFFFFFC0  }
0x120: {  	[tilespmem:s9], [sflag:$0x15] =	stream.indirect.gather [hbm4b:s0+s14], $0x80, s26, s14, $0xb8;
	[tilespmem:$0x1F900] =	vst v63  }
0x121: {  	s6 =	rddreg [dreg:$0x15]  }
0x122: {  	s19 =	rddreg [dreg:$0x14];
	s6 =	sadd.s32 s18, s6  }
0x123: {  	[tilespmem:s29], [sflag:$0xA] =	stream.linear.gather [hbm4b:s6+s4], $0x40, $0x38;
	[tilespmem:$0x1F900] =	vst v63  }
0x124: {  	s1 =	simm.s32 $0xC80;
	s6 =	sadd.s32 s18, s19  }
0x125: {  	[tilespmem:s1], [sflag:$0x14] =	stream.linear.gather [hbm4b:s6+s4], $0x40, $0x38;
	[tilespmem:$0x1F900] =	vst v63  }
0x126: {  	_ =	swait.ge [sflag:s7], $0x2000  }
0x127: {  	[sflag:s7] =	ssyncset.done $0x0  }
0x128: {  	s26 =	simm.s32 $0xF;
	[sflag:s7] =	ssyncadd.s32 $0xFFFFE000  }
0x129: {  	_ =	swait.ge [sflag:s26], $0x40  }
0x12a: {  	[sflag:s26] =	ssyncset.done $0x0  }
0x12b: {  	s19 =	simm.s32 $0xA00;
	[sflag:s26] =	ssyncadd.s32 $0xFFFFFFC0  }
0x12c: {  	[spmem:s3] =	stream.indirect.scatter.add.f32 [tilespmem:s30], [sflag:$0x1E], $0x80, s19, s14, $0xb8;
	[tilespmem:$0x1F900] =	vst v63  }
0x12d: {  	_ =	swait.ge [sflag:s5], $0x2000  }
0x12e: {  	[sflag:s5] =	ssyncset.done $0x0  }
0x12f: {  	s15 =	simm.s32 $0x7;
	[sflag:s5] =	ssyncadd.s32 $0xFFFFE000  }
0x130: {  	_ =	swait.ge [sflag:s15], $0x40  }
0x131: {  	[sflag:s15] =	ssyncset.done $0x0  }
0x132: {  	[sflag:s15] =	ssyncadd.s32 $0xFFFFFFC0;
	s15 =	simm.s32 $0x300  }
0x133: {  	[tilespmem:s16], [sflag:$0x16] =	stream.indirect.gather [hbm4b:s0+s14], $0x80, s15, s14, $0xb8;
	[tilespmem:$0x1F900] =	vst v63  }
0x134: {  	s6 =	sshrl.u32 s8, $0x3;
	s15 =	rddreg [dreg:$0x4]  }
0x135: {  	s6 =	sadd.s32 s15, s6;
	s15 =	rddreg [dreg:$0x13]  }
0x136: {  	[tilespmem:s4], [sflag:$0x1] =	stream.linear.gather [hbm4b:s6+s4], $0x40, $0x38;
	[tilespmem:$0x1F900] =	vst v63  }
0x137: {  	s6 =	sadd.s32 s18, s15  }
0x138: {  	[tilespmem:s22], [sflag:$0xB] =	stream.linear.gather [hbm4b:s6+s4], $0x40, $0x38;
	[tilespmem:$0x1F900] =	vst v63  }
0x139: {  	_ =	swait.ge [sflag:s17], $0x2000  }
0x13a: {  	[sflag:s17] =	ssyncset.done $0x0  }
0x13b: {  	s22 =	simm.s32 $0x10;
	[sflag:s17] =	ssyncadd.s32 $0xFFFFE000  }
0x13c: {  	_ =	swait.ge [sflag:s22], $0x40  }
0x13d: {  	[sflag:s22] =	ssyncset.done $0x0  }
0x13e: {  	s15 =	simm.s32 $0x1C;
	[sflag:s22] =	ssyncadd.s32 $0xFFFFFFC0;
	s22 =	simm.s32 $0xA80  }
0x13f: {  	[spmem:s3] =	stream.indirect.scatter.add.f32 [tilespmem:s9], [sflag:$0x1A], $0x80, s22, s14, $0xb8;
	[tilespmem:$0x1F900] =	vst v63  }
0x140: {  	_ =	swait.ge [sflag:s15], $0x2000  }
0x141: {  	[sflag:s15] =	ssyncset.done $0x0  }
0x142: {  	[sflag:s15] =	ssyncadd.s32 $0xFFFFE000;
	s15 =	simm.s32 $0x8  }
0x143: {  	_ =	swait.ge [sflag:s15], $0x40  }
0x144: {  	[sflag:s15] =	ssyncset.done $0x0  }
0x145: {  	[sflag:s15] =	ssyncadd.s32 $0xFFFFFFC0;
	s15 =	simm.s32 $0x380  }
0x146: {  	[tilespmem:s20], [sflag:$0x17] =	stream.indirect.gather [hbm4b:s0+s14], $0x80, s15, s14, $0xb8;
	[tilespmem:$0x1F900] =	vst v63  }
0x147: {  	s15 =	rddreg [dreg:$0xa]  }
0x148: {  	s6 =	sadd.s32 s18, s15;
	s15 =	simm.s32 $0x80  }
0x149: {  	[tilespmem:s15], [sflag:$0x2] =	stream.linear.gather [hbm4b:s6+s4], $0x40, $0x38;
	[tilespmem:$0x1F900] =	vst v63  }
0x14a: {  	s6 =	rddreg [dreg:$0x9]  }
0x14b: {  	s6 =	sadd.s32 s18, s6  }
0x14c: {  	[tilespmem:s10], [sflag:$0xC] =	stream.linear.gather [hbm4b:s6+s4], $0x40, $0x38;
	[tilespmem:$0x1F900] =	vst v63  }
0x14d: {  	_ =	swait.ge [sflag:s21], $0x2000  }
0x14e: {  	[sflag:s21] =	ssyncset.done $0x0  }
0x14f: {  	s6 =	simm.s32 $0x11;
	[sflag:s21] =	ssyncadd.s32 $0xFFFFE000  }
0x150: {  	_ =	swait.ge [sflag:s6], $0x40  }
0x151: {  	[sflag:s6] =	ssyncset.done $0x0  }
0x152: {  	[sflag:s6] =	ssyncadd.s32 $0xFFFFFFC0;
	s6 =	simm.s32 $0xB00  }
0x153: {  	[spmem:s3] =	stream.indirect.scatter.add.f32 [tilespmem:s16], [sflag:$0x1B], $0x80, s6, s14, $0xb8;
	[tilespmem:$0x1F900] =	vst v63  }
0x154: {  	s6 =	simm.s32 $0x1D  }
0x155: {  	_ =	swait.ge [sflag:s6], $0x2000  }
0x156: {  	[sflag:s6] =	ssyncset.done $0x0  }
0x157: {  	[sflag:s6] =	ssyncadd.s32 $0xFFFFE000;
	s6 =	simm.s32 $0x9  }
0x158: {  	_ =	swait.ge [sflag:s6], $0x40  }
0x159: {  	[sflag:s6] =	ssyncset.done $0x0  }
0x15a: {  	[sflag:s6] =	ssyncadd.s32 $0xFFFFFFC0;
	s6 =	simm.s32 $0x400  }
0x15b: {  	[tilespmem:s24], [sflag:$0x18] =	stream.indirect.gather [hbm4b:s0+s14], $0x80, s6, s14, $0xb8;
	[tilespmem:$0x1F900] =	vst v63  }
0x15c: {  	s6 =	rddreg [dreg:$0xc]  }
0x15d: {  	s6 =	sadd.s32 s18, s6  }
0x15e: {  	[tilespmem:s11], [sflag:$0x3] =	stream.linear.gather [hbm4b:s6+s4], $0x40, $0x38;
	[tilespmem:$0x1F900] =	vst v63  }
0x15f: {  	s11 =	rddreg [dreg:$0xb]  }
0x160: {  	s6 =	sadd.s32 s18, s11  }
0x161: {  	[tilespmem:s23], [sflag:$0xD] =	stream.linear.gather [hbm4b:s6+s4], $0x40, $0x38;
	[tilespmem:$0x1F900] =	vst v63  }
0x162: {  	_ =	swait.ge [sflag:s25], $0x2000  }
0x163: {  	[sflag:s25] =	ssyncset.done $0x0  }
0x164: {  	s11 =	simm.s32 $0x12;
	[sflag:s25] =	ssyncadd.s32 $0xFFFFE000  }
0x165: {  	_ =	swait.ge [sflag:s11], $0x40  }
0x166: {  	[sflag:s11] =	ssyncset.done $0x0  }
0x167: {  	[sflag:s11] =	ssyncadd.s32 $0xFFFFFFC0;
	s11 =	simm.s32 $0xB80  }
0x168: {  	[spmem:s3] =	stream.indirect.scatter.add.f32 [tilespmem:s20], [sflag:$0x1C], $0x80, s11, s14, $0xb8;
	[tilespmem:$0x1F900] =	vst v63  }
0x169: {  	s11 =	simm.s32 $0x1E  }
0x16a: {  	_ =	swait.ge [sflag:s11], $0x2000  }
0x16b: {  	[sflag:s11] =	ssyncset.done $0x0  }
0x16c: {  	[sflag:s11] =	ssyncadd.s32 $0xFFFFE000;
	s11 =	simm.s32 $0xA  }
0x16d: {  	_ =	swait.ge [sflag:s11], $0x40  }
0x16e: {  	[sflag:s11] =	ssyncset.done $0x0  }
0x16f: {  	[sflag:s11] =	ssyncadd.s32 $0xFFFFFFC0;
	s11 =	rddreg [dreg:$0xe]  }
0x170: {  	[tilespmem:s30], [sflag:$0x19] =	stream.indirect.gather [hbm4b:s0+s14], $0x80, s29, s14, $0xb8;
	[tilespmem:$0x1F900] =	vst v63  }
0x171: {  	s6 =	sadd.s32 s18, s11;
	s11 =	rddreg [dreg:$0xd]  }
0x172: {  	[tilespmem:s12], [sflag:$0x4] =	stream.linear.gather [hbm4b:s6+s4], $0x40, $0x38;
	[tilespmem:$0x1F900] =	vst v63  }
0x173: {  	s6 =	sadd.s32 s18, s11  }
0x174: {  	[tilespmem:s13], [sflag:$0xE] =	stream.linear.gather [hbm4b:s6+s4], $0x40, $0x38;
	[tilespmem:$0x1F900] =	vst v63  }
0x175: {  	_ =	swait.ge [sflag:s31], $0x2000  }
0x176: {  	[sflag:s31] =	ssyncset.done $0x0  }
0x177: {  	s13 =	simm.s32 $0x13;
	[sflag:s31] =	ssyncadd.s32 $0xFFFFE000  }
0x178: {  	_ =	swait.ge [sflag:s13], $0x40  }
0x179: {  	[sflag:s13] =	ssyncset.done $0x0  }
0x17a: {  	s11 =	simm.s32 $0xC00;
	[sflag:s13] =	ssyncadd.s32 $0xFFFFFFC0  }
0x17b: {  	[spmem:s3] =	stream.indirect.scatter.add.f32 [tilespmem:s24], [sflag:$0x1D], $0x80, s11, s14, $0xb8;
	[tilespmem:$0x1F900] =	vst v63  }
0x17c: {  	_ =	swait.ge [sflag:s2], $0x2000  }
0x17d: {  	[sflag:s2] =	ssyncset.done $0x0  }
0x17e: {  	s13 =	simm.s32 $0x1;
	[sflag:s2] =	ssyncadd.s32 $0xFFFFE000  }
0x17f: {  	_ =	swait.ge [sflag:s13], $0x40  }
0x180: {  	[sflag:s13] =	ssyncset.done $0x0  }
0x181: {  	s11 =	rddreg [dreg:$0x10];
	[sflag:s13] =	ssyncadd.s32 $0xFFFFFFC0  }
0x182: {  	[tilespmem:s9], [sflag:$0x15] =	stream.indirect.gather [hbm4b:s0+s14], $0x80, s4, s14, $0xb8;
	[tilespmem:$0x1F900] =	vst v63  }
0x183: {  	s6 =	sadd.s32 s18, s11;
	s13 =	rddreg [dreg:$0xf]  }
0x184: {  	[tilespmem:s28], [sflag:$0x5] =	stream.linear.gather [hbm4b:s6+s4], $0x40, $0x38;
	[tilespmem:$0x1F900] =	vst v63  }
0x185: {  	s6 =	sadd.s32 s18, s13  }
0x186: {  	[tilespmem:s19], [sflag:$0xF] =	stream.linear.gather [hbm4b:s6+s4], $0x40, $0x38;
	[tilespmem:$0x1F900] =	vst v63  }
0x187: {  	_ =	swait.ge [sflag:s7], $0x2000  }
0x188: {  	[sflag:s7] =	ssyncset.done $0x0  }
0x189: {  	s11 =	simm.s32 $0x14;
	[sflag:s7] =	ssyncadd.s32 $0xFFFFE000  }
0x18a: {  	_ =	swait.ge [sflag:s11], $0x40  }
0x18b: {  	[sflag:s11] =	ssyncset.done $0x0  }
0x18c: {  	[sflag:s11] =	ssyncadd.s32 $0xFFFFFFC0  }
0x18d: {  	[spmem:s3] =	stream.indirect.scatter.add.f32 [tilespmem:s30], [sflag:$0x1E], $0x80, s1, s14, $0xb8;
	[tilespmem:$0x1F900] =	vst v63  }
0x18e: {  	_ =	swait.ge [sflag:s5], $0x2000  }
0x18f: {  	[sflag:s5] =	ssyncset.done $0x0  }
0x190: {  	s13 =	simm.s32 $0x2;
	[sflag:s5] =	ssyncadd.s32 $0xFFFFE000  }
0x191: {  	_ =	swait.ge [sflag:s13], $0x40  }
0x192: {  	[sflag:s13] =	ssyncset.done $0x0  }
0x193: {  	[sflag:s13] =	ssyncadd.s32 $0xFFFFFFC0  }
0x194: {  	[tilespmem:s16], [sflag:$0x16] =	stream.indirect.gather [hbm4b:s0+s14], $0x80, s15, s14, $0xb8;
	[tilespmem:$0x1F900] =	vst v63  }
0x195: {  	s26 =	simm.s32 $0x280;
	s15 =	rddreg [dreg:$0x12]  }
.Ltmp4:
0x196: {  	s19 =	rddreg [dreg:$0x11];
	s6 =	sadd.s32 s18, s15;
	(pc) =	sbr.rel .LBB2_4-.Ltmp4, $4  }
0x197: {  	[tilespmem:s26], [sflag:$0x6] =	stream.linear.gather [hbm4b:s6+s4], $0x40, $0x38;
	[tilespmem:$0x1F900] =	vst v63  }
0x198: {  	s8 =	sadd.s32 $0x280, s8;
	s13 =	simm.s32 $0x980;
	s6 =	sadd.s32 s18, s19  }
0x199: {  	[tilespmem:s22], [sflag:$0x10] =	stream.linear.gather [hbm4b:s6+s4], $0x40, $0x38;
	[tilespmem:$0x1F900] =	vst v63  }
0x19a: {  	s15 =	simm.s32 $0x800;
	s18 =	sadd.s32 $0x50, s18;
	s22 =	simm.s32 $0x100  }
.LBB2_7:
0x19b: {  	_ =	sfence.sel $0x180000  }
0x19c: {  	[bflag:$0x0] =	sbarrier.arrive $0xFFFF  }
0x19d: {  	_ =	strace $0x9000004A  }
0x19e: {  	s0 =	stileid.u32;
	[bflag:$0x2] =	sbarrier.arrive $0xFFFF  }
0x19f: {  	p0 =	sne.s32 s0, $0x0;
	s0 =	rddreg [dreg:$0x3]  }
0x1a0: {  	s0 =	sadd.s32 @!p0 $0x100000, s0  }
0x1a1: {  	[sflag:s0] =	ssyncadd.tile.s32 @!p0 $0x1;
	_ =	shalt  }
.Lfunc_end2:
_tile_overlayer_lowered:
.L_overlay_start_2:
0x1a2: {  	(tag) =	ssettag $0x2  }
0x1a3: {  	s0 =	rddreg [dreg:$0x0];
	s2 =	stileid.u32  }
0x1a4: {  	s1 =	rddreg [dreg:$0x1];
	p0 =	sne.s32 s2, $0x0  }
0x1a5: {  	s3 =	rddreg [dreg:$0x2];
	[bflag:$0x3] =	sbarrier.arrive $0xFFFF;
	s2 =	simm.s32 @!p0 $0x1C1F  }
0x1a6: {  	[timem:s3], [sflag:s2] =	dma.local @!p0 [hbm:s0], s1  }
0x1a7: {  	s0 =	simm.s32 @!p0 $0x1F  }
0x1a8: {  	_ =	swait.ge @!p0 [sflag:s0], s1  }
0x1a9: {  	s1 =	ssub.s32 @!p0 $0x0, s1;
	[sflag:s0] =	ssyncset.done @!p0 $0x0  }
0x1aa: {  	[sflag:s0] =	ssyncadd.s32 @!p0 s1  }
0x1ab: {  	[bflag:$0x3] =	sbarrier.arrive $0xFFFF  }
0x1ac: {  	_ =	shalt  }

</sc_bundles>
